<compile_context>
chip_gen: v7x
topology: tpu7x:2x2x1
jax: 0.10.2.dev20260603
libtpu: 0.0.44.dev20260713+nightly
codegen_flags: <defaults>
</compile_context>

<pallas_src>
import dataclasses as _dataclasses

import jax
import jax.numpy as jnp
from jax import lax
from jax.experimental import pallas as pl
from jax.experimental.pallas import tpu as pltpu
from jax.experimental.pallas import tpu_sc as plsc

N_NODES = 10000
N_EDGES = 320000
N_GRAPHS = 100
IN_DIM = 128
HID_DIM = 64
OUT_DIM = 64

NT = 32
EPT = N_EDGES // NT
CH = 128
CFULL = EPT // CH
TAIL = EPT - CFULL * CH
NBUF = 6
NRND = CFULL // NBUF
NR = 10112
RPS = NR // 16

_MESH = plsc.VectorSubcoreMesh(core_axis_name="c", subcore_axis_name="s")

_SC_PARAMS = pltpu.CompilerParams()
if "needs_layout_passes" in pltpu.CompilerParams.__dataclass_fields__:
    _SC_PARAMS = _dataclasses.replace(
        _SC_PARAMS, needs_layout_passes=False, use_tc_tiling_on_sc=False)



def _sc_degrees_body(ei_hbm, out_hbm, sidx, didx, cnt_s, cnt_d):
    c = lax.axis_index("c")
    s = lax.axis_index("s")
    t = c * 16 + s
    base = t * EPT
    pltpu.sync_copy(ei_hbm.at[0, pl.ds(base, EPT)], sidx)
    pltpu.sync_copy(ei_hbm.at[1, pl.ds(base, EPT)], didx)

    zero16 = jnp.zeros((16,), jnp.float32)

    @pl.loop(0, N_NODES // 16, unroll=8)
    def _zero(i):
        cnt_s[pl.ds(i * 16, 16)] = zero16
        cnt_d[pl.ds(i * 16, 16)] = zero16

    ones16 = jnp.ones((16,), jnp.float32)

    @pl.loop(0, EPT // 16, unroll=5)
    def _hist(i):
        plsc.addupdate_scatter(cnt_s, [sidx[pl.ds(i * 16, 16)]], ones16)
        plsc.addupdate_scatter(cnt_d, [didx[pl.ds(i * 16, 16)]], ones16)

    pltpu.sync_copy(cnt_s, out_hbm.at[t])
    pltpu.sync_copy(cnt_d, out_hbm.at[NT + t])


def _sc_degrees(edge_index):
    f = pl.kernel(
        _sc_degrees_body,
        jax.ShapeDtypeStruct((2 * NT, N_NODES), jnp.float32),
        mesh=_MESH,
        compiler_params=_SC_PARAMS,
        scratch_types=[
            pltpu.VMEM((EPT,), jnp.int32),
            pltpu.VMEM((EPT,), jnp.int32),
            pltpu.VMEM((N_NODES,), jnp.float32),
            pltpu.VMEM((N_NODES,), jnp.float32),
        ],
    )
    return f(edge_index)


def _sc_agg_body(h_hbm, ei_hbm, out0_hbm, out1_hbm, sidx, didx, rows,
                 agg_sh, gsems, ssems, zsem):
    c = lax.axis_index("c")
    s = lax.axis_index("s")
    t = c * 16 + s
    base = t * EPT
    idescs = [
        pltpu.async_copy(ei_hbm.at[0, pl.ds(base, EPT)], sidx, gsems.at[0]),
        pltpu.async_copy(ei_hbm.at[1, pl.ds(base, EPT)], didx, gsems.at[1]),
    ]

    zero16 = jnp.zeros((16,), jnp.float32)

    @pl.loop(0, CH)
    def _zrow(r):
        for q in range(HID_DIM // 16):
            rows[0, r, pl.ds(q * 16, 16)] = zero16

    zbase = s * RPS
    for q in range(4):
        pltpu.async_copy(rows.at[0], agg_sh.at[pl.ds(zbase + q * CH, CH)],
                         zsem)
    pltpu.async_copy(rows.at[0, pl.ds(0, RPS - 4 * CH)],
                     agg_sh.at[pl.ds(zbase + 4 * CH, RPS - 4 * CH)], zsem)
    for q in range(4):
        pltpu.make_async_copy(rows.at[0],
                              agg_sh.at[pl.ds(zbase + q * CH, CH)],
                              zsem).wait()
    pltpu.make_async_copy(rows.at[0, pl.ds(0, RPS - 4 * CH)],
                          agg_sh.at[pl.ds(zbase + 4 * CH, RPS - 4 * CH)],
                          zsem).wait()
    for dsc in idescs:
        dsc.wait()
    plsc.subcore_barrier()

    def gidx(j):
        return sidx.at[pl.ds(j * CH, CH)]

    def widx(j):
        return didx.at[pl.ds(j * CH, CH)]

    def start_gather(k, j):
        pltpu.async_copy(h_hbm.at[gidx(j)], rows.at[k], gsems.at[k])

    def wait_gather(k, j):
        pltpu.make_async_copy(h_hbm.at[gidx(j)], rows.at[k],
                              gsems.at[k]).wait()

    def start_scatter(k, j):
        pltpu.async_copy(rows.at[k], agg_sh.at[widx(j)], ssems.at[k],
                         add=True)

    def wait_scatter(k, j):
        pltpu.make_async_copy(rows.at[k], agg_sh.at[widx(j)],
                              ssems.at[k]).wait()

    for k in range(NBUF):
        start_gather(k, k)

    @pl.loop(0, NRND - 1)
    def _round(r):
        b = r * NBUF
        for k in range(NBUF):
            wait_gather(k, b + k)
            start_scatter(k, b + k)
        for k in range(NBUF):
            wait_scatter(k, b + k)
            start_gather(k, b + NBUF + k)

    b = (NRND - 1) * NBUF
    for k in range(NBUF):
        wait_gather(k, b + k)
        start_scatter(k, b + k)
    for k in range(NBUF):
        wait_scatter(k, b + k)

    toff = CFULL * CH
    pltpu.sync_copy(h_hbm.at[sidx.at[pl.ds(toff, TAIL)]],
                    rows.at[0, pl.ds(0, TAIL)])
    pltpu.sync_copy(rows.at[0, pl.ds(0, TAIL)],
                    agg_sh.at[didx.at[pl.ds(toff, TAIL)]], add=True)

    plsc.subcore_barrier()

    @pl.when(c == 0)
    def _():
        pltpu.sync_copy(agg_sh.at[pl.ds(s * RPS, RPS)],
                        out0_hbm.at[pl.ds(s * RPS, RPS)])

    @pl.when(c == 1)
    def _():
        pltpu.sync_copy(agg_sh.at[pl.ds(s * RPS, RPS)],
                        out1_hbm.at[pl.ds(s * RPS, RPS)])


def _sc_aggregate(h, edge_index):
    f = pl.kernel(
        _sc_agg_body,
        (jax.ShapeDtypeStruct((NR, HID_DIM), jnp.float32),
         jax.ShapeDtypeStruct((NR, HID_DIM), jnp.float32)),
        mesh=_MESH,
        compiler_params=_SC_PARAMS,
        scratch_types=[
            pltpu.VMEM((EPT,), jnp.int32),
            pltpu.VMEM((EPT,), jnp.int32),
            pltpu.VMEM((NBUF, CH, HID_DIM), jnp.float32),
            pltpu.VMEM_SHARED((NR, HID_DIM), jnp.float32),
            pltpu.SemaphoreType.DMA((NBUF,)),
            pltpu.SemaphoreType.DMA((NBUF,)),
            pltpu.SemaphoreType.DMA,
        ],
    )
    return f(h, edge_index)



def _deg_scales(dp):
    r = lax.broadcasted_iota(jnp.int32, (2 * NT, 2), 0)
    col = lax.broadcasted_iota(jnp.int32, (2 * NT, 2), 1)
    sel = jnp.where((col == 0) == (r < NT), 1.0, 0.0).astype(jnp.float32)
    deg = lax.dot_general(dp, sel, (((0,), (0,)), ((), ())),
                          preferred_element_type=jnp.float32)
    return lax.rsqrt(jnp.maximum(deg, 1.0))


def _tc_mm1_body(x_ref, w_ref, o_ref):
    o_ref[...] = jnp.dot(x_ref[...], w_ref[...],
                         preferred_element_type=jnp.float32)


def _tc_mm1(x, W1):
    return pl.pallas_call(
        _tc_mm1_body,
        grid=(1,),
        in_specs=[
            pl.BlockSpec((N_NODES, IN_DIM), lambda i: (0, 0)),
            pl.BlockSpec((IN_DIM, HID_DIM), lambda i: (0, 0)),
        ],
        out_specs=pl.BlockSpec((N_NODES, HID_DIM), lambda i: (0, 0)),
        out_shape=jax.ShapeDtypeStruct((N_NODES, HID_DIM), jnp.float32),
    )(x, W1)


def _tc_scale1_body(y_ref, dp_ref, o_ref):
    scl = _deg_scales(dp_ref[...])
    o_ref[...] = y_ref[...] * scl[:, 0:1]


def _tc_scale1(y, dpart):
    return pl.pallas_call(
        _tc_scale1_body,
        grid=(1,),
        in_specs=[
            pl.BlockSpec((N_NODES, HID_DIM), lambda i: (0, 0)),
            pl.BlockSpec((2 * NT, N_NODES), lambda i: (0, 0)),
        ],
        out_specs=pl.BlockSpec((N_NODES, HID_DIM), lambda i: (0, 0)),
        out_shape=jax.ShapeDtypeStruct((N_NODES, HID_DIM), jnp.float32),
    )(y, dpart)


def _tc_mid_body(p0_ref, p1_ref, dp_ref, b1_ref, w2_ref, o_ref):
    scl = _deg_scales(dp_ref[...])
    h = p0_ref[...] + p1_ref[...]
    h = h * scl[:, 1:2] + b1_ref[...]
    h = jnp.maximum(h, 0.0) * scl[:, 0:1]
    o_ref[...] = jnp.dot(h, w2_ref[...], preferred_element_type=jnp.float32)


def _tc_mid(p0, p1, dpart, b1, W2):
    return pl.pallas_call(
        _tc_mid_body,
        grid=(1,),
        in_specs=[
            pl.BlockSpec((N_NODES, HID_DIM), lambda i: (0, 0)),
            pl.BlockSpec((N_NODES, HID_DIM), lambda i: (0, 0)),
            pl.BlockSpec((2 * NT, N_NODES), lambda i: (0, 0)),
            pl.BlockSpec((1, HID_DIM), lambda i: (0, 0)),
            pl.BlockSpec((HID_DIM, OUT_DIM), lambda i: (0, 0)),
        ],
        out_specs=pl.BlockSpec((N_NODES, OUT_DIM), lambda i: (0, 0)),
        out_shape=jax.ShapeDtypeStruct((N_NODES, OUT_DIM), jnp.float32),
    )(p0, p1, dpart, b1.reshape(1, HID_DIM), W2)


def _tc_readout_body(p0_ref, p1_ref, dp_ref, b2_ref, gid_ref, sum_ref,
                     cnt_ref):
    scl = _deg_scales(dp_ref[...])
    h = (p0_ref[...] + p1_ref[...]) * scl[:, 1:2] + b2_ref[...]
    onehot = (gid_ref[...] ==
              lax.broadcasted_iota(jnp.int32, (N_NODES, N_GRAPHS), 1)
              ).astype(jnp.float32)
    sums = lax.dot_general(onehot, h, (((0,), (0,)), ((), ())),
                           preferred_element_type=jnp.float32)
    cnts = lax.dot_general(onehot, jnp.ones((N_NODES, 1), jnp.float32),
                           (((0,), (0,)), ((), ())),
                           preferred_element_type=jnp.float32)
    cnt_ref[...] = cnts
    sum_ref[...] = sums / jnp.maximum(cnts, 1.0)


def _tc_readout(p0, p1, dpart, b2, gid_col):
    return pl.pallas_call(
        _tc_readout_body,
        grid=(1,),
        in_specs=[
            pl.BlockSpec((N_NODES, OUT_DIM), lambda i: (0, 0)),
            pl.BlockSpec((N_NODES, OUT_DIM), lambda i: (0, 0)),
            pl.BlockSpec((2 * NT, N_NODES), lambda i: (0, 0)),
            pl.BlockSpec((1, OUT_DIM), lambda i: (0, 0)),
            pl.BlockSpec((N_NODES, 1), lambda i: (0, 0)),
        ],
        out_specs=[
            pl.BlockSpec((N_GRAPHS, OUT_DIM), lambda i: (0, 0)),
            pl.BlockSpec((N_GRAPHS, 1), lambda i: (0, 0)),
        ],
        out_shape=[
            jax.ShapeDtypeStruct((N_GRAPHS, OUT_DIM), jnp.float32),
            jax.ShapeDtypeStruct((N_GRAPHS, 1), jnp.float32),
        ],
    )(p0, p1, dpart, b2.reshape(1, OUT_DIM), gid_col)



def kernel(x, edge_index, graph_ids, W1, b1, W2, b2):
    dpart = _sc_degrees(edge_index)
    y = _tc_mm1(x, W1)
    h1pre = _tc_scale1(y, dpart)
    p0, p1 = _sc_aggregate(h1pre, edge_index)
    h2pre = _tc_mid(p0, p1, dpart, b1, W2)
    q0, q1 = _sc_aggregate(h2pre, edge_index)
    sums, _counts = _tc_readout(q0, q1, dpart, b2, graph_ids[:, None])
    return sums.reshape(N_GRAPHS, 1, OUT_DIM)

# --- scband reference (transcript-rebuilt; emitter-appended) ---
"""Pipeline reference for scband-metrics-graph-model-27255862460873 (READ-ONLY COPY).

The authoritative reference and input builder live on the scoring server;
editing this copy changes nothing except your own understanding.
"""

import jax, jax.numpy as jnp
import numpy as np

N_NODES = 10000
N_EDGES = 320000
N_GRAPHS = 100
IN_DIM = 128
HID_DIM = 64
OUT_DIM = 64


def setup_inputs(seed: int = 0) -> dict:
    key = jax.random.key(seed)
    k1, k2, k3, k4, k5 = jax.random.split(key, 5)
    x = jax.random.normal(k1, (N_NODES, IN_DIM), dtype=jnp.float32)
    edge_index = jax.random.randint(k2, (2, N_EDGES), 0, N_NODES, dtype=jnp.int32)
    graph_ids = jnp.sort(jax.random.randint(k3, (N_NODES,), 0, N_GRAPHS, dtype=jnp.int32))
    # GraphConv params (weight + bias per layer)
    W1 = jax.random.normal(k4, (IN_DIM, HID_DIM), dtype=jnp.float32) * 0.05
    b1 = jnp.zeros((HID_DIM,), dtype=jnp.float32)
    W2 = jax.random.normal(k5, (HID_DIM, OUT_DIM), dtype=jnp.float32) * 0.05
    b2 = jnp.zeros((OUT_DIM,), dtype=jnp.float32)
    return {"x": x, "edge_index": edge_index, "graph_ids": graph_ids,
            "W1": W1, "b1": b1, "W2": W2, "b2": b2}


def _graph_conv(h, src, dst, W, b, n_nodes):
    # DGL GraphConv with norm='both', allow_zero_in_degree=True:
    # h <- D_in^{-1/2} A (D_out^{-1/2} h) W + b, degrees clamped to >= 1
    E = src.shape[0]
    ones_e = jnp.ones((E,), dtype=h.dtype)
    deg_out = jax.ops.segment_sum(ones_e, src, num_segments=n_nodes).clip(1.0)
    deg_in = jax.ops.segment_sum(ones_e, dst, num_segments=n_nodes).clip(1.0)
    h = h * (deg_out ** -0.5)[:, None]
    h = h @ W  # in_dim >= out_dim: project before aggregation (matches DGL)
    agg = jnp.zeros((n_nodes, W.shape[1]), dtype=h.dtype).at[dst].add(h[src])
    return agg * (deg_in ** -0.5)[:, None] + b


def reference(x, edge_index, graph_ids, W1, b1, W2, b2):
    n_nodes = x.shape[0]
    src = edge_index[0]
    dst = edge_index[1]
    # layer 1 + ReLU
    h = _graph_conv(x, src, dst, W1, b1, n_nodes)
    h = jax.nn.relu(h)
    # layer 2 (no activation on last layer)
    h = _graph_conv(h, src, dst, W2, b2, n_nodes)
    # dgl.mean_nodes: per-graph mean readout over the batched graph
    sums = jax.ops.segment_sum(h, graph_ids, num_segments=N_GRAPHS)
    counts = jax.ops.segment_sum(jnp.ones((n_nodes,), dtype=h.dtype), graph_ids,
                                 num_segments=N_GRAPHS).clip(1.0)
    graph_embeds = sums / counts[:, None]  # [N_GRAPHS, OUT_DIM]
    # list of one batched graph -> stack(dim=0) then permute(1,0,2)
    out = jnp.stack([graph_embeds], axis=0)         # [1, N_GRAPHS, OUT_DIM]
    out = jnp.transpose(out, (1, 0, 2))             # [N_GRAPHS, 1, OUT_DIM]
    # is_batch is True (batch_size=100 > 1) so no squeeze
    return out

if __name__ == "__main__":
    import jax
    _d = setup_inputs()
    print(jax.jit(kernel)(*tuple(_d.values())))

</pallas_src>

<mosaic_0001>
#map = affine_map<(d0, d1) -> (0, 0)>
module attributes {stable_mosaic.version = 14 : i64} {
  func.func @_sc_degrees_body(%arg0: i32, %arg1: i32, %arg2: memref<2x320000xi32, #tpu.memory_space<hbm>>, %arg3: memref<64x10000xf32, #tpu.memory_space<hbm>>, %arg4: memref<10000xi32, #tpu.memory_space<vmem>>, %arg5: memref<10000xi32, #tpu.memory_space<vmem>>, %arg6: memref<10000xf32, #tpu.memory_space<vmem>>, %arg7: memref<10000xf32, #tpu.memory_space<vmem>>) attributes {dimension_semantics = [#tpu.dimension_semantics<core_parallel>, #tpu.dimension_semantics<subcore_parallel>], iteration_bounds = array<i64: 2, 16>, scalar_prefetch = 0 : i64, scratch_operands = 4 : i64, tpu.core_type = #tpu.core_type<sc_vector_subcore>, window_params = [{transform_indices = #map}, {transform_indices = #map}]} {
    %mul3A = arith.constant 16 : i32
    %mul3A_0 = arith.muli %arg0, %mul3A : i32
    %add3A = arith.addi %mul3A_0, %arg1 : i32
    %mul3A_1 = arith.constant 10000 : i32
    %mul3A_2 = arith.muli %add3A, %mul3A_1 : i32
    %run_scoped3A = arith.constant 0 : i32
    "tpu.region"() ({
      %run_scoped3A_31 = tpu.sem_alloc : memref<!tpu.dma_semaphore, #tpu.memory_space<semaphore_mem>>
      %dma_start3A = tpu.memref_slice %arg2[%run_scoped3A, %mul3A_2] : memref<2x320000xi32, #tpu.memory_space<hbm>> -> memref<1x10000xi32, #tpu.memory_space<hbm>>
      %dma_start3A_32 = tpu.memref_squeeze %dma_start3A : memref<1x10000xi32, #tpu.memory_space<hbm>> -> memref<10000xi32, #tpu.memory_space<hbm>>
      %dma_start3A_33 = tpu.memref_slice %arg2[%run_scoped3A, %mul3A_2] : memref<2x320000xi32, #tpu.memory_space<hbm>> -> memref<1x10000xi32, #tpu.memory_space<hbm>>
      %dma_start3A_34 = tpu.memref_squeeze %dma_start3A_33 : memref<1x10000xi32, #tpu.memory_space<hbm>> -> memref<10000xi32, #tpu.memory_space<hbm>>
      tpu.enqueue_dma source(%dma_start3A_34 : memref<10000xi32, #tpu.memory_space<hbm>>) target(%arg4 : memref<10000xi32, #tpu.memory_space<vmem>>) target_semaphore(%run_scoped3A_31 : memref<!tpu.dma_semaphore, #tpu.memory_space<semaphore_mem>>)
      %dma_wait3A = tpu.memref_slice %arg2[%run_scoped3A, %mul3A_2] : memref<2x320000xi32, #tpu.memory_space<hbm>> -> memref<1x10000xi32, #tpu.memory_space<hbm>>
      %dma_wait3A_35 = tpu.memref_squeeze %dma_wait3A : memref<1x10000xi32, #tpu.memory_space<hbm>> -> memref<10000xi32, #tpu.memory_space<hbm>>
      %dma_wait3A_36 = tpu.memref_slice %arg2[%run_scoped3A, %mul3A_2] : memref<2x320000xi32, #tpu.memory_space<hbm>> -> memref<1x10000xi32, #tpu.memory_space<hbm>>
      %dma_wait3A_37 = tpu.memref_squeeze %dma_wait3A_36 : memref<1x10000xi32, #tpu.memory_space<hbm>> -> memref<10000xi32, #tpu.memory_space<hbm>>
      tpu.wait_dma2 semaphore(%run_scoped3A_31 : memref<!tpu.dma_semaphore, #tpu.memory_space<semaphore_mem>>) src(%dma_wait3A_37 : memref<10000xi32, #tpu.memory_space<hbm>>) dst(%arg4 : memref<10000xi32, #tpu.memory_space<vmem>>)
      tpu.yield
    }) : () -> ()
    %run_scoped3A_3 = arith.constant 1 : i32
    "tpu.region"() ({
      %run_scoped3A_31 = tpu.sem_alloc : memref<!tpu.dma_semaphore, #tpu.memory_space<semaphore_mem>>
      %dma_start3A = tpu.memref_slice %arg2[%run_scoped3A_3, %mul3A_2] : memref<2x320000xi32, #tpu.memory_space<hbm>> -> memref<1x10000xi32, #tpu.memory_space<hbm>>
      %dma_start3A_32 = tpu.memref_squeeze %dma_start3A : memref<1x10000xi32, #tpu.memory_space<hbm>> -> memref<10000xi32, #tpu.memory_space<hbm>>
      %dma_start3A_33 = tpu.memref_slice %arg2[%run_scoped3A_3, %mul3A_2] : memref<2x320000xi32, #tpu.memory_space<hbm>> -> memref<1x10000xi32, #tpu.memory_space<hbm>>
      %dma_start3A_34 = tpu.memref_squeeze %dma_start3A_33 : memref<1x10000xi32, #tpu.memory_space<hbm>> -> memref<10000xi32, #tpu.memory_space<hbm>>
      tpu.enqueue_dma source(%dma_start3A_34 : memref<10000xi32, #tpu.memory_space<hbm>>) target(%arg5 : memref<10000xi32, #tpu.memory_space<vmem>>) target_semaphore(%run_scoped3A_31 : memref<!tpu.dma_semaphore, #tpu.memory_space<semaphore_mem>>)
      %dma_wait3A = tpu.memref_slice %arg2[%run_scoped3A_3, %mul3A_2] : memref<2x320000xi32, #tpu.memory_space<hbm>> -> memref<1x10000xi32, #tpu.memory_space<hbm>>
      %dma_wait3A_35 = tpu.memref_squeeze %dma_wait3A : memref<1x10000xi32, #tpu.memory_space<hbm>> -> memref<10000xi32, #tpu.memory_space<hbm>>
      %dma_wait3A_36 = tpu.memref_slice %arg2[%run_scoped3A_3, %mul3A_2] : memref<2x320000xi32, #tpu.memory_space<hbm>> -> memref<1x10000xi32, #tpu.memory_space<hbm>>
      %dma_wait3A_37 = tpu.memref_squeeze %dma_wait3A_36 : memref<1x10000xi32, #tpu.memory_space<hbm>> -> memref<10000xi32, #tpu.memory_space<hbm>>
      tpu.wait_dma2 semaphore(%run_scoped3A_31 : memref<!tpu.dma_semaphore, #tpu.memory_space<semaphore_mem>>) src(%dma_wait3A_37 : memref<10000xi32, #tpu.memory_space<hbm>>) dst(%arg5 : memref<10000xi32, #tpu.memory_space<vmem>>)
      tpu.yield
    }) : () -> ()
    %broadcast_in_dim3A = arith.constant 0.000000e+00 : f32
    %broadcast_in_dim3A_4 = vector.broadcast %broadcast_in_dim3A : f32 to vector<16xf32>
    %scan3A = arith.constant 0 : i32
    %scan3A_5 = arith.constant 624 : i32
    %scan3A_6 = arith.addi %scan3A, %scan3A_5 : i32
    %scan3A_7 = arith.constant 8 : i32
    scf.for %scan3A_31 = %scan3A to %scan3A_6 step %scan3A_7  : i32 {
      %mul3A_32 = arith.constant 1 : i32
      %mul3A_33 = arith.muli %scan3A_31, %mul3A_32 : i32
      %add3A_34 = arith.constant 0 : i32
      %add3A_35 = arith.addi %add3A_34, %mul3A_33 : i32
      %mul3A_36 = arith.constant 16 : i32
      %mul3A_37 = arith.muli %add3A_35, %mul3A_36 : i32
      %swap3A_38 = arith.index_cast %mul3A_37 : i32 to index
      %swap3A_39 = tpu.vector_load %arg6[%swap3A_38] {strides = array<i32>} : memref<10000xf32, #tpu.memory_space<vmem>>, vector<16xf32>,
      tpu.vector_store %arg6[%swap3A_38], %broadcast_in_dim3A_4 {strides = array<i32>} : memref<10000xf32, #tpu.memory_space<vmem>>, vector<16xf32>,
      %mul3A_40 = arith.constant 16 : i32
      %mul3A_41 = arith.muli %add3A_35, %mul3A_40 : i32
      %swap3A_42 = arith.index_cast %mul3A_41 : i32 to index
      %swap3A_43 = tpu.vector_load %arg7[%swap3A_42] {strides = array<i32>} : memref<10000xf32, #tpu.memory_space<vmem>>, vector<16xf32>,
      tpu.vector_store %arg7[%swap3A_42], %broadcast_in_dim3A_4 {strides = array<i32>} : memref<10000xf32, #tpu.memory_space<vmem>>, vector<16xf32>,
      %scan3A_44 = arith.constant 1 : i32
      %scan3A_45 = arith.addi %scan3A_31, %scan3A_44 : i32
      %mul3A_46 = arith.constant 1 : i32
      %mul3A_47 = arith.muli %scan3A_45, %mul3A_46 : i32
      %add3A_48 = arith.constant 0 : i32
      %add3A_49 = arith.addi %add3A_48, %mul3A_47 : i32
      %mul3A_50 = arith.constant 16 : i32
      %mul3A_51 = arith.muli %add3A_49, %mul3A_50 : i32
      %swap3A_52 = arith.index_cast %mul3A_51 : i32 to index
      %swap3A_53 = tpu.vector_load %arg6[%swap3A_52] {strides = array<i32>} : memref<10000xf32, #tpu.memory_space<vmem>>, vector<16xf32>,
      tpu.vector_store %arg6[%swap3A_52], %broadcast_in_dim3A_4 {strides = array<i32>} : memref<10000xf32, #tpu.memory_space<vmem>>, vector<16xf32>,
      %mul3A_54 = arith.constant 16 : i32
      %mul3A_55 = arith.muli %add3A_49, %mul3A_54 : i32
      %swap3A_56 = arith.index_cast %mul3A_55 : i32 to index
      %swap3A_57 = tpu.vector_load %arg7[%swap3A_56] {strides = array<i32>} : memref<10000xf32, #tpu.memory_space<vmem>>, vector<16xf32>,
      tpu.vector_store %arg7[%swap3A_56], %broadcast_in_dim3A_4 {strides = array<i32>} : memref<10000xf32, #tpu.memory_space<vmem>>, vector<16xf32>,
      %scan3A_58 = arith.constant 2 : i32
      %scan3A_59 = arith.addi %scan3A_31, %scan3A_58 : i32
      %mul3A_60 = arith.constant 1 : i32
      %mul3A_61 = arith.muli %scan3A_59, %mul3A_60 : i32
      %add3A_62 = arith.constant 0 : i32
      %add3A_63 = arith.addi %add3A_62, %mul3A_61 : i32
      %mul3A_64 = arith.constant 16 : i32
      %mul3A_65 = arith.muli %add3A_63, %mul3A_64 : i32
      %swap3A_66 = arith.index_cast %mul3A_65 : i32 to index
      %swap3A_67 = tpu.vector_load %arg6[%swap3A_66] {strides = array<i32>} : memref<10000xf32, #tpu.memory_space<vmem>>, vector<16xf32>,
      tpu.vector_store %arg6[%swap3A_66], %broadcast_in_dim3A_4 {strides = array<i32>} : memref<10000xf32, #tpu.memory_space<vmem>>, vector<16xf32>,
      %mul3A_68 = arith.constant 16 : i32
      %mul3A_69 = arith.muli %add3A_63, %mul3A_68 : i32
      %swap3A_70 = arith.index_cast %mul3A_69 : i32 to index
      %swap3A_71 = tpu.vector_load %arg7[%swap3A_70] {strides = array<i32>} : memref<10000xf32, #tpu.memory_space<vmem>>, vector<16xf32>,
      tpu.vector_store %arg7[%swap3A_70], %broadcast_in_dim3A_4 {strides = array<i32>} : memref<10000xf32, #tpu.memory_space<vmem>>, vector<16xf32>,
      %scan3A_72 = arith.constant 3 : i32
      %scan3A_73 = arith.addi %scan3A_31, %scan3A_72 : i32
      %mul3A_74 = arith.constant 1 : i32
      %mul3A_75 = arith.muli %scan3A_73, %mul3A_74 : i32
      %add3A_76 = arith.constant 0 : i32
      %add3A_77 = arith.addi %add3A_76, %mul3A_75 : i32
      %mul3A_78 = arith.constant 16 : i32
      %mul3A_79 = arith.muli %add3A_77, %mul3A_78 : i32
      %swap3A_80 = arith.index_cast %mul3A_79 : i32 to index
      %swap3A_81 = tpu.vector_load %arg6[%swap3A_80] {strides = array<i32>} : memref<10000xf32, #tpu.memory_space<vmem>>, vector<16xf32>,
      tpu.vector_store %arg6[%swap3A_80], %broadcast_in_dim3A_4 {strides = array<i32>} : memref<10000xf32, #tpu.memory_space<vmem>>, vector<16xf32>,
      %mul3A_82 = arith.constant 16 : i32
      %mul3A_83 = arith.muli %add3A_77, %mul3A_82 : i32
      %swap3A_84 = arith.index_cast %mul3A_83 : i32 to index
      %swap3A_85 = tpu.vector_load %arg7[%swap3A_84] {strides = array<i32>} : memref<10000xf32, #tpu.memory_space<vmem>>, vector<16xf32>,
      tpu.vector_store %arg7[%swap3A_84], %broadcast_in_dim3A_4 {strides = array<i32>} : memref<10000xf32, #tpu.memory_space<vmem>>, vector<16xf32>,
      %scan3A_86 = arith.constant 4 : i32
      %scan3A_87 = arith.addi %scan3A_31, %scan3A_86 : i32
      %mul3A_88 = arith.constant 1 : i32
      %mul3A_89 = arith.muli %scan3A_87, %mul3A_88 : i32
      %add3A_90 = arith.constant 0 : i32
      %add3A_91 = arith.addi %add3A_90, %mul3A_89 : i32
      %mul3A_92 = arith.constant 16 : i32
      %mul3A_93 = arith.muli %add3A_91, %mul3A_92 : i32
      %swap3A_94 = arith.index_cast %mul3A_93 : i32 to index
      %swap3A_95 = tpu.vector_load %arg6[%swap3A_94] {strides = array<i32>} : memref<10000xf32, #tpu.memory_space<vmem>>, vector<16xf32>,
      tpu.vector_store %arg6[%swap3A_94], %broadcast_in_dim3A_4 {strides = array<i32>} : memref<10000xf32, #tpu.memory_space<vmem>>, vector<16xf32>,
      %mul3A_96 = arith.constant 16 : i32
      %mul3A_97 = arith.muli %add3A_91, %mul3A_96 : i32
      %swap3A_98 = arith.index_cast %mul3A_97 : i32 to index
      %swap3A_99 = tpu.vector_load %arg7[%swap3A_98] {strides = array<i32>} : memref<10000xf32, #tpu.memory_space<vmem>>, vector<16xf32>,
      tpu.vector_store %arg7[%swap3A_98], %broadcast_in_dim3A_4 {strides = array<i32>} : memref<10000xf32, #tpu.memory_space<vmem>>, vector<16xf32>,
      %scan3A_100 = arith.constant 5 : i32
      %scan3A_101 = arith.addi %scan3A_31, %scan3A_100 : i32
      %mul3A_102 = arith.constant 1 : i32
      %mul3A_103 = arith.muli %scan3A_101, %mul3A_102 : i32
      %add3A_104 = arith.constant 0 : i32
      %add3A_105 = arith.addi %add3A_104, %mul3A_103 : i32
      %mul3A_106 = arith.constant 16 : i32
      %mul3A_107 = arith.muli %add3A_105, %mul3A_106 : i32
      %swap3A_108 = arith.index_cast %mul3A_107 : i32 to index
      %swap3A_109 = tpu.vector_load %arg6[%swap3A_108] {strides = array<i32>} : memref<10000xf32, #tpu.memory_space<vmem>>, vector<16xf32>,
      tpu.vector_store %arg6[%swap3A_108], %broadcast_in_dim3A_4 {strides = array<i32>} : memref<10000xf32, #tpu.memory_space<vmem>>, vector<16xf32>,
      %mul3A_110 = arith.constant 16 : i32
      %mul3A_111 = arith.muli %add3A_105, %mul3A_110 : i32
      %swap3A_112 = arith.index_cast %mul3A_111 : i32 to index
      %swap3A_113 = tpu.vector_load %arg7[%swap3A_112] {strides = array<i32>} : memref<10000xf32, #tpu.memory_space<vmem>>, vector<16xf32>,
      tpu.vector_store %arg7[%swap3A_112], %broadcast_in_dim3A_4 {strides = array<i32>} : memref<10000xf32, #tpu.memory_space<vmem>>, vector<16xf32>,
      %scan3A_114 = arith.constant 6 : i32
      %scan3A_115 = arith.addi %scan3A_31, %scan3A_114 : i32
      %mul3A_116 = arith.constant 1 : i32
      %mul3A_117 = arith.muli %scan3A_115, %mul3A_116 : i32
      %add3A_118 = arith.constant 0 : i32
      %add3A_119 = arith.addi %add3A_118, %mul3A_117 : i32
      %mul3A_120 = arith.constant 16 : i32
      %mul3A_121 = arith.muli %add3A_119, %mul3A_120 : i32
      %swap3A_122 = arith.index_cast %mul3A_121 : i32 to index
      %swap3A_123 = tpu.vector_load %arg6[%swap3A_122] {strides = array<i32>} : memref<10000xf32, #tpu.memory_space<vmem>>, vector<16xf32>,
      tpu.vector_store %arg6[%swap3A_122], %broadcast_in_dim3A_4 {strides = array<i32>} : memref<10000xf32, #tpu.memory_space<vmem>>, vector<16xf32>,
      %mul3A_124 = arith.constant 16 : i32
      %mul3A_125 = arith.muli %add3A_119, %mul3A_124 : i32
      %swap3A_126 = arith.index_cast %mul3A_125 : i32 to index
      %swap3A_127 = tpu.vector_load %arg7[%swap3A_126] {strides = array<i32>} : memref<10000xf32, #tpu.memory_space<vmem>>, vector<16xf32>,
      tpu.vector_store %arg7[%swap3A_126], %broadcast_in_dim3A_4 {strides = array<i32>} : memref<10000xf32, #tpu.memory_space<vmem>>, vector<16xf32>,
      %scan3A_128 = arith.constant 7 : i32
      %scan3A_129 = arith.addi %scan3A_31, %scan3A_128 : i32
      %mul3A_130 = arith.constant 1 : i32
      %mul3A_131 = arith.muli %scan3A_129, %mul3A_130 : i32
      %add3A_132 = arith.constant 0 : i32
      %add3A_133 = arith.addi %add3A_132, %mul3A_131 : i32
      %mul3A_134 = arith.constant 16 : i32
      %mul3A_135 = arith.muli %add3A_133, %mul3A_134 : i32
      %swap3A_136 = arith.index_cast %mul3A_135 : i32 to index
      %swap3A_137 = tpu.vector_load %arg6[%swap3A_136] {strides = array<i32>} : memref<10000xf32, #tpu.memory_space<vmem>>, vector<16xf32>,
      tpu.vector_store %arg6[%swap3A_136], %broadcast_in_dim3A_4 {strides = array<i32>} : memref<10000xf32, #tpu.memory_space<vmem>>, vector<16xf32>,
      %mul3A_138 = arith.constant 16 : i32
      %mul3A_139 = arith.muli %add3A_133, %mul3A_138 : i32
      %swap3A_140 = arith.index_cast %mul3A_139 : i32 to index
      %swap3A_141 = tpu.vector_load %arg7[%swap3A_140] {strides = array<i32>} : memref<10000xf32, #tpu.memory_space<vmem>>, vector<16xf32>,
      tpu.vector_store %arg7[%swap3A_140], %broadcast_in_dim3A_4 {strides = array<i32>} : memref<10000xf32, #tpu.memory_space<vmem>>, vector<16xf32>,
    }
    %scan3A_8 = arith.constant 624 : i32
    %scan3A_9 = arith.addi %scan3A, %scan3A_8 : i32
    %mul3A_10 = arith.constant 1 : i32
    %mul3A_11 = arith.muli %scan3A_9, %mul3A_10 : i32
    %add3A_12 = arith.constant 0 : i32
    %add3A_13 = arith.addi %add3A_12, %mul3A_11 : i32
    %mul3A_14 = arith.constant 16 : i32
    %mul3A_15 = arith.muli %add3A_13, %mul3A_14 : i32
    %swap3A = arith.index_cast %mul3A_15 : i32 to index
    %swap3A_16 = tpu.vector_load %arg6[%swap3A] {strides = array<i32>} : memref<10000xf32, #tpu.memory_space<vmem>>, vector<16xf32>,
    tpu.vector_store %arg6[%swap3A], %broadcast_in_dim3A_4 {strides = array<i32>} : memref<10000xf32, #tpu.memory_space<vmem>>, vector<16xf32>,
    %mul3A_17 = arith.constant 16 : i32
    %mul3A_18 = arith.muli %add3A_13, %mul3A_17 : i32
    %swap3A_19 = arith.index_cast %mul3A_18 : i32 to index
    %swap3A_20 = tpu.vector_load %arg7[%swap3A_19] {strides = array<i32>} : memref<10000xf32, #tpu.memory_space<vmem>>, vector<16xf32>,
    tpu.vector_store %arg7[%swap3A_19], %broadcast_in_dim3A_4 {strides = array<i32>} : memref<10000xf32, #tpu.memory_space<vmem>>, vector<16xf32>,
    %scan3A_21 = arith.constant 625 : i32
    %broadcast_in_dim3A_22 = arith.constant 1.000000e+00 : f32
    %broadcast_in_dim3A_23 = vector.broadcast %broadcast_in_dim3A_22 : f32 to vector<16xf32>
    %scan3A_24 = arith.constant 0 : i32
    %scan3A_25 = arith.constant 625 : i32
    %scan3A_26 = arith.addi %scan3A_24, %scan3A_25 : i32
    %scan3A_27 = arith.constant 5 : i32
    scf.for %scan3A_31 = %scan3A_24 to %scan3A_26 step %scan3A_27  : i32 {
      %mul3A_32 = arith.constant 1 : i32
      %mul3A_33 = arith.muli %scan3A_31, %mul3A_32 : i32
      %add3A_34 = arith.constant 0 : i32
      %add3A_35 = arith.addi %add3A_34, %mul3A_33 : i32
      %mul3A_36 = arith.constant 16 : i32
      %mul3A_37 = arith.muli %add3A_35, %mul3A_36 : i32
      %get3A = arith.index_cast %mul3A_37 : i32 to index
      %get3A_38 = tpu.vector_load %arg4[%get3A] {strides = array<i32>} : memref<10000xi32, #tpu.memory_space<vmem>>, vector<16xi32>,
      tpu.vector_store_idx %arg6[%get3A_38], %broadcast_in_dim3A_23 {add = true} : memref<10000xf32, #tpu.memory_space<vmem>>[vector<16xi32>], vector<16xf32>,
      %mul3A_39 = arith.constant 16 : i32
      %mul3A_40 = arith.muli %add3A_35, %mul3A_39 : i32
      %get3A_41 = arith.index_cast %mul3A_40 : i32 to index
      %get3A_42 = tpu.vector_load %arg5[%get3A_41] {strides = array<i32>} : memref<10000xi32, #tpu.memory_space<vmem>>, vector<16xi32>,
      tpu.vector_store_idx %arg7[%get3A_42], %broadcast_in_dim3A_23 {add = true} : memref<10000xf32, #tpu.memory_space<vmem>>[vector<16xi32>], vector<16xf32>,
      %scan3A_43 = arith.constant 1 : i32
      %scan3A_44 = arith.addi %scan3A_31, %scan3A_43 : i32
      %mul3A_45 = arith.constant 1 : i32
      %mul3A_46 = arith.muli %scan3A_44, %mul3A_45 : i32
      %add3A_47 = arith.constant 0 : i32
      %add3A_48 = arith.addi %add3A_47, %mul3A_46 : i32
      %mul3A_49 = arith.constant 16 : i32
      %mul3A_50 = arith.muli %add3A_48, %mul3A_49 : i32
      %get3A_51 = arith.index_cast %mul3A_50 : i32 to index
      %get3A_52 = tpu.vector_load %arg4[%get3A_51] {strides = array<i32>} : memref<10000xi32, #tpu.memory_space<vmem>>, vector<16xi32>,
      tpu.vector_store_idx %arg6[%get3A_52], %broadcast_in_dim3A_23 {add = true} : memref<10000xf32, #tpu.memory_space<vmem>>[vector<16xi32>], vector<16xf32>,
      %mul3A_53 = arith.constant 16 : i32
      %mul3A_54 = arith.muli %add3A_48, %mul3A_53 : i32
      %get3A_55 = arith.index_cast %mul3A_54 : i32 to index
      %get3A_56 = tpu.vector_load %arg5[%get3A_55] {strides = array<i32>} : memref<10000xi32, #tpu.memory_space<vmem>>, vector<16xi32>,
      tpu.vector_store_idx %arg7[%get3A_56], %broadcast_in_dim3A_23 {add = true} : memref<10000xf32, #tpu.memory_space<vmem>>[vector<16xi32>], vector<16xf32>,
      %scan3A_57 = arith.constant 2 : i32
      %scan3A_58 = arith.addi %scan3A_31, %scan3A_57 : i32
      %mul3A_59 = arith.constant 1 : i32
      %mul3A_60 = arith.muli %scan3A_58, %mul3A_59 : i32
      %add3A_61 = arith.constant 0 : i32
      %add3A_62 = arith.addi %add3A_61, %mul3A_60 : i32
      %mul3A_63 = arith.constant 16 : i32
      %mul3A_64 = arith.muli %add3A_62, %mul3A_63 : i32
      %get3A_65 = arith.index_cast %mul3A_64 : i32 to index
      %get3A_66 = tpu.vector_load %arg4[%get3A_65] {strides = array<i32>} : memref<10000xi32, #tpu.memory_space<vmem>>, vector<16xi32>,
      tpu.vector_store_idx %arg6[%get3A_66], %broadcast_in_dim3A_23 {add = true} : memref<10000xf32, #tpu.memory_space<vmem>>[vector<16xi32>], vector<16xf32>,
      %mul3A_67 = arith.constant 16 : i32
      %mul3A_68 = arith.muli %add3A_62, %mul3A_67 : i32
      %get3A_69 = arith.index_cast %mul3A_68 : i32 to index
      %get3A_70 = tpu.vector_load %arg5[%get3A_69] {strides = array<i32>} : memref<10000xi32, #tpu.memory_space<vmem>>, vector<16xi32>,
      tpu.vector_store_idx %arg7[%get3A_70], %broadcast_in_dim3A_23 {add = true} : memref<10000xf32, #tpu.memory_space<vmem>>[vector<16xi32>], vector<16xf32>,
      %scan3A_71 = arith.constant 3 : i32
      %scan3A_72 = arith.addi %scan3A_31, %scan3A_71 : i32
      %mul3A_73 = arith.constant 1 : i32
      %mul3A_74 = arith.muli %scan3A_72, %mul3A_73 : i32
      %add3A_75 = arith.constant 0 : i32
      %add3A_76 = arith.addi %add3A_75, %mul3A_74 : i32
      %mul3A_77 = arith.constant 16 : i32
      %mul3A_78 = arith.muli %add3A_76, %mul3A_77 : i32
      %get3A_79 = arith.index_cast %mul3A_78 : i32 to index
      %get3A_80 = tpu.vector_load %arg4[%get3A_79] {strides = array<i32>} : memref<10000xi32, #tpu.memory_space<vmem>>, vector<16xi32>,
      tpu.vector_store_idx %arg6[%get3A_80], %broadcast_in_dim3A_23 {add = true} : memref<10000xf32, #tpu.memory_space<vmem>>[vector<16xi32>], vector<16xf32>,
      %mul3A_81 = arith.constant 16 : i32
      %mul3A_82 = arith.muli %add3A_76, %mul3A_81 : i32
      %get3A_83 = arith.index_cast %mul3A_82 : i32 to index
      %get3A_84 = tpu.vector_load %arg5[%get3A_83] {strides = array<i32>} : memref<10000xi32, #tpu.memory_space<vmem>>, vector<16xi32>,
      tpu.vector_store_idx %arg7[%get3A_84], %broadcast_in_dim3A_23 {add = true} : memref<10000xf32, #tpu.memory_space<vmem>>[vector<16xi32>], vector<16xf32>,
      %scan3A_85 = arith.constant 4 : i32
      %scan3A_86 = arith.addi %scan3A_31, %scan3A_85 : i32
      %mul3A_87 = arith.constant 1 : i32
      %mul3A_88 = arith.muli %scan3A_86, %mul3A_87 : i32
      %add3A_89 = arith.constant 0 : i32
      %add3A_90 = arith.addi %add3A_89, %mul3A_88 : i32
      %mul3A_91 = arith.constant 16 : i32
      %mul3A_92 = arith.muli %add3A_90, %mul3A_91 : i32
      %get3A_93 = arith.index_cast %mul3A_92 : i32 to index
      %get3A_94 = tpu.vector_load %arg4[%get3A_93] {strides = array<i32>} : memref<10000xi32, #tpu.memory_space<vmem>>, vector<16xi32>,
      tpu.vector_store_idx %arg6[%get3A_94], %broadcast_in_dim3A_23 {add = true} : memref<10000xf32, #tpu.memory_space<vmem>>[vector<16xi32>], vector<16xf32>,
      %mul3A_95 = arith.constant 16 : i32
      %mul3A_96 = arith.muli %add3A_90, %mul3A_95 : i32
      %get3A_97 = arith.index_cast %mul3A_96 : i32 to index
      %get3A_98 = tpu.vector_load %arg5[%get3A_97] {strides = array<i32>} : memref<10000xi32, #tpu.memory_space<vmem>>, vector<16xi32>,
      tpu.vector_store_idx %arg7[%get3A_98], %broadcast_in_dim3A_23 {add = true} : memref<10000xf32, #tpu.memory_space<vmem>>[vector<16xi32>], vector<16xf32>,
    }
    %scan3A_28 = arith.constant 625 : i32
    "tpu.region"() ({
      %run_scoped3A_31 = tpu.sem_alloc : memref<!tpu.dma_semaphore, #tpu.memory_space<semaphore_mem>>
      %dma_start3A = arith.constant 0 : i32
      %dma_start3A_32 = tpu.memref_slice %arg3[%add3A, %dma_start3A] : memref<64x10000xf32, #tpu.memory_space<hbm>> -> memref<1x10000xf32, #tpu.memory_space<hbm>>
      %dma_start3A_33 = tpu.memref_squeeze %dma_start3A_32 : memref<1x10000xf32, #tpu.memory_space<hbm>> -> memref<10000xf32, #tpu.memory_space<hbm>>
      %dma_start3A_34 = arith.constant 0 : i32
      %dma_start3A_35 = tpu.memref_slice %arg3[%add3A, %dma_start3A_34] : memref<64x10000xf32, #tpu.memory_space<hbm>> -> memref<1x10000xf32, #tpu.memory_space<hbm>>
      %dma_start3A_36 = tpu.memref_squeeze %dma_start3A_35 : memref<1x10000xf32, #tpu.memory_space<hbm>> -> memref<10000xf32, #tpu.memory_space<hbm>>
      tpu.enqueue_dma source(%arg6 : memref<10000xf32, #tpu.memory_space<vmem>>) target(%dma_start3A_36 : memref<10000xf32, #tpu.memory_space<hbm>>) target_semaphore(%run_scoped3A_31 : memref<!tpu.dma_semaphore, #tpu.memory_space<semaphore_mem>>)
      %dma_wait3A = arith.constant 0 : i32
      %dma_wait3A_37 = tpu.memref_slice %arg3[%add3A, %dma_wait3A] : memref<64x10000xf32, #tpu.memory_space<hbm>> -> memref<1x10000xf32, #tpu.memory_space<hbm>>
      %dma_wait3A_38 = tpu.memref_squeeze %dma_wait3A_37 : memref<1x10000xf32, #tpu.memory_space<hbm>> -> memref<10000xf32, #tpu.memory_space<hbm>>
      %dma_wait3A_39 = arith.constant 0 : i32
      %dma_wait3A_40 = tpu.memref_slice %arg3[%add3A, %dma_wait3A_39] : memref<64x10000xf32, #tpu.memory_space<hbm>> -> memref<1x10000xf32, #tpu.memory_space<hbm>>
      %dma_wait3A_41 = tpu.memref_squeeze %dma_wait3A_40 : memref<1x10000xf32, #tpu.memory_space<hbm>> -> memref<10000xf32, #tpu.memory_space<hbm>>
      tpu.wait_dma2 semaphore(%run_scoped3A_31 : memref<!tpu.dma_semaphore, #tpu.memory_space<semaphore_mem>>) src(%arg6 : memref<10000xf32, #tpu.memory_space<vmem>>) dst(%dma_wait3A_41 : memref<10000xf32, #tpu.memory_space<hbm>>)
      tpu.yield
    }) : () -> ()
    %add3A_29 = arith.constant 32 : i32
    %add3A_30 = arith.addi %add3A_29, %add3A : i32
    "tpu.region"() ({
      %run_scoped3A_31 = tpu.sem_alloc : memref<!tpu.dma_semaphore, #tpu.memory_space<semaphore_mem>>
      %dma_start3A = arith.constant 0 : i32
      %dma_start3A_32 = tpu.memref_slice %arg3[%add3A_30, %dma_start3A] : memref<64x10000xf32, #tpu.memory_space<hbm>> -> memref<1x10000xf32, #tpu.memory_space<hbm>>
      %dma_start3A_33 = tpu.memref_squeeze %dma_start3A_32 : memref<1x10000xf32, #tpu.memory_space<hbm>> -> memref<10000xf32, #tpu.memory_space<hbm>>
      %dma_start3A_34 = arith.constant 0 : i32
      %dma_start3A_35 = tpu.memref_slice %arg3[%add3A_30, %dma_start3A_34] : memref<64x10000xf32, #tpu.memory_space<hbm>> -> memref<1x10000xf32, #tpu.memory_space<hbm>>
      %dma_start3A_36 = tpu.memref_squeeze %dma_start3A_35 : memref<1x10000xf32, #tpu.memory_space<hbm>> -> memref<10000xf32, #tpu.memory_space<hbm>>
      tpu.enqueue_dma source(%arg7 : memref<10000xf32, #tpu.memory_space<vmem>>) target(%dma_start3A_36 : memref<10000xf32, #tpu.memory_space<hbm>>) target_semaphore(%run_scoped3A_31 : memref<!tpu.dma_semaphore, #tpu.memory_space<semaphore_mem>>)
      %dma_wait3A = arith.constant 0 : i32
      %dma_wait3A_37 = tpu.memref_slice %arg3[%add3A_30, %dma_wait3A] : memref<64x10000xf32, #tpu.memory_space<hbm>> -> memref<1x10000xf32, #tpu.memory_space<hbm>>
      %dma_wait3A_38 = tpu.memref_squeeze %dma_wait3A_37 : memref<1x10000xf32, #tpu.memory_space<hbm>> -> memref<10000xf32, #tpu.memory_space<hbm>>
      %dma_wait3A_39 = arith.constant 0 : i32
      %dma_wait3A_40 = tpu.memref_slice %arg3[%add3A_30, %dma_wait3A_39] : memref<64x10000xf32, #tpu.memory_space<hbm>> -> memref<1x10000xf32, #tpu.memory_space<hbm>>
      %dma_wait3A_41 = tpu.memref_squeeze %dma_wait3A_40 : memref<1x10000xf32, #tpu.memory_space<hbm>> -> memref<10000xf32, #tpu.memory_space<hbm>>
      tpu.wait_dma2 semaphore(%run_scoped3A_31 : memref<!tpu.dma_semaphore, #tpu.memory_space<semaphore_mem>>) src(%arg7 : memref<10000xf32, #tpu.memory_space<vmem>>) dst(%dma_wait3A_41 : memref<10000xf32, #tpu.memory_space<hbm>>)
      tpu.yield
    }) : () -> ()
    return
  }
}

#map = affine_map<(d0, d1) -> (0, 0)>
module attributes {stable_mosaic.version = 14 : i64} {
  func.func @_sc_agg_body(%arg0: i32, %arg1: i32, %arg2: memref<10000x64xf32, #tpu.memory_space<hbm>>, %arg3: memref<2x320000xi32, #tpu.memory_space<hbm>>, %arg4: memref<10112x64xf32, #tpu.memory_space<hbm>>, %arg5: memref<10112x64xf32, #tpu.memory_space<hbm>>, %arg6: memref<10000xi32, #tpu.memory_space<vmem>>, %arg7: memref<10000xi32, #tpu.memory_space<vmem>>, %arg8: memref<6x128x64xf32, #tpu.memory_space<vmem>>, %arg9: memref<10112x64xf32, #tpu.memory_space<vmem_shared>>, %arg10: memref<6x!tpu.dma_semaphore, #tpu.memory_space<semaphore_mem>>, %arg11: memref<6x!tpu.dma_semaphore, #tpu.memory_space<semaphore_mem>>, %arg12: memref<!tpu.dma_semaphore, #tpu.memory_space<semaphore_mem>>) attributes {dimension_semantics = [#tpu.dimension_semantics<core_parallel>, #tpu.dimension_semantics<subcore_parallel>], iteration_bounds = array<i64: 2, 16>, scalar_prefetch = 0 : i64, scratch_operands = 7 : i64, tpu.core_type = #tpu.core_type<sc_vector_subcore>, window_params = [{transform_indices = #map}, {transform_indices = #map}, {transform_indices = #map}, {transform_indices = #map}]} {
    %mul3A = arith.constant 16 : i32
    %mul3A_0 = arith.muli %arg0, %mul3A : i32
    %add3A = arith.addi %mul3A_0, %arg1 : i32
    %mul3A_1 = arith.constant 10000 : i32
    %mul3A_2 = arith.muli %add3A, %mul3A_1 : i32
    %dma_start3A = arith.constant 0 : i32
    %dma_start3A_3 = arith.constant 0 : i32
    %dma_start3A_4 = tpu.memref_slice %arg3[%dma_start3A, %mul3A_2] : memref<2x320000xi32, #tpu.memory_space<hbm>> -> memref<1x10000xi32, #tpu.memory_space<hbm>>
    %dma_start3A_5 = tpu.memref_squeeze %dma_start3A_4 : memref<1x10000xi32, #tpu.memory_space<hbm>> -> memref<10000xi32, #tpu.memory_space<hbm>>
    %dma_start3A_6 = tpu.memref_slice %arg10[%dma_start3A_3] : memref<6x!tpu.dma_semaphore, #tpu.memory_space<semaphore_mem>> -> memref<1x!tpu.dma_semaphore, #tpu.memory_space<semaphore_mem>>
    %dma_start3A_7 = tpu.memref_squeeze %dma_start3A_6 : memref<1x!tpu.dma_semaphore, #tpu.memory_space<semaphore_mem>> -> memref<!tpu.dma_semaphore, #tpu.memory_space<semaphore_mem>>
    %dma_start3A_8 = tpu.memref_slice %arg3[%dma_start3A, %mul3A_2] : memref<2x320000xi32, #tpu.memory_space<hbm>> -> memref<1x10000xi32, #tpu.memory_space<hbm>>
    %dma_start3A_9 = tpu.memref_squeeze %dma_start3A_8 : memref<1x10000xi32, #tpu.memory_space<hbm>> -> memref<10000xi32, #tpu.memory_space<hbm>>
    tpu.enqueue_dma source(%dma_start3A_9 : memref<10000xi32, #tpu.memory_space<hbm>>) target(%arg6 : memref<10000xi32, #tpu.memory_space<vmem>>) target_semaphore(%dma_start3A_7 : memref<!tpu.dma_semaphore, #tpu.memory_space<semaphore_mem>>)
    %dma_start3A_10 = arith.constant 1 : i32
    %dma_start3A_11 = arith.constant 1 : i32
    %dma_start3A_12 = tpu.memref_slice %arg3[%dma_start3A_10, %mul3A_2] : memref<2x320000xi32, #tpu.memory_space<hbm>> -> memref<1x10000xi32, #tpu.memory_space<hbm>>
    %dma_start3A_13 = tpu.memref_squeeze %dma_start3A_12 : memref<1x10000xi32, #tpu.memory_space<hbm>> -> memref<10000xi32, #tpu.memory_space<hbm>>
    %dma_start3A_14 = tpu.memref_slice %arg10[%dma_start3A_11] : memref<6x!tpu.dma_semaphore, #tpu.memory_space<semaphore_mem>> -> memref<1x!tpu.dma_semaphore, #tpu.memory_space<semaphore_mem>>
    %dma_start3A_15 = tpu.memref_squeeze %dma_start3A_14 : memref<1x!tpu.dma_semaphore, #tpu.memory_space<semaphore_mem>> -> memref<!tpu.dma_semaphore, #tpu.memory_space<semaphore_mem>>
    %dma_start3A_16 = tpu.memref_slice %arg3[%dma_start3A_10, %mul3A_2] : memref<2x320000xi32, #tpu.memory_space<hbm>> -> memref<1x10000xi32, #tpu.memory_space<hbm>>
    %dma_start3A_17 = tpu.memref_squeeze %dma_start3A_16 : memref<1x10000xi32, #tpu.memory_space<hbm>> -> memref<10000xi32, #tpu.memory_space<hbm>>
    tpu.enqueue_dma source(%dma_start3A_17 : memref<10000xi32, #tpu.memory_space<hbm>>) target(%arg7 : memref<10000xi32, #tpu.memory_space<vmem>>) target_semaphore(%dma_start3A_15 : memref<!tpu.dma_semaphore, #tpu.memory_space<semaphore_mem>>)
    %broadcast_in_dim3A = arith.constant 0.000000e+00 : f32
    %broadcast_in_dim3A_18 = vector.broadcast %broadcast_in_dim3A : f32 to vector<16xf32>
    %scan3A = arith.constant 0 : i32
    %scan3A_19 = arith.constant 128 : i32
    %scan3A_20 = arith.addi %scan3A, %scan3A_19 : i32
    %scan3A_21 = arith.constant 1 : i32
    scf.for %scan3A_516 = %scan3A to %scan3A_20 step %scan3A_21  : i32 {
      %mul3A_517 = arith.constant 1 : i32
      %mul3A_518 = arith.muli %scan3A_516, %mul3A_517 : i32
      %add3A_519 = arith.constant 0 : i32
      %add3A_520 = arith.addi %add3A_519, %mul3A_518 : i32
      %swap3A = arith.constant 0 : i32
      %swap3A_521 = arith.index_cast %swap3A : i32 to index
      %swap3A_522 = arith.index_cast %add3A_520 : i32 to index
      %swap3A_523 = arith.constant 0 : index
      %swap3A_524 = tpu.vector_load %arg8[%swap3A_521, %swap3A_522, %swap3A_523] {strides = array<i32>} : memref<6x128x64xf32, #tpu.memory_space<vmem>>, vector<16xf32>,
      tpu.vector_store %arg8[%swap3A_521, %swap3A_522, %swap3A_523], %broadcast_in_dim3A_18 {strides = array<i32>} : memref<6x128x64xf32, #tpu.memory_space<vmem>>, vector<16xf32>,
      %swap3A_525 = arith.constant 0 : i32
      %swap3A_526 = arith.index_cast %swap3A_525 : i32 to index
      %swap3A_527 = arith.index_cast %add3A_520 : i32 to index
      %swap3A_528 = arith.constant 16 : index
      %swap3A_529 = tpu.vector_load %arg8[%swap3A_526, %swap3A_527, %swap3A_528] {strides = array<i32>} : memref<6x128x64xf32, #tpu.memory_space<vmem>>, vector<16xf32>,
      tpu.vector_store %arg8[%swap3A_526, %swap3A_527, %swap3A_528], %broadcast_in_dim3A_18 {strides = array<i32>} : memref<6x128x64xf32, #tpu.memory_space<vmem>>, vector<16xf32>,
      %swap3A_530 = arith.constant 0 : i32
      %swap3A_531 = arith.index_cast %swap3A_530 : i32 to index
      %swap3A_532 = arith.index_cast %add3A_520 : i32 to index
      %swap3A_533 = arith.constant 32 : index
      %swap3A_534 = tpu.vector_load %arg8[%swap3A_531, %swap3A_532, %swap3A_533] {strides = array<i32>} : memref<6x128x64xf32, #tpu.memory_space<vmem>>, vector<16xf32>,
      tpu.vector_store %arg8[%swap3A_531, %swap3A_532, %swap3A_533], %broadcast_in_dim3A_18 {strides = array<i32>} : memref<6x128x64xf32, #tpu.memory_space<vmem>>, vector<16xf32>,
      %swap3A_535 = arith.constant 0 : i32
      %swap3A_536 = arith.index_cast %swap3A_535 : i32 to index
      %swap3A_537 = arith.index_cast %add3A_520 : i32 to index
      %swap3A_538 = arith.constant 48 : index
      %swap3A_539 = tpu.vector_load %arg8[%swap3A_536, %swap3A_537, %swap3A_538] {strides = array<i32>} : memref<6x128x64xf32, #tpu.memory_space<vmem>>, vector<16xf32>,
      tpu.vector_store %arg8[%swap3A_536, %swap3A_537, %swap3A_538], %broadcast_in_dim3A_18 {strides = array<i32>} : memref<6x128x64xf32, #tpu.memory_space<vmem>>, vector<16xf32>,
    }
    %scan3A_22 = arith.constant 128 : i32
    %mul3A_23 = arith.constant 632 : i32
    %mul3A_24 = arith.muli %arg1, %mul3A_23 : i32
    %add3A_25 = arith.constant 0 : i32
    %add3A_26 = arith.addi %mul3A_24, %add3A_25 : i32
    %dma_start3A_27 = arith.constant 0 : i32
    %dma_start3A_28 = arith.constant 0 : i32
    %dma_start3A_29 = arith.constant 0 : i32
    %dma_start3A_30 = tpu.memref_slice %arg8[%dma_start3A_27, %dma_start3A_28, %dma_start3A_29] : memref<6x128x64xf32, #tpu.memory_space<vmem>> -> memref<1x128x64xf32, #tpu.memory_space<vmem>>
    %dma_start3A_31 = tpu.memref_squeeze %dma_start3A_30 : memref<1x128x64xf32, #tpu.memory_space<vmem>> -> memref<128x64xf32, #tpu.memory_space<vmem>>
    %dma_start3A_32 = arith.constant 0 : i32
    %dma_start3A_33 = tpu.memref_slice %arg9[%add3A_26, %dma_start3A_32] : memref<10112x64xf32, #tpu.memory_space<vmem_shared>> -> memref<128x64xf32, #tpu.memory_space<vmem_shared>>
    %dma_start3A_34 = arith.constant 0 : i32
    %dma_start3A_35 = tpu.memref_slice %arg9[%add3A_26, %dma_start3A_34] : memref<10112x64xf32, #tpu.memory_space<vmem_shared>> -> memref<128x64xf32, #tpu.memory_space<vmem_shared>>
    %dma_start3A_36 = arith.constant 0 : i32
    %dma_start3A_37 = arith.constant 0 : i32
    %dma_start3A_38 = tpu.memref_slice %arg8[%dma_start3A_27, %dma_start3A_36, %dma_start3A_37] : memref<6x128x64xf32, #tpu.memory_space<vmem>> -> memref<1x128x64xf32, #tpu.memory_space<vmem>>
    %dma_start3A_39 = tpu.memref_squeeze %dma_start3A_38 : memref<1x128x64xf32, #tpu.memory_space<vmem>> -> memref<128x64xf32, #tpu.memory_space<vmem>>
    tpu.enqueue_dma source(%dma_start3A_39 : memref<128x64xf32, #tpu.memory_space<vmem>>) target(%dma_start3A_35 : memref<128x64xf32, #tpu.memory_space<vmem_shared>>) target_semaphore(%arg12 : memref<!tpu.dma_semaphore, #tpu.memory_space<semaphore_mem>>)
    %add3A_40 = arith.constant 128 : i32
    %add3A_41 = arith.addi %mul3A_24, %add3A_40 : i32
    %dma_start3A_42 = arith.constant 0 : i32
    %dma_start3A_43 = arith.constant 0 : i32
    %dma_start3A_44 = arith.constant 0 : i32
    %dma_start3A_45 = tpu.memref_slice %arg8[%dma_start3A_42, %dma_start3A_43, %dma_start3A_44] : memref<6x128x64xf32, #tpu.memory_space<vmem>> -> memref<1x128x64xf32, #tpu.memory_space<vmem>>
    %dma_start3A_46 = tpu.memref_squeeze %dma_start3A_45 : memref<1x128x64xf32, #tpu.memory_space<vmem>> -> memref<128x64xf32, #tpu.memory_space<vmem>>
    %dma_start3A_47 = arith.constant 0 : i32
    %dma_start3A_48 = tpu.memref_slice %arg9[%add3A_41, %dma_start3A_47] : memref<10112x64xf32, #tpu.memory_space<vmem_shared>> -> memref<128x64xf32, #tpu.memory_space<vmem_shared>>
    %dma_start3A_49 = arith.constant 0 : i32
    %dma_start3A_50 = tpu.memref_slice %arg9[%add3A_41, %dma_start3A_49] : memref<10112x64xf32, #tpu.memory_space<vmem_shared>> -> memref<128x64xf32, #tpu.memory_space<vmem_shared>>
    %dma_start3A_51 = arith.constant 0 : i32
    %dma_start3A_52 = arith.constant 0 : i32
    %dma_start3A_53 = tpu.memref_slice %arg8[%dma_start3A_42, %dma_start3A_51, %dma_start3A_52] : memref<6x128x64xf32, #tpu.memory_space<vmem>> -> memref<1x128x64xf32, #tpu.memory_space<vmem>>
    %dma_start3A_54 = tpu.memref_squeeze %dma_start3A_53 : memref<1x128x64xf32, #tpu.memory_space<vmem>> -> memref<128x64xf32, #tpu.memory_space<vmem>>
    tpu.enqueue_dma source(%dma_start3A_54 : memref<128x64xf32, #tpu.memory_space<vmem>>) target(%dma_start3A_50 : memref<128x64xf32, #tpu.memory_space<vmem_shared>>) target_semaphore(%arg12 : memref<!tpu.dma_semaphore, #tpu.memory_space<semaphore_mem>>)
    %add3A_55 = arith.constant 256 : i32
    %add3A_56 = arith.addi %mul3A_24, %add3A_55 : i32
    %dma_start3A_57 = arith.constant 0 : i32
    %dma_start3A_58 = arith.constant 0 : i32
    %dma_start3A_59 = arith.constant 0 : i32
    %dma_start3A_60 = tpu.memref_slice %arg8[%dma_start3A_57, %dma_start3A_58, %dma_start3A_59] : memref<6x128x64xf32, #tpu.memory_space<vmem>> -> memref<1x128x64xf32, #tpu.memory_space<vmem>>
    %dma_start3A_61 = tpu.memref_squeeze %dma_start3A_60 : memref<1x128x64xf32, #tpu.memory_space<vmem>> -> memref<128x64xf32, #tpu.memory_space<vmem>>
    %dma_start3A_62 = arith.constant 0 : i32
    %dma_start3A_63 = tpu.memref_slice %arg9[%add3A_56, %dma_start3A_62] : memref<10112x64xf32, #tpu.memory_space<vmem_shared>> -> memref<128x64xf32, #tpu.memory_space<vmem_shared>>
    %dma_start3A_64 = arith.constant 0 : i32
    %dma_start3A_65 = tpu.memref_slice %arg9[%add3A_56, %dma_start3A_64] : memref<10112x64xf32, #tpu.memory_space<vmem_shared>> -> memref<128x64xf32, #tpu.memory_space<vmem_shared>>
    %dma_start3A_66 = arith.constant 0 : i32
    %dma_start3A_67 = arith.constant 0 : i32
    %dma_start3A_68 = tpu.memref_slice %arg8[%dma_start3A_57, %dma_start3A_66, %dma_start3A_67] : memref<6x128x64xf32, #tpu.memory_space<vmem>> -> memref<1x128x64xf32, #tpu.memory_space<vmem>>
    %dma_start3A_69 = tpu.memref_squeeze %dma_start3A_68 : memref<1x128x64xf32, #tpu.memory_space<vmem>> -> memref<128x64xf32, #tpu.memory_space<vmem>>
    tpu.enqueue_dma source(%dma_start3A_69 : memref<128x64xf32, #tpu.memory_space<vmem>>) target(%dma_start3A_65 : memref<128x64xf32, #tpu.memory_space<vmem_shared>>) target_semaphore(%arg12 : memref<!tpu.dma_semaphore, #tpu.memory_space<semaphore_mem>>)
    %add3A_70 = arith.constant 384 : i32
    %add3A_71 = arith.addi %mul3A_24, %add3A_70 : i32
    %dma_start3A_72 = arith.constant 0 : i32
    %dma_start3A_73 = arith.constant 0 : i32
    %dma_start3A_74 = arith.constant 0 : i32
    %dma_start3A_75 = tpu.memref_slice %arg8[%dma_start3A_72, %dma_start3A_73, %dma_start3A_74] : memref<6x128x64xf32, #tpu.memory_space<vmem>> -> memref<1x128x64xf32, #tpu.memory_space<vmem>>
    %dma_start3A_76 = tpu.memref_squeeze %dma_start3A_75 : memref<1x128x64xf32, #tpu.memory_space<vmem>> -> memref<128x64xf32, #tpu.memory_space<vmem>>
    %dma_start3A_77 = arith.constant 0 : i32
    %dma_start3A_78 = tpu.memref_slice %arg9[%add3A_71, %dma_start3A_77] : memref<10112x64xf32, #tpu.memory_space<vmem_shared>> -> memref<128x64xf32, #tpu.memory_space<vmem_shared>>
    %dma_start3A_79 = arith.constant 0 : i32
    %dma_start3A_80 = tpu.memref_slice %arg9[%add3A_71, %dma_start3A_79] : memref<10112x64xf32, #tpu.memory_space<vmem_shared>> -> memref<128x64xf32, #tpu.memory_space<vmem_shared>>
    %dma_start3A_81 = arith.constant 0 : i32
    %dma_start3A_82 = arith.constant 0 : i32
    %dma_start3A_83 = tpu.memref_slice %arg8[%dma_start3A_72, %dma_start3A_81, %dma_start3A_82] : memref<6x128x64xf32, #tpu.memory_space<vmem>> -> memref<1x128x64xf32, #tpu.memory_space<vmem>>
    %dma_start3A_84 = tpu.memref_squeeze %dma_start3A_83 : memref<1x128x64xf32, #tpu.memory_space<vmem>> -> memref<128x64xf32, #tpu.memory_space<vmem>>
    tpu.enqueue_dma source(%dma_start3A_84 : memref<128x64xf32, #tpu.memory_space<vmem>>) target(%dma_start3A_80 : memref<128x64xf32, #tpu.memory_space<vmem_shared>>) target_semaphore(%arg12 : memref<!tpu.dma_semaphore, #tpu.memory_space<semaphore_mem>>)
    %add3A_85 = arith.constant 512 : i32
    %add3A_86 = arith.addi %mul3A_24, %add3A_85 : i32
    %dma_start3A_87 = arith.constant 0 : i32
    %dma_start3A_88 = arith.constant 0 : i32
    %dma_start3A_89 = arith.constant 0 : i32
    %dma_start3A_90 = tpu.memref_slice %arg8[%dma_start3A_87, %dma_start3A_88, %dma_start3A_89] : memref<6x128x64xf32, #tpu.memory_space<vmem>> -> memref<1x120x64xf32, #tpu.memory_space<vmem>>
    %dma_start3A_91 = tpu.memref_squeeze %dma_start3A_90 : memref<1x120x64xf32, #tpu.memory_space<vmem>> -> memref<120x64xf32, #tpu.memory_space<vmem>>
    %dma_start3A_92 = arith.constant 0 : i32
    %dma_start3A_93 = tpu.memref_slice %arg9[%add3A_86, %dma_start3A_92] : memref<10112x64xf32, #tpu.memory_space<vmem_shared>> -> memref<120x64xf32, #tpu.memory_space<vmem_shared>>
    %dma_start3A_94 = arith.constant 0 : i32
    %dma_start3A_95 = tpu.memref_slice %arg9[%add3A_86, %dma_start3A_94] : memref<10112x64xf32, #tpu.memory_space<vmem_shared>> -> memref<120x64xf32, #tpu.memory_space<vmem_shared>>
    %dma_start3A_96 = arith.constant 0 : i32
    %dma_start3A_97 = arith.constant 0 : i32
    %dma_start3A_98 = tpu.memref_slice %arg8[%dma_start3A_87, %dma_start3A_96, %dma_start3A_97] : memref<6x128x64xf32, #tpu.memory_space<vmem>> -> memref<1x120x64xf32, #tpu.memory_space<vmem>>
    %dma_start3A_99 = tpu.memref_squeeze %dma_start3A_98 : memref<1x120x64xf32, #tpu.memory_space<vmem>> -> memref<120x64xf32, #tpu.memory_space<vmem>>
    tpu.enqueue_dma source(%dma_start3A_99 : memref<120x64xf32, #tpu.memory_space<vmem>>) target(%dma_start3A_95 : memref<120x64xf32, #tpu.memory_space<vmem_shared>>) target_semaphore(%arg12 : memref<!tpu.dma_semaphore, #tpu.memory_space<semaphore_mem>>)
    %add3A_100 = arith.constant 0 : i32
    %add3A_101 = arith.addi %mul3A_24, %add3A_100 : i32
    %dma_wait3A = arith.constant 0 : i32
    %dma_wait3A_102 = arith.constant 0 : i32
    %dma_wait3A_103 = arith.constant 0 : i32
    %dma_wait3A_104 = tpu.memref_slice %arg8[%dma_wait3A, %dma_wait3A_102, %dma_wait3A_103] : memref<6x128x64xf32, #tpu.memory_space<vmem>> -> memref<1x128x64xf32, #tpu.memory_space<vmem>>
    %dma_wait3A_105 = tpu.memref_squeeze %dma_wait3A_104 : memref<1x128x64xf32, #tpu.memory_space<vmem>> -> memref<128x64xf32, #tpu.memory_space<vmem>>
    %dma_wait3A_106 = arith.constant 0 : i32
    %dma_wait3A_107 = tpu.memref_slice %arg9[%add3A_101, %dma_wait3A_106] : memref<10112x64xf32, #tpu.memory_space<vmem_shared>> -> memref<128x64xf32, #tpu.memory_space<vmem_shared>>
    %dma_wait3A_108 = arith.constant 0 : i32
    %dma_wait3A_109 = tpu.memref_slice %arg9[%add3A_101, %dma_wait3A_108] : memref<10112x64xf32, #tpu.memory_space<vmem_shared>> -> memref<128x64xf32, #tpu.memory_space<vmem_shared>>
    %dma_wait3A_110 = arith.constant 0 : i32
    %dma_wait3A_111 = arith.constant 0 : i32
    %dma_wait3A_112 = tpu.memref_slice %arg8[%dma_wait3A, %dma_wait3A_110, %dma_wait3A_111] : memref<6x128x64xf32, #tpu.memory_space<vmem>> -> memref<1x128x64xf32, #tpu.memory_space<vmem>>
    %dma_wait3A_113 = tpu.memref_squeeze %dma_wait3A_112 : memref<1x128x64xf32, #tpu.memory_space<vmem>> -> memref<128x64xf32, #tpu.memory_space<vmem>>
    tpu.wait_dma2 semaphore(%arg12 : memref<!tpu.dma_semaphore, #tpu.memory_space<semaphore_mem>>) src(%dma_wait3A_113 : memref<128x64xf32, #tpu.memory_space<vmem>>) dst(%dma_wait3A_109 : memref<128x64xf32, #tpu.memory_space<vmem_shared>>)
    %add3A_114 = arith.constant 128 : i32
    %add3A_115 = arith.addi %mul3A_24, %add3A_114 : i32
    %dma_wait3A_116 = arith.constant 0 : i32
    %dma_wait3A_117 = arith.constant 0 : i32
    %dma_wait3A_118 = arith.constant 0 : i32
    %dma_wait3A_119 = tpu.memref_slice %arg8[%dma_wait3A_116, %dma_wait3A_117, %dma_wait3A_118] : memref<6x128x64xf32, #tpu.memory_space<vmem>> -> memref<1x128x64xf32, #tpu.memory_space<vmem>>
    %dma_wait3A_120 = tpu.memref_squeeze %dma_wait3A_119 : memref<1x128x64xf32, #tpu.memory_space<vmem>> -> memref<128x64xf32, #tpu.memory_space<vmem>>
    %dma_wait3A_121 = arith.constant 0 : i32
    %dma_wait3A_122 = tpu.memref_slice %arg9[%add3A_115, %dma_wait3A_121] : memref<10112x64xf32, #tpu.memory_space<vmem_shared>> -> memref<128x64xf32, #tpu.memory_space<vmem_shared>>
    %dma_wait3A_123 = arith.constant 0 : i32
    %dma_wait3A_124 = tpu.memref_slice %arg9[%add3A_115, %dma_wait3A_123] : memref<10112x64xf32, #tpu.memory_space<vmem_shared>> -> memref<128x64xf32, #tpu.memory_space<vmem_shared>>
    %dma_wait3A_125 = arith.constant 0 : i32
    %dma_wait3A_126 = arith.constant 0 : i32
    %dma_wait3A_127 = tpu.memref_slice %arg8[%dma_wait3A_116, %dma_wait3A_125, %dma_wait3A_126] : memref<6x128x64xf32, #tpu.memory_space<vmem>> -> memref<1x128x64xf32, #tpu.memory_space<vmem>>
    %dma_wait3A_128 = tpu.memref_squeeze %dma_wait3A_127 : memref<1x128x64xf32, #tpu.memory_space<vmem>> -> memref<128x64xf32, #tpu.memory_space<vmem>>
    tpu.wait_dma2 semaphore(%arg12 : memref<!tpu.dma_semaphore, #tpu.memory_space<semaphore_mem>>) src(%dma_wait3A_128 : memref<128x64xf32, #tpu.memory_space<vmem>>) dst(%dma_wait3A_124 : memref<128x64xf32, #tpu.memory_space<vmem_shared>>)
    %add3A_129 = arith.constant 256 : i32
    %add3A_130 = arith.addi %mul3A_24, %add3A_129 : i32
    %dma_wait3A_131 = arith.constant 0 : i32
    %dma_wait3A_132 = arith.constant 0 : i32
    %dma_wait3A_133 = arith.constant 0 : i32
    %dma_wait3A_134 = tpu.memref_slice %arg8[%dma_wait3A_131, %dma_wait3A_132, %dma_wait3A_133] : memref<6x128x64xf32, #tpu.memory_space<vmem>> -> memref<1x128x64xf32, #tpu.memory_space<vmem>>
    %dma_wait3A_135 = tpu.memref_squeeze %dma_wait3A_134 : memref<1x128x64xf32, #tpu.memory_space<vmem>> -> memref<128x64xf32, #tpu.memory_space<vmem>>
    %dma_wait3A_136 = arith.constant 0 : i32
    %dma_wait3A_137 = tpu.memref_slice %arg9[%add3A_130, %dma_wait3A_136] : memref<10112x64xf32, #tpu.memory_space<vmem_shared>> -> memref<128x64xf32, #tpu.memory_space<vmem_shared>>
    %dma_wait3A_138 = arith.constant 0 : i32
    %dma_wait3A_139 = tpu.memref_slice %arg9[%add3A_130, %dma_wait3A_138] : memref<10112x64xf32, #tpu.memory_space<vmem_shared>> -> memref<128x64xf32, #tpu.memory_space<vmem_shared>>
    %dma_wait3A_140 = arith.constant 0 : i32
    %dma_wait3A_141 = arith.constant 0 : i32
    %dma_wait3A_142 = tpu.memref_slice %arg8[%dma_wait3A_131, %dma_wait3A_140, %dma_wait3A_141] : memref<6x128x64xf32, #tpu.memory_space<vmem>> -> memref<1x128x64xf32, #tpu.memory_space<vmem>>
    %dma_wait3A_143 = tpu.memref_squeeze %dma_wait3A_142 : memref<1x128x64xf32, #tpu.memory_space<vmem>> -> memref<128x64xf32, #tpu.memory_space<vmem>>
    tpu.wait_dma2 semaphore(%arg12 : memref<!tpu.dma_semaphore, #tpu.memory_space<semaphore_mem>>) src(%dma_wait3A_143 : memref<128x64xf32, #tpu.memory_space<vmem>>) dst(%dma_wait3A_139 : memref<128x64xf32, #tpu.memory_space<vmem_shared>>)
    %add3A_144 = arith.constant 384 : i32
    %add3A_145 = arith.addi %mul3A_24, %add3A_144 : i32
    %dma_wait3A_146 = arith.constant 0 : i32
    %dma_wait3A_147 = arith.constant 0 : i32
    %dma_wait3A_148 = arith.constant 0 : i32
    %dma_wait3A_149 = tpu.memref_slice %arg8[%dma_wait3A_146, %dma_wait3A_147, %dma_wait3A_148] : memref<6x128x64xf32, #tpu.memory_space<vmem>> -> memref<1x128x64xf32, #tpu.memory_space<vmem>>
    %dma_wait3A_150 = tpu.memref_squeeze %dma_wait3A_149 : memref<1x128x64xf32, #tpu.memory_space<vmem>> -> memref<128x64xf32, #tpu.memory_space<vmem>>
    %dma_wait3A_151 = arith.constant 0 : i32
    %dma_wait3A_152 = tpu.memref_slice %arg9[%add3A_145, %dma_wait3A_151] : memref<10112x64xf32, #tpu.memory_space<vmem_shared>> -> memref<128x64xf32, #tpu.memory_space<vmem_shared>>
    %dma_wait3A_153 = arith.constant 0 : i32
    %dma_wait3A_154 = tpu.memref_slice %arg9[%add3A_145, %dma_wait3A_153] : memref<10112x64xf32, #tpu.memory_space<vmem_shared>> -> memref<128x64xf32, #tpu.memory_space<vmem_shared>>
    %dma_wait3A_155 = arith.constant 0 : i32
    %dma_wait3A_156 = arith.constant 0 : i32
    %dma_wait3A_157 = tpu.memref_slice %arg8[%dma_wait3A_146, %dma_wait3A_155, %dma_wait3A_156] : memref<6x128x64xf32, #tpu.memory_space<vmem>> -> memref<1x128x64xf32, #tpu.memory_space<vmem>>
    %dma_wait3A_158 = tpu.memref_squeeze %dma_wait3A_157 : memref<1x128x64xf32, #tpu.memory_space<vmem>> -> memref<128x64xf32, #tpu.memory_space<vmem>>
    tpu.wait_dma2 semaphore(%arg12 : memref<!tpu.dma_semaphore, #tpu.memory_space<semaphore_mem>>) src(%dma_wait3A_158 : memref<128x64xf32, #tpu.memory_space<vmem>>) dst(%dma_wait3A_154 : memref<128x64xf32, #tpu.memory_space<vmem_shared>>)
    %add3A_159 = arith.constant 512 : i32
    %add3A_160 = arith.addi %mul3A_24, %add3A_159 : i32
    %dma_wait3A_161 = arith.constant 0 : i32
    %dma_wait3A_162 = arith.constant 0 : i32
    %dma_wait3A_163 = arith.constant 0 : i32
    %dma_wait3A_164 = tpu.memref_slice %arg8[%dma_wait3A_161, %dma_wait3A_162, %dma_wait3A_163] : memref<6x128x64xf32, #tpu.memory_space<vmem>> -> memref<1x120x64xf32, #tpu.memory_space<vmem>>
    %dma_wait3A_165 = tpu.memref_squeeze %dma_wait3A_164 : memref<1x120x64xf32, #tpu.memory_space<vmem>> -> memref<120x64xf32, #tpu.memory_space<vmem>>
    %dma_wait3A_166 = arith.constant 0 : i32
    %dma_wait3A_167 = tpu.memref_slice %arg9[%add3A_160, %dma_wait3A_166] : memref<10112x64xf32, #tpu.memory_space<vmem_shared>> -> memref<120x64xf32, #tpu.memory_space<vmem_shared>>
    %dma_wait3A_168 = arith.constant 0 : i32
    %dma_wait3A_169 = tpu.memref_slice %arg9[%add3A_160, %dma_wait3A_168] : memref<10112x64xf32, #tpu.memory_space<vmem_shared>> -> memref<120x64xf32, #tpu.memory_space<vmem_shared>>
    %dma_wait3A_170 = arith.constant 0 : i32
    %dma_wait3A_171 = arith.constant 0 : i32
    %dma_wait3A_172 = tpu.memref_slice %arg8[%dma_wait3A_161, %dma_wait3A_170, %dma_wait3A_171] : memref<6x128x64xf32, #tpu.memory_space<vmem>> -> memref<1x120x64xf32, #tpu.memory_space<vmem>>
    %dma_wait3A_173 = tpu.memref_squeeze %dma_wait3A_172 : memref<1x120x64xf32, #tpu.memory_space<vmem>> -> memref<120x64xf32, #tpu.memory_space<vmem>>
    tpu.wait_dma2 semaphore(%arg12 : memref<!tpu.dma_semaphore, #tpu.memory_space<semaphore_mem>>) src(%dma_wait3A_173 : memref<120x64xf32, #tpu.memory_space<vmem>>) dst(%dma_wait3A_169 : memref<120x64xf32, #tpu.memory_space<vmem_shared>>)
    %dma_wait3A_174 = arith.constant 0 : i32
    %dma_wait3A_175 = arith.constant 0 : i32
    %dma_wait3A_176 = tpu.memref_slice %arg3[%dma_wait3A_174, %mul3A_2] : memref<2x320000xi32, #tpu.memory_space<hbm>> -> memref<1x10000xi32, #tpu.memory_space<hbm>>
    %dma_wait3A_177 = tpu.memref_squeeze %dma_wait3A_176 : memref<1x10000xi32, #tpu.memory_space<hbm>> -> memref<10000xi32, #tpu.memory_space<hbm>>
    %dma_wait3A_178 = tpu.memref_slice %arg10[%dma_wait3A_175] : memref<6x!tpu.dma_semaphore, #tpu.memory_space<semaphore_mem>> -> memref<1x!tpu.dma_semaphore, #tpu.memory_space<semaphore_mem>>
    %dma_wait3A_179 = tpu.memref_squeeze %dma_wait3A_178 : memref<1x!tpu.dma_semaphore, #tpu.memory_space<semaphore_mem>> -> memref<!tpu.dma_semaphore, #tpu.memory_space<semaphore_mem>>
    %dma_wait3A_180 = tpu.memref_slice %arg3[%dma_wait3A_174, %mul3A_2] : memref<2x320000xi32, #tpu.memory_space<hbm>> -> memref<1x10000xi32, #tpu.memory_space<hbm>>
    %dma_wait3A_181 = tpu.memref_squeeze %dma_wait3A_180 : memref<1x10000xi32, #tpu.memory_space<hbm>> -> memref<10000xi32, #tpu.memory_space<hbm>>
    tpu.wait_dma2 semaphore(%dma_wait3A_179 : memref<!tpu.dma_semaphore, #tpu.memory_space<semaphore_mem>>) src(%dma_wait3A_181 : memref<10000xi32, #tpu.memory_space<hbm>>) dst(%arg6 : memref<10000xi32, #tpu.memory_space<vmem>>)
    %dma_wait3A_182 = arith.constant 1 : i32
    %dma_wait3A_183 = arith.constant 1 : i32
    %dma_wait3A_184 = tpu.memref_slice %arg3[%dma_wait3A_182, %mul3A_2] : memref<2x320000xi32, #tpu.memory_space<hbm>> -> memref<1x10000xi32, #tpu.memory_space<hbm>>
    %dma_wait3A_185 = tpu.memref_squeeze %dma_wait3A_184 : memref<1x10000xi32, #tpu.memory_space<hbm>> -> memref<10000xi32, #tpu.memory_space<hbm>>
    %dma_wait3A_186 = tpu.memref_slice %arg10[%dma_wait3A_183] : memref<6x!tpu.dma_semaphore, #tpu.memory_space<semaphore_mem>> -> memref<1x!tpu.dma_semaphore, #tpu.memory_space<semaphore_mem>>
    %dma_wait3A_187 = tpu.memref_squeeze %dma_wait3A_186 : memref<1x!tpu.dma_semaphore, #tpu.memory_space<semaphore_mem>> -> memref<!tpu.dma_semaphore, #tpu.memory_space<semaphore_mem>>
    %dma_wait3A_188 = tpu.memref_slice %arg3[%dma_wait3A_182, %mul3A_2] : memref<2x320000xi32, #tpu.memory_space<hbm>> -> memref<1x10000xi32, #tpu.memory_space<hbm>>
    %dma_wait3A_189 = tpu.memref_squeeze %dma_wait3A_188 : memref<1x10000xi32, #tpu.memory_space<hbm>> -> memref<10000xi32, #tpu.memory_space<hbm>>
    tpu.wait_dma2 semaphore(%dma_wait3A_187 : memref<!tpu.dma_semaphore, #tpu.memory_space<semaphore_mem>>) src(%dma_wait3A_189 : memref<10000xi32, #tpu.memory_space<hbm>>) dst(%arg7 : memref<10000xi32, #tpu.memory_space<vmem>>)
    %barrier3A = arith.constant 0 : index
    tpu.barrier barrier_id(%barrier3A)
    %dma_start3A_190 = arith.constant 0 : i32
    %dma_start3A_191 = arith.constant 0 : i32
    %dma_start3A_192 = arith.constant 0 : i32
    %dma_start3A_193 = arith.constant 0 : i32
    %dma_start3A_194 = tpu.memref_slice %arg8[%dma_start3A_190, %dma_start3A_192, %dma_start3A_193] : memref<6x128x64xf32, #tpu.memory_space<vmem>> -> memref<1x128x64xf32, #tpu.memory_space<vmem>>
    %dma_start3A_195 = tpu.memref_squeeze %dma_start3A_194 : memref<1x128x64xf32, #tpu.memory_space<vmem>> -> memref<128x64xf32, #tpu.memory_space<vmem>>
    %dma_start3A_196 = arith.constant 0 : i32
    %dma_start3A_197 = tpu.memref_slice %arg6[%dma_start3A_196] : memref<10000xi32, #tpu.memory_space<vmem>> -> memref<128xi32, #tpu.memory_space<vmem>>
    %dma_start3A_198 = arith.constant 0 : i32
    %dma_start3A_199 = arith.constant 0 : i32
    %dma_start3A_200 = tpu.memref_slice %arg2[%dma_start3A_198, %dma_start3A_199] : memref<10000x64xf32, #tpu.memory_space<hbm>> -> memref<10000x64xf32, #tpu.memory_space<hbm>>
    %dma_start3A_201 = tpu.memref_slice %arg10[%dma_start3A_191] : memref<6x!tpu.dma_semaphore, #tpu.memory_space<semaphore_mem>> -> memref<1x!tpu.dma_semaphore, #tpu.memory_space<semaphore_mem>>
    %dma_start3A_202 = tpu.memref_squeeze %dma_start3A_201 : memref<1x!tpu.dma_semaphore, #tpu.memory_space<semaphore_mem>> -> memref<!tpu.dma_semaphore, #tpu.memory_space<semaphore_mem>>
    tpu.enqueue_indirect_dma source(%dma_start3A_200 : memref<10000x64xf32, #tpu.memory_space<hbm>>) target(%dma_start3A_195 : memref<128x64xf32, #tpu.memory_space<vmem>>) offsets(%dma_start3A_197 : memref<128xi32, #tpu.memory_space<vmem>>) semaphore(%dma_start3A_202 : memref<!tpu.dma_semaphore, #tpu.memory_space<semaphore_mem>>)
    %dma_start3A_203 = arith.constant 1 : i32
    %dma_start3A_204 = arith.constant 1 : i32
    %dma_start3A_205 = arith.constant 0 : i32
    %dma_start3A_206 = arith.constant 0 : i32
    %dma_start3A_207 = tpu.memref_slice %arg8[%dma_start3A_203, %dma_start3A_205, %dma_start3A_206] : memref<6x128x64xf32, #tpu.memory_space<vmem>> -> memref<1x128x64xf32, #tpu.memory_space<vmem>>
    %dma_start3A_208 = tpu.memref_squeeze %dma_start3A_207 : memref<1x128x64xf32, #tpu.memory_space<vmem>> -> memref<128x64xf32, #tpu.memory_space<vmem>>
    %dma_start3A_209 = arith.constant 128 : i32
    %dma_start3A_210 = tpu.memref_slice %arg6[%dma_start3A_209] : memref<10000xi32, #tpu.memory_space<vmem>> -> memref<128xi32, #tpu.memory_space<vmem>>
    %dma_start3A_211 = arith.constant 0 : i32
    %dma_start3A_212 = arith.constant 0 : i32
    %dma_start3A_213 = tpu.memref_slice %arg2[%dma_start3A_211, %dma_start3A_212] : memref<10000x64xf32, #tpu.memory_space<hbm>> -> memref<10000x64xf32, #tpu.memory_space<hbm>>
    %dma_start3A_214 = tpu.memref_slice %arg10[%dma_start3A_204] : memref<6x!tpu.dma_semaphore, #tpu.memory_space<semaphore_mem>> -> memref<1x!tpu.dma_semaphore, #tpu.memory_space<semaphore_mem>>
    %dma_start3A_215 = tpu.memref_squeeze %dma_start3A_214 : memref<1x!tpu.dma_semaphore, #tpu.memory_space<semaphore_mem>> -> memref<!tpu.dma_semaphore, #tpu.memory_space<semaphore_mem>>
    tpu.enqueue_indirect_dma source(%dma_start3A_213 : memref<10000x64xf32, #tpu.memory_space<hbm>>) target(%dma_start3A_208 : memref<128x64xf32, #tpu.memory_space<vmem>>) offsets(%dma_start3A_210 : memref<128xi32, #tpu.memory_space<vmem>>) semaphore(%dma_start3A_215 : memref<!tpu.dma_semaphore, #tpu.memory_space<semaphore_mem>>)
    %dma_start3A_216 = arith.constant 2 : i32
    %dma_start3A_217 = arith.constant 2 : i32
    %dma_start3A_218 = arith.constant 0 : i32
    %dma_start3A_219 = arith.constant 0 : i32
    %dma_start3A_220 = tpu.memref_slice %arg8[%dma_start3A_216, %dma_start3A_218, %dma_start3A_219] : memref<6x128x64xf32, #tpu.memory_space<vmem>> -> memref<1x128x64xf32, #tpu.memory_space<vmem>>
    %dma_start3A_221 = tpu.memref_squeeze %dma_start3A_220 : memref<1x128x64xf32, #tpu.memory_space<vmem>> -> memref<128x64xf32, #tpu.memory_space<vmem>>
    %dma_start3A_222 = arith.constant 256 : i32
    %dma_start3A_223 = tpu.memref_slice %arg6[%dma_start3A_222] : memref<10000xi32, #tpu.memory_space<vmem>> -> memref<128xi32, #tpu.memory_space<vmem>>
    %dma_start3A_224 = arith.constant 0 : i32
    %dma_start3A_225 = arith.constant 0 : i32
    %dma_start3A_226 = tpu.memref_slice %arg2[%dma_start3A_224, %dma_start3A_225] : memref<10000x64xf32, #tpu.memory_space<hbm>> -> memref<10000x64xf32, #tpu.memory_space<hbm>>
    %dma_start3A_227 = tpu.memref_slice %arg10[%dma_start3A_217] : memref<6x!tpu.dma_semaphore, #tpu.memory_space<semaphore_mem>> -> memref<1x!tpu.dma_semaphore, #tpu.memory_space<semaphore_mem>>
    %dma_start3A_228 = tpu.memref_squeeze %dma_start3A_227 : memref<1x!tpu.dma_semaphore, #tpu.memory_space<semaphore_mem>> -> memref<!tpu.dma_semaphore, #tpu.memory_space<semaphore_mem>>
    tpu.enqueue_indirect_dma source(%dma_start3A_226 : memref<10000x64xf32, #tpu.memory_space<hbm>>) target(%dma_start3A_221 : memref<128x64xf32, #tpu.memory_space<vmem>>) offsets(%dma_start3A_223 : memref<128xi32, #tpu.memory_space<vmem>>) semaphore(%dma_start3A_228 : memref<!tpu.dma_semaphore, #tpu.memory_space<semaphore_mem>>)
    %dma_start3A_229 = arith.constant 3 : i32
    %dma_start3A_230 = arith.constant 3 : i32
    %dma_start3A_231 = arith.constant 0 : i32
    %dma_start3A_232 = arith.constant 0 : i32
    %dma_start3A_233 = tpu.memref_slice %arg8[%dma_start3A_229, %dma_start3A_231, %dma_start3A_232] : memref<6x128x64xf32, #tpu.memory_space<vmem>> -> memref<1x128x64xf32, #tpu.memory_space<vmem>>
    %dma_start3A_234 = tpu.memref_squeeze %dma_start3A_233 : memref<1x128x64xf32, #tpu.memory_space<vmem>> -> memref<128x64xf32, #tpu.memory_space<vmem>>
    %dma_start3A_235 = arith.constant 384 : i32
    %dma_start3A_236 = tpu.memref_slice %arg6[%dma_start3A_235] : memref<10000xi32, #tpu.memory_space<vmem>> -> memref<128xi32, #tpu.memory_space<vmem>>
    %dma_start3A_237 = arith.constant 0 : i32
    %dma_start3A_238 = arith.constant 0 : i32
    %dma_start3A_239 = tpu.memref_slice %arg2[%dma_start3A_237, %dma_start3A_238] : memref<10000x64xf32, #tpu.memory_space<hbm>> -> memref<10000x64xf32, #tpu.memory_space<hbm>>
    %dma_start3A_240 = tpu.memref_slice %arg10[%dma_start3A_230] : memref<6x!tpu.dma_semaphore, #tpu.memory_space<semaphore_mem>> -> memref<1x!tpu.dma_semaphore, #tpu.memory_space<semaphore_mem>>
    %dma_start3A_241 = tpu.memref_squeeze %dma_start3A_240 : memref<1x!tpu.dma_semaphore, #tpu.memory_space<semaphore_mem>> -> memref<!tpu.dma_semaphore, #tpu.memory_space<semaphore_mem>>
    tpu.enqueue_indirect_dma source(%dma_start3A_239 : memref<10000x64xf32, #tpu.memory_space<hbm>>) target(%dma_start3A_234 : memref<128x64xf32, #tpu.memory_space<vmem>>) offsets(%dma_start3A_236 : memref<128xi32, #tpu.memory_space<vmem>>) semaphore(%dma_start3A_241 : memref<!tpu.dma_semaphore, #tpu.memory_space<semaphore_mem>>)
    %dma_start3A_242 = arith.constant 4 : i32
    %dma_start3A_243 = arith.constant 4 : i32
    %dma_start3A_244 = arith.constant 0 : i32
    %dma_start3A_245 = arith.constant 0 : i32
    %dma_start3A_246 = tpu.memref_slice %arg8[%dma_start3A_242, %dma_start3A_244, %dma_start3A_245] : memref<6x128x64xf32, #tpu.memory_space<vmem>> -> memref<1x128x64xf32, #tpu.memory_space<vmem>>
    %dma_start3A_247 = tpu.memref_squeeze %dma_start3A_246 : memref<1x128x64xf32, #tpu.memory_space<vmem>> -> memref<128x64xf32, #tpu.memory_space<vmem>>
    %dma_start3A_248 = arith.constant 512 : i32
    %dma_start3A_249 = tpu.memref_slice %arg6[%dma_start3A_248] : memref<10000xi32, #tpu.memory_space<vmem>> -> memref<128xi32, #tpu.memory_space<vmem>>
    %dma_start3A_250 = arith.constant 0 : i32
    %dma_start3A_251 = arith.constant 0 : i32
    %dma_start3A_252 = tpu.memref_slice %arg2[%dma_start3A_250, %dma_start3A_251] : memref<10000x64xf32, #tpu.memory_space<hbm>> -> memref<10000x64xf32, #tpu.memory_space<hbm>>
    %dma_start3A_253 = tpu.memref_slice %arg10[%dma_start3A_243] : memref<6x!tpu.dma_semaphore, #tpu.memory_space<semaphore_mem>> -> memref<1x!tpu.dma_semaphore, #tpu.memory_space<semaphore_mem>>
    %dma_start3A_254 = tpu.memref_squeeze %dma_start3A_253 : memref<1x!tpu.dma_semaphore, #tpu.memory_space<semaphore_mem>> -> memref<!tpu.dma_semaphore, #tpu.memory_space<semaphore_mem>>
    tpu.enqueue_indirect_dma source(%dma_start3A_252 : memref<10000x64xf32, #tpu.memory_space<hbm>>) target(%dma_start3A_247 : memref<128x64xf32, #tpu.memory_space<vmem>>) offsets(%dma_start3A_249 : memref<128xi32, #tpu.memory_space<vmem>>) semaphore(%dma_start3A_254 : memref<!tpu.dma_semaphore, #tpu.memory_space<semaphore_mem>>)
    %dma_start3A_255 = arith.constant 5 : i32
    %dma_start3A_256 = arith.constant 5 : i32
    %dma_start3A_257 = arith.constant 0 : i32
    %dma_start3A_258 = arith.constant 0 : i32
    %dma_start3A_259 = tpu.memref_slice %arg8[%dma_start3A_255, %dma_start3A_257, %dma_start3A_258] : memref<6x128x64xf32, #tpu.memory_space<vmem>> -> memref<1x128x64xf32, #tpu.memory_space<vmem>>
    %dma_start3A_260 = tpu.memref_squeeze %dma_start3A_259 : memref<1x128x64xf32, #tpu.memory_space<vmem>> -> memref<128x64xf32, #tpu.memory_space<vmem>>
    %dma_start3A_261 = arith.constant 640 : i32
    %dma_start3A_262 = tpu.memref_slice %arg6[%dma_start3A_261] : memref<10000xi32, #tpu.memory_space<vmem>> -> memref<128xi32, #tpu.memory_space<vmem>>
    %dma_start3A_263 = arith.constant 0 : i32
    %dma_start3A_264 = arith.constant 0 : i32
    %dma_start3A_265 = tpu.memref_slice %arg2[%dma_start3A_263, %dma_start3A_264] : memref<10000x64xf32, #tpu.memory_space<hbm>> -> memref<10000x64xf32, #tpu.memory_space<hbm>>
    %dma_start3A_266 = tpu.memref_slice %arg10[%dma_start3A_256] : memref<6x!tpu.dma_semaphore, #tpu.memory_space<semaphore_mem>> -> memref<1x!tpu.dma_semaphore, #tpu.memory_space<semaphore_mem>>
    %dma_start3A_267 = tpu.memref_squeeze %dma_start3A_266 : memref<1x!tpu.dma_semaphore, #tpu.memory_space<semaphore_mem>> -> memref<!tpu.dma_semaphore, #tpu.memory_space<semaphore_mem>>
    tpu.enqueue_indirect_dma source(%dma_start3A_265 : memref<10000x64xf32, #tpu.memory_space<hbm>>) target(%dma_start3A_260 : memref<128x64xf32, #tpu.memory_space<vmem>>) offsets(%dma_start3A_262 : memref<128xi32, #tpu.memory_space<vmem>>) semaphore(%dma_start3A_267 : memref<!tpu.dma_semaphore, #tpu.memory_space<semaphore_mem>>)
    %scan3A_268 = arith.constant 0 : i32
    %scan3A_269 = arith.constant 12 : i32
    %scan3A_270 = arith.addi %scan3A_268, %scan3A_269 : i32
    %scan3A_271 = arith.constant 1 : i32
    scf.for %scan3A_516 = %scan3A_268 to %scan3A_270 step %scan3A_271  : i32 {
      %mul3A_517 = arith.constant 1 : i32
      %mul3A_518 = arith.muli %scan3A_516, %mul3A_517 : i32
      %add3A_519 = arith.constant 0 : i32
      %add3A_520 = arith.addi %add3A_519, %mul3A_518 : i32
      %mul3A_521 = arith.constant 6 : i32
      %mul3A_522 = arith.muli %add3A_520, %mul3A_521 : i32
      %add3A_523 = arith.constant 0 : i32
      %add3A_524 = arith.addi %mul3A_522, %add3A_523 : i32
      %mul3A_525 = arith.constant 128 : i32
      %mul3A_526 = arith.muli %add3A_524, %mul3A_525 : i32
      %dma_wait3A_527 = arith.constant 0 : i32
      %dma_wait3A_528 = arith.constant 0 : i32
      %dma_wait3A_529 = arith.constant 0 : i32
      %dma_wait3A_530 = arith.constant 0 : i32
      %dma_wait3A_531 = tpu.memref_slice %arg8[%dma_wait3A_527, %dma_wait3A_529, %dma_wait3A_530] : memref<6x128x64xf32, #tpu.memory_space<vmem>> -> memref<1x128x64xf32, #tpu.memory_space<vmem>>
      %dma_wait3A_532 = tpu.memref_squeeze %dma_wait3A_531 : memref<1x128x64xf32, #tpu.memory_space<vmem>> -> memref<128x64xf32, #tpu.memory_space<vmem>>
      %dma_wait3A_533 = tpu.memref_slice %arg6[%mul3A_526] : memref<10000xi32, #tpu.memory_space<vmem>> -> memref<128xi32, #tpu.memory_space<vmem>>
      %dma_wait3A_534 = arith.constant 0 : i32
      %dma_wait3A_535 = arith.constant 0 : i32
      %dma_wait3A_536 = tpu.memref_slice %arg2[%dma_wait3A_534, %dma_wait3A_535] : memref<10000x64xf32, #tpu.memory_space<hbm>> -> memref<10000x64xf32, #tpu.memory_space<hbm>>
      %dma_wait3A_537 = tpu.memref_slice %arg10[%dma_wait3A_528] : memref<6x!tpu.dma_semaphore, #tpu.memory_space<semaphore_mem>> -> memref<1x!tpu.dma_semaphore, #tpu.memory_space<semaphore_mem>>
      %dma_wait3A_538 = tpu.memref_squeeze %dma_wait3A_537 : memref<1x!tpu.dma_semaphore, #tpu.memory_space<semaphore_mem>> -> memref<!tpu.dma_semaphore, #tpu.memory_space<semaphore_mem>>
      tpu.wait_indirect_dma semaphore(%dma_wait3A_538 : memref<!tpu.dma_semaphore, #tpu.memory_space<semaphore_mem>>) src(%dma_wait3A_536 : memref<10000x64xf32, #tpu.memory_space<hbm>>) dst(%dma_wait3A_532 : memref<128x64xf32, #tpu.memory_space<vmem>>)
      %add3A_539 = arith.constant 0 : i32
      %add3A_540 = arith.addi %mul3A_522, %add3A_539 : i32
      %mul3A_541 = arith.constant 128 : i32
      %mul3A_542 = arith.muli %add3A_540, %mul3A_541 : i32
      %dma_start3A_543 = arith.constant 0 : i32
      %dma_start3A_544 = arith.constant 0 : i32
      %dma_start3A_545 = arith.constant 0 : i32
      %dma_start3A_546 = arith.constant 0 : i32
      %dma_start3A_547 = tpu.memref_slice %arg8[%dma_start3A_543, %dma_start3A_545, %dma_start3A_546] : memref<6x128x64xf32, #tpu.memory_space<vmem>> -> memref<1x128x64xf32, #tpu.memory_space<vmem>>
      %dma_start3A_548 = tpu.memref_squeeze %dma_start3A_547 : memref<1x128x64xf32, #tpu.memory_space<vmem>> -> memref<128x64xf32, #tpu.memory_space<vmem>>
      %dma_start3A_549 = tpu.memref_slice %arg7[%mul3A_542] : memref<10000xi32, #tpu.memory_space<vmem>> -> memref<128xi32, #tpu.memory_space<vmem>>
      %dma_start3A_550 = arith.constant 0 : i32
      %dma_start3A_551 = arith.constant 0 : i32
      %dma_start3A_552 = tpu.memref_slice %arg9[%dma_start3A_550, %dma_start3A_551] : memref<10112x64xf32, #tpu.memory_space<vmem_shared>> -> memref<10112x64xf32, #tpu.memory_space<vmem_shared>>
      %dma_start3A_553 = tpu.memref_slice %arg11[%dma_start3A_544] : memref<6x!tpu.dma_semaphore, #tpu.memory_space<semaphore_mem>> -> memref<1x!tpu.dma_semaphore, #tpu.memory_space<semaphore_mem>>
      %dma_start3A_554 = tpu.memref_squeeze %dma_start3A_553 : memref<1x!tpu.dma_semaphore, #tpu.memory_space<semaphore_mem>> -> memref<!tpu.dma_semaphore, #tpu.memory_space<semaphore_mem>>
      tpu.enqueue_indirect_dma source(%dma_start3A_548 : memref<128x64xf32, #tpu.memory_space<vmem>>) target(%dma_start3A_552 : memref<10112x64xf32, #tpu.memory_space<vmem_shared>>) offsets(%dma_start3A_549 : memref<128xi32, #tpu.memory_space<vmem>>) semaphore(%dma_start3A_554 : memref<!tpu.dma_semaphore, #tpu.memory_space<semaphore_mem>>) {add = true}
      %add3A_555 = arith.constant 1 : i32
      %add3A_556 = arith.addi %mul3A_522, %add3A_555 : i32
      %mul3A_557 = arith.constant 128 : i32
      %mul3A_558 = arith.muli %add3A_556, %mul3A_557 : i32
      %dma_wait3A_559 = arith.constant 1 : i32
      %dma_wait3A_560 = arith.constant 1 : i32
      %dma_wait3A_561 = arith.constant 0 : i32
      %dma_wait3A_562 = arith.constant 0 : i32
      %dma_wait3A_563 = tpu.memref_slice %arg8[%dma_wait3A_559, %dma_wait3A_561, %dma_wait3A_562] : memref<6x128x64xf32, #tpu.memory_space<vmem>> -> memref<1x128x64xf32, #tpu.memory_space<vmem>>
      %dma_wait3A_564 = tpu.memref_squeeze %dma_wait3A_563 : memref<1x128x64xf32, #tpu.memory_space<vmem>> -> memref<128x64xf32, #tpu.memory_space<vmem>>
      %dma_wait3A_565 = tpu.memref_slice %arg6[%mul3A_558] : memref<10000xi32, #tpu.memory_space<vmem>> -> memref<128xi32, #tpu.memory_space<vmem>>
      %dma_wait3A_566 = arith.constant 0 : i32
      %dma_wait3A_567 = arith.constant 0 : i32
      %dma_wait3A_568 = tpu.memref_slice %arg2[%dma_wait3A_566, %dma_wait3A_567] : memref<10000x64xf32, #tpu.memory_space<hbm>> -> memref<10000x64xf32, #tpu.memory_space<hbm>>
      %dma_wait3A_569 = tpu.memref_slice %arg10[%dma_wait3A_560] : memref<6x!tpu.dma_semaphore, #tpu.memory_space<semaphore_mem>> -> memref<1x!tpu.dma_semaphore, #tpu.memory_space<semaphore_mem>>
      %dma_wait3A_570 = tpu.memref_squeeze %dma_wait3A_569 : memref<1x!tpu.dma_semaphore, #tpu.memory_space<semaphore_mem>> -> memref<!tpu.dma_semaphore, #tpu.memory_space<semaphore_mem>>
      tpu.wait_indirect_dma semaphore(%dma_wait3A_570 : memref<!tpu.dma_semaphore, #tpu.memory_space<semaphore_mem>>) src(%dma_wait3A_568 : memref<10000x64xf32, #tpu.memory_space<hbm>>) dst(%dma_wait3A_564 : memref<128x64xf32, #tpu.memory_space<vmem>>)
      %add3A_571 = arith.constant 1 : i32
      %add3A_572 = arith.addi %mul3A_522, %add3A_571 : i32
      %mul3A_573 = arith.constant 128 : i32
      %mul3A_574 = arith.muli %add3A_572, %mul3A_573 : i32
      %dma_start3A_575 = arith.constant 1 : i32
      %dma_start3A_576 = arith.constant 1 : i32
      %dma_start3A_577 = arith.constant 0 : i32
      %dma_start3A_578 = arith.constant 0 : i32
      %dma_start3A_579 = tpu.memref_slice %arg8[%dma_start3A_575, %dma_start3A_577, %dma_start3A_578] : memref<6x128x64xf32, #tpu.memory_space<vmem>> -> memref<1x128x64xf32, #tpu.memory_space<vmem>>
      %dma_start3A_580 = tpu.memref_squeeze %dma_start3A_579 : memref<1x128x64xf32, #tpu.memory_space<vmem>> -> memref<128x64xf32, #tpu.memory_space<vmem>>
      %dma_start3A_581 = tpu.memref_slice %arg7[%mul3A_574] : memref<10000xi32, #tpu.memory_space<vmem>> -> memref<128xi32, #tpu.memory_space<vmem>>
      %dma_start3A_582 = arith.constant 0 : i32
      %dma_start3A_583 = arith.constant 0 : i32
      %dma_start3A_584 = tpu.memref_slice %arg9[%dma_start3A_582, %dma_start3A_583] : memref<10112x64xf32, #tpu.memory_space<vmem_shared>> -> memref<10112x64xf32, #tpu.memory_space<vmem_shared>>
      %dma_start3A_585 = tpu.memref_slice %arg11[%dma_start3A_576] : memref<6x!tpu.dma_semaphore, #tpu.memory_space<semaphore_mem>> -> memref<1x!tpu.dma_semaphore, #tpu.memory_space<semaphore_mem>>
      %dma_start3A_586 = tpu.memref_squeeze %dma_start3A_585 : memref<1x!tpu.dma_semaphore, #tpu.memory_space<semaphore_mem>> -> memref<!tpu.dma_semaphore, #tpu.memory_space<semaphore_mem>>
      tpu.enqueue_indirect_dma source(%dma_start3A_580 : memref<128x64xf32, #tpu.memory_space<vmem>>) target(%dma_start3A_584 : memref<10112x64xf32, #tpu.memory_space<vmem_shared>>) offsets(%dma_start3A_581 : memref<128xi32, #tpu.memory_space<vmem>>) semaphore(%dma_start3A_586 : memref<!tpu.dma_semaphore, #tpu.memory_space<semaphore_mem>>) {add = true}
      %add3A_587 = arith.constant 2 : i32
      %add3A_588 = arith.addi %mul3A_522, %add3A_587 : i32
      %mul3A_589 = arith.constant 128 : i32
      %mul3A_590 = arith.muli %add3A_588, %mul3A_589 : i32
      %dma_wait3A_591 = arith.constant 2 : i32
      %dma_wait3A_592 = arith.constant 2 : i32
      %dma_wait3A_593 = arith.constant 0 : i32
      %dma_wait3A_594 = arith.constant 0 : i32
      %dma_wait3A_595 = tpu.memref_slice %arg8[%dma_wait3A_591, %dma_wait3A_593, %dma_wait3A_594] : memref<6x128x64xf32, #tpu.memory_space<vmem>> -> memref<1x128x64xf32, #tpu.memory_space<vmem>>
      %dma_wait3A_596 = tpu.memref_squeeze %dma_wait3A_595 : memref<1x128x64xf32, #tpu.memory_space<vmem>> -> memref<128x64xf32, #tpu.memory_space<vmem>>
      %dma_wait3A_597 = tpu.memref_slice %arg6[%mul3A_590] : memref<10000xi32, #tpu.memory_space<vmem>> -> memref<128xi32, #tpu.memory_space<vmem>>
      %dma_wait3A_598 = arith.constant 0 : i32
      %dma_wait3A_599 = arith.constant 0 : i32
      %dma_wait3A_600 = tpu.memref_slice %arg2[%dma_wait3A_598, %dma_wait3A_599] : memref<10000x64xf32, #tpu.memory_space<hbm>> -> memref<10000x64xf32, #tpu.memory_space<hbm>>
      %dma_wait3A_601 = tpu.memref_slice %arg10[%dma_wait3A_592] : memref<6x!tpu.dma_semaphore, #tpu.memory_space<semaphore_mem>> -> memref<1x!tpu.dma_semaphore, #tpu.memory_space<semaphore_mem>>
      %dma_wait3A_602 = tpu.memref_squeeze %dma_wait3A_601 : memref<1x!tpu.dma_semaphore, #tpu.memory_space<semaphore_mem>> -> memref<!tpu.dma_semaphore, #tpu.memory_space<semaphore_mem>>
      tpu.wait_indirect_dma semaphore(%dma_wait3A_602 : memref<!tpu.dma_semaphore, #tpu.memory_space<semaphore_mem>>) src(%dma_wait3A_600 : memref<10000x64xf32, #tpu.memory_space<hbm>>) dst(%dma_wait3A_596 : memref<128x64xf32, #tpu.memory_space<vmem>>)
      %add3A_603 = arith.constant 2 : i32
      %add3A_604 = arith.addi %mul3A_522, %add3A_603 : i32
      %mul3A_605 = arith.constant 128 : i32
      %mul3A_606 = arith.muli %add3A_604, %mul3A_605 : i32
      %dma_start3A_607 = arith.constant 2 : i32
      %dma_start3A_608 = arith.constant 2 : i32
      %dma_start3A_609 = arith.constant 0 : i32
      %dma_start3A_610 = arith.constant 0 : i32
      %dma_start3A_611 = tpu.memref_slice %arg8[%dma_start3A_607, %dma_start3A_609, %dma_start3A_610] : memref<6x128x64xf32, #tpu.memory_space<vmem>> -> memref<1x128x64xf32, #tpu.memory_space<vmem>>
      %dma_start3A_612 = tpu.memref_squeeze %dma_start3A_611 : memref<1x128x64xf32, #tpu.memory_space<vmem>> -> memref<128x64xf32, #tpu.memory_space<vmem>>
      %dma_start3A_613 = tpu.memref_slice %arg7[%mul3A_606] : memref<10000xi32, #tpu.memory_space<vmem>> -> memref<128xi32, #tpu.memory_space<vmem>>
      %dma_start3A_614 = arith.constant 0 : i32
      %dma_start3A_615 = arith.constant 0 : i32
      %dma_start3A_616 = tpu.memref_slice %arg9[%dma_start3A_614, %dma_start3A_615] : memref<10112x64xf32, #tpu.memory_space<vmem_shared>> -> memref<10112x64xf32, #tpu.memory_space<vmem_shared>>
      %dma_start3A_617 = tpu.memref_slice %arg11[%dma_start3A_608] : memref<6x!tpu.dma_semaphore, #tpu.memory_space<semaphore_mem>> -> memref<1x!tpu.dma_semaphore, #tpu.memory_space<semaphore_mem>>
      %dma_start3A_618 = tpu.memref_squeeze %dma_start3A_617 : memref<1x!tpu.dma_semaphore, #tpu.memory_space<semaphore_mem>> -> memref<!tpu.dma_semaphore, #tpu.memory_space<semaphore_mem>>
      tpu.enqueue_indirect_dma source(%dma_start3A_612 : memref<128x64xf32, #tpu.memory_space<vmem>>) target(%dma_start3A_616 : memref<10112x64xf32, #tpu.memory_space<vmem_shared>>) offsets(%dma_start3A_613 : memref<128xi32, #tpu.memory_space<vmem>>) semaphore(%dma_start3A_618 : memref<!tpu.dma_semaphore, #tpu.memory_space<semaphore_mem>>) {add = true}
      %add3A_619 = arith.constant 3 : i32
      %add3A_620 = arith.addi %mul3A_522, %add3A_619 : i32
      %mul3A_621 = arith.constant 128 : i32
      %mul3A_622 = arith.muli %add3A_620, %mul3A_621 : i32
      %dma_wait3A_623 = arith.constant 3 : i32
      %dma_wait3A_624 = arith.constant 3 : i32
      %dma_wait3A_625 = arith.constant 0 : i32
      %dma_wait3A_626 = arith.constant 0 : i32
      %dma_wait3A_627 = tpu.memref_slice %arg8[%dma_wait3A_623, %dma_wait3A_625, %dma_wait3A_626] : memref<6x128x64xf32, #tpu.memory_space<vmem>> -> memref<1x128x64xf32, #tpu.memory_space<vmem>>
      %dma_wait3A_628 = tpu.memref_squeeze %dma_wait3A_627 : memref<1x128x64xf32, #tpu.memory_space<vmem>> -> memref<128x64xf32, #tpu.memory_space<vmem>>
      %dma_wait3A_629 = tpu.memref_slice %arg6[%mul3A_622] : memref<10000xi32, #tpu.memory_space<vmem>> -> memref<128xi32, #tpu.memory_space<vmem>>
      %dma_wait3A_630 = arith.constant 0 : i32
      %dma_wait3A_631 = arith.constant 0 : i32
      %dma_wait3A_632 = tpu.memref_slice %arg2[%dma_wait3A_630, %dma_wait3A_631] : memref<10000x64xf32, #tpu.memory_space<hbm>> -> memref<10000x64xf32, #tpu.memory_space<hbm>>
      %dma_wait3A_633 = tpu.memref_slice %arg10[%dma_wait3A_624] : memref<6x!tpu.dma_semaphore, #tpu.memory_space<semaphore_mem>> -> memref<1x!tpu.dma_semaphore, #tpu.memory_space<semaphore_mem>>
      %dma_wait3A_634 = tpu.memref_squeeze %dma_wait3A_633 : memref<1x!tpu.dma_semaphore, #tpu.memory_space<semaphore_mem>> -> memref<!tpu.dma_semaphore, #tpu.memory_space<semaphore_mem>>
      tpu.wait_indirect_dma semaphore(%dma_wait3A_634 : memref<!tpu.dma_semaphore, #tpu.memory_space<semaphore_mem>>) src(%dma_wait3A_632 : memref<10000x64xf32, #tpu.memory_space<hbm>>) dst(%dma_wait3A_628 : memref<128x64xf32, #tpu.memory_space<vmem>>)
      %add3A_635 = arith.constant 3 : i32
      %add3A_636 = arith.addi %mul3A_522, %add3A_635 : i32
      %mul3A_637 = arith.constant 128 : i32
      %mul3A_638 = arith.muli %add3A_636, %mul3A_637 : i32
      %dma_start3A_639 = arith.constant 3 : i32
      %dma_start3A_640 = arith.constant 3 : i32
      %dma_start3A_641 = arith.constant 0 : i32
      %dma_start3A_642 = arith.constant 0 : i32
      %dma_start3A_643 = tpu.memref_slice %arg8[%dma_start3A_639, %dma_start3A_641, %dma_start3A_642] : memref<6x128x64xf32, #tpu.memory_space<vmem>> -> memref<1x128x64xf32, #tpu.memory_space<vmem>>
      %dma_start3A_644 = tpu.memref_squeeze %dma_start3A_643 : memref<1x128x64xf32, #tpu.memory_space<vmem>> -> memref<128x64xf32, #tpu.memory_space<vmem>>
      %dma_start3A_645 = tpu.memref_slice %arg7[%mul3A_638] : memref<10000xi32, #tpu.memory_space<vmem>> -> memref<128xi32, #tpu.memory_space<vmem>>
      %dma_start3A_646 = arith.constant 0 : i32
      %dma_start3A_647 = arith.constant 0 : i32
      %dma_start3A_648 = tpu.memref_slice %arg9[%dma_start3A_646, %dma_start3A_647] : memref<10112x64xf32, #tpu.memory_space<vmem_shared>> -> memref<10112x64xf32, #tpu.memory_space<vmem_shared>>
      %dma_start3A_649 = tpu.memref_slice %arg11[%dma_start3A_640] : memref<6x!tpu.dma_semaphore, #tpu.memory_space<semaphore_mem>> -> memref<1x!tpu.dma_semaphore, #tpu.memory_space<semaphore_mem>>
      %dma_start3A_650 = tpu.memref_squeeze %dma_start3A_649 : memref<1x!tpu.dma_semaphore, #tpu.memory_space<semaphore_mem>> -> memref<!tpu.dma_semaphore, #tpu.memory_space<semaphore_mem>>
      tpu.enqueue_indirect_dma source(%dma_start3A_644 : memref<128x64xf32, #tpu.memory_space<vmem>>) target(%dma_start3A_648 : memref<10112x64xf32, #tpu.memory_space<vmem_shared>>) offsets(%dma_start3A_645 : memref<128xi32, #tpu.memory_space<vmem>>) semaphore(%dma_start3A_650 : memref<!tpu.dma_semaphore, #tpu.memory_space<semaphore_mem>>) {add = true}
      %add3A_651 = arith.constant 4 : i32
      %add3A_652 = arith.addi %mul3A_522, %add3A_651 : i32
      %mul3A_653 = arith.constant 128 : i32
      %mul3A_654 = arith.muli %add3A_652, %mul3A_653 : i32
      %dma_wait3A_655 = arith.constant 4 : i32
      %dma_wait3A_656 = arith.constant 4 : i32
      %dma_wait3A_657 = arith.constant 0 : i32
      %dma_wait3A_658 = arith.constant 0 : i32
      %dma_wait3A_659 = tpu.memref_slice %arg8[%dma_wait3A_655, %dma_wait3A_657, %dma_wait3A_658] : memref<6x128x64xf32, #tpu.memory_space<vmem>> -> memref<1x128x64xf32, #tpu.memory_space<vmem>>
      %dma_wait3A_660 = tpu.memref_squeeze %dma_wait3A_659 : memref<1x128x64xf32, #tpu.memory_space<vmem>> -> memref<128x64xf32, #tpu.memory_space<vmem>>
      %dma_wait3A_661 = tpu.memref_slice %arg6[%mul3A_654] : memref<10000xi32, #tpu.memory_space<vmem>> -> memref<128xi32, #tpu.memory_space<vmem>>
      %dma_wait3A_662 = arith.constant 0 : i32
      %dma_wait3A_663 = arith.constant 0 : i32
      %dma_wait3A_664 = tpu.memref_slice %arg2[%dma_wait3A_662, %dma_wait3A_663] : memref<10000x64xf32, #tpu.memory_space<hbm>> -> memref<10000x64xf32, #tpu.memory_space<hbm>>
      %dma_wait3A_665 = tpu.memref_slice %arg10[%dma_wait3A_656] : memref<6x!tpu.dma_semaphore, #tpu.memory_space<semaphore_mem>> -> memref<1x!tpu.dma_semaphore, #tpu.memory_space<semaphore_mem>>
      %dma_wait3A_666 = tpu.memref_squeeze %dma_wait3A_665 : memref<1x!tpu.dma_semaphore, #tpu.memory_space<semaphore_mem>> -> memref<!tpu.dma_semaphore, #tpu.memory_space<semaphore_mem>>
      tpu.wait_indirect_dma semaphore(%dma_wait3A_666 : memref<!tpu.dma_semaphore, #tpu.memory_space<semaphore_mem>>) src(%dma_wait3A_664 : memref<10000x64xf32, #tpu.memory_space<hbm>>) dst(%dma_wait3A_660 : memref<128x64xf32, #tpu.memory_space<vmem>>)
      %add3A_667 = arith.constant 4 : i32
      %add3A_668 = arith.addi %mul3A_522, %add3A_667 : i32
      %mul3A_669 = arith.constant 128 : i32
      %mul3A_670 = arith.muli %add3A_668, %mul3A_669 : i32
      %dma_start3A_671 = arith.constant 4 : i32
      %dma_start3A_672 = arith.constant 4 : i32
      %dma_start3A_673 = arith.constant 0 : i32
      %dma_start3A_674 = arith.constant 0 : i32
      %dma_start3A_675 = tpu.memref_slice %arg8[%dma_start3A_671, %dma_start3A_673, %dma_start3A_674] : memref<6x128x64xf32, #tpu.memory_space<vmem>> -> memref<1x128x64xf32, #tpu.memory_space<vmem>>
      %dma_start3A_676 = tpu.memref_squeeze %dma_start3A_675 : memref<1x128x64xf32, #tpu.memory_space<vmem>> -> memref<128x64xf32, #tpu.memory_space<vmem>>
      %dma_start3A_677 = tpu.memref_slice %arg7[%mul3A_670] : memref<10000xi32, #tpu.memory_space<vmem>> -> memref<128xi32, #tpu.memory_space<vmem>>
      %dma_start3A_678 = arith.constant 0 : i32
      %dma_start3A_679 = arith.constant 0 : i32
      %dma_start3A_680 = tpu.memref_slice %arg9[%dma_start3A_678, %dma_start3A_679] : memref<10112x64xf32, #tpu.memory_space<vmem_shared>> -> memref<10112x64xf32, #tpu.memory_space<vmem_shared>>
      %dma_start3A_681 = tpu.memref_slice %arg11[%dma_start3A_672] : memref<6x!tpu.dma_semaphore, #tpu.memory_space<semaphore_mem>> -> memref<1x!tpu.dma_semaphore, #tpu.memory_space<semaphore_mem>>
      %dma_start3A_682 = tpu.memref_squeeze %dma_start3A_681 : memref<1x!tpu.dma_semaphore, #tpu.memory_space<semaphore_mem>> -> memref<!tpu.dma_semaphore, #tpu.memory_space<semaphore_mem>>
      tpu.enqueue_indirect_dma source(%dma_start3A_676 : memref<128x64xf32, #tpu.memory_space<vmem>>) target(%dma_start3A_680 : memref<10112x64xf32, #tpu.memory_space<vmem_shared>>) offsets(%dma_start3A_677 : memref<128xi32, #tpu.memory_space<vmem>>) semaphore(%dma_start3A_682 : memref<!tpu.dma_semaphore, #tpu.memory_space<semaphore_mem>>) {add = true}
      %add3A_683 = arith.constant 5 : i32
      %add3A_684 = arith.addi %mul3A_522, %add3A_683 : i32
      %mul3A_685 = arith.constant 128 : i32
      %mul3A_686 = arith.muli %add3A_684, %mul3A_685 : i32
      %dma_wait3A_687 = arith.constant 5 : i32
      %dma_wait3A_688 = arith.constant 5 : i32
      %dma_wait3A_689 = arith.constant 0 : i32
      %dma_wait3A_690 = arith.constant 0 : i32
      %dma_wait3A_691 = tpu.memref_slice %arg8[%dma_wait3A_687, %dma_wait3A_689, %dma_wait3A_690] : memref<6x128x64xf32, #tpu.memory_space<vmem>> -> memref<1x128x64xf32, #tpu.memory_space<vmem>>
      %dma_wait3A_692 = tpu.memref_squeeze %dma_wait3A_691 : memref<1x128x64xf32, #tpu.memory_space<vmem>> -> memref<128x64xf32, #tpu.memory_space<vmem>>
      %dma_wait3A_693 = tpu.memref_slice %arg6[%mul3A_686] : memref<10000xi32, #tpu.memory_space<vmem>> -> memref<128xi32, #tpu.memory_space<vmem>>
      %dma_wait3A_694 = arith.constant 0 : i32
      %dma_wait3A_695 = arith.constant 0 : i32
      %dma_wait3A_696 = tpu.memref_slice %arg2[%dma_wait3A_694, %dma_wait3A_695] : memref<10000x64xf32, #tpu.memory_space<hbm>> -> memref<10000x64xf32, #tpu.memory_space<hbm>>
      %dma_wait3A_697 = tpu.memref_slice %arg10[%dma_wait3A_688] : memref<6x!tpu.dma_semaphore, #tpu.memory_space<semaphore_mem>> -> memref<1x!tpu.dma_semaphore, #tpu.memory_space<semaphore_mem>>
      %dma_wait3A_698 = tpu.memref_squeeze %dma_wait3A_697 : memref<1x!tpu.dma_semaphore, #tpu.memory_space<semaphore_mem>> -> memref<!tpu.dma_semaphore, #tpu.memory_space<semaphore_mem>>
      tpu.wait_indirect_dma semaphore(%dma_wait3A_698 : memref<!tpu.dma_semaphore, #tpu.memory_space<semaphore_mem>>) src(%dma_wait3A_696 : memref<10000x64xf32, #tpu.memory_space<hbm>>) dst(%dma_wait3A_692 : memref<128x64xf32, #tpu.memory_space<vmem>>)
      %add3A_699 = arith.constant 5 : i32
      %add3A_700 = arith.addi %mul3A_522, %add3A_699 : i32
      %mul3A_701 = arith.constant 128 : i32
      %mul3A_702 = arith.muli %add3A_700, %mul3A_701 : i32
      %dma_start3A_703 = arith.constant 5 : i32
      %dma_start3A_704 = arith.constant 5 : i32
      %dma_start3A_705 = arith.constant 0 : i32
      %dma_start3A_706 = arith.constant 0 : i32
      %dma_start3A_707 = tpu.memref_slice %arg8[%dma_start3A_703, %dma_start3A_705, %dma_start3A_706] : memref<6x128x64xf32, #tpu.memory_space<vmem>> -> memref<1x128x64xf32, #tpu.memory_space<vmem>>
      %dma_start3A_708 = tpu.memref_squeeze %dma_start3A_707 : memref<1x128x64xf32, #tpu.memory_space<vmem>> -> memref<128x64xf32, #tpu.memory_space<vmem>>
      %dma_start3A_709 = tpu.memref_slice %arg7[%mul3A_702] : memref<10000xi32, #tpu.memory_space<vmem>> -> memref<128xi32, #tpu.memory_space<vmem>>
      %dma_start3A_710 = arith.constant 0 : i32
      %dma_start3A_711 = arith.constant 0 : i32
      %dma_start3A_712 = tpu.memref_slice %arg9[%dma_start3A_710, %dma_start3A_711] : memref<10112x64xf32, #tpu.memory_space<vmem_shared>> -> memref<10112x64xf32, #tpu.memory_space<vmem_shared>>
      %dma_start3A_713 = tpu.memref_slice %arg11[%dma_start3A_704] : memref<6x!tpu.dma_semaphore, #tpu.memory_space<semaphore_mem>> -> memref<1x!tpu.dma_semaphore, #tpu.memory_space<semaphore_mem>>
      %dma_start3A_714 = tpu.memref_squeeze %dma_start3A_713 : memref<1x!tpu.dma_semaphore, #tpu.memory_space<semaphore_mem>> -> memref<!tpu.dma_semaphore, #tpu.memory_space<semaphore_mem>>
      tpu.enqueue_indirect_dma source(%dma_start3A_708 : memref<128x64xf32, #tpu.memory_space<vmem>>) target(%dma_start3A_712 : memref<10112x64xf32, #tpu.memory_space<vmem_shared>>) offsets(%dma_start3A_709 : memref<128xi32, #tpu.memory_space<vmem>>) semaphore(%dma_start3A_714 : memref<!tpu.dma_semaphore, #tpu.memory_space<semaphore_mem>>) {add = true}
      %add3A_715 = arith.constant 0 : i32
      %add3A_716 = arith.addi %mul3A_522, %add3A_715 : i32
      %mul3A_717 = arith.constant 128 : i32
      %mul3A_718 = arith.muli %add3A_716, %mul3A_717 : i32
      %dma_wait3A_719 = arith.constant 0 : i32
      %dma_wait3A_720 = arith.constant 0 : i32
      %dma_wait3A_721 = arith.constant 0 : i32
      %dma_wait3A_722 = arith.constant 0 : i32
      %dma_wait3A_723 = tpu.memref_slice %arg8[%dma_wait3A_719, %dma_wait3A_721, %dma_wait3A_722] : memref<6x128x64xf32, #tpu.memory_space<vmem>> -> memref<1x128x64xf32, #tpu.memory_space<vmem>>
      %dma_wait3A_724 = tpu.memref_squeeze %dma_wait3A_723 : memref<1x128x64xf32, #tpu.memory_space<vmem>> -> memref<128x64xf32, #tpu.memory_space<vmem>>
      %dma_wait3A_725 = tpu.memref_slice %arg7[%mul3A_718] : memref<10000xi32, #tpu.memory_space<vmem>> -> memref<128xi32, #tpu.memory_space<vmem>>
      %dma_wait3A_726 = arith.constant 0 : i32
      %dma_wait3A_727 = arith.constant 0 : i32
      %dma_wait3A_728 = tpu.memref_slice %arg9[%dma_wait3A_726, %dma_wait3A_727] : memref<10112x64xf32, #tpu.memory_space<vmem_shared>> -> memref<10112x64xf32, #tpu.memory_space<vmem_shared>>
      %dma_wait3A_729 = tpu.memref_slice %arg11[%dma_wait3A_720] : memref<6x!tpu.dma_semaphore, #tpu.memory_space<semaphore_mem>> -> memref<1x!tpu.dma_semaphore, #tpu.memory_space<semaphore_mem>>
      %dma_wait3A_730 = tpu.memref_squeeze %dma_wait3A_729 : memref<1x!tpu.dma_semaphore, #tpu.memory_space<semaphore_mem>> -> memref<!tpu.dma_semaphore, #tpu.memory_space<semaphore_mem>>
      tpu.wait_indirect_dma semaphore(%dma_wait3A_730 : memref<!tpu.dma_semaphore, #tpu.memory_space<semaphore_mem>>) src(%dma_wait3A_724 : memref<128x64xf32, #tpu.memory_space<vmem>>) dst(%dma_wait3A_728 : memref<10112x64xf32, #tpu.memory_space<vmem_shared>>)
      %add3A_731 = arith.constant 6 : i32
      %add3A_732 = arith.addi %mul3A_522, %add3A_731 : i32
      %add3A_733 = arith.constant 0 : i32
      %add3A_734 = arith.addi %add3A_732, %add3A_733 : i32
      %mul3A_735 = arith.constant 128 : i32
      %mul3A_736 = arith.muli %add3A_734, %mul3A_735 : i32
      %dma_start3A_737 = arith.constant 0 : i32
      %dma_start3A_738 = arith.constant 0 : i32
      %dma_start3A_739 = arith.constant 0 : i32
      %dma_start3A_740 = arith.constant 0 : i32
      %dma_start3A_741 = tpu.memref_slice %arg8[%dma_start3A_737, %dma_start3A_739, %dma_start3A_740] : memref<6x128x64xf32, #tpu.memory_space<vmem>> -> memref<1x128x64xf32, #tpu.memory_space<vmem>>
      %dma_start3A_742 = tpu.memref_squeeze %dma_start3A_741 : memref<1x128x64xf32, #tpu.memory_space<vmem>> -> memref<128x64xf32, #tpu.memory_space<vmem>>
      %dma_start3A_743 = tpu.memref_slice %arg6[%mul3A_736] : memref<10000xi32, #tpu.memory_space<vmem>> -> memref<128xi32, #tpu.memory_space<vmem>>
      %dma_start3A_744 = arith.constant 0 : i32
      %dma_start3A_745 = arith.constant 0 : i32
      %dma_start3A_746 = tpu.memref_slice %arg2[%dma_start3A_744, %dma_start3A_745] : memref<10000x64xf32, #tpu.memory_space<hbm>> -> memref<10000x64xf32, #tpu.memory_space<hbm>>
      %dma_start3A_747 = tpu.memref_slice %arg10[%dma_start3A_738] : memref<6x!tpu.dma_semaphore, #tpu.memory_space<semaphore_mem>> -> memref<1x!tpu.dma_semaphore, #tpu.memory_space<semaphore_mem>>
      %dma_start3A_748 = tpu.memref_squeeze %dma_start3A_747 : memref<1x!tpu.dma_semaphore, #tpu.memory_space<semaphore_mem>> -> memref<!tpu.dma_semaphore, #tpu.memory_space<semaphore_mem>>
      tpu.enqueue_indirect_dma source(%dma_start3A_746 : memref<10000x64xf32, #tpu.memory_space<hbm>>) target(%dma_start3A_742 : memref<128x64xf32, #tpu.memory_space<vmem>>) offsets(%dma_start3A_743 : memref<128xi32, #tpu.memory_space<vmem>>) semaphore(%dma_start3A_748 : memref<!tpu.dma_semaphore, #tpu.memory_space<semaphore_mem>>)
      %add3A_749 = arith.constant 1 : i32
      %add3A_750 = arith.addi %mul3A_522, %add3A_749 : i32
      %mul3A_751 = arith.constant 128 : i32
      %mul3A_752 = arith.muli %add3A_750, %mul3A_751 : i32
      %dma_wait3A_753 = arith.constant 1 : i32
      %dma_wait3A_754 = arith.constant 1 : i32
      %dma_wait3A_755 = arith.constant 0 : i32
      %dma_wait3A_756 = arith.constant 0 : i32
      %dma_wait3A_757 = tpu.memref_slice %arg8[%dma_wait3A_753, %dma_wait3A_755, %dma_wait3A_756] : memref<6x128x64xf32, #tpu.memory_space<vmem>> -> memref<1x128x64xf32, #tpu.memory_space<vmem>>
      %dma_wait3A_758 = tpu.memref_squeeze %dma_wait3A_757 : memref<1x128x64xf32, #tpu.memory_space<vmem>> -> memref<128x64xf32, #tpu.memory_space<vmem>>
      %dma_wait3A_759 = tpu.memref_slice %arg7[%mul3A_752] : memref<10000xi32, #tpu.memory_space<vmem>> -> memref<128xi32, #tpu.memory_space<vmem>>
      %dma_wait3A_760 = arith.constant 0 : i32
      %dma_wait3A_761 = arith.constant 0 : i32
      %dma_wait3A_762 = tpu.memref_slice %arg9[%dma_wait3A_760, %dma_wait3A_761] : memref<10112x64xf32, #tpu.memory_space<vmem_shared>> -> memref<10112x64xf32, #tpu.memory_space<vmem_shared>>
      %dma_wait3A_763 = tpu.memref_slice %arg11[%dma_wait3A_754] : memref<6x!tpu.dma_semaphore, #tpu.memory_space<semaphore_mem>> -> memref<1x!tpu.dma_semaphore, #tpu.memory_space<semaphore_mem>>
      %dma_wait3A_764 = tpu.memref_squeeze %dma_wait3A_763 : memref<1x!tpu.dma_semaphore, #tpu.memory_space<semaphore_mem>> -> memref<!tpu.dma_semaphore, #tpu.memory_space<semaphore_mem>>
      tpu.wait_indirect_dma semaphore(%dma_wait3A_764 : memref<!tpu.dma_semaphore, #tpu.memory_space<semaphore_mem>>) src(%dma_wait3A_758 : memref<128x64xf32, #tpu.memory_space<vmem>>) dst(%dma_wait3A_762 : memref<10112x64xf32, #tpu.memory_space<vmem_shared>>)
      %add3A_765 = arith.constant 6 : i32
      %add3A_766 = arith.addi %mul3A_522, %add3A_765 : i32
      %add3A_767 = arith.constant 1 : i32
      %add3A_768 = arith.addi %add3A_766, %add3A_767 : i32
      %mul3A_769 = arith.constant 128 : i32
      %mul3A_770 = arith.muli %add3A_768, %mul3A_769 : i32
      %dma_start3A_771 = arith.constant 1 : i32
      %dma_start3A_772 = arith.constant 1 : i32
      %dma_start3A_773 = arith.constant 0 : i32
      %dma_start3A_774 = arith.constant 0 : i32
      %dma_start3A_775 = tpu.memref_slice %arg8[%dma_start3A_771, %dma_start3A_773, %dma_start3A_774] : memref<6x128x64xf32, #tpu.memory_space<vmem>> -> memref<1x128x64xf32, #tpu.memory_space<vmem>>
      %dma_start3A_776 = tpu.memref_squeeze %dma_start3A_775 : memref<1x128x64xf32, #tpu.memory_space<vmem>> -> memref<128x64xf32, #tpu.memory_space<vmem>>
      %dma_start3A_777 = tpu.memref_slice %arg6[%mul3A_770] : memref<10000xi32, #tpu.memory_space<vmem>> -> memref<128xi32, #tpu.memory_space<vmem>>
      %dma_start3A_778 = arith.constant 0 : i32
      %dma_start3A_779 = arith.constant 0 : i32
      %dma_start3A_780 = tpu.memref_slice %arg2[%dma_start3A_778, %dma_start3A_779] : memref<10000x64xf32, #tpu.memory_space<hbm>> -> memref<10000x64xf32, #tpu.memory_space<hbm>>
      %dma_start3A_781 = tpu.memref_slice %arg10[%dma_start3A_772] : memref<6x!tpu.dma_semaphore, #tpu.memory_space<semaphore_mem>> -> memref<1x!tpu.dma_semaphore, #tpu.memory_space<semaphore_mem>>
      %dma_start3A_782 = tpu.memref_squeeze %dma_start3A_781 : memref<1x!tpu.dma_semaphore, #tpu.memory_space<semaphore_mem>> -> memref<!tpu.dma_semaphore, #tpu.memory_space<semaphore_mem>>
      tpu.enqueue_indirect_dma source(%dma_start3A_780 : memref<10000x64xf32, #tpu.memory_space<hbm>>) target(%dma_start3A_776 : memref<128x64xf32, #tpu.memory_space<vmem>>) offsets(%dma_start3A_777 : memref<128xi32, #tpu.memory_space<vmem>>) semaphore(%dma_start3A_782 : memref<!tpu.dma_semaphore, #tpu.memory_space<semaphore_mem>>)
      %add3A_783 = arith.constant 2 : i32
      %add3A_784 = arith.addi %mul3A_522, %add3A_783 : i32
      %mul3A_785 = arith.constant 128 : i32
      %mul3A_786 = arith.muli %add3A_784, %mul3A_785 : i32
      %dma_wait3A_787 = arith.constant 2 : i32
      %dma_wait3A_788 = arith.constant 2 : i32
      %dma_wait3A_789 = arith.constant 0 : i32
      %dma_wait3A_790 = arith.constant 0 : i32
      %dma_wait3A_791 = tpu.memref_slice %arg8[%dma_wait3A_787, %dma_wait3A_789, %dma_wait3A_790] : memref<6x128x64xf32, #tpu.memory_space<vmem>> -> memref<1x128x64xf32, #tpu.memory_space<vmem>>
      %dma_wait3A_792 = tpu.memref_squeeze %dma_wait3A_791 : memref<1x128x64xf32, #tpu.memory_space<vmem>> -> memref<128x64xf32, #tpu.memory_space<vmem>>
      %dma_wait3A_793 = tpu.memref_slice %arg7[%mul3A_786] : memref<10000xi32, #tpu.memory_space<vmem>> -> memref<128xi32, #tpu.memory_space<vmem>>
      %dma_wait3A_794 = arith.constant 0 : i32
      %dma_wait3A_795 = arith.constant 0 : i32
      %dma_wait3A_796 = tpu.memref_slice %arg9[%dma_wait3A_794, %dma_wait3A_795] : memref<10112x64xf32, #tpu.memory_space<vmem_shared>> -> memref<10112x64xf32, #tpu.memory_space<vmem_shared>>
      %dma_wait3A_797 = tpu.memref_slice %arg11[%dma_wait3A_788] : memref<6x!tpu.dma_semaphore, #tpu.memory_space<semaphore_mem>> -> memref<1x!tpu.dma_semaphore, #tpu.memory_space<semaphore_mem>>
      %dma_wait3A_798 = tpu.memref_squeeze %dma_wait3A_797 : memref<1x!tpu.dma_semaphore, #tpu.memory_space<semaphore_mem>> -> memref<!tpu.dma_semaphore, #tpu.memory_space<semaphore_mem>>
      tpu.wait_indirect_dma semaphore(%dma_wait3A_798 : memref<!tpu.dma_semaphore, #tpu.memory_space<semaphore_mem>>) src(%dma_wait3A_792 : memref<128x64xf32, #tpu.memory_space<vmem>>) dst(%dma_wait3A_796 : memref<10112x64xf32, #tpu.memory_space<vmem_shared>>)
      %add3A_799 = arith.constant 6 : i32
      %add3A_800 = arith.addi %mul3A_522, %add3A_799 : i32
      %add3A_801 = arith.constant 2 : i32
      %add3A_802 = arith.addi %add3A_800, %add3A_801 : i32
      %mul3A_803 = arith.constant 128 : i32
      %mul3A_804 = arith.muli %add3A_802, %mul3A_803 : i32
      %dma_start3A_805 = arith.constant 2 : i32
      %dma_start3A_806 = arith.constant 2 : i32
      %dma_start3A_807 = arith.constant 0 : i32
      %dma_start3A_808 = arith.constant 0 : i32
      %dma_start3A_809 = tpu.memref_slice %arg8[%dma_start3A_805, %dma_start3A_807, %dma_start3A_808] : memref<6x128x64xf32, #tpu.memory_space<vmem>> -> memref<1x128x64xf32, #tpu.memory_space<vmem>>
      %dma_start3A_810 = tpu.memref_squeeze %dma_start3A_809 : memref<1x128x64xf32, #tpu.memory_space<vmem>> -> memref<128x64xf32, #tpu.memory_space<vmem>>
      %dma_start3A_811 = tpu.memref_slice %arg6[%mul3A_804] : memref<10000xi32, #tpu.memory_space<vmem>> -> memref<128xi32, #tpu.memory_space<vmem>>
      %dma_start3A_812 = arith.constant 0 : i32
      %dma_start3A_813 = arith.constant 0 : i32
      %dma_start3A_814 = tpu.memref_slice %arg2[%dma_start3A_812, %dma_start3A_813] : memref<10000x64xf32, #tpu.memory_space<hbm>> -> memref<10000x64xf32, #tpu.memory_space<hbm>>
      %dma_start3A_815 = tpu.memref_slice %arg10[%dma_start3A_806] : memref<6x!tpu.dma_semaphore, #tpu.memory_space<semaphore_mem>> -> memref<1x!tpu.dma_semaphore, #tpu.memory_space<semaphore_mem>>
      %dma_start3A_816 = tpu.memref_squeeze %dma_start3A_815 : memref<1x!tpu.dma_semaphore, #tpu.memory_space<semaphore_mem>> -> memref<!tpu.dma_semaphore, #tpu.memory_space<semaphore_mem>>
      tpu.enqueue_indirect_dma source(%dma_start3A_814 : memref<10000x64xf32, #tpu.memory_space<hbm>>) target(%dma_start3A_810 : memref<128x64xf32, #tpu.memory_space<vmem>>) offsets(%dma_start3A_811 : memref<128xi32, #tpu.memory_space<vmem>>) semaphore(%dma_start3A_816 : memref<!tpu.dma_semaphore, #tpu.memory_space<semaphore_mem>>)
      %add3A_817 = arith.constant 3 : i32
      %add3A_818 = arith.addi %mul3A_522, %add3A_817 : i32
      %mul3A_819 = arith.constant 128 : i32
      %mul3A_820 = arith.muli %add3A_818, %mul3A_819 : i32
      %dma_wait3A_821 = arith.constant 3 : i32
      %dma_wait3A_822 = arith.constant 3 : i32
      %dma_wait3A_823 = arith.constant 0 : i32
      %dma_wait3A_824 = arith.constant 0 : i32
      %dma_wait3A_825 = tpu.memref_slice %arg8[%dma_wait3A_821, %dma_wait3A_823, %dma_wait3A_824] : memref<6x128x64xf32, #tpu.memory_space<vmem>> -> memref<1x128x64xf32, #tpu.memory_space<vmem>>
      %dma_wait3A_826 = tpu.memref_squeeze %dma_wait3A_825 : memref<1x128x64xf32, #tpu.memory_space<vmem>> -> memref<128x64xf32, #tpu.memory_space<vmem>>
      %dma_wait3A_827 = tpu.memref_slice %arg7[%mul3A_820] : memref<10000xi32, #tpu.memory_space<vmem>> -> memref<128xi32, #tpu.memory_space<vmem>>
      %dma_wait3A_828 = arith.constant 0 : i32
      %dma_wait3A_829 = arith.constant 0 : i32
      %dma_wait3A_830 = tpu.memref_slice %arg9[%dma_wait3A_828, %dma_wait3A_829] : memref<10112x64xf32, #tpu.memory_space<vmem_shared>> -> memref<10112x64xf32, #tpu.memory_space<vmem_shared>>
      %dma_wait3A_831 = tpu.memref_slice %arg11[%dma_wait3A_822] : memref<6x!tpu.dma_semaphore, #tpu.memory_space<semaphore_mem>> -> memref<1x!tpu.dma_semaphore, #tpu.memory_space<semaphore_mem>>
      %dma_wait3A_832 = tpu.memref_squeeze %dma_wait3A_831 : memref<1x!tpu.dma_semaphore, #tpu.memory_space<semaphore_mem>> -> memref<!tpu.dma_semaphore, #tpu.memory_space<semaphore_mem>>
      tpu.wait_indirect_dma semaphore(%dma_wait3A_832 : memref<!tpu.dma_semaphore, #tpu.memory_space<semaphore_mem>>) src(%dma_wait3A_826 : memref<128x64xf32, #tpu.memory_space<vmem>>) dst(%dma_wait3A_830 : memref<10112x64xf32, #tpu.memory_space<vmem_shared>>)
      %add3A_833 = arith.constant 6 : i32
      %add3A_834 = arith.addi %mul3A_522, %add3A_833 : i32
      %add3A_835 = arith.constant 3 : i32
      %add3A_836 = arith.addi %add3A_834, %add3A_835 : i32
      %mul3A_837 = arith.constant 128 : i32
      %mul3A_838 = arith.muli %add3A_836, %mul3A_837 : i32
      %dma_start3A_839 = arith.constant 3 : i32
      %dma_start3A_840 = arith.constant 3 : i32
      %dma_start3A_841 = arith.constant 0 : i32
      %dma_start3A_842 = arith.constant 0 : i32
      %dma_start3A_843 = tpu.memref_slice %arg8[%dma_start3A_839, %dma_start3A_841, %dma_start3A_842] : memref<6x128x64xf32, #tpu.memory_space<vmem>> -> memref<1x128x64xf32, #tpu.memory_space<vmem>>
      %dma_start3A_844 = tpu.memref_squeeze %dma_start3A_843 : memref<1x128x64xf32, #tpu.memory_space<vmem>> -> memref<128x64xf32, #tpu.memory_space<vmem>>
      %dma_start3A_845 = tpu.memref_slice %arg6[%mul3A_838] : memref<10000xi32, #tpu.memory_space<vmem>> -> memref<128xi32, #tpu.memory_space<vmem>>
      %dma_start3A_846 = arith.constant 0 : i32
      %dma_start3A_847 = arith.constant 0 : i32
      %dma_start3A_848 = tpu.memref_slice %arg2[%dma_start3A_846, %dma_start3A_847] : memref<10000x64xf32, #tpu.memory_space<hbm>> -> memref<10000x64xf32, #tpu.memory_space<hbm>>
      %dma_start3A_849 = tpu.memref_slice %arg10[%dma_start3A_840] : memref<6x!tpu.dma_semaphore, #tpu.memory_space<semaphore_mem>> -> memref<1x!tpu.dma_semaphore, #tpu.memory_space<semaphore_mem>>
      %dma_start3A_850 = tpu.memref_squeeze %dma_start3A_849 : memref<1x!tpu.dma_semaphore, #tpu.memory_space<semaphore_mem>> -> memref<!tpu.dma_semaphore, #tpu.memory_space<semaphore_mem>>
      tpu.enqueue_indirect_dma source(%dma_start3A_848 : memref<10000x64xf32, #tpu.memory_space<hbm>>) target(%dma_start3A_844 : memref<128x64xf32, #tpu.memory_space<vmem>>) offsets(%dma_start3A_845 : memref<128xi32, #tpu.memory_space<vmem>>) semaphore(%dma_start3A_850 : memref<!tpu.dma_semaphore, #tpu.memory_space<semaphore_mem>>)
      %add3A_851 = arith.constant 4 : i32
      %add3A_852 = arith.addi %mul3A_522, %add3A_851 : i32
      %mul3A_853 = arith.constant 128 : i32
      %mul3A_854 = arith.muli %add3A_852, %mul3A_853 : i32
      %dma_wait3A_855 = arith.constant 4 : i32
      %dma_wait3A_856 = arith.constant 4 : i32
      %dma_wait3A_857 = arith.constant 0 : i32
      %dma_wait3A_858 = arith.constant 0 : i32
      %dma_wait3A_859 = tpu.memref_slice %arg8[%dma_wait3A_855, %dma_wait3A_857, %dma_wait3A_858] : memref<6x128x64xf32, #tpu.memory_space<vmem>> -> memref<1x128x64xf32, #tpu.memory_space<vmem>>
      %dma_wait3A_860 = tpu.memref_squeeze %dma_wait3A_859 : memref<1x128x64xf32, #tpu.memory_space<vmem>> -> memref<128x64xf32, #tpu.memory_space<vmem>>
      %dma_wait3A_861 = tpu.memref_slice %arg7[%mul3A_854] : memref<10000xi32, #tpu.memory_space<vmem>> -> memref<128xi32, #tpu.memory_space<vmem>>
      %dma_wait3A_862 = arith.constant 0 : i32
      %dma_wait3A_863 = arith.constant 0 : i32
      %dma_wait3A_864 = tpu.memref_slice %arg9[%dma_wait3A_862, %dma_wait3A_863] : memref<10112x64xf32, #tpu.memory_space<vmem_shared>> -> memref<10112x64xf32, #tpu.memory_space<vmem_shared>>
      %dma_wait3A_865 = tpu.memref_slice %arg11[%dma_wait3A_856] : memref<6x!tpu.dma_semaphore, #tpu.memory_space<semaphore_mem>> -> memref<1x!tpu.dma_semaphore, #tpu.memory_space<semaphore_mem>>
      %dma_wait3A_866 = tpu.memref_squeeze %dma_wait3A_865 : memref<1x!tpu.dma_semaphore, #tpu.memory_space<semaphore_mem>> -> memref<!tpu.dma_semaphore, #tpu.memory_space<semaphore_mem>>
      tpu.wait_indirect_dma semaphore(%dma_wait3A_866 : memref<!tpu.dma_semaphore, #tpu.memory_space<semaphore_mem>>) src(%dma_wait3A_860 : memref<128x64xf32, #tpu.memory_space<vmem>>) dst(%dma_wait3A_864 : memref<10112x64xf32, #tpu.memory_space<vmem_shared>>)
      %add3A_867 = arith.constant 6 : i32
      %add3A_868 = arith.addi %mul3A_522, %add3A_867 : i32
      %add3A_869 = arith.constant 4 : i32
      %add3A_870 = arith.addi %add3A_868, %add3A_869 : i32
      %mul3A_871 = arith.constant 128 : i32
      %mul3A_872 = arith.muli %add3A_870, %mul3A_871 : i32
      %dma_start3A_873 = arith.constant 4 : i32
      %dma_start3A_874 = arith.constant 4 : i32
      %dma_start3A_875 = arith.constant 0 : i32
      %dma_start3A_876 = arith.constant 0 : i32
      %dma_start3A_877 = tpu.memref_slice %arg8[%dma_start3A_873, %dma_start3A_875, %dma_start3A_876] : memref<6x128x64xf32, #tpu.memory_space<vmem>> -> memref<1x128x64xf32, #tpu.memory_space<vmem>>
      %dma_start3A_878 = tpu.memref_squeeze %dma_start3A_877 : memref<1x128x64xf32, #tpu.memory_space<vmem>> -> memref<128x64xf32, #tpu.memory_space<vmem>>
      %dma_start3A_879 = tpu.memref_slice %arg6[%mul3A_872] : memref<10000xi32, #tpu.memory_space<vmem>> -> memref<128xi32, #tpu.memory_space<vmem>>
      %dma_start3A_880 = arith.constant 0 : i32
      %dma_start3A_881 = arith.constant 0 : i32
      %dma_start3A_882 = tpu.memref_slice %arg2[%dma_start3A_880, %dma_start3A_881] : memref<10000x64xf32, #tpu.memory_space<hbm>> -> memref<10000x64xf32, #tpu.memory_space<hbm>>
      %dma_start3A_883 = tpu.memref_slice %arg10[%dma_start3A_874] : memref<6x!tpu.dma_semaphore, #tpu.memory_space<semaphore_mem>> -> memref<1x!tpu.dma_semaphore, #tpu.memory_space<semaphore_mem>>
      %dma_start3A_884 = tpu.memref_squeeze %dma_start3A_883 : memref<1x!tpu.dma_semaphore, #tpu.memory_space<semaphore_mem>> -> memref<!tpu.dma_semaphore, #tpu.memory_space<semaphore_mem>>
      tpu.enqueue_indirect_dma source(%dma_start3A_882 : memref<10000x64xf32, #tpu.memory_space<hbm>>) target(%dma_start3A_878 : memref<128x64xf32, #tpu.memory_space<vmem>>) offsets(%dma_start3A_879 : memref<128xi32, #tpu.memory_space<vmem>>) semaphore(%dma_start3A_884 : memref<!tpu.dma_semaphore, #tpu.memory_space<semaphore_mem>>)
      %add3A_885 = arith.constant 5 : i32
      %add3A_886 = arith.addi %mul3A_522, %add3A_885 : i32
      %mul3A_887 = arith.constant 128 : i32
      %mul3A_888 = arith.muli %add3A_886, %mul3A_887 : i32
      %dma_wait3A_889 = arith.constant 5 : i32
      %dma_wait3A_890 = arith.constant 5 : i32
      %dma_wait3A_891 = arith.constant 0 : i32
      %dma_wait3A_892 = arith.constant 0 : i32
      %dma_wait3A_893 = tpu.memref_slice %arg8[%dma_wait3A_889, %dma_wait3A_891, %dma_wait3A_892] : memref<6x128x64xf32, #tpu.memory_space<vmem>> -> memref<1x128x64xf32, #tpu.memory_space<vmem>>
      %dma_wait3A_894 = tpu.memref_squeeze %dma_wait3A_893 : memref<1x128x64xf32, #tpu.memory_space<vmem>> -> memref<128x64xf32, #tpu.memory_space<vmem>>
      %dma_wait3A_895 = tpu.memref_slice %arg7[%mul3A_888] : memref<10000xi32, #tpu.memory_space<vmem>> -> memref<128xi32, #tpu.memory_space<vmem>>
      %dma_wait3A_896 = arith.constant 0 : i32
      %dma_wait3A_897 = arith.constant 0 : i32
      %dma_wait3A_898 = tpu.memref_slice %arg9[%dma_wait3A_896, %dma_wait3A_897] : memref<10112x64xf32, #tpu.memory_space<vmem_shared>> -> memref<10112x64xf32, #tpu.memory_space<vmem_shared>>
      %dma_wait3A_899 = tpu.memref_slice %arg11[%dma_wait3A_890] : memref<6x!tpu.dma_semaphore, #tpu.memory_space<semaphore_mem>> -> memref<1x!tpu.dma_semaphore, #tpu.memory_space<semaphore_mem>>
      %dma_wait3A_900 = tpu.memref_squeeze %dma_wait3A_899 : memref<1x!tpu.dma_semaphore, #tpu.memory_space<semaphore_mem>> -> memref<!tpu.dma_semaphore, #tpu.memory_space<semaphore_mem>>
      tpu.wait_indirect_dma semaphore(%dma_wait3A_900 : memref<!tpu.dma_semaphore, #tpu.memory_space<semaphore_mem>>) src(%dma_wait3A_894 : memref<128x64xf32, #tpu.memory_space<vmem>>) dst(%dma_wait3A_898 : memref<10112x64xf32, #tpu.memory_space<vmem_shared>>)
      %add3A_901 = arith.constant 6 : i32
      %add3A_902 = arith.addi %mul3A_522, %add3A_901 : i32
      %add3A_903 = arith.constant 5 : i32
      %add3A_904 = arith.addi %add3A_902, %add3A_903 : i32
      %mul3A_905 = arith.constant 128 : i32
      %mul3A_906 = arith.muli %add3A_904, %mul3A_905 : i32
      %dma_start3A_907 = arith.constant 5 : i32
      %dma_start3A_908 = arith.constant 5 : i32
      %dma_start3A_909 = arith.constant 0 : i32
      %dma_start3A_910 = arith.constant 0 : i32
      %dma_start3A_911 = tpu.memref_slice %arg8[%dma_start3A_907, %dma_start3A_909, %dma_start3A_910] : memref<6x128x64xf32, #tpu.memory_space<vmem>> -> memref<1x128x64xf32, #tpu.memory_space<vmem>>
      %dma_start3A_912 = tpu.memref_squeeze %dma_start3A_911 : memref<1x128x64xf32, #tpu.memory_space<vmem>> -> memref<128x64xf32, #tpu.memory_space<vmem>>
      %dma_start3A_913 = tpu.memref_slice %arg6[%mul3A_906] : memref<10000xi32, #tpu.memory_space<vmem>> -> memref<128xi32, #tpu.memory_space<vmem>>
      %dma_start3A_914 = arith.constant 0 : i32
      %dma_start3A_915 = arith.constant 0 : i32
      %dma_start3A_916 = tpu.memref_slice %arg2[%dma_start3A_914, %dma_start3A_915] : memref<10000x64xf32, #tpu.memory_space<hbm>> -> memref<10000x64xf32, #tpu.memory_space<hbm>>
      %dma_start3A_917 = tpu.memref_slice %arg10[%dma_start3A_908] : memref<6x!tpu.dma_semaphore, #tpu.memory_space<semaphore_mem>> -> memref<1x!tpu.dma_semaphore, #tpu.memory_space<semaphore_mem>>
      %dma_start3A_918 = tpu.memref_squeeze %dma_start3A_917 : memref<1x!tpu.dma_semaphore, #tpu.memory_space<semaphore_mem>> -> memref<!tpu.dma_semaphore, #tpu.memory_space<semaphore_mem>>
      tpu.enqueue_indirect_dma source(%dma_start3A_916 : memref<10000x64xf32, #tpu.memory_space<hbm>>) target(%dma_start3A_912 : memref<128x64xf32, #tpu.memory_space<vmem>>) offsets(%dma_start3A_913 : memref<128xi32, #tpu.memory_space<vmem>>) semaphore(%dma_start3A_918 : memref<!tpu.dma_semaphore, #tpu.memory_space<semaphore_mem>>)
    }
    %scan3A_272 = arith.constant 12 : i32
    %dma_wait3A_273 = arith.constant 0 : i32
    %dma_wait3A_274 = arith.constant 0 : i32
    %dma_wait3A_275 = arith.constant 0 : i32
    %dma_wait3A_276 = arith.constant 0 : i32
    %dma_wait3A_277 = tpu.memref_slice %arg8[%dma_wait3A_273, %dma_wait3A_275, %dma_wait3A_276] : memref<6x128x64xf32, #tpu.memory_space<vmem>> -> memref<1x128x64xf32, #tpu.memory_space<vmem>>
    %dma_wait3A_278 = tpu.memref_squeeze %dma_wait3A_277 : memref<1x128x64xf32, #tpu.memory_space<vmem>> -> memref<128x64xf32, #tpu.memory_space<vmem>>
    %dma_wait3A_279 = arith.constant 9216 : i32
    %dma_wait3A_280 = tpu.memref_slice %arg6[%dma_wait3A_279] : memref<10000xi32, #tpu.memory_space<vmem>> -> memref<128xi32, #tpu.memory_space<vmem>>
    %dma_wait3A_281 = arith.constant 0 : i32
    %dma_wait3A_282 = arith.constant 0 : i32
    %dma_wait3A_283 = tpu.memref_slice %arg2[%dma_wait3A_281, %dma_wait3A_282] : memref<10000x64xf32, #tpu.memory_space<hbm>> -> memref<10000x64xf32, #tpu.memory_space<hbm>>
    %dma_wait3A_284 = tpu.memref_slice %arg10[%dma_wait3A_274] : memref<6x!tpu.dma_semaphore, #tpu.memory_space<semaphore_mem>> -> memref<1x!tpu.dma_semaphore, #tpu.memory_space<semaphore_mem>>
    %dma_wait3A_285 = tpu.memref_squeeze %dma_wait3A_284 : memref<1x!tpu.dma_semaphore, #tpu.memory_space<semaphore_mem>> -> memref<!tpu.dma_semaphore, #tpu.memory_space<semaphore_mem>>
    tpu.wait_indirect_dma semaphore(%dma_wait3A_285 : memref<!tpu.dma_semaphore, #tpu.memory_space<semaphore_mem>>) src(%dma_wait3A_283 : memref<10000x64xf32, #tpu.memory_space<hbm>>) dst(%dma_wait3A_278 : memref<128x64xf32, #tpu.memory_space<vmem>>)
    %dma_start3A_286 = arith.constant 0 : i32
    %dma_start3A_287 = arith.constant 0 : i32
    %dma_start3A_288 = arith.constant 0 : i32
    %dma_start3A_289 = arith.constant 0 : i32
    %dma_start3A_290 = tpu.memref_slice %arg8[%dma_start3A_286, %dma_start3A_288, %dma_start3A_289] : memref<6x128x64xf32, #tpu.memory_space<vmem>> -> memref<1x128x64xf32, #tpu.memory_space<vmem>>
    %dma_start3A_291 = tpu.memref_squeeze %dma_start3A_290 : memref<1x128x64xf32, #tpu.memory_space<vmem>> -> memref<128x64xf32, #tpu.memory_space<vmem>>
    %dma_start3A_292 = arith.constant 9216 : i32
    %dma_start3A_293 = tpu.memref_slice %arg7[%dma_start3A_292] : memref<10000xi32, #tpu.memory_space<vmem>> -> memref<128xi32, #tpu.memory_space<vmem>>
    %dma_start3A_294 = arith.constant 0 : i32
    %dma_start3A_295 = arith.constant 0 : i32
    %dma_start3A_296 = tpu.memref_slice %arg9[%dma_start3A_294, %dma_start3A_295] : memref<10112x64xf32, #tpu.memory_space<vmem_shared>> -> memref<10112x64xf32, #tpu.memory_space<vmem_shared>>
    %dma_start3A_297 = tpu.memref_slice %arg11[%dma_start3A_287] : memref<6x!tpu.dma_semaphore, #tpu.memory_space<semaphore_mem>> -> memref<1x!tpu.dma_semaphore, #tpu.memory_space<semaphore_mem>>
    %dma_start3A_298 = tpu.memref_squeeze %dma_start3A_297 : memref<1x!tpu.dma_semaphore, #tpu.memory_space<semaphore_mem>> -> memref<!tpu.dma_semaphore, #tpu.memory_space<semaphore_mem>>
    tpu.enqueue_indirect_dma source(%dma_start3A_291 : memref<128x64xf32, #tpu.memory_space<vmem>>) target(%dma_start3A_296 : memref<10112x64xf32, #tpu.memory_space<vmem_shared>>) offsets(%dma_start3A_293 : memref<128xi32, #tpu.memory_space<vmem>>) semaphore(%dma_start3A_298 : memref<!tpu.dma_semaphore, #tpu.memory_space<semaphore_mem>>) {add = true}
    %dma_wait3A_299 = arith.constant 1 : i32
    %dma_wait3A_300 = arith.constant 1 : i32
    %dma_wait3A_301 = arith.constant 0 : i32
    %dma_wait3A_302 = arith.constant 0 : i32
    %dma_wait3A_303 = tpu.memref_slice %arg8[%dma_wait3A_299, %dma_wait3A_301, %dma_wait3A_302] : memref<6x128x64xf32, #tpu.memory_space<vmem>> -> memref<1x128x64xf32, #tpu.memory_space<vmem>>
    %dma_wait3A_304 = tpu.memref_squeeze %dma_wait3A_303 : memref<1x128x64xf32, #tpu.memory_space<vmem>> -> memref<128x64xf32, #tpu.memory_space<vmem>>
    %dma_wait3A_305 = arith.constant 9344 : i32
    %dma_wait3A_306 = tpu.memref_slice %arg6[%dma_wait3A_305] : memref<10000xi32, #tpu.memory_space<vmem>> -> memref<128xi32, #tpu.memory_space<vmem>>
    %dma_wait3A_307 = arith.constant 0 : i32
    %dma_wait3A_308 = arith.constant 0 : i32
    %dma_wait3A_309 = tpu.memref_slice %arg2[%dma_wait3A_307, %dma_wait3A_308] : memref<10000x64xf32, #tpu.memory_space<hbm>> -> memref<10000x64xf32, #tpu.memory_space<hbm>>
    %dma_wait3A_310 = tpu.memref_slice %arg10[%dma_wait3A_300] : memref<6x!tpu.dma_semaphore, #tpu.memory_space<semaphore_mem>> -> memref<1x!tpu.dma_semaphore, #tpu.memory_space<semaphore_mem>>
    %dma_wait3A_311 = tpu.memref_squeeze %dma_wait3A_310 : memref<1x!tpu.dma_semaphore, #tpu.memory_space<semaphore_mem>> -> memref<!tpu.dma_semaphore, #tpu.memory_space<semaphore_mem>>
    tpu.wait_indirect_dma semaphore(%dma_wait3A_311 : memref<!tpu.dma_semaphore, #tpu.memory_space<semaphore_mem>>) src(%dma_wait3A_309 : memref<10000x64xf32, #tpu.memory_space<hbm>>) dst(%dma_wait3A_304 : memref<128x64xf32, #tpu.memory_space<vmem>>)
    %dma_start3A_312 = arith.constant 1 : i32
    %dma_start3A_313 = arith.constant 1 : i32
    %dma_start3A_314 = arith.constant 0 : i32
    %dma_start3A_315 = arith.constant 0 : i32
    %dma_start3A_316 = tpu.memref_slice %arg8[%dma_start3A_312, %dma_start3A_314, %dma_start3A_315] : memref<6x128x64xf32, #tpu.memory_space<vmem>> -> memref<1x128x64xf32, #tpu.memory_space<vmem>>
    %dma_start3A_317 = tpu.memref_squeeze %dma_start3A_316 : memref<1x128x64xf32, #tpu.memory_space<vmem>> -> memref<128x64xf32, #tpu.memory_space<vmem>>
    %dma_start3A_318 = arith.constant 9344 : i32
    %dma_start3A_319 = tpu.memref_slice %arg7[%dma_start3A_318] : memref<10000xi32, #tpu.memory_space<vmem>> -> memref<128xi32, #tpu.memory_space<vmem>>
    %dma_start3A_320 = arith.constant 0 : i32
    %dma_start3A_321 = arith.constant 0 : i32
    %dma_start3A_322 = tpu.memref_slice %arg9[%dma_start3A_320, %dma_start3A_321] : memref<10112x64xf32, #tpu.memory_space<vmem_shared>> -> memref<10112x64xf32, #tpu.memory_space<vmem_shared>>
    %dma_start3A_323 = tpu.memref_slice %arg11[%dma_start3A_313] : memref<6x!tpu.dma_semaphore, #tpu.memory_space<semaphore_mem>> -> memref<1x!tpu.dma_semaphore, #tpu.memory_space<semaphore_mem>>
    %dma_start3A_324 = tpu.memref_squeeze %dma_start3A_323 : memref<1x!tpu.dma_semaphore, #tpu.memory_space<semaphore_mem>> -> memref<!tpu.dma_semaphore, #tpu.memory_space<semaphore_mem>>
    tpu.enqueue_indirect_dma source(%dma_start3A_317 : memref<128x64xf32, #tpu.memory_space<vmem>>) target(%dma_start3A_322 : memref<10112x64xf32, #tpu.memory_space<vmem_shared>>) offsets(%dma_start3A_319 : memref<128xi32, #tpu.memory_space<vmem>>) semaphore(%dma_start3A_324 : memref<!tpu.dma_semaphore, #tpu.memory_space<semaphore_mem>>) {add = true}
    %dma_wait3A_325 = arith.constant 2 : i32
    %dma_wait3A_326 = arith.constant 2 : i32
    %dma_wait3A_327 = arith.constant 0 : i32
    %dma_wait3A_328 = arith.constant 0 : i32
    %dma_wait3A_329 = tpu.memref_slice %arg8[%dma_wait3A_325, %dma_wait3A_327, %dma_wait3A_328] : memref<6x128x64xf32, #tpu.memory_space<vmem>> -> memref<1x128x64xf32, #tpu.memory_space<vmem>>
    %dma_wait3A_330 = tpu.memref_squeeze %dma_wait3A_329 : memref<1x128x64xf32, #tpu.memory_space<vmem>> -> memref<128x64xf32, #tpu.memory_space<vmem>>
    %dma_wait3A_331 = arith.constant 9472 : i32
    %dma_wait3A_332 = tpu.memref_slice %arg6[%dma_wait3A_331] : memref<10000xi32, #tpu.memory_space<vmem>> -> memref<128xi32, #tpu.memory_space<vmem>>
    %dma_wait3A_333 = arith.constant 0 : i32
    %dma_wait3A_334 = arith.constant 0 : i32
    %dma_wait3A_335 = tpu.memref_slice %arg2[%dma_wait3A_333, %dma_wait3A_334] : memref<10000x64xf32, #tpu.memory_space<hbm>> -> memref<10000x64xf32, #tpu.memory_space<hbm>>
    %dma_wait3A_336 = tpu.memref_slice %arg10[%dma_wait3A_326] : memref<6x!tpu.dma_semaphore, #tpu.memory_space<semaphore_mem>> -> memref<1x!tpu.dma_semaphore, #tpu.memory_space<semaphore_mem>>
    %dma_wait3A_337 = tpu.memref_squeeze %dma_wait3A_336 : memref<1x!tpu.dma_semaphore, #tpu.memory_space<semaphore_mem>> -> memref<!tpu.dma_semaphore, #tpu.memory_space<semaphore_mem>>
    tpu.wait_indirect_dma semaphore(%dma_wait3A_337 : memref<!tpu.dma_semaphore, #tpu.memory_space<semaphore_mem>>) src(%dma_wait3A_335 : memref<10000x64xf32, #tpu.memory_space<hbm>>) dst(%dma_wait3A_330 : memref<128x64xf32, #tpu.memory_space<vmem>>)
    %dma_start3A_338 = arith.constant 2 : i32
    %dma_start3A_339 = arith.constant 2 : i32
    %dma_start3A_340 = arith.constant 0 : i32
    %dma_start3A_341 = arith.constant 0 : i32
    %dma_start3A_342 = tpu.memref_slice %arg8[%dma_start3A_338, %dma_start3A_340, %dma_start3A_341] : memref<6x128x64xf32, #tpu.memory_space<vmem>> -> memref<1x128x64xf32, #tpu.memory_space<vmem>>
    %dma_start3A_343 = tpu.memref_squeeze %dma_start3A_342 : memref<1x128x64xf32, #tpu.memory_space<vmem>> -> memref<128x64xf32, #tpu.memory_space<vmem>>
    %dma_start3A_344 = arith.constant 9472 : i32
    %dma_start3A_345 = tpu.memref_slice %arg7[%dma_start3A_344] : memref<10000xi32, #tpu.memory_space<vmem>> -> memref<128xi32, #tpu.memory_space<vmem>>
    %dma_start3A_346 = arith.constant 0 : i32
    %dma_start3A_347 = arith.constant 0 : i32
    %dma_start3A_348 = tpu.memref_slice %arg9[%dma_start3A_346, %dma_start3A_347] : memref<10112x64xf32, #tpu.memory_space<vmem_shared>> -> memref<10112x64xf32, #tpu.memory_space<vmem_shared>>
    %dma_start3A_349 = tpu.memref_slice %arg11[%dma_start3A_339] : memref<6x!tpu.dma_semaphore, #tpu.memory_space<semaphore_mem>> -> memref<1x!tpu.dma_semaphore, #tpu.memory_space<semaphore_mem>>
    %dma_start3A_350 = tpu.memref_squeeze %dma_start3A_349 : memref<1x!tpu.dma_semaphore, #tpu.memory_space<semaphore_mem>> -> memref<!tpu.dma_semaphore, #tpu.memory_space<semaphore_mem>>
    tpu.enqueue_indirect_dma source(%dma_start3A_343 : memref<128x64xf32, #tpu.memory_space<vmem>>) target(%dma_start3A_348 : memref<10112x64xf32, #tpu.memory_space<vmem_shared>>) offsets(%dma_start3A_345 : memref<128xi32, #tpu.memory_space<vmem>>) semaphore(%dma_start3A_350 : memref<!tpu.dma_semaphore, #tpu.memory_space<semaphore_mem>>) {add = true}
    %dma_wait3A_351 = arith.constant 3 : i32
    %dma_wait3A_352 = arith.constant 3 : i32
    %dma_wait3A_353 = arith.constant 0 : i32
    %dma_wait3A_354 = arith.constant 0 : i32
    %dma_wait3A_355 = tpu.memref_slice %arg8[%dma_wait3A_351, %dma_wait3A_353, %dma_wait3A_354] : memref<6x128x64xf32, #tpu.memory_space<vmem>> -> memref<1x128x64xf32, #tpu.memory_space<vmem>>
    %dma_wait3A_356 = tpu.memref_squeeze %dma_wait3A_355 : memref<1x128x64xf32, #tpu.memory_space<vmem>> -> memref<128x64xf32, #tpu.memory_space<vmem>>
    %dma_wait3A_357 = arith.constant 9600 : i32
    %dma_wait3A_358 = tpu.memref_slice %arg6[%dma_wait3A_357] : memref<10000xi32, #tpu.memory_space<vmem>> -> memref<128xi32, #tpu.memory_space<vmem>>
    %dma_wait3A_359 = arith.constant 0 : i32
    %dma_wait3A_360 = arith.constant 0 : i32
    %dma_wait3A_361 = tpu.memref_slice %arg2[%dma_wait3A_359, %dma_wait3A_360] : memref<10000x64xf32, #tpu.memory_space<hbm>> -> memref<10000x64xf32, #tpu.memory_space<hbm>>
    %dma_wait3A_362 = tpu.memref_slice %arg10[%dma_wait3A_352] : memref<6x!tpu.dma_semaphore, #tpu.memory_space<semaphore_mem>> -> memref<1x!tpu.dma_semaphore, #tpu.memory_space<semaphore_mem>>
    %dma_wait3A_363 = tpu.memref_squeeze %dma_wait3A_362 : memref<1x!tpu.dma_semaphore, #tpu.memory_space<semaphore_mem>> -> memref<!tpu.dma_semaphore, #tpu.memory_space<semaphore_mem>>
    tpu.wait_indirect_dma semaphore(%dma_wait3A_363 : memref<!tpu.dma_semaphore, #tpu.memory_space<semaphore_mem>>) src(%dma_wait3A_361 : memref<10000x64xf32, #tpu.memory_space<hbm>>) dst(%dma_wait3A_356 : memref<128x64xf32, #tpu.memory_space<vmem>>)
    %dma_start3A_364 = arith.constant 3 : i32
    %dma_start3A_365 = arith.constant 3 : i32
    %dma_start3A_366 = arith.constant 0 : i32
    %dma_start3A_367 = arith.constant 0 : i32
    %dma_start3A_368 = tpu.memref_slice %arg8[%dma_start3A_364, %dma_start3A_366, %dma_start3A_367] : memref<6x128x64xf32, #tpu.memory_space<vmem>> -> memref<1x128x64xf32, #tpu.memory_space<vmem>>
    %dma_start3A_369 = tpu.memref_squeeze %dma_start3A_368 : memref<1x128x64xf32, #tpu.memory_space<vmem>> -> memref<128x64xf32, #tpu.memory_space<vmem>>
    %dma_start3A_370 = arith.constant 9600 : i32
    %dma_start3A_371 = tpu.memref_slice %arg7[%dma_start3A_370] : memref<10000xi32, #tpu.memory_space<vmem>> -> memref<128xi32, #tpu.memory_space<vmem>>
    %dma_start3A_372 = arith.constant 0 : i32
    %dma_start3A_373 = arith.constant 0 : i32
    %dma_start3A_374 = tpu.memref_slice %arg9[%dma_start3A_372, %dma_start3A_373] : memref<10112x64xf32, #tpu.memory_space<vmem_shared>> -> memref<10112x64xf32, #tpu.memory_space<vmem_shared>>
    %dma_start3A_375 = tpu.memref_slice %arg11[%dma_start3A_365] : memref<6x!tpu.dma_semaphore, #tpu.memory_space<semaphore_mem>> -> memref<1x!tpu.dma_semaphore, #tpu.memory_space<semaphore_mem>>
    %dma_start3A_376 = tpu.memref_squeeze %dma_start3A_375 : memref<1x!tpu.dma_semaphore, #tpu.memory_space<semaphore_mem>> -> memref<!tpu.dma_semaphore, #tpu.memory_space<semaphore_mem>>
    tpu.enqueue_indirect_dma source(%dma_start3A_369 : memref<128x64xf32, #tpu.memory_space<vmem>>) target(%dma_start3A_374 : memref<10112x64xf32, #tpu.memory_space<vmem_shared>>) offsets(%dma_start3A_371 : memref<128xi32, #tpu.memory_space<vmem>>) semaphore(%dma_start3A_376 : memref<!tpu.dma_semaphore, #tpu.memory_space<semaphore_mem>>) {add = true}
    %dma_wait3A_377 = arith.constant 4 : i32
    %dma_wait3A_378 = arith.constant 4 : i32
    %dma_wait3A_379 = arith.constant 0 : i32
    %dma_wait3A_380 = arith.constant 0 : i32
    %dma_wait3A_381 = tpu.memref_slice %arg8[%dma_wait3A_377, %dma_wait3A_379, %dma_wait3A_380] : memref<6x128x64xf32, #tpu.memory_space<vmem>> -> memref<1x128x64xf32, #tpu.memory_space<vmem>>
    %dma_wait3A_382 = tpu.memref_squeeze %dma_wait3A_381 : memref<1x128x64xf32, #tpu.memory_space<vmem>> -> memref<128x64xf32, #tpu.memory_space<vmem>>
    %dma_wait3A_383 = arith.constant 9728 : i32
    %dma_wait3A_384 = tpu.memref_slice %arg6[%dma_wait3A_383] : memref<10000xi32, #tpu.memory_space<vmem>> -> memref<128xi32, #tpu.memory_space<vmem>>
    %dma_wait3A_385 = arith.constant 0 : i32
    %dma_wait3A_386 = arith.constant 0 : i32
    %dma_wait3A_387 = tpu.memref_slice %arg2[%dma_wait3A_385, %dma_wait3A_386] : memref<10000x64xf32, #tpu.memory_space<hbm>> -> memref<10000x64xf32, #tpu.memory_space<hbm>>
    %dma_wait3A_388 = tpu.memref_slice %arg10[%dma_wait3A_378] : memref<6x!tpu.dma_semaphore, #tpu.memory_space<semaphore_mem>> -> memref<1x!tpu.dma_semaphore, #tpu.memory_space<semaphore_mem>>
    %dma_wait3A_389 = tpu.memref_squeeze %dma_wait3A_388 : memref<1x!tpu.dma_semaphore, #tpu.memory_space<semaphore_mem>> -> memref<!tpu.dma_semaphore, #tpu.memory_space<semaphore_mem>>
    tpu.wait_indirect_dma semaphore(%dma_wait3A_389 : memref<!tpu.dma_semaphore, #tpu.memory_space<semaphore_mem>>) src(%dma_wait3A_387 : memref<10000x64xf32, #tpu.memory_space<hbm>>) dst(%dma_wait3A_382 : memref<128x64xf32, #tpu.memory_space<vmem>>)
    %dma_start3A_390 = arith.constant 4 : i32
    %dma_start3A_391 = arith.constant 4 : i32
    %dma_start3A_392 = arith.constant 0 : i32
    %dma_start3A_393 = arith.constant 0 : i32
    %dma_start3A_394 = tpu.memref_slice %arg8[%dma_start3A_390, %dma_start3A_392, %dma_start3A_393] : memref<6x128x64xf32, #tpu.memory_space<vmem>> -> memref<1x128x64xf32, #tpu.memory_space<vmem>>
    %dma_start3A_395 = tpu.memref_squeeze %dma_start3A_394 : memref<1x128x64xf32, #tpu.memory_space<vmem>> -> memref<128x64xf32, #tpu.memory_space<vmem>>
    %dma_start3A_396 = arith.constant 9728 : i32
    %dma_start3A_397 = tpu.memref_slice %arg7[%dma_start3A_396] : memref<10000xi32, #tpu.memory_space<vmem>> -> memref<128xi32, #tpu.memory_space<vmem>>
    %dma_start3A_398 = arith.constant 0 : i32
    %dma_start3A_399 = arith.constant 0 : i32
    %dma_start3A_400 = tpu.memref_slice %arg9[%dma_start3A_398, %dma_start3A_399] : memref<10112x64xf32, #tpu.memory_space<vmem_shared>> -> memref<10112x64xf32, #tpu.memory_space<vmem_shared>>
    %dma_start3A_401 = tpu.memref_slice %arg11[%dma_start3A_391] : memref<6x!tpu.dma_semaphore, #tpu.memory_space<semaphore_mem>> -> memref<1x!tpu.dma_semaphore, #tpu.memory_space<semaphore_mem>>
    %dma_start3A_402 = tpu.memref_squeeze %dma_start3A_401 : memref<1x!tpu.dma_semaphore, #tpu.memory_space<semaphore_mem>> -> memref<!tpu.dma_semaphore, #tpu.memory_space<semaphore_mem>>
    tpu.enqueue_indirect_dma source(%dma_start3A_395 : memref<128x64xf32, #tpu.memory_space<vmem>>) target(%dma_start3A_400 : memref<10112x64xf32, #tpu.memory_space<vmem_shared>>) offsets(%dma_start3A_397 : memref<128xi32, #tpu.memory_space<vmem>>) semaphore(%dma_start3A_402 : memref<!tpu.dma_semaphore, #tpu.memory_space<semaphore_mem>>) {add = true}
    %dma_wait3A_403 = arith.constant 5 : i32
    %dma_wait3A_404 = arith.constant 5 : i32
    %dma_wait3A_405 = arith.constant 0 : i32
    %dma_wait3A_406 = arith.constant 0 : i32
    %dma_wait3A_407 = tpu.memref_slice %arg8[%dma_wait3A_403, %dma_wait3A_405, %dma_wait3A_406] : memref<6x128x64xf32, #tpu.memory_space<vmem>> -> memref<1x128x64xf32, #tpu.memory_space<vmem>>
    %dma_wait3A_408 = tpu.memref_squeeze %dma_wait3A_407 : memref<1x128x64xf32, #tpu.memory_space<vmem>> -> memref<128x64xf32, #tpu.memory_space<vmem>>
    %dma_wait3A_409 = arith.constant 9856 : i32
    %dma_wait3A_410 = tpu.memref_slice %arg6[%dma_wait3A_409] : memref<10000xi32, #tpu.memory_space<vmem>> -> memref<128xi32, #tpu.memory_space<vmem>>
    %dma_wait3A_411 = arith.constant 0 : i32
    %dma_wait3A_412 = arith.constant 0 : i32
    %dma_wait3A_413 = tpu.memref_slice %arg2[%dma_wait3A_411, %dma_wait3A_412] : memref<10000x64xf32, #tpu.memory_space<hbm>> -> memref<10000x64xf32, #tpu.memory_space<hbm>>
    %dma_wait3A_414 = tpu.memref_slice %arg10[%dma_wait3A_404] : memref<6x!tpu.dma_semaphore, #tpu.memory_space<semaphore_mem>> -> memref<1x!tpu.dma_semaphore, #tpu.memory_space<semaphore_mem>>
    %dma_wait3A_415 = tpu.memref_squeeze %dma_wait3A_414 : memref<1x!tpu.dma_semaphore, #tpu.memory_space<semaphore_mem>> -> memref<!tpu.dma_semaphore, #tpu.memory_space<semaphore_mem>>
    tpu.wait_indirect_dma semaphore(%dma_wait3A_415 : memref<!tpu.dma_semaphore, #tpu.memory_space<semaphore_mem>>) src(%dma_wait3A_413 : memref<10000x64xf32, #tpu.memory_space<hbm>>) dst(%dma_wait3A_408 : memref<128x64xf32, #tpu.memory_space<vmem>>)
    %dma_start3A_416 = arith.constant 5 : i32
    %dma_start3A_417 = arith.constant 5 : i32
    %dma_start3A_418 = arith.constant 0 : i32
    %dma_start3A_419 = arith.constant 0 : i32
    %dma_start3A_420 = tpu.memref_slice %arg8[%dma_start3A_416, %dma_start3A_418, %dma_start3A_419] : memref<6x128x64xf32, #tpu.memory_space<vmem>> -> memref<1x128x64xf32, #tpu.memory_space<vmem>>
    %dma_start3A_421 = tpu.memref_squeeze %dma_start3A_420 : memref<1x128x64xf32, #tpu.memory_space<vmem>> -> memref<128x64xf32, #tpu.memory_space<vmem>>
    %dma_start3A_422 = arith.constant 9856 : i32
    %dma_start3A_423 = tpu.memref_slice %arg7[%dma_start3A_422] : memref<10000xi32, #tpu.memory_space<vmem>> -> memref<128xi32, #tpu.memory_space<vmem>>
    %dma_start3A_424 = arith.constant 0 : i32
    %dma_start3A_425 = arith.constant 0 : i32
    %dma_start3A_426 = tpu.memref_slice %arg9[%dma_start3A_424, %dma_start3A_425] : memref<10112x64xf32, #tpu.memory_space<vmem_shared>> -> memref<10112x64xf32, #tpu.memory_space<vmem_shared>>
    %dma_start3A_427 = tpu.memref_slice %arg11[%dma_start3A_417] : memref<6x!tpu.dma_semaphore, #tpu.memory_space<semaphore_mem>> -> memref<1x!tpu.dma_semaphore, #tpu.memory_space<semaphore_mem>>
    %dma_start3A_428 = tpu.memref_squeeze %dma_start3A_427 : memref<1x!tpu.dma_semaphore, #tpu.memory_space<semaphore_mem>> -> memref<!tpu.dma_semaphore, #tpu.memory_space<semaphore_mem>>
    tpu.enqueue_indirect_dma source(%dma_start3A_421 : memref<128x64xf32, #tpu.memory_space<vmem>>) target(%dma_start3A_426 : memref<10112x64xf32, #tpu.memory_space<vmem_shared>>) offsets(%dma_start3A_423 : memref<128xi32, #tpu.memory_space<vmem>>) semaphore(%dma_start3A_428 : memref<!tpu.dma_semaphore, #tpu.memory_space<semaphore_mem>>) {add = true}
    %dma_wait3A_429 = arith.constant 0 : i32
    %dma_wait3A_430 = arith.constant 0 : i32
    %dma_wait3A_431 = arith.constant 0 : i32
    %dma_wait3A_432 = arith.constant 0 : i32
    %dma_wait3A_433 = tpu.memref_slice %arg8[%dma_wait3A_429, %dma_wait3A_431, %dma_wait3A_432] : memref<6x128x64xf32, #tpu.memory_space<vmem>> -> memref<1x128x64xf32, #tpu.memory_space<vmem>>
    %dma_wait3A_434 = tpu.memref_squeeze %dma_wait3A_433 : memref<1x128x64xf32, #tpu.memory_space<vmem>> -> memref<128x64xf32, #tpu.memory_space<vmem>>
    %dma_wait3A_435 = arith.constant 9216 : i32
    %dma_wait3A_436 = tpu.memref_slice %arg7[%dma_wait3A_435] : memref<10000xi32, #tpu.memory_space<vmem>> -> memref<128xi32, #tpu.memory_space<vmem>>
    %dma_wait3A_437 = arith.constant 0 : i32
    %dma_wait3A_438 = arith.constant 0 : i32
    %dma_wait3A_439 = tpu.memref_slice %arg9[%dma_wait3A_437, %dma_wait3A_438] : memref<10112x64xf32, #tpu.memory_space<vmem_shared>> -> memref<10112x64xf32, #tpu.memory_space<vmem_shared>>
    %dma_wait3A_440 = tpu.memref_slice %arg11[%dma_wait3A_430] : memref<6x!tpu.dma_semaphore, #tpu.memory_space<semaphore_mem>> -> memref<1x!tpu.dma_semaphore, #tpu.memory_space<semaphore_mem>>
    %dma_wait3A_441 = tpu.memref_squeeze %dma_wait3A_440 : memref<1x!tpu.dma_semaphore, #tpu.memory_space<semaphore_mem>> -> memref<!tpu.dma_semaphore, #tpu.memory_space<semaphore_mem>>
    tpu.wait_indirect_dma semaphore(%dma_wait3A_441 : memref<!tpu.dma_semaphore, #tpu.memory_space<semaphore_mem>>) src(%dma_wait3A_434 : memref<128x64xf32, #tpu.memory_space<vmem>>) dst(%dma_wait3A_439 : memref<10112x64xf32, #tpu.memory_space<vmem_shared>>)
    %dma_wait3A_442 = arith.constant 1 : i32
    %dma_wait3A_443 = arith.constant 1 : i32
    %dma_wait3A_444 = arith.constant 0 : i32
    %dma_wait3A_445 = arith.constant 0 : i32
    %dma_wait3A_446 = tpu.memref_slice %arg8[%dma_wait3A_442, %dma_wait3A_444, %dma_wait3A_445] : memref<6x128x64xf32, #tpu.memory_space<vmem>> -> memref<1x128x64xf32, #tpu.memory_space<vmem>>
    %dma_wait3A_447 = tpu.memref_squeeze %dma_wait3A_446 : memref<1x128x64xf32, #tpu.memory_space<vmem>> -> memref<128x64xf32, #tpu.memory_space<vmem>>
    %dma_wait3A_448 = arith.constant 9344 : i32
    %dma_wait3A_449 = tpu.memref_slice %arg7[%dma_wait3A_448] : memref<10000xi32, #tpu.memory_space<vmem>> -> memref<128xi32, #tpu.memory_space<vmem>>
    %dma_wait3A_450 = arith.constant 0 : i32
    %dma_wait3A_451 = arith.constant 0 : i32
    %dma_wait3A_452 = tpu.memref_slice %arg9[%dma_wait3A_450, %dma_wait3A_451] : memref<10112x64xf32, #tpu.memory_space<vmem_shared>> -> memref<10112x64xf32, #tpu.memory_space<vmem_shared>>
    %dma_wait3A_453 = tpu.memref_slice %arg11[%dma_wait3A_443] : memref<6x!tpu.dma_semaphore, #tpu.memory_space<semaphore_mem>> -> memref<1x!tpu.dma_semaphore, #tpu.memory_space<semaphore_mem>>
    %dma_wait3A_454 = tpu.memref_squeeze %dma_wait3A_453 : memref<1x!tpu.dma_semaphore, #tpu.memory_space<semaphore_mem>> -> memref<!tpu.dma_semaphore, #tpu.memory_space<semaphore_mem>>
    tpu.wait_indirect_dma semaphore(%dma_wait3A_454 : memref<!tpu.dma_semaphore, #tpu.memory_space<semaphore_mem>>) src(%dma_wait3A_447 : memref<128x64xf32, #tpu.memory_space<vmem>>) dst(%dma_wait3A_452 : memref<10112x64xf32, #tpu.memory_space<vmem_shared>>)
    %dma_wait3A_455 = arith.constant 2 : i32
    %dma_wait3A_456 = arith.constant 2 : i32
    %dma_wait3A_457 = arith.constant 0 : i32
    %dma_wait3A_458 = arith.constant 0 : i32
    %dma_wait3A_459 = tpu.memref_slice %arg8[%dma_wait3A_455, %dma_wait3A_457, %dma_wait3A_458] : memref<6x128x64xf32, #tpu.memory_space<vmem>> -> memref<1x128x64xf32, #tpu.memory_space<vmem>>
    %dma_wait3A_460 = tpu.memref_squeeze %dma_wait3A_459 : memref<1x128x64xf32, #tpu.memory_space<vmem>> -> memref<128x64xf32, #tpu.memory_space<vmem>>
    %dma_wait3A_461 = arith.constant 9472 : i32
    %dma_wait3A_462 = tpu.memref_slice %arg7[%dma_wait3A_461] : memref<10000xi32, #tpu.memory_space<vmem>> -> memref<128xi32, #tpu.memory_space<vmem>>
    %dma_wait3A_463 = arith.constant 0 : i32
    %dma_wait3A_464 = arith.constant 0 : i32
    %dma_wait3A_465 = tpu.memref_slice %arg9[%dma_wait3A_463, %dma_wait3A_464] : memref<10112x64xf32, #tpu.memory_space<vmem_shared>> -> memref<10112x64xf32, #tpu.memory_space<vmem_shared>>
    %dma_wait3A_466 = tpu.memref_slice %arg11[%dma_wait3A_456] : memref<6x!tpu.dma_semaphore, #tpu.memory_space<semaphore_mem>> -> memref<1x!tpu.dma_semaphore, #tpu.memory_space<semaphore_mem>>
    %dma_wait3A_467 = tpu.memref_squeeze %dma_wait3A_466 : memref<1x!tpu.dma_semaphore, #tpu.memory_space<semaphore_mem>> -> memref<!tpu.dma_semaphore, #tpu.memory_space<semaphore_mem>>
    tpu.wait_indirect_dma semaphore(%dma_wait3A_467 : memref<!tpu.dma_semaphore, #tpu.memory_space<semaphore_mem>>) src(%dma_wait3A_460 : memref<128x64xf32, #tpu.memory_space<vmem>>) dst(%dma_wait3A_465 : memref<10112x64xf32, #tpu.memory_space<vmem_shared>>)
    %dma_wait3A_468 = arith.constant 3 : i32
    %dma_wait3A_469 = arith.constant 3 : i32
    %dma_wait3A_470 = arith.constant 0 : i32
    %dma_wait3A_471 = arith.constant 0 : i32
    %dma_wait3A_472 = tpu.memref_slice %arg8[%dma_wait3A_468, %dma_wait3A_470, %dma_wait3A_471] : memref<6x128x64xf32, #tpu.memory_space<vmem>> -> memref<1x128x64xf32, #tpu.memory_space<vmem>>
    %dma_wait3A_473 = tpu.memref_squeeze %dma_wait3A_472 : memref<1x128x64xf32, #tpu.memory_space<vmem>> -> memref<128x64xf32, #tpu.memory_space<vmem>>
    %dma_wait3A_474 = arith.constant 9600 : i32
    %dma_wait3A_475 = tpu.memref_slice %arg7[%dma_wait3A_474] : memref<10000xi32, #tpu.memory_space<vmem>> -> memref<128xi32, #tpu.memory_space<vmem>>
    %dma_wait3A_476 = arith.constant 0 : i32
    %dma_wait3A_477 = arith.constant 0 : i32
    %dma_wait3A_478 = tpu.memref_slice %arg9[%dma_wait3A_476, %dma_wait3A_477] : memref<10112x64xf32, #tpu.memory_space<vmem_shared>> -> memref<10112x64xf32, #tpu.memory_space<vmem_shared>>
    %dma_wait3A_479 = tpu.memref_slice %arg11[%dma_wait3A_469] : memref<6x!tpu.dma_semaphore, #tpu.memory_space<semaphore_mem>> -> memref<1x!tpu.dma_semaphore, #tpu.memory_space<semaphore_mem>>
    %dma_wait3A_480 = tpu.memref_squeeze %dma_wait3A_479 : memref<1x!tpu.dma_semaphore, #tpu.memory_space<semaphore_mem>> -> memref<!tpu.dma_semaphore, #tpu.memory_space<semaphore_mem>>
    tpu.wait_indirect_dma semaphore(%dma_wait3A_480 : memref<!tpu.dma_semaphore, #tpu.memory_space<semaphore_mem>>) src(%dma_wait3A_473 : memref<128x64xf32, #tpu.memory_space<vmem>>) dst(%dma_wait3A_478 : memref<10112x64xf32, #tpu.memory_space<vmem_shared>>)
    %dma_wait3A_481 = arith.constant 4 : i32
    %dma_wait3A_482 = arith.constant 4 : i32
    %dma_wait3A_483 = arith.constant 0 : i32
    %dma_wait3A_484 = arith.constant 0 : i32
    %dma_wait3A_485 = tpu.memref_slice %arg8[%dma_wait3A_481, %dma_wait3A_483, %dma_wait3A_484] : memref<6x128x64xf32, #tpu.memory_space<vmem>> -> memref<1x128x64xf32, #tpu.memory_space<vmem>>
    %dma_wait3A_486 = tpu.memref_squeeze %dma_wait3A_485 : memref<1x128x64xf32, #tpu.memory_space<vmem>> -> memref<128x64xf32, #tpu.memory_space<vmem>>
    %dma_wait3A_487 = arith.constant 9728 : i32
    %dma_wait3A_488 = tpu.memref_slice %arg7[%dma_wait3A_487] : memref<10000xi32, #tpu.memory_space<vmem>> -> memref<128xi32, #tpu.memory_space<vmem>>
    %dma_wait3A_489 = arith.constant 0 : i32
    %dma_wait3A_490 = arith.constant 0 : i32
    %dma_wait3A_491 = tpu.memref_slice %arg9[%dma_wait3A_489, %dma_wait3A_490] : memref<10112x64xf32, #tpu.memory_space<vmem_shared>> -> memref<10112x64xf32, #tpu.memory_space<vmem_shared>>
    %dma_wait3A_492 = tpu.memref_slice %arg11[%dma_wait3A_482] : memref<6x!tpu.dma_semaphore, #tpu.memory_space<semaphore_mem>> -> memref<1x!tpu.dma_semaphore, #tpu.memory_space<semaphore_mem>>
    %dma_wait3A_493 = tpu.memref_squeeze %dma_wait3A_492 : memref<1x!tpu.dma_semaphore, #tpu.memory_space<semaphore_mem>> -> memref<!tpu.dma_semaphore, #tpu.memory_space<semaphore_mem>>
    tpu.wait_indirect_dma semaphore(%dma_wait3A_493 : memref<!tpu.dma_semaphore, #tpu.memory_space<semaphore_mem>>) src(%dma_wait3A_486 : memref<128x64xf32, #tpu.memory_space<vmem>>) dst(%dma_wait3A_491 : memref<10112x64xf32, #tpu.memory_space<vmem_shared>>)
    %dma_wait3A_494 = arith.constant 5 : i32
    %dma_wait3A_495 = arith.constant 5 : i32
    %dma_wait3A_496 = arith.constant 0 : i32
    %dma_wait3A_497 = arith.constant 0 : i32
    %dma_wait3A_498 = tpu.memref_slice %arg8[%dma_wait3A_494, %dma_wait3A_496, %dma_wait3A_497] : memref<6x128x64xf32, #tpu.memory_space<vmem>> -> memref<1x128x64xf32, #tpu.memory_space<vmem>>
    %dma_wait3A_499 = tpu.memref_squeeze %dma_wait3A_498 : memref<1x128x64xf32, #tpu.memory_space<vmem>> -> memref<128x64xf32, #tpu.memory_space<vmem>>
    %dma_wait3A_500 = arith.constant 9856 : i32
    %dma_wait3A_501 = tpu.memref_slice %arg7[%dma_wait3A_500] : memref<10000xi32, #tpu.memory_space<vmem>> -> memref<128xi32, #tpu.memory_space<vmem>>
    %dma_wait3A_502 = arith.constant 0 : i32
    %dma_wait3A_503 = arith.constant 0 : i32
    %dma_wait3A_504 = tpu.memref_slice %arg9[%dma_wait3A_502, %dma_wait3A_503] : memref<10112x64xf32, #tpu.memory_space<vmem_shared>> -> memref<10112x64xf32, #tpu.memory_space<vmem_shared>>
    %dma_wait3A_505 = tpu.memref_slice %arg11[%dma_wait3A_495] : memref<6x!tpu.dma_semaphore, #tpu.memory_space<semaphore_mem>> -> memref<1x!tpu.dma_semaphore, #tpu.memory_space<semaphore_mem>>
    %dma_wait3A_506 = tpu.memref_squeeze %dma_wait3A_505 : memref<1x!tpu.dma_semaphore, #tpu.memory_space<semaphore_mem>> -> memref<!tpu.dma_semaphore, #tpu.memory_space<semaphore_mem>>
    tpu.wait_indirect_dma semaphore(%dma_wait3A_506 : memref<!tpu.dma_semaphore, #tpu.memory_space<semaphore_mem>>) src(%dma_wait3A_499 : memref<128x64xf32, #tpu.memory_space<vmem>>) dst(%dma_wait3A_504 : memref<10112x64xf32, #tpu.memory_space<vmem_shared>>)
    %run_scoped3A = arith.constant 0 : i32
    "tpu.region"() ({
      %run_scoped3A_516 = tpu.sem_alloc : memref<!tpu.dma_semaphore, #tpu.memory_space<semaphore_mem>>
      %dma_start3A_517 = arith.constant 0 : i32
      %dma_start3A_518 = arith.constant 0 : i32
      %dma_start3A_519 = tpu.memref_slice %arg8[%run_scoped3A, %dma_start3A_517, %dma_start3A_518] : memref<6x128x64xf32, #tpu.memory_space<vmem>> -> memref<1x16x64xf32, #tpu.memory_space<vmem>>
      %dma_start3A_520 = tpu.memref_squeeze %dma_start3A_519 : memref<1x16x64xf32, #tpu.memory_space<vmem>> -> memref<16x64xf32, #tpu.memory_space<vmem>>
      %dma_start3A_521 = arith.constant 9984 : i32
      %dma_start3A_522 = tpu.memref_slice %arg6[%dma_start3A_521] : memref<10000xi32, #tpu.memory_space<vmem>> -> memref<16xi32, #tpu.memory_space<vmem>>
      %dma_start3A_523 = arith.constant 0 : i32
      %dma_start3A_524 = arith.constant 0 : i32
      %dma_start3A_525 = tpu.memref_slice %arg2[%dma_start3A_523, %dma_start3A_524] : memref<10000x64xf32, #tpu.memory_space<hbm>> -> memref<10000x64xf32, #tpu.memory_space<hbm>>
      tpu.enqueue_indirect_dma source(%dma_start3A_525 : memref<10000x64xf32, #tpu.memory_space<hbm>>) target(%dma_start3A_520 : memref<16x64xf32, #tpu.memory_space<vmem>>) offsets(%dma_start3A_522 : memref<16xi32, #tpu.memory_space<vmem>>) semaphore(%run_scoped3A_516 : memref<!tpu.dma_semaphore, #tpu.memory_space<semaphore_mem>>)
      %dma_wait3A_526 = arith.constant 0 : i32
      %dma_wait3A_527 = arith.constant 0 : i32
      %dma_wait3A_528 = tpu.memref_slice %arg8[%run_scoped3A, %dma_wait3A_526, %dma_wait3A_527] : memref<6x128x64xf32, #tpu.memory_space<vmem>> -> memref<1x16x64xf32, #tpu.memory_space<vmem>>
      %dma_wait3A_529 = tpu.memref_squeeze %dma_wait3A_528 : memref<1x16x64xf32, #tpu.memory_space<vmem>> -> memref<16x64xf32, #tpu.memory_space<vmem>>
      %dma_wait3A_530 = arith.constant 9984 : i32
      %dma_wait3A_531 = tpu.memref_slice %arg6[%dma_wait3A_530] : memref<10000xi32, #tpu.memory_space<vmem>> -> memref<16xi32, #tpu.memory_space<vmem>>
      %dma_wait3A_532 = arith.constant 0 : i32
      %dma_wait3A_533 = arith.constant 0 : i32
      %dma_wait3A_534 = tpu.memref_slice %arg2[%dma_wait3A_532, %dma_wait3A_533] : memref<10000x64xf32, #tpu.memory_space<hbm>> -> memref<10000x64xf32, #tpu.memory_space<hbm>>
      tpu.wait_indirect_dma semaphore(%run_scoped3A_516 : memref<!tpu.dma_semaphore, #tpu.memory_space<semaphore_mem>>) src(%dma_wait3A_534 : memref<10000x64xf32, #tpu.memory_space<hbm>>) dst(%dma_wait3A_529 : memref<16x64xf32, #tpu.memory_space<vmem>>)
      tpu.yield
    }) : () -> ()
    %run_scoped3A_507 = arith.constant 0 : i32
    "tpu.region"() ({
      %run_scoped3A_516 = tpu.sem_alloc : memref<!tpu.dma_semaphore, #tpu.memory_space<semaphore_mem>>
      %dma_start3A_517 = arith.constant 0 : i32
      %dma_start3A_518 = arith.constant 0 : i32
      %dma_start3A_519 = tpu.memref_slice %arg8[%run_scoped3A_507, %dma_start3A_517, %dma_start3A_518] : memref<6x128x64xf32, #tpu.memory_space<vmem>> -> memref<1x16x64xf32, #tpu.memory_space<vmem>>
      %dma_start3A_520 = tpu.memref_squeeze %dma_start3A_519 : memref<1x16x64xf32, #tpu.memory_space<vmem>> -> memref<16x64xf32, #tpu.memory_space<vmem>>
      %dma_start3A_521 = arith.constant 9984 : i32
      %dma_start3A_522 = tpu.memref_slice %arg7[%dma_start3A_521] : memref<10000xi32, #tpu.memory_space<vmem>> -> memref<16xi32, #tpu.memory_space<vmem>>
      %dma_start3A_523 = arith.constant 0 : i32
      %dma_start3A_524 = arith.constant 0 : i32
      %dma_start3A_525 = tpu.memref_slice %arg9[%dma_start3A_523, %dma_start3A_524] : memref<10112x64xf32, #tpu.memory_space<vmem_shared>> -> memref<10112x64xf32, #tpu.memory_space<vmem_shared>>
      tpu.enqueue_indirect_dma source(%dma_start3A_520 : memref<16x64xf32, #tpu.memory_space<vmem>>) target(%dma_start3A_525 : memref<10112x64xf32, #tpu.memory_space<vmem_shared>>) offsets(%dma_start3A_522 : memref<16xi32, #tpu.memory_space<vmem>>) semaphore(%run_scoped3A_516 : memref<!tpu.dma_semaphore, #tpu.memory_space<semaphore_mem>>) {add = true}
      %dma_wait3A_526 = arith.constant 0 : i32
      %dma_wait3A_527 = arith.constant 0 : i32
      %dma_wait3A_528 = tpu.memref_slice %arg8[%run_scoped3A_507, %dma_wait3A_526, %dma_wait3A_527] : memref<6x128x64xf32, #tpu.memory_space<vmem>> -> memref<1x16x64xf32, #tpu.memory_space<vmem>>
      %dma_wait3A_529 = tpu.memref_squeeze %dma_wait3A_528 : memref<1x16x64xf32, #tpu.memory_space<vmem>> -> memref<16x64xf32, #tpu.memory_space<vmem>>
      %dma_wait3A_530 = arith.constant 9984 : i32
      %dma_wait3A_531 = tpu.memref_slice %arg7[%dma_wait3A_530] : memref<10000xi32, #tpu.memory_space<vmem>> -> memref<16xi32, #tpu.memory_space<vmem>>
      %dma_wait3A_532 = arith.constant 0 : i32
      %dma_wait3A_533 = arith.constant 0 : i32
      %dma_wait3A_534 = tpu.memref_slice %arg9[%dma_wait3A_532, %dma_wait3A_533] : memref<10112x64xf32, #tpu.memory_space<vmem_shared>> -> memref<10112x64xf32, #tpu.memory_space<vmem_shared>>
      tpu.wait_indirect_dma semaphore(%run_scoped3A_516 : memref<!tpu.dma_semaphore, #tpu.memory_space<semaphore_mem>>) src(%dma_wait3A_529 : memref<16x64xf32, #tpu.memory_space<vmem>>) dst(%dma_wait3A_534 : memref<10112x64xf32, #tpu.memory_space<vmem_shared>>)
      tpu.yield
    }) : () -> ()
    %barrier3A_508 = arith.constant 0 : index
    tpu.barrier barrier_id(%barrier3A_508)
    %eq3A = arith.constant 0 : i32
    %eq3A_509 = arith.cmpi eq, %arg0, %eq3A : i32
    %convert_element_type3A = arith.extui %eq3A_509 : i1 to i32
    %cond3A = arith.constant 0 : i32
    %cond3A_510 = arith.cmpi ne, %convert_element_type3A, %cond3A : i32
    scf.if %cond3A_510 {
      %mul3A_516 = arith.constant 632 : i32
      %mul3A_517 = arith.muli %arg1, %mul3A_516 : i32
      %mul3A_518 = arith.constant 632 : i32
      %mul3A_519 = arith.muli %arg1, %mul3A_518 : i32
      "tpu.region"() ({
        %run_scoped3A_520 = tpu.sem_alloc : memref<!tpu.dma_semaphore, #tpu.memory_space<semaphore_mem>>
        %dma_start3A_521 = arith.constant 0 : i32
        %dma_start3A_522 = tpu.memref_slice %arg4[%mul3A_519, %dma_start3A_521] : memref<10112x64xf32, #tpu.memory_space<hbm>> -> memref<632x64xf32, #tpu.memory_space<hbm>>
        %dma_start3A_523 = arith.constant 0 : i32
        %dma_start3A_524 = tpu.memref_slice %arg9[%mul3A_517, %dma_start3A_523] : memref<10112x64xf32, #tpu.memory_space<vmem_shared>> -> memref<632x64xf32, #tpu.memory_space<vmem_shared>>
        tpu.enqueue_dma source(%dma_start3A_524 : memref<632x64xf32, #tpu.memory_space<vmem_shared>>) target(%dma_start3A_522 : memref<632x64xf32, #tpu.memory_space<hbm>>) target_semaphore(%run_scoped3A_520 : memref<!tpu.dma_semaphore, #tpu.memory_space<semaphore_mem>>)
        %dma_wait3A_525 = arith.constant 0 : i32
        %dma_wait3A_526 = tpu.memref_slice %arg4[%mul3A_519, %dma_wait3A_525] : memref<10112x64xf32, #tpu.memory_space<hbm>> -> memref<632x64xf32, #tpu.memory_space<hbm>>
        %dma_wait3A_527 = arith.constant 0 : i32
        %dma_wait3A_528 = tpu.memref_slice %arg9[%mul3A_517, %dma_wait3A_527] : memref<10112x64xf32, #tpu.memory_space<vmem_shared>> -> memref<632x64xf32, #tpu.memory_space<vmem_shared>>
        tpu.wait_dma2 semaphore(%run_scoped3A_520 : memref<!tpu.dma_semaphore, #tpu.memory_space<semaphore_mem>>) src(%dma_wait3A_528 : memref<632x64xf32, #tpu.memory_space<vmem_shared>>) dst(%dma_wait3A_526 : memref<632x64xf32, #tpu.memory_space<hbm>>)
        tpu.yield
      }) : () -> ()
    } else {
    }
    %eq3A_511 = arith.constant 1 : i32
    %eq3A_512 = arith.cmpi eq, %arg0, %eq3A_511 : i32
    %convert_element_type3A_513 = arith.extui %eq3A_512 : i1 to i32
    %cond3A_514 = arith.constant 0 : i32
    %cond3A_515 = arith.cmpi ne, %convert_element_type3A_513, %cond3A_514 : i32
    scf.if %cond3A_515 {
      %mul3A_516 = arith.constant 632 : i32
      %mul3A_517 = arith.muli %arg1, %mul3A_516 : i32
      %mul3A_518 = arith.constant 632 : i32
      %mul3A_519 = arith.muli %arg1, %mul3A_518 : i32
      "tpu.region"() ({
        %run_scoped3A_520 = tpu.sem_alloc : memref<!tpu.dma_semaphore, #tpu.memory_space<semaphore_mem>>
        %dma_start3A_521 = arith.constant 0 : i32
        %dma_start3A_522 = tpu.memref_slice %arg5[%mul3A_519, %dma_start3A_521] : memref<10112x64xf32, #tpu.memory_space<hbm>> -> memref<632x64xf32, #tpu.memory_space<hbm>>
        %dma_start3A_523 = arith.constant 0 : i32
        %dma_start3A_524 = tpu.memref_slice %arg9[%mul3A_517, %dma_start3A_523] : memref<10112x64xf32, #tpu.memory_space<vmem_shared>> -> memref<632x64xf32, #tpu.memory_space<vmem_shared>>
        tpu.enqueue_dma source(%dma_start3A_524 : memref<632x64xf32, #tpu.memory_space<vmem_shared>>) target(%dma_start3A_522 : memref<632x64xf32, #tpu.memory_space<hbm>>) target_semaphore(%run_scoped3A_520 : memref<!tpu.dma_semaphore, #tpu.memory_space<semaphore_mem>>)
        %dma_wait3A_525 = arith.constant 0 : i32
        %dma_wait3A_526 = tpu.memref_slice %arg5[%mul3A_519, %dma_wait3A_525] : memref<10112x64xf32, #tpu.memory_space<hbm>> -> memref<632x64xf32, #tpu.memory_space<hbm>>
        %dma_wait3A_527 = arith.constant 0 : i32
        %dma_wait3A_528 = tpu.memref_slice %arg9[%mul3A_517, %dma_wait3A_527] : memref<10112x64xf32, #tpu.memory_space<vmem_shared>> -> memref<632x64xf32, #tpu.memory_space<vmem_shared>>
        tpu.wait_dma2 semaphore(%run_scoped3A_520 : memref<!tpu.dma_semaphore, #tpu.memory_space<semaphore_mem>>) src(%dma_wait3A_528 : memref<632x64xf32, #tpu.memory_space<vmem_shared>>) dst(%dma_wait3A_526 : memref<632x64xf32, #tpu.memory_space<hbm>>)
        tpu.yield
      }) : () -> ()
    } else {
    }
    return
  }
}

#map = affine_map<(d0, d1) -> (0, 0)>
module attributes {stable_mosaic.version = 14 : i64} {
  func.func @_sc_agg_body(%arg0: i32, %arg1: i32, %arg2: memref<10000x64xf32, #tpu.memory_space<hbm>>, %arg3: memref<2x320000xi32, #tpu.memory_space<hbm>>, %arg4: memref<10112x64xf32, #tpu.memory_space<hbm>>, %arg5: memref<10112x64xf32, #tpu.memory_space<hbm>>, %arg6: memref<10000xi32, #tpu.memory_space<vmem>>, %arg7: memref<10000xi32, #tpu.memory_space<vmem>>, %arg8: memref<6x128x64xf32, #tpu.memory_space<vmem>>, %arg9: memref<10112x64xf32, #tpu.memory_space<vmem_shared>>, %arg10: memref<6x!tpu.dma_semaphore, #tpu.memory_space<semaphore_mem>>, %arg11: memref<6x!tpu.dma_semaphore, #tpu.memory_space<semaphore_mem>>, %arg12: memref<!tpu.dma_semaphore, #tpu.memory_space<semaphore_mem>>) attributes {dimension_semantics = [#tpu.dimension_semantics<core_parallel>, #tpu.dimension_semantics<subcore_parallel>], iteration_bounds = array<i64: 2, 16>, scalar_prefetch = 0 : i64, scratch_operands = 7 : i64, tpu.core_type = #tpu.core_type<sc_vector_subcore>, window_params = [{transform_indices = #map}, {transform_indices = #map}, {transform_indices = #map}, {transform_indices = #map}]} {
    %mul3A = arith.constant 16 : i32
    %mul3A_0 = arith.muli %arg0, %mul3A : i32
    %add3A = arith.addi %mul3A_0, %arg1 : i32
    %mul3A_1 = arith.constant 10000 : i32
    %mul3A_2 = arith.muli %add3A, %mul3A_1 : i32
    %dma_start3A = arith.constant 0 : i32
    %dma_start3A_3 = arith.constant 0 : i32
    %dma_start3A_4 = tpu.memref_slice %arg3[%dma_start3A, %mul3A_2] : memref<2x320000xi32, #tpu.memory_space<hbm>> -> memref<1x10000xi32, #tpu.memory_space<hbm>>
    %dma_start3A_5 = tpu.memref_squeeze %dma_start3A_4 : memref<1x10000xi32, #tpu.memory_space<hbm>> -> memref<10000xi32, #tpu.memory_space<hbm>>
    %dma_start3A_6 = tpu.memref_slice %arg10[%dma_start3A_3] : memref<6x!tpu.dma_semaphore, #tpu.memory_space<semaphore_mem>> -> memref<1x!tpu.dma_semaphore, #tpu.memory_space<semaphore_mem>>
    %dma_start3A_7 = tpu.memref_squeeze %dma_start3A_6 : memref<1x!tpu.dma_semaphore, #tpu.memory_space<semaphore_mem>> -> memref<!tpu.dma_semaphore, #tpu.memory_space<semaphore_mem>>
    %dma_start3A_8 = tpu.memref_slice %arg3[%dma_start3A, %mul3A_2] : memref<2x320000xi32, #tpu.memory_space<hbm>> -> memref<1x10000xi32, #tpu.memory_space<hbm>>
    %dma_start3A_9 = tpu.memref_squeeze %dma_start3A_8 : memref<1x10000xi32, #tpu.memory_space<hbm>> -> memref<10000xi32, #tpu.memory_space<hbm>>
    tpu.enqueue_dma source(%dma_start3A_9 : memref<10000xi32, #tpu.memory_space<hbm>>) target(%arg6 : memref<10000xi32, #tpu.memory_space<vmem>>) target_semaphore(%dma_start3A_7 : memref<!tpu.dma_semaphore, #tpu.memory_space<semaphore_mem>>)
    %dma_start3A_10 = arith.constant 1 : i32
    %dma_start3A_11 = arith.constant 1 : i32
    %dma_start3A_12 = tpu.memref_slice %arg3[%dma_start3A_10, %mul3A_2] : memref<2x320000xi32, #tpu.memory_space<hbm>> -> memref<1x10000xi32, #tpu.memory_space<hbm>>
    %dma_start3A_13 = tpu.memref_squeeze %dma_start3A_12 : memref<1x10000xi32, #tpu.memory_space<hbm>> -> memref<10000xi32, #tpu.memory_space<hbm>>
    %dma_start3A_14 = tpu.memref_slice %arg10[%dma_start3A_11] : memref<6x!tpu.dma_semaphore, #tpu.memory_space<semaphore_mem>> -> memref<1x!tpu.dma_semaphore, #tpu.memory_space<semaphore_mem>>
    %dma_start3A_15 = tpu.memref_squeeze %dma_start3A_14 : memref<1x!tpu.dma_semaphore, #tpu.memory_space<semaphore_mem>> -> memref<!tpu.dma_semaphore, #tpu.memory_space<semaphore_mem>>
    %dma_start3A_16 = tpu.memref_slice %arg3[%dma_start3A_10, %mul3A_2] : memref<2x320000xi32, #tpu.memory_space<hbm>> -> memref<1x10000xi32, #tpu.memory_space<hbm>>
    %dma_start3A_17 = tpu.memref_squeeze %dma_start3A_16 : memref<1x10000xi32, #tpu.memory_space<hbm>> -> memref<10000xi32, #tpu.memory_space<hbm>>
    tpu.enqueue_dma source(%dma_start3A_17 : memref<10000xi32, #tpu.memory_space<hbm>>) target(%arg7 : memref<10000xi32, #tpu.memory_space<vmem>>) target_semaphore(%dma_start3A_15 : memref<!tpu.dma_semaphore, #tpu.memory_space<semaphore_mem>>)
    %broadcast_in_dim3A = arith.constant 0.000000e+00 : f32
    %broadcast_in_dim3A_18 = vector.broadcast %broadcast_in_dim3A : f32 to vector<16xf32>
    %scan3A = arith.constant 0 : i32
    %scan3A_19 = arith.constant 128 : i32
    %scan3A_20 = arith.addi %scan3A, %scan3A_19 : i32
    %scan3A_21 = arith.constant 1 : i32
    scf.for %scan3A_516 = %scan3A to %scan3A_20 step %scan3A_21  : i32 {
      %mul3A_517 = arith.constant 1 : i32
      %mul3A_518 = arith.muli %scan3A_516, %mul3A_517 : i32
      %add3A_519 = arith.constant 0 : i32
      %add3A_520 = arith.addi %add3A_519, %mul3A_518 : i32
      %swap3A = arith.constant 0 : i32
      %swap3A_521 = arith.index_cast %swap3A : i32 to index
      %swap3A_522 = arith.index_cast %add3A_520 : i32 to index
      %swap3A_523 = arith.constant 0 : index
      %swap3A_524 = tpu.vector_load %arg8[%swap3A_521, %swap3A_522, %swap3A_523] {strides = array<i32>} : memref<6x128x64xf32, #tpu.memory_space<vmem>>, vector<16xf32>,
      tpu.vector_store %arg8[%swap3A_521, %swap3A_522, %swap3A_523], %broadcast_in_dim3A_18 {strides = array<i32>} : memref<6x128x64xf32, #tpu.memory_space<vmem>>, vector<16xf32>,
      %swap3A_525 = arith.constant 0 : i32
      %swap3A_526 = arith.index_cast %swap3A_525 : i32 to index
      %swap3A_527 = arith.index_cast %add3A_520 : i32 to index
      %swap3A_528 = arith.constant 16 : index
      %swap3A_529 = tpu.vector_load %arg8[%swap3A_526, %swap3A_527, %swap3A_528] {strides = array<i32>} : memref<6x128x64xf32, #tpu.memory_space<vmem>>, vector<16xf32>,
      tpu.vector_store %arg8[%swap3A_526, %swap3A_527, %swap3A_528], %broadcast_in_dim3A_18 {strides = array<i32>} : memref<6x128x64xf32, #tpu.memory_space<vmem>>, vector<16xf32>,
      %swap3A_530 = arith.constant 0 : i32
      %swap3A_531 = arith.index_cast %swap3A_530 : i32 to index
      %swap3A_532 = arith.index_cast %add3A_520 : i32 to index
      %swap3A_533 = arith.constant 32 : index
      %swap3A_534 = tpu.vector_load %arg8[%swap3A_531, %swap3A_532, %swap3A_533] {strides = array<i32>} : memref<6x128x64xf32, #tpu.memory_space<vmem>>, vector<16xf32>,
      tpu.vector_store %arg8[%swap3A_531, %swap3A_532, %swap3A_533], %broadcast_in_dim3A_18 {strides = array<i32>} : memref<6x128x64xf32, #tpu.memory_space<vmem>>, vector<16xf32>,
      %swap3A_535 = arith.constant 0 : i32
      %swap3A_536 = arith.index_cast %swap3A_535 : i32 to index
      %swap3A_537 = arith.index_cast %add3A_520 : i32 to index
      %swap3A_538 = arith.constant 48 : index
      %swap3A_539 = tpu.vector_load %arg8[%swap3A_536, %swap3A_537, %swap3A_538] {strides = array<i32>} : memref<6x128x64xf32, #tpu.memory_space<vmem>>, vector<16xf32>,
      tpu.vector_store %arg8[%swap3A_536, %swap3A_537, %swap3A_538], %broadcast_in_dim3A_18 {strides = array<i32>} : memref<6x128x64xf32, #tpu.memory_space<vmem>>, vector<16xf32>,
    }
    %scan3A_22 = arith.constant 128 : i32
    %mul3A_23 = arith.constant 632 : i32
    %mul3A_24 = arith.muli %arg1, %mul3A_23 : i32
    %add3A_25 = arith.constant 0 : i32
    %add3A_26 = arith.addi %mul3A_24, %add3A_25 : i32
    %dma_start3A_27 = arith.constant 0 : i32
    %dma_start3A_28 = arith.constant 0 : i32
    %dma_start3A_29 = arith.constant 0 : i32
    %dma_start3A_30 = tpu.memref_slice %arg8[%dma_start3A_27, %dma_start3A_28, %dma_start3A_29] : memref<6x128x64xf32, #tpu.memory_space<vmem>> -> memref<1x128x64xf32, #tpu.memory_space<vmem>>
    %dma_start3A_31 = tpu.memref_squeeze %dma_start3A_30 : memref<1x128x64xf32, #tpu.memory_space<vmem>> -> memref<128x64xf32, #tpu.memory_space<vmem>>
    %dma_start3A_32 = arith.constant 0 : i32
    %dma_start3A_33 = tpu.memref_slice %arg9[%add3A_26, %dma_start3A_32] : memref<10112x64xf32, #tpu.memory_space<vmem_shared>> -> memref<128x64xf32, #tpu.memory_space<vmem_shared>>
    %dma_start3A_34 = arith.constant 0 : i32
    %dma_start3A_35 = tpu.memref_slice %arg9[%add3A_26, %dma_start3A_34] : memref<10112x64xf32, #tpu.memory_space<vmem_shared>> -> memref<128x64xf32, #tpu.memory_space<vmem_shared>>
    %dma_start3A_36 = arith.constant 0 : i32
    %dma_start3A_37 = arith.constant 0 : i32
    %dma_start3A_38 = tpu.memref_slice %arg8[%dma_start3A_27, %dma_start3A_36, %dma_start3A_37] : memref<6x128x64xf32, #tpu.memory_space<vmem>> -> memref<1x128x64xf32, #tpu.memory_space<vmem>>
    %dma_start3A_39 = tpu.memref_squeeze %dma_start3A_38 : memref<1x128x64xf32, #tpu.memory_space<vmem>> -> memref<128x64xf32, #tpu.memory_space<vmem>>
    tpu.enqueue_dma source(%dma_start3A_39 : memref<128x64xf32, #tpu.memory_space<vmem>>) target(%dma_start3A_35 : memref<128x64xf32, #tpu.memory_space<vmem_shared>>) target_semaphore(%arg12 : memref<!tpu.dma_semaphore, #tpu.memory_space<semaphore_mem>>)
    %add3A_40 = arith.constant 128 : i32
    %add3A_41 = arith.addi %mul3A_24, %add3A_40 : i32
    %dma_start3A_42 = arith.constant 0 : i32
    %dma_start3A_43 = arith.constant 0 : i32
    %dma_start3A_44 = arith.constant 0 : i32
    %dma_start3A_45 = tpu.memref_slice %arg8[%dma_start3A_42, %dma_start3A_43, %dma_start3A_44] : memref<6x128x64xf32, #tpu.memory_space<vmem>> -> memref<1x128x64xf32, #tpu.memory_space<vmem>>
    %dma_start3A_46 = tpu.memref_squeeze %dma_start3A_45 : memref<1x128x64xf32, #tpu.memory_space<vmem>> -> memref<128x64xf32, #tpu.memory_space<vmem>>
    %dma_start3A_47 = arith.constant 0 : i32
    %dma_start3A_48 = tpu.memref_slice %arg9[%add3A_41, %dma_start3A_47] : memref<10112x64xf32, #tpu.memory_space<vmem_shared>> -> memref<128x64xf32, #tpu.memory_space<vmem_shared>>
    %dma_start3A_49 = arith.constant 0 : i32
    %dma_start3A_50 = tpu.memref_slice %arg9[%add3A_41, %dma_start3A_49] : memref<10112x64xf32, #tpu.memory_space<vmem_shared>> -> memref<128x64xf32, #tpu.memory_space<vmem_shared>>
    %dma_start3A_51 = arith.constant 0 : i32
    %dma_start3A_52 = arith.constant 0 : i32
    %dma_start3A_53 = tpu.memref_slice %arg8[%dma_start3A_42, %dma_start3A_51, %dma_start3A_52] : memref<6x128x64xf32, #tpu.memory_space<vmem>> -> memref<1x128x64xf32, #tpu.memory_space<vmem>>
    %dma_start3A_54 = tpu.memref_squeeze %dma_start3A_53 : memref<1x128x64xf32, #tpu.memory_space<vmem>> -> memref<128x64xf32, #tpu.memory_space<vmem>>
    tpu.enqueue_dma source(%dma_start3A_54 : memref<128x64xf32, #tpu.memory_space<vmem>>) target(%dma_start3A_50 : memref<128x64xf32, #tpu.memory_space<vmem_shared>>) target_semaphore(%arg12 : memref<!tpu.dma_semaphore, #tpu.memory_space<semaphore_mem>>)
    %add3A_55 = arith.constant 256 : i32
    %add3A_56 = arith.addi %mul3A_24, %add3A_55 : i32
    %dma_start3A_57 = arith.constant 0 : i32
    %dma_start3A_58 = arith.constant 0 : i32
    %dma_start3A_59 = arith.constant 0 : i32
    %dma_start3A_60 = tpu.memref_slice %arg8[%dma_start3A_57, %dma_start3A_58, %dma_start3A_59] : memref<6x128x64xf32, #tpu.memory_space<vmem>> -> memref<1x128x64xf32, #tpu.memory_space<vmem>>
    %dma_start3A_61 = tpu.memref_squeeze %dma_start3A_60 : memref<1x128x64xf32, #tpu.memory_space<vmem>> -> memref<128x64xf32, #tpu.memory_space<vmem>>
    %dma_start3A_62 = arith.constant 0 : i32
    %dma_start3A_63 = tpu.memref_slice %arg9[%add3A_56, %dma_start3A_62] : memref<10112x64xf32, #tpu.memory_space<vmem_shared>> -> memref<128x64xf32, #tpu.memory_space<vmem_shared>>
    %dma_start3A_64 = arith.constant 0 : i32
    %dma_start3A_65 = tpu.memref_slice %arg9[%add3A_56, %dma_start3A_64] : memref<10112x64xf32, #tpu.memory_space<vmem_shared>> -> memref<128x64xf32, #tpu.memory_space<vmem_shared>>
    %dma_start3A_66 = arith.constant 0 : i32
    %dma_start3A_67 = arith.constant 0 : i32
    %dma_start3A_68 = tpu.memref_slice %arg8[%dma_start3A_57, %dma_start3A_66, %dma_start3A_67] : memref<6x128x64xf32, #tpu.memory_space<vmem>> -> memref<1x128x64xf32, #tpu.memory_space<vmem>>
    %dma_start3A_69 = tpu.memref_squeeze %dma_start3A_68 : memref<1x128x64xf32, #tpu.memory_space<vmem>> -> memref<128x64xf32, #tpu.memory_space<vmem>>
    tpu.enqueue_dma source(%dma_start3A_69 : memref<128x64xf32, #tpu.memory_space<vmem>>) target(%dma_start3A_65 : memref<128x64xf32, #tpu.memory_space<vmem_shared>>) target_semaphore(%arg12 : memref<!tpu.dma_semaphore, #tpu.memory_space<semaphore_mem>>)
    %add3A_70 = arith.constant 384 : i32
    %add3A_71 = arith.addi %mul3A_24, %add3A_70 : i32
    %dma_start3A_72 = arith.constant 0 : i32
    %dma_start3A_73 = arith.constant 0 : i32
    %dma_start3A_74 = arith.constant 0 : i32
    %dma_start3A_75 = tpu.memref_slice %arg8[%dma_start3A_72, %dma_start3A_73, %dma_start3A_74] : memref<6x128x64xf32, #tpu.memory_space<vmem>> -> memref<1x128x64xf32, #tpu.memory_space<vmem>>
    %dma_start3A_76 = tpu.memref_squeeze %dma_start3A_75 : memref<1x128x64xf32, #tpu.memory_space<vmem>> -> memref<128x64xf32, #tpu.memory_space<vmem>>
    %dma_start3A_77 = arith.constant 0 : i32
    %dma_start3A_78 = tpu.memref_slice %arg9[%add3A_71, %dma_start3A_77] : memref<10112x64xf32, #tpu.memory_space<vmem_shared>> -> memref<128x64xf32, #tpu.memory_space<vmem_shared>>
    %dma_start3A_79 = arith.constant 0 : i32
    %dma_start3A_80 = tpu.memref_slice %arg9[%add3A_71, %dma_start3A_79] : memref<10112x64xf32, #tpu.memory_space<vmem_shared>> -> memref<128x64xf32, #tpu.memory_space<vmem_shared>>
    %dma_start3A_81 = arith.constant 0 : i32
    %dma_start3A_82 = arith.constant 0 : i32
    %dma_start3A_83 = tpu.memref_slice %arg8[%dma_start3A_72, %dma_start3A_81, %dma_start3A_82] : memref<6x128x64xf32, #tpu.memory_space<vmem>> -> memref<1x128x64xf32, #tpu.memory_space<vmem>>
    %dma_start3A_84 = tpu.memref_squeeze %dma_start3A_83 : memref<1x128x64xf32, #tpu.memory_space<vmem>> -> memref<128x64xf32, #tpu.memory_space<vmem>>
    tpu.enqueue_dma source(%dma_start3A_84 : memref<128x64xf32, #tpu.memory_space<vmem>>) target(%dma_start3A_80 : memref<128x64xf32, #tpu.memory_space<vmem_shared>>) target_semaphore(%arg12 : memref<!tpu.dma_semaphore, #tpu.memory_space<semaphore_mem>>)
    %add3A_85 = arith.constant 512 : i32
    %add3A_86 = arith.addi %mul3A_24, %add3A_85 : i32
    %dma_start3A_87 = arith.constant 0 : i32
    %dma_start3A_88 = arith.constant 0 : i32
    %dma_start3A_89 = arith.constant 0 : i32
    %dma_start3A_90 = tpu.memref_slice %arg8[%dma_start3A_87, %dma_start3A_88, %dma_start3A_89] : memref<6x128x64xf32, #tpu.memory_space<vmem>> -> memref<1x120x64xf32, #tpu.memory_space<vmem>>
    %dma_start3A_91 = tpu.memref_squeeze %dma_start3A_90 : memref<1x120x64xf32, #tpu.memory_space<vmem>> -> memref<120x64xf32, #tpu.memory_space<vmem>>
    %dma_start3A_92 = arith.constant 0 : i32
    %dma_start3A_93 = tpu.memref_slice %arg9[%add3A_86, %dma_start3A_92] : memref<10112x64xf32, #tpu.memory_space<vmem_shared>> -> memref<120x64xf32, #tpu.memory_space<vmem_shared>>
    %dma_start3A_94 = arith.constant 0 : i32
    %dma_start3A_95 = tpu.memref_slice %arg9[%add3A_86, %dma_start3A_94] : memref<10112x64xf32, #tpu.memory_space<vmem_shared>> -> memref<120x64xf32, #tpu.memory_space<vmem_shared>>
    %dma_start3A_96 = arith.constant 0 : i32
    %dma_start3A_97 = arith.constant 0 : i32
    %dma_start3A_98 = tpu.memref_slice %arg8[%dma_start3A_87, %dma_start3A_96, %dma_start3A_97] : memref<6x128x64xf32, #tpu.memory_space<vmem>> -> memref<1x120x64xf32, #tpu.memory_space<vmem>>
    %dma_start3A_99 = tpu.memref_squeeze %dma_start3A_98 : memref<1x120x64xf32, #tpu.memory_space<vmem>> -> memref<120x64xf32, #tpu.memory_space<vmem>>
    tpu.enqueue_dma source(%dma_start3A_99 : memref<120x64xf32, #tpu.memory_space<vmem>>) target(%dma_start3A_95 : memref<120x64xf32, #tpu.memory_space<vmem_shared>>) target_semaphore(%arg12 : memref<!tpu.dma_semaphore, #tpu.memory_space<semaphore_mem>>)
    %add3A_100 = arith.constant 0 : i32
    %add3A_101 = arith.addi %mul3A_24, %add3A_100 : i32
    %dma_wait3A = arith.constant 0 : i32
    %dma_wait3A_102 = arith.constant 0 : i32
    %dma_wait3A_103 = arith.constant 0 : i32
    %dma_wait3A_104 = tpu.memref_slice %arg8[%dma_wait3A, %dma_wait3A_102, %dma_wait3A_103] : memref<6x128x64xf32, #tpu.memory_space<vmem>> -> memref<1x128x64xf32, #tpu.memory_space<vmem>>
    %dma_wait3A_105 = tpu.memref_squeeze %dma_wait3A_104 : memref<1x128x64xf32, #tpu.memory_space<vmem>> -> memref<128x64xf32, #tpu.memory_space<vmem>>
    %dma_wait3A_106 = arith.constant 0 : i32
    %dma_wait3A_107 = tpu.memref_slice %arg9[%add3A_101, %dma_wait3A_106] : memref<10112x64xf32, #tpu.memory_space<vmem_shared>> -> memref<128x64xf32, #tpu.memory_space<vmem_shared>>
    %dma_wait3A_108 = arith.constant 0 : i32
    %dma_wait3A_109 = tpu.memref_slice %arg9[%add3A_101, %dma_wait3A_108] : memref<10112x64xf32, #tpu.memory_space<vmem_shared>> -> memref<128x64xf32, #tpu.memory_space<vmem_shared>>
    %dma_wait3A_110 = arith.constant 0 : i32
    %dma_wait3A_111 = arith.constant 0 : i32
    %dma_wait3A_112 = tpu.memref_slice %arg8[%dma_wait3A, %dma_wait3A_110, %dma_wait3A_111] : memref<6x128x64xf32, #tpu.memory_space<vmem>> -> memref<1x128x64xf32, #tpu.memory_space<vmem>>
    %dma_wait3A_113 = tpu.memref_squeeze %dma_wait3A_112 : memref<1x128x64xf32, #tpu.memory_space<vmem>> -> memref<128x64xf32, #tpu.memory_space<vmem>>
    tpu.wait_dma2 semaphore(%arg12 : memref<!tpu.dma_semaphore, #tpu.memory_space<semaphore_mem>>) src(%dma_wait3A_113 : memref<128x64xf32, #tpu.memory_space<vmem>>) dst(%dma_wait3A_109 : memref<128x64xf32, #tpu.memory_space<vmem_shared>>)
    %add3A_114 = arith.constant 128 : i32
    %add3A_115 = arith.addi %mul3A_24, %add3A_114 : i32
    %dma_wait3A_116 = arith.constant 0 : i32
    %dma_wait3A_117 = arith.constant 0 : i32
    %dma_wait3A_118 = arith.constant 0 : i32
    %dma_wait3A_119 = tpu.memref_slice %arg8[%dma_wait3A_116, %dma_wait3A_117, %dma_wait3A_118] : memref<6x128x64xf32, #tpu.memory_space<vmem>> -> memref<1x128x64xf32, #tpu.memory_space<vmem>>
    %dma_wait3A_120 = tpu.memref_squeeze %dma_wait3A_119 : memref<1x128x64xf32, #tpu.memory_space<vmem>> -> memref<128x64xf32, #tpu.memory_space<vmem>>
    %dma_wait3A_121 = arith.constant 0 : i32
    %dma_wait3A_122 = tpu.memref_slice %arg9[%add3A_115, %dma_wait3A_121] : memref<10112x64xf32, #tpu.memory_space<vmem_shared>> -> memref<128x64xf32, #tpu.memory_space<vmem_shared>>
    %dma_wait3A_123 = arith.constant 0 : i32
    %dma_wait3A_124 = tpu.memref_slice %arg9[%add3A_115, %dma_wait3A_123] : memref<10112x64xf32, #tpu.memory_space<vmem_shared>> -> memref<128x64xf32, #tpu.memory_space<vmem_shared>>
    %dma_wait3A_125 = arith.constant 0 : i32
    %dma_wait3A_126 = arith.constant 0 : i32
    %dma_wait3A_127 = tpu.memref_slice %arg8[%dma_wait3A_116, %dma_wait3A_125, %dma_wait3A_126] : memref<6x128x64xf32, #tpu.memory_space<vmem>> -> memref<1x128x64xf32, #tpu.memory_space<vmem>>
    %dma_wait3A_128 = tpu.memref_squeeze %dma_wait3A_127 : memref<1x128x64xf32, #tpu.memory_space<vmem>> -> memref<128x64xf32, #tpu.memory_space<vmem>>
    tpu.wait_dma2 semaphore(%arg12 : memref<!tpu.dma_semaphore, #tpu.memory_space<semaphore_mem>>) src(%dma_wait3A_128 : memref<128x64xf32, #tpu.memory_space<vmem>>) dst(%dma_wait3A_124 : memref<128x64xf32, #tpu.memory_space<vmem_shared>>)
    %add3A_129 = arith.constant 256 : i32
    %add3A_130 = arith.addi %mul3A_24, %add3A_129 : i32
    %dma_wait3A_131 = arith.constant 0 : i32
    %dma_wait3A_132 = arith.constant 0 : i32
    %dma_wait3A_133 = arith.constant 0 : i32
    %dma_wait3A_134 = tpu.memref_slice %arg8[%dma_wait3A_131, %dma_wait3A_132, %dma_wait3A_133] : memref<6x128x64xf32, #tpu.memory_space<vmem>> -> memref<1x128x64xf32, #tpu.memory_space<vmem>>
    %dma_wait3A_135 = tpu.memref_squeeze %dma_wait3A_134 : memref<1x128x64xf32, #tpu.memory_space<vmem>> -> memref<128x64xf32, #tpu.memory_space<vmem>>
    %dma_wait3A_136 = arith.constant 0 : i32
    %dma_wait3A_137 = tpu.memref_slice %arg9[%add3A_130, %dma_wait3A_136] : memref<10112x64xf32, #tpu.memory_space<vmem_shared>> -> memref<128x64xf32, #tpu.memory_space<vmem_shared>>
    %dma_wait3A_138 = arith.constant 0 : i32
    %dma_wait3A_139 = tpu.memref_slice %arg9[%add3A_130, %dma_wait3A_138] : memref<10112x64xf32, #tpu.memory_space<vmem_shared>> -> memref<128x64xf32, #tpu.memory_space<vmem_shared>>
    %dma_wait3A_140 = arith.constant 0 : i32
    %dma_wait3A_141 = arith.constant 0 : i32
    %dma_wait3A_142 = tpu.memref_slice %arg8[%dma_wait3A_131, %dma_wait3A_140, %dma_wait3A_141] : memref<6x128x64xf32, #tpu.memory_space<vmem>> -> memref<1x128x64xf32, #tpu.memory_space<vmem>>
    %dma_wait3A_143 = tpu.memref_squeeze %dma_wait3A_142 : memref<1x128x64xf32, #tpu.memory_space<vmem>> -> memref<128x64xf32, #tpu.memory_space<vmem>>
    tpu.wait_dma2 semaphore(%arg12 : memref<!tpu.dma_semaphore, #tpu.memory_space<semaphore_mem>>) src(%dma_wait3A_143 : memref<128x64xf32, #tpu.memory_space<vmem>>) dst(%dma_wait3A_139 : memref<128x64xf32, #tpu.memory_space<vmem_shared>>)
    %add3A_144 = arith.constant 384 : i32
    %add3A_145 = arith.addi %mul3A_24, %add3A_144 : i32
    %dma_wait3A_146 = arith.constant 0 : i32
    %dma_wait3A_147 = arith.constant 0 : i32
    %dma_wait3A_148 = arith.constant 0 : i32
    %dma_wait3A_149 = tpu.memref_slice %arg8[%dma_wait3A_146, %dma_wait3A_147, %dma_wait3A_148] : memref<6x128x64xf32, #tpu.memory_space<vmem>> -> memref<1x128x64xf32, #tpu.memory_space<vmem>>
    %dma_wait3A_150 = tpu.memref_squeeze %dma_wait3A_149 : memref<1x128x64xf32, #tpu.memory_space<vmem>> -> memref<128x64xf32, #tpu.memory_space<vmem>>
    %dma_wait3A_151 = arith.constant 0 : i32
    %dma_wait3A_152 = tpu.memref_slice %arg9[%add3A_145, %dma_wait3A_151] : memref<10112x64xf32, #tpu.memory_space<vmem_shared>> -> memref<128x64xf32, #tpu.memory_space<vmem_shared>>
    %dma_wait3A_153 = arith.constant 0 : i32
    %dma_wait3A_154 = tpu.memref_slice %arg9[%add3A_145, %dma_wait3A_153] : memref<10112x64xf32, #tpu.memory_space<vmem_shared>> -> memref<128x64xf32, #tpu.memory_space<vmem_shared>>
    %dma_wait3A_155 = arith.constant 0 : i32
    %dma_wait3A_156 = arith.constant 0 : i32
    %dma_wait3A_157 = tpu.memref_slice %arg8[%dma_wait3A_146, %dma_wait3A_155, %dma_wait3A_156] : memref<6x128x64xf32, #tpu.memory_space<vmem>> -> memref<1x128x64xf32, #tpu.memory_space<vmem>>
    %dma_wait3A_158 = tpu.memref_squeeze %dma_wait3A_157 : memref<1x128x64xf32, #tpu.memory_space<vmem>> -> memref<128x64xf32, #tpu.memory_space<vmem>>
    tpu.wait_dma2 semaphore(%arg12 : memref<!tpu.dma_semaphore, #tpu.memory_space<semaphore_mem>>) src(%dma_wait3A_158 : memref<128x64xf32, #tpu.memory_space<vmem>>) dst(%dma_wait3A_154 : memref<128x64xf32, #tpu.memory_space<vmem_shared>>)
    %add3A_159 = arith.constant 512 : i32
    %add3A_160 = arith.addi %mul3A_24, %add3A_159 : i32
    %dma_wait3A_161 = arith.constant 0 : i32
    %dma_wait3A_162 = arith.constant 0 : i32
    %dma_wait3A_163 = arith.constant 0 : i32
    %dma_wait3A_164 = tpu.memref_slice %arg8[%dma_wait3A_161, %dma_wait3A_162, %dma_wait3A_163] : memref<6x128x64xf32, #tpu.memory_space<vmem>> -> memref<1x120x64xf32, #tpu.memory_space<vmem>>
    %dma_wait3A_165 = tpu.memref_squeeze %dma_wait3A_164 : memref<1x120x64xf32, #tpu.memory_space<vmem>> -> memref<120x64xf32, #tpu.memory_space<vmem>>
    %dma_wait3A_166 = arith.constant 0 : i32
    %dma_wait3A_167 = tpu.memref_slice %arg9[%add3A_160, %dma_wait3A_166] : memref<10112x64xf32, #tpu.memory_space<vmem_shared>> -> memref<120x64xf32, #tpu.memory_space<vmem_shared>>
    %dma_wait3A_168 = arith.constant 0 : i32
    %dma_wait3A_169 = tpu.memref_slice %arg9[%add3A_160, %dma_wait3A_168] : memref<10112x64xf32, #tpu.memory_space<vmem_shared>> -> memref<120x64xf32, #tpu.memory_space<vmem_shared>>
    %dma_wait3A_170 = arith.constant 0 : i32
    %dma_wait3A_171 = arith.constant 0 : i32
    %dma_wait3A_172 = tpu.memref_slice %arg8[%dma_wait3A_161, %dma_wait3A_170, %dma_wait3A_171] : memref<6x128x64xf32, #tpu.memory_space<vmem>> -> memref<1x120x64xf32, #tpu.memory_space<vmem>>
    %dma_wait3A_173 = tpu.memref_squeeze %dma_wait3A_172 : memref<1x120x64xf32, #tpu.memory_space<vmem>> -> memref<120x64xf32, #tpu.memory_space<vmem>>
    tpu.wait_dma2 semaphore(%arg12 : memref<!tpu.dma_semaphore, #tpu.memory_space<semaphore_mem>>) src(%dma_wait3A_173 : memref<120x64xf32, #tpu.memory_space<vmem>>) dst(%dma_wait3A_169 : memref<120x64xf32, #tpu.memory_space<vmem_shared>>)
    %dma_wait3A_174 = arith.constant 0 : i32
    %dma_wait3A_175 = arith.constant 0 : i32
    %dma_wait3A_176 = tpu.memref_slice %arg3[%dma_wait3A_174, %mul3A_2] : memref<2x320000xi32, #tpu.memory_space<hbm>> -> memref<1x10000xi32, #tpu.memory_space<hbm>>
    %dma_wait3A_177 = tpu.memref_squeeze %dma_wait3A_176 : memref<1x10000xi32, #tpu.memory_space<hbm>> -> memref<10000xi32, #tpu.memory_space<hbm>>
    %dma_wait3A_178 = tpu.memref_slice %arg10[%dma_wait3A_175] : memref<6x!tpu.dma_semaphore, #tpu.memory_space<semaphore_mem>> -> memref<1x!tpu.dma_semaphore, #tpu.memory_space<semaphore_mem>>
    %dma_wait3A_179 = tpu.memref_squeeze %dma_wait3A_178 : memref<1x!tpu.dma_semaphore, #tpu.memory_space<semaphore_mem>> -> memref<!tpu.dma_semaphore, #tpu.memory_space<semaphore_mem>>
    %dma_wait3A_180 = tpu.memref_slice %arg3[%dma_wait3A_174, %mul3A_2] : memref<2x320000xi32, #tpu.memory_space<hbm>> -> memref<1x10000xi32, #tpu.memory_space<hbm>>
    %dma_wait3A_181 = tpu.memref_squeeze %dma_wait3A_180 : memref<1x10000xi32, #tpu.memory_space<hbm>> -> memref<10000xi32, #tpu.memory_space<hbm>>
    tpu.wait_dma2 semaphore(%dma_wait3A_179 : memref<!tpu.dma_semaphore, #tpu.memory_space<semaphore_mem>>) src(%dma_wait3A_181 : memref<10000xi32, #tpu.memory_space<hbm>>) dst(%arg6 : memref<10000xi32, #tpu.memory_space<vmem>>)
    %dma_wait3A_182 = arith.constant 1 : i32
    %dma_wait3A_183 = arith.constant 1 : i32
    %dma_wait3A_184 = tpu.memref_slice %arg3[%dma_wait3A_182, %mul3A_2] : memref<2x320000xi32, #tpu.memory_space<hbm>> -> memref<1x10000xi32, #tpu.memory_space<hbm>>
    %dma_wait3A_185 = tpu.memref_squeeze %dma_wait3A_184 : memref<1x10000xi32, #tpu.memory_space<hbm>> -> memref<10000xi32, #tpu.memory_space<hbm>>
    %dma_wait3A_186 = tpu.memref_slice %arg10[%dma_wait3A_183] : memref<6x!tpu.dma_semaphore, #tpu.memory_space<semaphore_mem>> -> memref<1x!tpu.dma_semaphore, #tpu.memory_space<semaphore_mem>>
    %dma_wait3A_187 = tpu.memref_squeeze %dma_wait3A_186 : memref<1x!tpu.dma_semaphore, #tpu.memory_space<semaphore_mem>> -> memref<!tpu.dma_semaphore, #tpu.memory_space<semaphore_mem>>
    %dma_wait3A_188 = tpu.memref_slice %arg3[%dma_wait3A_182, %mul3A_2] : memref<2x320000xi32, #tpu.memory_space<hbm>> -> memref<1x10000xi32, #tpu.memory_space<hbm>>
    %dma_wait3A_189 = tpu.memref_squeeze %dma_wait3A_188 : memref<1x10000xi32, #tpu.memory_space<hbm>> -> memref<10000xi32, #tpu.memory_space<hbm>>
    tpu.wait_dma2 semaphore(%dma_wait3A_187 : memref<!tpu.dma_semaphore, #tpu.memory_space<semaphore_mem>>) src(%dma_wait3A_189 : memref<10000xi32, #tpu.memory_space<hbm>>) dst(%arg7 : memref<10000xi32, #tpu.memory_space<vmem>>)
    %barrier3A = arith.constant 0 : index
    tpu.barrier barrier_id(%barrier3A)
    %dma_start3A_190 = arith.constant 0 : i32
    %dma_start3A_191 = arith.constant 0 : i32
    %dma_start3A_192 = arith.constant 0 : i32
    %dma_start3A_193 = arith.constant 0 : i32
    %dma_start3A_194 = tpu.memref_slice %arg8[%dma_start3A_190, %dma_start3A_192, %dma_start3A_193] : memref<6x128x64xf32, #tpu.memory_space<vmem>> -> memref<1x128x64xf32, #tpu.memory_space<vmem>>
    %dma_start3A_195 = tpu.memref_squeeze %dma_start3A_194 : memref<1x128x64xf32, #tpu.memory_space<vmem>> -> memref<128x64xf32, #tpu.memory_space<vmem>>
    %dma_start3A_196 = arith.constant 0 : i32
    %dma_start3A_197 = tpu.memref_slice %arg6[%dma_start3A_196] : memref<10000xi32, #tpu.memory_space<vmem>> -> memref<128xi32, #tpu.memory_space<vmem>>
    %dma_start3A_198 = arith.constant 0 : i32
    %dma_start3A_199 = arith.constant 0 : i32
    %dma_start3A_200 = tpu.memref_slice %arg2[%dma_start3A_198, %dma_start3A_199] : memref<10000x64xf32, #tpu.memory_space<hbm>> -> memref<10000x64xf32, #tpu.memory_space<hbm>>
    %dma_start3A_201 = tpu.memref_slice %arg10[%dma_start3A_191] : memref<6x!tpu.dma_semaphore, #tpu.memory_space<semaphore_mem>> -> memref<1x!tpu.dma_semaphore, #tpu.memory_space<semaphore_mem>>
    %dma_start3A_202 = tpu.memref_squeeze %dma_start3A_201 : memref<1x!tpu.dma_semaphore, #tpu.memory_space<semaphore_mem>> -> memref<!tpu.dma_semaphore, #tpu.memory_space<semaphore_mem>>
    tpu.enqueue_indirect_dma source(%dma_start3A_200 : memref<10000x64xf32, #tpu.memory_space<hbm>>) target(%dma_start3A_195 : memref<128x64xf32, #tpu.memory_space<vmem>>) offsets(%dma_start3A_197 : memref<128xi32, #tpu.memory_space<vmem>>) semaphore(%dma_start3A_202 : memref<!tpu.dma_semaphore, #tpu.memory_space<semaphore_mem>>)
    %dma_start3A_203 = arith.constant 1 : i32
    %dma_start3A_204 = arith.constant 1 : i32
    %dma_start3A_205 = arith.constant 0 : i32
    %dma_start3A_206 = arith.constant 0 : i32
    %dma_start3A_207 = tpu.memref_slice %arg8[%dma_start3A_203, %dma_start3A_205, %dma_start3A_206] : memref<6x128x64xf32, #tpu.memory_space<vmem>> -> memref<1x128x64xf32, #tpu.memory_space<vmem>>
    %dma_start3A_208 = tpu.memref_squeeze %dma_start3A_207 : memref<1x128x64xf32, #tpu.memory_space<vmem>> -> memref<128x64xf32, #tpu.memory_space<vmem>>
    %dma_start3A_209 = arith.constant 128 : i32
    %dma_start3A_210 = tpu.memref_slice %arg6[%dma_start3A_209] : memref<10000xi32, #tpu.memory_space<vmem>> -> memref<128xi32, #tpu.memory_space<vmem>>
    %dma_start3A_211 = arith.constant 0 : i32
    %dma_start3A_212 = arith.constant 0 : i32
    %dma_start3A_213 = tpu.memref_slice %arg2[%dma_start3A_211, %dma_start3A_212] : memref<10000x64xf32, #tpu.memory_space<hbm>> -> memref<10000x64xf32, #tpu.memory_space<hbm>>
    %dma_start3A_214 = tpu.memref_slice %arg10[%dma_start3A_204] : memref<6x!tpu.dma_semaphore, #tpu.memory_space<semaphore_mem>> -> memref<1x!tpu.dma_semaphore, #tpu.memory_space<semaphore_mem>>
    %dma_start3A_215 = tpu.memref_squeeze %dma_start3A_214 : memref<1x!tpu.dma_semaphore, #tpu.memory_space<semaphore_mem>> -> memref<!tpu.dma_semaphore, #tpu.memory_space<semaphore_mem>>
    tpu.enqueue_indirect_dma source(%dma_start3A_213 : memref<10000x64xf32, #tpu.memory_space<hbm>>) target(%dma_start3A_208 : memref<128x64xf32, #tpu.memory_space<vmem>>) offsets(%dma_start3A_210 : memref<128xi32, #tpu.memory_space<vmem>>) semaphore(%dma_start3A_215 : memref<!tpu.dma_semaphore, #tpu.memory_space<semaphore_mem>>)
    %dma_start3A_216 = arith.constant 2 : i32
    %dma_start3A_217 = arith.constant 2 : i32
    %dma_start3A_218 = arith.constant 0 : i32
    %dma_start3A_219 = arith.constant 0 : i32
    %dma_start3A_220 = tpu.memref_slice %arg8[%dma_start3A_216, %dma_start3A_218, %dma_start3A_219] : memref<6x128x64xf32, #tpu.memory_space<vmem>> -> memref<1x128x64xf32, #tpu.memory_space<vmem>>
    %dma_start3A_221 = tpu.memref_squeeze %dma_start3A_220 : memref<1x128x64xf32, #tpu.memory_space<vmem>> -> memref<128x64xf32, #tpu.memory_space<vmem>>
    %dma_start3A_222 = arith.constant 256 : i32
    %dma_start3A_223 = tpu.memref_slice %arg6[%dma_start3A_222] : memref<10000xi32, #tpu.memory_space<vmem>> -> memref<128xi32, #tpu.memory_space<vmem>>
    %dma_start3A_224 = arith.constant 0 : i32
    %dma_start3A_225 = arith.constant 0 : i32
    %dma_start3A_226 = tpu.memref_slice %arg2[%dma_start3A_224, %dma_start3A_225] : memref<10000x64xf32, #tpu.memory_space<hbm>> -> memref<10000x64xf32, #tpu.memory_space<hbm>>
    %dma_start3A_227 = tpu.memref_slice %arg10[%dma_start3A_217] : memref<6x!tpu.dma_semaphore, #tpu.memory_space<semaphore_mem>> -> memref<1x!tpu.dma_semaphore, #tpu.memory_space<semaphore_mem>>
    %dma_start3A_228 = tpu.memref_squeeze %dma_start3A_227 : memref<1x!tpu.dma_semaphore, #tpu.memory_space<semaphore_mem>> -> memref<!tpu.dma_semaphore, #tpu.memory_space<semaphore_mem>>
    tpu.enqueue_indirect_dma source(%dma_start3A_226 : memref<10000x64xf32, #tpu.memory_space<hbm>>) target(%dma_start3A_221 : memref<128x64xf32, #tpu.memory_space<vmem>>) offsets(%dma_start3A_223 : memref<128xi32, #tpu.memory_space<vmem>>) semaphore(%dma_start3A_228 : memref<!tpu.dma_semaphore, #tpu.memory_space<semaphore_mem>>)
    %dma_start3A_229 = arith.constant 3 : i32
    %dma_start3A_230 = arith.constant 3 : i32
    %dma_start3A_231 = arith.constant 0 : i32
    %dma_start3A_232 = arith.constant 0 : i32
    %dma_start3A_233 = tpu.memref_slice %arg8[%dma_start3A_229, %dma_start3A_231, %dma_start3A_232] : memref<6x128x64xf32, #tpu.memory_space<vmem>> -> memref<1x128x64xf32, #tpu.memory_space<vmem>>
    %dma_start3A_234 = tpu.memref_squeeze %dma_start3A_233 : memref<1x128x64xf32, #tpu.memory_space<vmem>> -> memref<128x64xf32, #tpu.memory_space<vmem>>
    %dma_start3A_235 = arith.constant 384 : i32
    %dma_start3A_236 = tpu.memref_slice %arg6[%dma_start3A_235] : memref<10000xi32, #tpu.memory_space<vmem>> -> memref<128xi32, #tpu.memory_space<vmem>>
    %dma_start3A_237 = arith.constant 0 : i32
    %dma_start3A_238 = arith.constant 0 : i32
    %dma_start3A_239 = tpu.memref_slice %arg2[%dma_start3A_237, %dma_start3A_238] : memref<10000x64xf32, #tpu.memory_space<hbm>> -> memref<10000x64xf32, #tpu.memory_space<hbm>>
    %dma_start3A_240 = tpu.memref_slice %arg10[%dma_start3A_230] : memref<6x!tpu.dma_semaphore, #tpu.memory_space<semaphore_mem>> -> memref<1x!tpu.dma_semaphore, #tpu.memory_space<semaphore_mem>>
    %dma_start3A_241 = tpu.memref_squeeze %dma_start3A_240 : memref<1x!tpu.dma_semaphore, #tpu.memory_space<semaphore_mem>> -> memref<!tpu.dma_semaphore, #tpu.memory_space<semaphore_mem>>
    tpu.enqueue_indirect_dma source(%dma_start3A_239 : memref<10000x64xf32, #tpu.memory_space<hbm>>) target(%dma_start3A_234 : memref<128x64xf32, #tpu.memory_space<vmem>>) offsets(%dma_start3A_236 : memref<128xi32, #tpu.memory_space<vmem>>) semaphore(%dma_start3A_241 : memref<!tpu.dma_semaphore, #tpu.memory_space<semaphore_mem>>)
    %dma_start3A_242 = arith.constant 4 : i32
    %dma_start3A_243 = arith.constant 4 : i32
    %dma_start3A_244 = arith.constant 0 : i32
    %dma_start3A_245 = arith.constant 0 : i32
    %dma_start3A_246 = tpu.memref_slice %arg8[%dma_start3A_242, %dma_start3A_244, %dma_start3A_245] : memref<6x128x64xf32, #tpu.memory_space<vmem>> -> memref<1x128x64xf32, #tpu.memory_space<vmem>>
    %dma_start3A_247 = tpu.memref_squeeze %dma_start3A_246 : memref<1x128x64xf32, #tpu.memory_space<vmem>> -> memref<128x64xf32, #tpu.memory_space<vmem>>
    %dma_start3A_248 = arith.constant 512 : i32
    %dma_start3A_249 = tpu.memref_slice %arg6[%dma_start3A_248] : memref<10000xi32, #tpu.memory_space<vmem>> -> memref<128xi32, #tpu.memory_space<vmem>>
    %dma_start3A_250 = arith.constant 0 : i32
    %dma_start3A_251 = arith.constant 0 : i32
    %dma_start3A_252 = tpu.memref_slice %arg2[%dma_start3A_250, %dma_start3A_251] : memref<10000x64xf32, #tpu.memory_space<hbm>> -> memref<10000x64xf32, #tpu.memory_space<hbm>>
    %dma_start3A_253 = tpu.memref_slice %arg10[%dma_start3A_243] : memref<6x!tpu.dma_semaphore, #tpu.memory_space<semaphore_mem>> -> memref<1x!tpu.dma_semaphore, #tpu.memory_space<semaphore_mem>>
    %dma_start3A_254 = tpu.memref_squeeze %dma_start3A_253 : memref<1x!tpu.dma_semaphore, #tpu.memory_space<semaphore_mem>> -> memref<!tpu.dma_semaphore, #tpu.memory_space<semaphore_mem>>
    tpu.enqueue_indirect_dma source(%dma_start3A_252 : memref<10000x64xf32, #tpu.memory_space<hbm>>) target(%dma_start3A_247 : memref<128x64xf32, #tpu.memory_space<vmem>>) offsets(%dma_start3A_249 : memref<128xi32, #tpu.memory_space<vmem>>) semaphore(%dma_start3A_254 : memref<!tpu.dma_semaphore, #tpu.memory_space<semaphore_mem>>)
    %dma_start3A_255 = arith.constant 5 : i32
    %dma_start3A_256 = arith.constant 5 : i32
    %dma_start3A_257 = arith.constant 0 : i32
    %dma_start3A_258 = arith.constant 0 : i32
    %dma_start3A_259 = tpu.memref_slice %arg8[%dma_start3A_255, %dma_start3A_257, %dma_start3A_258] : memref<6x128x64xf32, #tpu.memory_space<vmem>> -> memref<1x128x64xf32, #tpu.memory_space<vmem>>
    %dma_start3A_260 = tpu.memref_squeeze %dma_start3A_259 : memref<1x128x64xf32, #tpu.memory_space<vmem>> -> memref<128x64xf32, #tpu.memory_space<vmem>>
    %dma_start3A_261 = arith.constant 640 : i32
    %dma_start3A_262 = tpu.memref_slice %arg6[%dma_start3A_261] : memref<10000xi32, #tpu.memory_space<vmem>> -> memref<128xi32, #tpu.memory_space<vmem>>
    %dma_start3A_263 = arith.constant 0 : i32
    %dma_start3A_264 = arith.constant 0 : i32
    %dma_start3A_265 = tpu.memref_slice %arg2[%dma_start3A_263, %dma_start3A_264] : memref<10000x64xf32, #tpu.memory_space<hbm>> -> memref<10000x64xf32, #tpu.memory_space<hbm>>
    %dma_start3A_266 = tpu.memref_slice %arg10[%dma_start3A_256] : memref<6x!tpu.dma_semaphore, #tpu.memory_space<semaphore_mem>> -> memref<1x!tpu.dma_semaphore, #tpu.memory_space<semaphore_mem>>
    %dma_start3A_267 = tpu.memref_squeeze %dma_start3A_266 : memref<1x!tpu.dma_semaphore, #tpu.memory_space<semaphore_mem>> -> memref<!tpu.dma_semaphore, #tpu.memory_space<semaphore_mem>>
    tpu.enqueue_indirect_dma source(%dma_start3A_265 : memref<10000x64xf32, #tpu.memory_space<hbm>>) target(%dma_start3A_260 : memref<128x64xf32, #tpu.memory_space<vmem>>) offsets(%dma_start3A_262 : memref<128xi32, #tpu.memory_space<vmem>>) semaphore(%dma_start3A_267 : memref<!tpu.dma_semaphore, #tpu.memory_space<semaphore_mem>>)
    %scan3A_268 = arith.constant 0 : i32
    %scan3A_269 = arith.constant 12 : i32
    %scan3A_270 = arith.addi %scan3A_268, %scan3A_269 : i32
    %scan3A_271 = arith.constant 1 : i32
    scf.for %scan3A_516 = %scan3A_268 to %scan3A_270 step %scan3A_271  : i32 {
      %mul3A_517 = arith.constant 1 : i32
      %mul3A_518 = arith.muli %scan3A_516, %mul3A_517 : i32
      %add3A_519 = arith.constant 0 : i32
      %add3A_520 = arith.addi %add3A_519, %mul3A_518 : i32
      %mul3A_521 = arith.constant 6 : i32
      %mul3A_522 = arith.muli %add3A_520, %mul3A_521 : i32
      %add3A_523 = arith.constant 0 : i32
      %add3A_524 = arith.addi %mul3A_522, %add3A_523 : i32
      %mul3A_525 = arith.constant 128 : i32
      %mul3A_526 = arith.muli %add3A_524, %mul3A_525 : i32
      %dma_wait3A_527 = arith.constant 0 : i32
      %dma_wait3A_528 = arith.constant 0 : i32
      %dma_wait3A_529 = arith.constant 0 : i32
      %dma_wait3A_530 = arith.constant 0 : i32
      %dma_wait3A_531 = tpu.memref_slice %arg8[%dma_wait3A_527, %dma_wait3A_529, %dma_wait3A_530] : memref<6x128x64xf32, #tpu.memory_space<vmem>> -> memref<1x128x64xf32, #tpu.memory_space<vmem>>
      %dma_wait3A_532 = tpu.memref_squeeze %dma_wait3A_531 : memref<1x128x64xf32, #tpu.memory_space<vmem>> -> memref<128x64xf32, #tpu.memory_space<vmem>>
      %dma_wait3A_533 = tpu.memref_slice %arg6[%mul3A_526] : memref<10000xi32, #tpu.memory_space<vmem>> -> memref<128xi32, #tpu.memory_space<vmem>>
      %dma_wait3A_534 = arith.constant 0 : i32
      %dma_wait3A_535 = arith.constant 0 : i32
      %dma_wait3A_536 = tpu.memref_slice %arg2[%dma_wait3A_534, %dma_wait3A_535] : memref<10000x64xf32, #tpu.memory_space<hbm>> -> memref<10000x64xf32, #tpu.memory_space<hbm>>
      %dma_wait3A_537 = tpu.memref_slice %arg10[%dma_wait3A_528] : memref<6x!tpu.dma_semaphore, #tpu.memory_space<semaphore_mem>> -> memref<1x!tpu.dma_semaphore, #tpu.memory_space<semaphore_mem>>
      %dma_wait3A_538 = tpu.memref_squeeze %dma_wait3A_537 : memref<1x!tpu.dma_semaphore, #tpu.memory_space<semaphore_mem>> -> memref<!tpu.dma_semaphore, #tpu.memory_space<semaphore_mem>>
      tpu.wait_indirect_dma semaphore(%dma_wait3A_538 : memref<!tpu.dma_semaphore, #tpu.memory_space<semaphore_mem>>) src(%dma_wait3A_536 : memref<10000x64xf32, #tpu.memory_space<hbm>>) dst(%dma_wait3A_532 : memref<128x64xf32, #tpu.memory_space<vmem>>)
      %add3A_539 = arith.constant 0 : i32
      %add3A_540 = arith.addi %mul3A_522, %add3A_539 : i32
      %mul3A_541 = arith.constant 128 : i32
      %mul3A_542 = arith.muli %add3A_540, %mul3A_541 : i32
      %dma_start3A_543 = arith.constant 0 : i32
      %dma_start3A_544 = arith.constant 0 : i32
      %dma_start3A_545 = arith.constant 0 : i32
      %dma_start3A_546 = arith.constant 0 : i32
      %dma_start3A_547 = tpu.memref_slice %arg8[%dma_start3A_543, %dma_start3A_545, %dma_start3A_546] : memref<6x128x64xf32, #tpu.memory_space<vmem>> -> memref<1x128x64xf32, #tpu.memory_space<vmem>>
      %dma_start3A_548 = tpu.memref_squeeze %dma_start3A_547 : memref<1x128x64xf32, #tpu.memory_space<vmem>> -> memref<128x64xf32, #tpu.memory_space<vmem>>
      %dma_start3A_549 = tpu.memref_slice %arg7[%mul3A_542] : memref<10000xi32, #tpu.memory_space<vmem>> -> memref<128xi32, #tpu.memory_space<vmem>>
      %dma_start3A_550 = arith.constant 0 : i32
      %dma_start3A_551 = arith.constant 0 : i32
      %dma_start3A_552 = tpu.memref_slice %arg9[%dma_start3A_550, %dma_start3A_551] : memref<10112x64xf32, #tpu.memory_space<vmem_shared>> -> memref<10112x64xf32, #tpu.memory_space<vmem_shared>>
      %dma_start3A_553 = tpu.memref_slice %arg11[%dma_start3A_544] : memref<6x!tpu.dma_semaphore, #tpu.memory_space<semaphore_mem>> -> memref<1x!tpu.dma_semaphore, #tpu.memory_space<semaphore_mem>>
      %dma_start3A_554 = tpu.memref_squeeze %dma_start3A_553 : memref<1x!tpu.dma_semaphore, #tpu.memory_space<semaphore_mem>> -> memref<!tpu.dma_semaphore, #tpu.memory_space<semaphore_mem>>
      tpu.enqueue_indirect_dma source(%dma_start3A_548 : memref<128x64xf32, #tpu.memory_space<vmem>>) target(%dma_start3A_552 : memref<10112x64xf32, #tpu.memory_space<vmem_shared>>) offsets(%dma_start3A_549 : memref<128xi32, #tpu.memory_space<vmem>>) semaphore(%dma_start3A_554 : memref<!tpu.dma_semaphore, #tpu.memory_space<semaphore_mem>>) {add = true}
      %add3A_555 = arith.constant 1 : i32
      %add3A_556 = arith.addi %mul3A_522, %add3A_555 : i32
      %mul3A_557 = arith.constant 128 : i32
      %mul3A_558 = arith.muli %add3A_556, %mul3A_557 : i32
      %dma_wait3A_559 = arith.constant 1 : i32
      %dma_wait3A_560 = arith.constant 1 : i32
      %dma_wait3A_561 = arith.constant 0 : i32
      %dma_wait3A_562 = arith.constant 0 : i32
      %dma_wait3A_563 = tpu.memref_slice %arg8[%dma_wait3A_559, %dma_wait3A_561, %dma_wait3A_562] : memref<6x128x64xf32, #tpu.memory_space<vmem>> -> memref<1x128x64xf32, #tpu.memory_space<vmem>>
      %dma_wait3A_564 = tpu.memref_squeeze %dma_wait3A_563 : memref<1x128x64xf32, #tpu.memory_space<vmem>> -> memref<128x64xf32, #tpu.memory_space<vmem>>
      %dma_wait3A_565 = tpu.memref_slice %arg6[%mul3A_558] : memref<10000xi32, #tpu.memory_space<vmem>> -> memref<128xi32, #tpu.memory_space<vmem>>
      %dma_wait3A_566 = arith.constant 0 : i32
      %dma_wait3A_567 = arith.constant 0 : i32
      %dma_wait3A_568 = tpu.memref_slice %arg2[%dma_wait3A_566, %dma_wait3A_567] : memref<10000x64xf32, #tpu.memory_space<hbm>> -> memref<10000x64xf32, #tpu.memory_space<hbm>>
      %dma_wait3A_569 = tpu.memref_slice %arg10[%dma_wait3A_560] : memref<6x!tpu.dma_semaphore, #tpu.memory_space<semaphore_mem>> -> memref<1x!tpu.dma_semaphore, #tpu.memory_space<semaphore_mem>>
      %dma_wait3A_570 = tpu.memref_squeeze %dma_wait3A_569 : memref<1x!tpu.dma_semaphore, #tpu.memory_space<semaphore_mem>> -> memref<!tpu.dma_semaphore, #tpu.memory_space<semaphore_mem>>
      tpu.wait_indirect_dma semaphore(%dma_wait3A_570 : memref<!tpu.dma_semaphore, #tpu.memory_space<semaphore_mem>>) src(%dma_wait3A_568 : memref<10000x64xf32, #tpu.memory_space<hbm>>) dst(%dma_wait3A_564 : memref<128x64xf32, #tpu.memory_space<vmem>>)
      %add3A_571 = arith.constant 1 : i32
      %add3A_572 = arith.addi %mul3A_522, %add3A_571 : i32
      %mul3A_573 = arith.constant 128 : i32
      %mul3A_574 = arith.muli %add3A_572, %mul3A_573 : i32
      %dma_start3A_575 = arith.constant 1 : i32
      %dma_start3A_576 = arith.constant 1 : i32
      %dma_start3A_577 = arith.constant 0 : i32
      %dma_start3A_578 = arith.constant 0 : i32
      %dma_start3A_579 = tpu.memref_slice %arg8[%dma_start3A_575, %dma_start3A_577, %dma_start3A_578] : memref<6x128x64xf32, #tpu.memory_space<vmem>> -> memref<1x128x64xf32, #tpu.memory_space<vmem>>
      %dma_start3A_580 = tpu.memref_squeeze %dma_start3A_579 : memref<1x128x64xf32, #tpu.memory_space<vmem>> -> memref<128x64xf32, #tpu.memory_space<vmem>>
      %dma_start3A_581 = tpu.memref_slice %arg7[%mul3A_574] : memref<10000xi32, #tpu.memory_space<vmem>> -> memref<128xi32, #tpu.memory_space<vmem>>
      %dma_start3A_582 = arith.constant 0 : i32
      %dma_start3A_583 = arith.constant 0 : i32
      %dma_start3A_584 = tpu.memref_slice %arg9[%dma_start3A_582, %dma_start3A_583] : memref<10112x64xf32, #tpu.memory_space<vmem_shared>> -> memref<10112x64xf32, #tpu.memory_space<vmem_shared>>
      %dma_start3A_585 = tpu.memref_slice %arg11[%dma_start3A_576] : memref<6x!tpu.dma_semaphore, #tpu.memory_space<semaphore_mem>> -> memref<1x!tpu.dma_semaphore, #tpu.memory_space<semaphore_mem>>
      %dma_start3A_586 = tpu.memref_squeeze %dma_start3A_585 : memref<1x!tpu.dma_semaphore, #tpu.memory_space<semaphore_mem>> -> memref<!tpu.dma_semaphore, #tpu.memory_space<semaphore_mem>>
      tpu.enqueue_indirect_dma source(%dma_start3A_580 : memref<128x64xf32, #tpu.memory_space<vmem>>) target(%dma_start3A_584 : memref<10112x64xf32, #tpu.memory_space<vmem_shared>>) offsets(%dma_start3A_581 : memref<128xi32, #tpu.memory_space<vmem>>) semaphore(%dma_start3A_586 : memref<!tpu.dma_semaphore, #tpu.memory_space<semaphore_mem>>) {add = true}
      %add3A_587 = arith.constant 2 : i32
      %add3A_588 = arith.addi %mul3A_522, %add3A_587 : i32
      %mul3A_589 = arith.constant 128 : i32
      %mul3A_590 = arith.muli %add3A_588, %mul3A_589 : i32
      %dma_wait3A_591 = arith.constant 2 : i32
      %dma_wait3A_592 = arith.constant 2 : i32
      %dma_wait3A_593 = arith.constant 0 : i32
      %dma_wait3A_594 = arith.constant 0 : i32
      %dma_wait3A_595 = tpu.memref_slice %arg8[%dma_wait3A_591, %dma_wait3A_593, %dma_wait3A_594] : memref<6x128x64xf32, #tpu.memory_space<vmem>> -> memref<1x128x64xf32, #tpu.memory_space<vmem>>
      %dma_wait3A_596 = tpu.memref_squeeze %dma_wait3A_595 : memref<1x128x64xf32, #tpu.memory_space<vmem>> -> memref<128x64xf32, #tpu.memory_space<vmem>>
      %dma_wait3A_597 = tpu.memref_slice %arg6[%mul3A_590] : memref<10000xi32, #tpu.memory_space<vmem>> -> memref<128xi32, #tpu.memory_space<vmem>>
      %dma_wait3A_598 = arith.constant 0 : i32
      %dma_wait3A_599 = arith.constant 0 : i32
      %dma_wait3A_600 = tpu.memref_slice %arg2[%dma_wait3A_598, %dma_wait3A_599] : memref<10000x64xf32, #tpu.memory_space<hbm>> -> memref<10000x64xf32, #tpu.memory_space<hbm>>
      %dma_wait3A_601 = tpu.memref_slice %arg10[%dma_wait3A_592] : memref<6x!tpu.dma_semaphore, #tpu.memory_space<semaphore_mem>> -> memref<1x!tpu.dma_semaphore, #tpu.memory_space<semaphore_mem>>
      %dma_wait3A_602 = tpu.memref_squeeze %dma_wait3A_601 : memref<1x!tpu.dma_semaphore, #tpu.memory_space<semaphore_mem>> -> memref<!tpu.dma_semaphore, #tpu.memory_space<semaphore_mem>>
      tpu.wait_indirect_dma semaphore(%dma_wait3A_602 : memref<!tpu.dma_semaphore, #tpu.memory_space<semaphore_mem>>) src(%dma_wait3A_600 : memref<10000x64xf32, #tpu.memory_space<hbm>>) dst(%dma_wait3A_596 : memref<128x64xf32, #tpu.memory_space<vmem>>)
      %add3A_603 = arith.constant 2 : i32
      %add3A_604 = arith.addi %mul3A_522, %add3A_603 : i32
      %mul3A_605 = arith.constant 128 : i32
      %mul3A_606 = arith.muli %add3A_604, %mul3A_605 : i32
      %dma_start3A_607 = arith.constant 2 : i32
      %dma_start3A_608 = arith.constant 2 : i32
      %dma_start3A_609 = arith.constant 0 : i32
      %dma_start3A_610 = arith.constant 0 : i32
      %dma_start3A_611 = tpu.memref_slice %arg8[%dma_start3A_607, %dma_start3A_609, %dma_start3A_610] : memref<6x128x64xf32, #tpu.memory_space<vmem>> -> memref<1x128x64xf32, #tpu.memory_space<vmem>>
      %dma_start3A_612 = tpu.memref_squeeze %dma_start3A_611 : memref<1x128x64xf32, #tpu.memory_space<vmem>> -> memref<128x64xf32, #tpu.memory_space<vmem>>
      %dma_start3A_613 = tpu.memref_slice %arg7[%mul3A_606] : memref<10000xi32, #tpu.memory_space<vmem>> -> memref<128xi32, #tpu.memory_space<vmem>>
      %dma_start3A_614 = arith.constant 0 : i32
      %dma_start3A_615 = arith.constant 0 : i32
      %dma_start3A_616 = tpu.memref_slice %arg9[%dma_start3A_614, %dma_start3A_615] : memref<10112x64xf32, #tpu.memory_space<vmem_shared>> -> memref<10112x64xf32, #tpu.memory_space<vmem_shared>>
      %dma_start3A_617 = tpu.memref_slice %arg11[%dma_start3A_608] : memref<6x!tpu.dma_semaphore, #tpu.memory_space<semaphore_mem>> -> memref<1x!tpu.dma_semaphore, #tpu.memory_space<semaphore_mem>>
      %dma_start3A_618 = tpu.memref_squeeze %dma_start3A_617 : memref<1x!tpu.dma_semaphore, #tpu.memory_space<semaphore_mem>> -> memref<!tpu.dma_semaphore, #tpu.memory_space<semaphore_mem>>
      tpu.enqueue_indirect_dma source(%dma_start3A_612 : memref<128x64xf32, #tpu.memory_space<vmem>>) target(%dma_start3A_616 : memref<10112x64xf32, #tpu.memory_space<vmem_shared>>) offsets(%dma_start3A_613 : memref<128xi32, #tpu.memory_space<vmem>>) semaphore(%dma_start3A_618 : memref<!tpu.dma_semaphore, #tpu.memory_space<semaphore_mem>>) {add = true}
      %add3A_619 = arith.constant 3 : i32
      %add3A_620 = arith.addi %mul3A_522, %add3A_619 : i32
      %mul3A_621 = arith.constant 128 : i32
      %mul3A_622 = arith.muli %add3A_620, %mul3A_621 : i32
      %dma_wait3A_623 = arith.constant 3 : i32
      %dma_wait3A_624 = arith.constant 3 : i32
      %dma_wait3A_625 = arith.constant 0 : i32
      %dma_wait3A_626 = arith.constant 0 : i32
      %dma_wait3A_627 = tpu.memref_slice %arg8[%dma_wait3A_623, %dma_wait3A_625, %dma_wait3A_626] : memref<6x128x64xf32, #tpu.memory_space<vmem>> -> memref<1x128x64xf32, #tpu.memory_space<vmem>>
      %dma_wait3A_628 = tpu.memref_squeeze %dma_wait3A_627 : memref<1x128x64xf32, #tpu.memory_space<vmem>> -> memref<128x64xf32, #tpu.memory_space<vmem>>
      %dma_wait3A_629 = tpu.memref_slice %arg6[%mul3A_622] : memref<10000xi32, #tpu.memory_space<vmem>> -> memref<128xi32, #tpu.memory_space<vmem>>
      %dma_wait3A_630 = arith.constant 0 : i32
      %dma_wait3A_631 = arith.constant 0 : i32
      %dma_wait3A_632 = tpu.memref_slice %arg2[%dma_wait3A_630, %dma_wait3A_631] : memref<10000x64xf32, #tpu.memory_space<hbm>> -> memref<10000x64xf32, #tpu.memory_space<hbm>>
      %dma_wait3A_633 = tpu.memref_slice %arg10[%dma_wait3A_624] : memref<6x!tpu.dma_semaphore, #tpu.memory_space<semaphore_mem>> -> memref<1x!tpu.dma_semaphore, #tpu.memory_space<semaphore_mem>>
      %dma_wait3A_634 = tpu.memref_squeeze %dma_wait3A_633 : memref<1x!tpu.dma_semaphore, #tpu.memory_space<semaphore_mem>> -> memref<!tpu.dma_semaphore, #tpu.memory_space<semaphore_mem>>
      tpu.wait_indirect_dma semaphore(%dma_wait3A_634 : memref<!tpu.dma_semaphore, #tpu.memory_space<semaphore_mem>>) src(%dma_wait3A_632 : memref<10000x64xf32, #tpu.memory_space<hbm>>) dst(%dma_wait3A_628 : memref<128x64xf32, #tpu.memory_space<vmem>>)
      %add3A_635 = arith.constant 3 : i32
      %add3A_636 = arith.addi %mul3A_522, %add3A_635 : i32
      %mul3A_637 = arith.constant 128 : i32
      %mul3A_638 = arith.muli %add3A_636, %mul3A_637 : i32
      %dma_start3A_639 = arith.constant 3 : i32
      %dma_start3A_640 = arith.constant 3 : i32
      %dma_start3A_641 = arith.constant 0 : i32
      %dma_start3A_642 = arith.constant 0 : i32
      %dma_start3A_643 = tpu.memref_slice %arg8[%dma_start3A_639, %dma_start3A_641, %dma_start3A_642] : memref<6x128x64xf32, #tpu.memory_space<vmem>> -> memref<1x128x64xf32, #tpu.memory_space<vmem>>
      %dma_start3A_644 = tpu.memref_squeeze %dma_start3A_643 : memref<1x128x64xf32, #tpu.memory_space<vmem>> -> memref<128x64xf32, #tpu.memory_space<vmem>>
      %dma_start3A_645 = tpu.memref_slice %arg7[%mul3A_638] : memref<10000xi32, #tpu.memory_space<vmem>> -> memref<128xi32, #tpu.memory_space<vmem>>
      %dma_start3A_646 = arith.constant 0 : i32
      %dma_start3A_647 = arith.constant 0 : i32
      %dma_start3A_648 = tpu.memref_slice %arg9[%dma_start3A_646, %dma_start3A_647] : memref<10112x64xf32, #tpu.memory_space<vmem_shared>> -> memref<10112x64xf32, #tpu.memory_space<vmem_shared>>
      %dma_start3A_649 = tpu.memref_slice %arg11[%dma_start3A_640] : memref<6x!tpu.dma_semaphore, #tpu.memory_space<semaphore_mem>> -> memref<1x!tpu.dma_semaphore, #tpu.memory_space<semaphore_mem>>
      %dma_start3A_650 = tpu.memref_squeeze %dma_start3A_649 : memref<1x!tpu.dma_semaphore, #tpu.memory_space<semaphore_mem>> -> memref<!tpu.dma_semaphore, #tpu.memory_space<semaphore_mem>>
      tpu.enqueue_indirect_dma source(%dma_start3A_644 : memref<128x64xf32, #tpu.memory_space<vmem>>) target(%dma_start3A_648 : memref<10112x64xf32, #tpu.memory_space<vmem_shared>>) offsets(%dma_start3A_645 : memref<128xi32, #tpu.memory_space<vmem>>) semaphore(%dma_start3A_650 : memref<!tpu.dma_semaphore, #tpu.memory_space<semaphore_mem>>) {add = true}
      %add3A_651 = arith.constant 4 : i32
      %add3A_652 = arith.addi %mul3A_522, %add3A_651 : i32
      %mul3A_653 = arith.constant 128 : i32
      %mul3A_654 = arith.muli %add3A_652, %mul3A_653 : i32
      %dma_wait3A_655 = arith.constant 4 : i32
      %dma_wait3A_656 = arith.constant 4 : i32
      %dma_wait3A_657 = arith.constant 0 : i32
      %dma_wait3A_658 = arith.constant 0 : i32
      %dma_wait3A_659 = tpu.memref_slice %arg8[%dma_wait3A_655, %dma_wait3A_657, %dma_wait3A_658] : memref<6x128x64xf32, #tpu.memory_space<vmem>> -> memref<1x128x64xf32, #tpu.memory_space<vmem>>
      %dma_wait3A_660 = tpu.memref_squeeze %dma_wait3A_659 : memref<1x128x64xf32, #tpu.memory_space<vmem>> -> memref<128x64xf32, #tpu.memory_space<vmem>>
      %dma_wait3A_661 = tpu.memref_slice %arg6[%mul3A_654] : memref<10000xi32, #tpu.memory_space<vmem>> -> memref<128xi32, #tpu.memory_space<vmem>>
      %dma_wait3A_662 = arith.constant 0 : i32
      %dma_wait3A_663 = arith.constant 0 : i32
      %dma_wait3A_664 = tpu.memref_slice %arg2[%dma_wait3A_662, %dma_wait3A_663] : memref<10000x64xf32, #tpu.memory_space<hbm>> -> memref<10000x64xf32, #tpu.memory_space<hbm>>
      %dma_wait3A_665 = tpu.memref_slice %arg10[%dma_wait3A_656] : memref<6x!tpu.dma_semaphore, #tpu.memory_space<semaphore_mem>> -> memref<1x!tpu.dma_semaphore, #tpu.memory_space<semaphore_mem>>
      %dma_wait3A_666 = tpu.memref_squeeze %dma_wait3A_665 : memref<1x!tpu.dma_semaphore, #tpu.memory_space<semaphore_mem>> -> memref<!tpu.dma_semaphore, #tpu.memory_space<semaphore_mem>>
      tpu.wait_indirect_dma semaphore(%dma_wait3A_666 : memref<!tpu.dma_semaphore, #tpu.memory_space<semaphore_mem>>) src(%dma_wait3A_664 : memref<10000x64xf32, #tpu.memory_space<hbm>>) dst(%dma_wait3A_660 : memref<128x64xf32, #tpu.memory_space<vmem>>)
      %add3A_667 = arith.constant 4 : i32
      %add3A_668 = arith.addi %mul3A_522, %add3A_667 : i32
      %mul3A_669 = arith.constant 128 : i32
      %mul3A_670 = arith.muli %add3A_668, %mul3A_669 : i32
      %dma_start3A_671 = arith.constant 4 : i32
      %dma_start3A_672 = arith.constant 4 : i32
      %dma_start3A_673 = arith.constant 0 : i32
      %dma_start3A_674 = arith.constant 0 : i32
      %dma_start3A_675 = tpu.memref_slice %arg8[%dma_start3A_671, %dma_start3A_673, %dma_start3A_674] : memref<6x128x64xf32, #tpu.memory_space<vmem>> -> memref<1x128x64xf32, #tpu.memory_space<vmem>>
      %dma_start3A_676 = tpu.memref_squeeze %dma_start3A_675 : memref<1x128x64xf32, #tpu.memory_space<vmem>> -> memref<128x64xf32, #tpu.memory_space<vmem>>
      %dma_start3A_677 = tpu.memref_slice %arg7[%mul3A_670] : memref<10000xi32, #tpu.memory_space<vmem>> -> memref<128xi32, #tpu.memory_space<vmem>>
      %dma_start3A_678 = arith.constant 0 : i32
      %dma_start3A_679 = arith.constant 0 : i32
      %dma_start3A_680 = tpu.memref_slice %arg9[%dma_start3A_678, %dma_start3A_679] : memref<10112x64xf32, #tpu.memory_space<vmem_shared>> -> memref<10112x64xf32, #tpu.memory_space<vmem_shared>>
      %dma_start3A_681 = tpu.memref_slice %arg11[%dma_start3A_672] : memref<6x!tpu.dma_semaphore, #tpu.memory_space<semaphore_mem>> -> memref<1x!tpu.dma_semaphore, #tpu.memory_space<semaphore_mem>>
      %dma_start3A_682 = tpu.memref_squeeze %dma_start3A_681 : memref<1x!tpu.dma_semaphore, #tpu.memory_space<semaphore_mem>> -> memref<!tpu.dma_semaphore, #tpu.memory_space<semaphore_mem>>
      tpu.enqueue_indirect_dma source(%dma_start3A_676 : memref<128x64xf32, #tpu.memory_space<vmem>>) target(%dma_start3A_680 : memref<10112x64xf32, #tpu.memory_space<vmem_shared>>) offsets(%dma_start3A_677 : memref<128xi32, #tpu.memory_space<vmem>>) semaphore(%dma_start3A_682 : memref<!tpu.dma_semaphore, #tpu.memory_space<semaphore_mem>>) {add = true}
      %add3A_683 = arith.constant 5 : i32
      %add3A_684 = arith.addi %mul3A_522, %add3A_683 : i32
      %mul3A_685 = arith.constant 128 : i32
      %mul3A_686 = arith.muli %add3A_684, %mul3A_685 : i32
      %dma_wait3A_687 = arith.constant 5 : i32
      %dma_wait3A_688 = arith.constant 5 : i32
      %dma_wait3A_689 = arith.constant 0 : i32
      %dma_wait3A_690 = arith.constant 0 : i32
      %dma_wait3A_691 = tpu.memref_slice %arg8[%dma_wait3A_687, %dma_wait3A_689, %dma_wait3A_690] : memref<6x128x64xf32, #tpu.memory_space<vmem>> -> memref<1x128x64xf32, #tpu.memory_space<vmem>>
      %dma_wait3A_692 = tpu.memref_squeeze %dma_wait3A_691 : memref<1x128x64xf32, #tpu.memory_space<vmem>> -> memref<128x64xf32, #tpu.memory_space<vmem>>
      %dma_wait3A_693 = tpu.memref_slice %arg6[%mul3A_686] : memref<10000xi32, #tpu.memory_space<vmem>> -> memref<128xi32, #tpu.memory_space<vmem>>
      %dma_wait3A_694 = arith.constant 0 : i32
      %dma_wait3A_695 = arith.constant 0 : i32
      %dma_wait3A_696 = tpu.memref_slice %arg2[%dma_wait3A_694, %dma_wait3A_695] : memref<10000x64xf32, #tpu.memory_space<hbm>> -> memref<10000x64xf32, #tpu.memory_space<hbm>>
      %dma_wait3A_697 = tpu.memref_slice %arg10[%dma_wait3A_688] : memref<6x!tpu.dma_semaphore, #tpu.memory_space<semaphore_mem>> -> memref<1x!tpu.dma_semaphore, #tpu.memory_space<semaphore_mem>>
      %dma_wait3A_698 = tpu.memref_squeeze %dma_wait3A_697 : memref<1x!tpu.dma_semaphore, #tpu.memory_space<semaphore_mem>> -> memref<!tpu.dma_semaphore, #tpu.memory_space<semaphore_mem>>
      tpu.wait_indirect_dma semaphore(%dma_wait3A_698 : memref<!tpu.dma_semaphore, #tpu.memory_space<semaphore_mem>>) src(%dma_wait3A_696 : memref<10000x64xf32, #tpu.memory_space<hbm>>) dst(%dma_wait3A_692 : memref<128x64xf32, #tpu.memory_space<vmem>>)
      %add3A_699 = arith.constant 5 : i32
      %add3A_700 = arith.addi %mul3A_522, %add3A_699 : i32
      %mul3A_701 = arith.constant 128 : i32
      %mul3A_702 = arith.muli %add3A_700, %mul3A_701 : i32
      %dma_start3A_703 = arith.constant 5 : i32
      %dma_start3A_704 = arith.constant 5 : i32
      %dma_start3A_705 = arith.constant 0 : i32
      %dma_start3A_706 = arith.constant 0 : i32
      %dma_start3A_707 = tpu.memref_slice %arg8[%dma_start3A_703, %dma_start3A_705, %dma_start3A_706] : memref<6x128x64xf32, #tpu.memory_space<vmem>> -> memref<1x128x64xf32, #tpu.memory_space<vmem>>
      %dma_start3A_708 = tpu.memref_squeeze %dma_start3A_707 : memref<1x128x64xf32, #tpu.memory_space<vmem>> -> memref<128x64xf32, #tpu.memory_space<vmem>>
      %dma_start3A_709 = tpu.memref_slice %arg7[%mul3A_702] : memref<10000xi32, #tpu.memory_space<vmem>> -> memref<128xi32, #tpu.memory_space<vmem>>
      %dma_start3A_710 = arith.constant 0 : i32
      %dma_start3A_711 = arith.constant 0 : i32
      %dma_start3A_712 = tpu.memref_slice %arg9[%dma_start3A_710, %dma_start3A_711] : memref<10112x64xf32, #tpu.memory_space<vmem_shared>> -> memref<10112x64xf32, #tpu.memory_space<vmem_shared>>
      %dma_start3A_713 = tpu.memref_slice %arg11[%dma_start3A_704] : memref<6x!tpu.dma_semaphore, #tpu.memory_space<semaphore_mem>> -> memref<1x!tpu.dma_semaphore, #tpu.memory_space<semaphore_mem>>
      %dma_start3A_714 = tpu.memref_squeeze %dma_start3A_713 : memref<1x!tpu.dma_semaphore, #tpu.memory_space<semaphore_mem>> -> memref<!tpu.dma_semaphore, #tpu.memory_space<semaphore_mem>>
      tpu.enqueue_indirect_dma source(%dma_start3A_708 : memref<128x64xf32, #tpu.memory_space<vmem>>) target(%dma_start3A_712 : memref<10112x64xf32, #tpu.memory_space<vmem_shared>>) offsets(%dma_start3A_709 : memref<128xi32, #tpu.memory_space<vmem>>) semaphore(%dma_start3A_714 : memref<!tpu.dma_semaphore, #tpu.memory_space<semaphore_mem>>) {add = true}
      %add3A_715 = arith.constant 0 : i32
      %add3A_716 = arith.addi %mul3A_522, %add3A_715 : i32
      %mul3A_717 = arith.constant 128 : i32
      %mul3A_718 = arith.muli %add3A_716, %mul3A_717 : i32
      %dma_wait3A_719 = arith.constant 0 : i32
      %dma_wait3A_720 = arith.constant 0 : i32
      %dma_wait3A_721 = arith.constant 0 : i32
      %dma_wait3A_722 = arith.constant 0 : i32
      %dma_wait3A_723 = tpu.memref_slice %arg8[%dma_wait3A_719, %dma_wait3A_721, %dma_wait3A_722] : memref<6x128x64xf32, #tpu.memory_space<vmem>> -> memref<1x128x64xf32, #tpu.memory_space<vmem>>
      %dma_wait3A_724 = tpu.memref_squeeze %dma_wait3A_723 : memref<1x128x64xf32, #tpu.memory_space<vmem>> -> memref<128x64xf32, #tpu.memory_space<vmem>>
      %dma_wait3A_725 = tpu.memref_slice %arg7[%mul3A_718] : memref<10000xi32, #tpu.memory_space<vmem>> -> memref<128xi32, #tpu.memory_space<vmem>>
      %dma_wait3A_726 = arith.constant 0 : i32
      %dma_wait3A_727 = arith.constant 0 : i32
      %dma_wait3A_728 = tpu.memref_slice %arg9[%dma_wait3A_726, %dma_wait3A_727] : memref<10112x64xf32, #tpu.memory_space<vmem_shared>> -> memref<10112x64xf32, #tpu.memory_space<vmem_shared>>
      %dma_wait3A_729 = tpu.memref_slice %arg11[%dma_wait3A_720] : memref<6x!tpu.dma_semaphore, #tpu.memory_space<semaphore_mem>> -> memref<1x!tpu.dma_semaphore, #tpu.memory_space<semaphore_mem>>
      %dma_wait3A_730 = tpu.memref_squeeze %dma_wait3A_729 : memref<1x!tpu.dma_semaphore, #tpu.memory_space<semaphore_mem>> -> memref<!tpu.dma_semaphore, #tpu.memory_space<semaphore_mem>>
      tpu.wait_indirect_dma semaphore(%dma_wait3A_730 : memref<!tpu.dma_semaphore, #tpu.memory_space<semaphore_mem>>) src(%dma_wait3A_724 : memref<128x64xf32, #tpu.memory_space<vmem>>) dst(%dma_wait3A_728 : memref<10112x64xf32, #tpu.memory_space<vmem_shared>>)
      %add3A_731 = arith.constant 6 : i32
      %add3A_732 = arith.addi %mul3A_522, %add3A_731 : i32
      %add3A_733 = arith.constant 0 : i32
      %add3A_734 = arith.addi %add3A_732, %add3A_733 : i32
      %mul3A_735 = arith.constant 128 : i32
      %mul3A_736 = arith.muli %add3A_734, %mul3A_735 : i32
      %dma_start3A_737 = arith.constant 0 : i32
      %dma_start3A_738 = arith.constant 0 : i32
      %dma_start3A_739 = arith.constant 0 : i32
      %dma_start3A_740 = arith.constant 0 : i32
      %dma_start3A_741 = tpu.memref_slice %arg8[%dma_start3A_737, %dma_start3A_739, %dma_start3A_740] : memref<6x128x64xf32, #tpu.memory_space<vmem>> -> memref<1x128x64xf32, #tpu.memory_space<vmem>>
      %dma_start3A_742 = tpu.memref_squeeze %dma_start3A_741 : memref<1x128x64xf32, #tpu.memory_space<vmem>> -> memref<128x64xf32, #tpu.memory_space<vmem>>
      %dma_start3A_743 = tpu.memref_slice %arg6[%mul3A_736] : memref<10000xi32, #tpu.memory_space<vmem>> -> memref<128xi32, #tpu.memory_space<vmem>>
      %dma_start3A_744 = arith.constant 0 : i32
      %dma_start3A_745 = arith.constant 0 : i32
      %dma_start3A_746 = tpu.memref_slice %arg2[%dma_start3A_744, %dma_start3A_745] : memref<10000x64xf32, #tpu.memory_space<hbm>> -> memref<10000x64xf32, #tpu.memory_space<hbm>>
      %dma_start3A_747 = tpu.memref_slice %arg10[%dma_start3A_738] : memref<6x!tpu.dma_semaphore, #tpu.memory_space<semaphore_mem>> -> memref<1x!tpu.dma_semaphore, #tpu.memory_space<semaphore_mem>>
      %dma_start3A_748 = tpu.memref_squeeze %dma_start3A_747 : memref<1x!tpu.dma_semaphore, #tpu.memory_space<semaphore_mem>> -> memref<!tpu.dma_semaphore, #tpu.memory_space<semaphore_mem>>
      tpu.enqueue_indirect_dma source(%dma_start3A_746 : memref<10000x64xf32, #tpu.memory_space<hbm>>) target(%dma_start3A_742 : memref<128x64xf32, #tpu.memory_space<vmem>>) offsets(%dma_start3A_743 : memref<128xi32, #tpu.memory_space<vmem>>) semaphore(%dma_start3A_748 : memref<!tpu.dma_semaphore, #tpu.memory_space<semaphore_mem>>)
      %add3A_749 = arith.constant 1 : i32
      %add3A_750 = arith.addi %mul3A_522, %add3A_749 : i32
      %mul3A_751 = arith.constant 128 : i32
      %mul3A_752 = arith.muli %add3A_750, %mul3A_751 : i32
      %dma_wait3A_753 = arith.constant 1 : i32
      %dma_wait3A_754 = arith.constant 1 : i32
      %dma_wait3A_755 = arith.constant 0 : i32
      %dma_wait3A_756 = arith.constant 0 : i32
      %dma_wait3A_757 = tpu.memref_slice %arg8[%dma_wait3A_753, %dma_wait3A_755, %dma_wait3A_756] : memref<6x128x64xf32, #tpu.memory_space<vmem>> -> memref<1x128x64xf32, #tpu.memory_space<vmem>>
      %dma_wait3A_758 = tpu.memref_squeeze %dma_wait3A_757 : memref<1x128x64xf32, #tpu.memory_space<vmem>> -> memref<128x64xf32, #tpu.memory_space<vmem>>
      %dma_wait3A_759 = tpu.memref_slice %arg7[%mul3A_752] : memref<10000xi32, #tpu.memory_space<vmem>> -> memref<128xi32, #tpu.memory_space<vmem>>
      %dma_wait3A_760 = arith.constant 0 : i32
      %dma_wait3A_761 = arith.constant 0 : i32
      %dma_wait3A_762 = tpu.memref_slice %arg9[%dma_wait3A_760, %dma_wait3A_761] : memref<10112x64xf32, #tpu.memory_space<vmem_shared>> -> memref<10112x64xf32, #tpu.memory_space<vmem_shared>>
      %dma_wait3A_763 = tpu.memref_slice %arg11[%dma_wait3A_754] : memref<6x!tpu.dma_semaphore, #tpu.memory_space<semaphore_mem>> -> memref<1x!tpu.dma_semaphore, #tpu.memory_space<semaphore_mem>>
      %dma_wait3A_764 = tpu.memref_squeeze %dma_wait3A_763 : memref<1x!tpu.dma_semaphore, #tpu.memory_space<semaphore_mem>> -> memref<!tpu.dma_semaphore, #tpu.memory_space<semaphore_mem>>
      tpu.wait_indirect_dma semaphore(%dma_wait3A_764 : memref<!tpu.dma_semaphore, #tpu.memory_space<semaphore_mem>>) src(%dma_wait3A_758 : memref<128x64xf32, #tpu.memory_space<vmem>>) dst(%dma_wait3A_762 : memref<10112x64xf32, #tpu.memory_space<vmem_shared>>)
      %add3A_765 = arith.constant 6 : i32
      %add3A_766 = arith.addi %mul3A_522, %add3A_765 : i32
      %add3A_767 = arith.constant 1 : i32
      %add3A_768 = arith.addi %add3A_766, %add3A_767 : i32
      %mul3A_769 = arith.constant 128 : i32
      %mul3A_770 = arith.muli %add3A_768, %mul3A_769 : i32
      %dma_start3A_771 = arith.constant 1 : i32
      %dma_start3A_772 = arith.constant 1 : i32
      %dma_start3A_773 = arith.constant 0 : i32
      %dma_start3A_774 = arith.constant 0 : i32
      %dma_start3A_775 = tpu.memref_slice %arg8[%dma_start3A_771, %dma_start3A_773, %dma_start3A_774] : memref<6x128x64xf32, #tpu.memory_space<vmem>> -> memref<1x128x64xf32, #tpu.memory_space<vmem>>
      %dma_start3A_776 = tpu.memref_squeeze %dma_start3A_775 : memref<1x128x64xf32, #tpu.memory_space<vmem>> -> memref<128x64xf32, #tpu.memory_space<vmem>>
      %dma_start3A_777 = tpu.memref_slice %arg6[%mul3A_770] : memref<10000xi32, #tpu.memory_space<vmem>> -> memref<128xi32, #tpu.memory_space<vmem>>
      %dma_start3A_778 = arith.constant 0 : i32
      %dma_start3A_779 = arith.constant 0 : i32
      %dma_start3A_780 = tpu.memref_slice %arg2[%dma_start3A_778, %dma_start3A_779] : memref<10000x64xf32, #tpu.memory_space<hbm>> -> memref<10000x64xf32, #tpu.memory_space<hbm>>
      %dma_start3A_781 = tpu.memref_slice %arg10[%dma_start3A_772] : memref<6x!tpu.dma_semaphore, #tpu.memory_space<semaphore_mem>> -> memref<1x!tpu.dma_semaphore, #tpu.memory_space<semaphore_mem>>
      %dma_start3A_782 = tpu.memref_squeeze %dma_start3A_781 : memref<1x!tpu.dma_semaphore, #tpu.memory_space<semaphore_mem>> -> memref<!tpu.dma_semaphore, #tpu.memory_space<semaphore_mem>>
      tpu.enqueue_indirect_dma source(%dma_start3A_780 : memref<10000x64xf32, #tpu.memory_space<hbm>>) target(%dma_start3A_776 : memref<128x64xf32, #tpu.memory_space<vmem>>) offsets(%dma_start3A_777 : memref<128xi32, #tpu.memory_space<vmem>>) semaphore(%dma_start3A_782 : memref<!tpu.dma_semaphore, #tpu.memory_space<semaphore_mem>>)
      %add3A_783 = arith.constant 2 : i32
      %add3A_784 = arith.addi %mul3A_522, %add3A_783 : i32
      %mul3A_785 = arith.constant 128 : i32
      %mul3A_786 = arith.muli %add3A_784, %mul3A_785 : i32
      %dma_wait3A_787 = arith.constant 2 : i32
      %dma_wait3A_788 = arith.constant 2 : i32
      %dma_wait3A_789 = arith.constant 0 : i32
      %dma_wait3A_790 = arith.constant 0 : i32
      %dma_wait3A_791 = tpu.memref_slice %arg8[%dma_wait3A_787, %dma_wait3A_789, %dma_wait3A_790] : memref<6x128x64xf32, #tpu.memory_space<vmem>> -> memref<1x128x64xf32, #tpu.memory_space<vmem>>
      %dma_wait3A_792 = tpu.memref_squeeze %dma_wait3A_791 : memref<1x128x64xf32, #tpu.memory_space<vmem>> -> memref<128x64xf32, #tpu.memory_space<vmem>>
      %dma_wait3A_793 = tpu.memref_slice %arg7[%mul3A_786] : memref<10000xi32, #tpu.memory_space<vmem>> -> memref<128xi32, #tpu.memory_space<vmem>>
      %dma_wait3A_794 = arith.constant 0 : i32
      %dma_wait3A_795 = arith.constant 0 : i32
      %dma_wait3A_796 = tpu.memref_slice %arg9[%dma_wait3A_794, %dma_wait3A_795] : memref<10112x64xf32, #tpu.memory_space<vmem_shared>> -> memref<10112x64xf32, #tpu.memory_space<vmem_shared>>
      %dma_wait3A_797 = tpu.memref_slice %arg11[%dma_wait3A_788] : memref<6x!tpu.dma_semaphore, #tpu.memory_space<semaphore_mem>> -> memref<1x!tpu.dma_semaphore, #tpu.memory_space<semaphore_mem>>
      %dma_wait3A_798 = tpu.memref_squeeze %dma_wait3A_797 : memref<1x!tpu.dma_semaphore, #tpu.memory_space<semaphore_mem>> -> memref<!tpu.dma_semaphore, #tpu.memory_space<semaphore_mem>>
      tpu.wait_indirect_dma semaphore(%dma_wait3A_798 : memref<!tpu.dma_semaphore, #tpu.memory_space<semaphore_mem>>) src(%dma_wait3A_792 : memref<128x64xf32, #tpu.memory_space<vmem>>) dst(%dma_wait3A_796 : memref<10112x64xf32, #tpu.memory_space<vmem_shared>>)
      %add3A_799 = arith.constant 6 : i32
      %add3A_800 = arith.addi %mul3A_522, %add3A_799 : i32
      %add3A_801 = arith.constant 2 : i32
      %add3A_802 = arith.addi %add3A_800, %add3A_801 : i32
      %mul3A_803 = arith.constant 128 : i32
      %mul3A_804 = arith.muli %add3A_802, %mul3A_803 : i32
      %dma_start3A_805 = arith.constant 2 : i32
      %dma_start3A_806 = arith.constant 2 : i32
      %dma_start3A_807 = arith.constant 0 : i32
      %dma_start3A_808 = arith.constant 0 : i32
      %dma_start3A_809 = tpu.memref_slice %arg8[%dma_start3A_805, %dma_start3A_807, %dma_start3A_808] : memref<6x128x64xf32, #tpu.memory_space<vmem>> -> memref<1x128x64xf32, #tpu.memory_space<vmem>>
      %dma_start3A_810 = tpu.memref_squeeze %dma_start3A_809 : memref<1x128x64xf32, #tpu.memory_space<vmem>> -> memref<128x64xf32, #tpu.memory_space<vmem>>
      %dma_start3A_811 = tpu.memref_slice %arg6[%mul3A_804] : memref<10000xi32, #tpu.memory_space<vmem>> -> memref<128xi32, #tpu.memory_space<vmem>>
      %dma_start3A_812 = arith.constant 0 : i32
      %dma_start3A_813 = arith.constant 0 : i32
      %dma_start3A_814 = tpu.memref_slice %arg2[%dma_start3A_812, %dma_start3A_813] : memref<10000x64xf32, #tpu.memory_space<hbm>> -> memref<10000x64xf32, #tpu.memory_space<hbm>>
      %dma_start3A_815 = tpu.memref_slice %arg10[%dma_start3A_806] : memref<6x!tpu.dma_semaphore, #tpu.memory_space<semaphore_mem>> -> memref<1x!tpu.dma_semaphore, #tpu.memory_space<semaphore_mem>>
      %dma_start3A_816 = tpu.memref_squeeze %dma_start3A_815 : memref<1x!tpu.dma_semaphore, #tpu.memory_space<semaphore_mem>> -> memref<!tpu.dma_semaphore, #tpu.memory_space<semaphore_mem>>
      tpu.enqueue_indirect_dma source(%dma_start3A_814 : memref<10000x64xf32, #tpu.memory_space<hbm>>) target(%dma_start3A_810 : memref<128x64xf32, #tpu.memory_space<vmem>>) offsets(%dma_start3A_811 : memref<128xi32, #tpu.memory_space<vmem>>) semaphore(%dma_start3A_816 : memref<!tpu.dma_semaphore, #tpu.memory_space<semaphore_mem>>)
      %add3A_817 = arith.constant 3 : i32
      %add3A_818 = arith.addi %mul3A_522, %add3A_817 : i32
      %mul3A_819 = arith.constant 128 : i32
      %mul3A_820 = arith.muli %add3A_818, %mul3A_819 : i32
      %dma_wait3A_821 = arith.constant 3 : i32
      %dma_wait3A_822 = arith.constant 3 : i32
      %dma_wait3A_823 = arith.constant 0 : i32
      %dma_wait3A_824 = arith.constant 0 : i32
      %dma_wait3A_825 = tpu.memref_slice %arg8[%dma_wait3A_821, %dma_wait3A_823, %dma_wait3A_824] : memref<6x128x64xf32, #tpu.memory_space<vmem>> -> memref<1x128x64xf32, #tpu.memory_space<vmem>>
      %dma_wait3A_826 = tpu.memref_squeeze %dma_wait3A_825 : memref<1x128x64xf32, #tpu.memory_space<vmem>> -> memref<128x64xf32, #tpu.memory_space<vmem>>
      %dma_wait3A_827 = tpu.memref_slice %arg7[%mul3A_820] : memref<10000xi32, #tpu.memory_space<vmem>> -> memref<128xi32, #tpu.memory_space<vmem>>
      %dma_wait3A_828 = arith.constant 0 : i32
      %dma_wait3A_829 = arith.constant 0 : i32
      %dma_wait3A_830 = tpu.memref_slice %arg9[%dma_wait3A_828, %dma_wait3A_829] : memref<10112x64xf32, #tpu.memory_space<vmem_shared>> -> memref<10112x64xf32, #tpu.memory_space<vmem_shared>>
      %dma_wait3A_831 = tpu.memref_slice %arg11[%dma_wait3A_822] : memref<6x!tpu.dma_semaphore, #tpu.memory_space<semaphore_mem>> -> memref<1x!tpu.dma_semaphore, #tpu.memory_space<semaphore_mem>>
      %dma_wait3A_832 = tpu.memref_squeeze %dma_wait3A_831 : memref<1x!tpu.dma_semaphore, #tpu.memory_space<semaphore_mem>> -> memref<!tpu.dma_semaphore, #tpu.memory_space<semaphore_mem>>
      tpu.wait_indirect_dma semaphore(%dma_wait3A_832 : memref<!tpu.dma_semaphore, #tpu.memory_space<semaphore_mem>>) src(%dma_wait3A_826 : memref<128x64xf32, #tpu.memory_space<vmem>>) dst(%dma_wait3A_830 : memref<10112x64xf32, #tpu.memory_space<vmem_shared>>)
      %add3A_833 = arith.constant 6 : i32
      %add3A_834 = arith.addi %mul3A_522, %add3A_833 : i32
      %add3A_835 = arith.constant 3 : i32
      %add3A_836 = arith.addi %add3A_834, %add3A_835 : i32
      %mul3A_837 = arith.constant 128 : i32
      %mul3A_838 = arith.muli %add3A_836, %mul3A_837 : i32
      %dma_start3A_839 = arith.constant 3 : i32
      %dma_start3A_840 = arith.constant 3 : i32
      %dma_start3A_841 = arith.constant 0 : i32
      %dma_start3A_842 = arith.constant 0 : i32
      %dma_start3A_843 = tpu.memref_slice %arg8[%dma_start3A_839, %dma_start3A_841, %dma_start3A_842] : memref<6x128x64xf32, #tpu.memory_space<vmem>> -> memref<1x128x64xf32, #tpu.memory_space<vmem>>
      %dma_start3A_844 = tpu.memref_squeeze %dma_start3A_843 : memref<1x128x64xf32, #tpu.memory_space<vmem>> -> memref<128x64xf32, #tpu.memory_space<vmem>>
      %dma_start3A_845 = tpu.memref_slice %arg6[%mul3A_838] : memref<10000xi32, #tpu.memory_space<vmem>> -> memref<128xi32, #tpu.memory_space<vmem>>
      %dma_start3A_846 = arith.constant 0 : i32
      %dma_start3A_847 = arith.constant 0 : i32
      %dma_start3A_848 = tpu.memref_slice %arg2[%dma_start3A_846, %dma_start3A_847] : memref<10000x64xf32, #tpu.memory_space<hbm>> -> memref<10000x64xf32, #tpu.memory_space<hbm>>
      %dma_start3A_849 = tpu.memref_slice %arg10[%dma_start3A_840] : memref<6x!tpu.dma_semaphore, #tpu.memory_space<semaphore_mem>> -> memref<1x!tpu.dma_semaphore, #tpu.memory_space<semaphore_mem>>
      %dma_start3A_850 = tpu.memref_squeeze %dma_start3A_849 : memref<1x!tpu.dma_semaphore, #tpu.memory_space<semaphore_mem>> -> memref<!tpu.dma_semaphore, #tpu.memory_space<semaphore_mem>>
      tpu.enqueue_indirect_dma source(%dma_start3A_848 : memref<10000x64xf32, #tpu.memory_space<hbm>>) target(%dma_start3A_844 : memref<128x64xf32, #tpu.memory_space<vmem>>) offsets(%dma_start3A_845 : memref<128xi32, #tpu.memory_space<vmem>>) semaphore(%dma_start3A_850 : memref<!tpu.dma_semaphore, #tpu.memory_space<semaphore_mem>>)
      %add3A_851 = arith.constant 4 : i32
      %add3A_852 = arith.addi %mul3A_522, %add3A_851 : i32
      %mul3A_853 = arith.constant 128 : i32
      %mul3A_854 = arith.muli %add3A_852, %mul3A_853 : i32
      %dma_wait3A_855 = arith.constant 4 : i32
      %dma_wait3A_856 = arith.constant 4 : i32
      %dma_wait3A_857 = arith.constant 0 : i32
      %dma_wait3A_858 = arith.constant 0 : i32
      %dma_wait3A_859 = tpu.memref_slice %arg8[%dma_wait3A_855, %dma_wait3A_857, %dma_wait3A_858] : memref<6x128x64xf32, #tpu.memory_space<vmem>> -> memref<1x128x64xf32, #tpu.memory_space<vmem>>
      %dma_wait3A_860 = tpu.memref_squeeze %dma_wait3A_859 : memref<1x128x64xf32, #tpu.memory_space<vmem>> -> memref<128x64xf32, #tpu.memory_space<vmem>>
      %dma_wait3A_861 = tpu.memref_slice %arg7[%mul3A_854] : memref<10000xi32, #tpu.memory_space<vmem>> -> memref<128xi32, #tpu.memory_space<vmem>>
      %dma_wait3A_862 = arith.constant 0 : i32
      %dma_wait3A_863 = arith.constant 0 : i32
      %dma_wait3A_864 = tpu.memref_slice %arg9[%dma_wait3A_862, %dma_wait3A_863] : memref<10112x64xf32, #tpu.memory_space<vmem_shared>> -> memref<10112x64xf32, #tpu.memory_space<vmem_shared>>
      %dma_wait3A_865 = tpu.memref_slice %arg11[%dma_wait3A_856] : memref<6x!tpu.dma_semaphore, #tpu.memory_space<semaphore_mem>> -> memref<1x!tpu.dma_semaphore, #tpu.memory_space<semaphore_mem>>
      %dma_wait3A_866 = tpu.memref_squeeze %dma_wait3A_865 : memref<1x!tpu.dma_semaphore, #tpu.memory_space<semaphore_mem>> -> memref<!tpu.dma_semaphore, #tpu.memory_space<semaphore_mem>>
      tpu.wait_indirect_dma semaphore(%dma_wait3A_866 : memref<!tpu.dma_semaphore, #tpu.memory_space<semaphore_mem>>) src(%dma_wait3A_860 : memref<128x64xf32, #tpu.memory_space<vmem>>) dst(%dma_wait3A_864 : memref<10112x64xf32, #tpu.memory_space<vmem_shared>>)
      %add3A_867 = arith.constant 6 : i32
      %add3A_868 = arith.addi %mul3A_522, %add3A_867 : i32
      %add3A_869 = arith.constant 4 : i32
      %add3A_870 = arith.addi %add3A_868, %add3A_869 : i32
      %mul3A_871 = arith.constant 128 : i32
      %mul3A_872 = arith.muli %add3A_870, %mul3A_871 : i32
      %dma_start3A_873 = arith.constant 4 : i32
      %dma_start3A_874 = arith.constant 4 : i32
      %dma_start3A_875 = arith.constant 0 : i32
      %dma_start3A_876 = arith.constant 0 : i32
      %dma_start3A_877 = tpu.memref_slice %arg8[%dma_start3A_873, %dma_start3A_875, %dma_start3A_876] : memref<6x128x64xf32, #tpu.memory_space<vmem>> -> memref<1x128x64xf32, #tpu.memory_space<vmem>>
      %dma_start3A_878 = tpu.memref_squeeze %dma_start3A_877 : memref<1x128x64xf32, #tpu.memory_space<vmem>> -> memref<128x64xf32, #tpu.memory_space<vmem>>
      %dma_start3A_879 = tpu.memref_slice %arg6[%mul3A_872] : memref<10000xi32, #tpu.memory_space<vmem>> -> memref<128xi32, #tpu.memory_space<vmem>>
      %dma_start3A_880 = arith.constant 0 : i32
      %dma_start3A_881 = arith.constant 0 : i32
      %dma_start3A_882 = tpu.memref_slice %arg2[%dma_start3A_880, %dma_start3A_881] : memref<10000x64xf32, #tpu.memory_space<hbm>> -> memref<10000x64xf32, #tpu.memory_space<hbm>>
      %dma_start3A_883 = tpu.memref_slice %arg10[%dma_start3A_874] : memref<6x!tpu.dma_semaphore, #tpu.memory_space<semaphore_mem>> -> memref<1x!tpu.dma_semaphore, #tpu.memory_space<semaphore_mem>>
      %dma_start3A_884 = tpu.memref_squeeze %dma_start3A_883 : memref<1x!tpu.dma_semaphore, #tpu.memory_space<semaphore_mem>> -> memref<!tpu.dma_semaphore, #tpu.memory_space<semaphore_mem>>
      tpu.enqueue_indirect_dma source(%dma_start3A_882 : memref<10000x64xf32, #tpu.memory_space<hbm>>) target(%dma_start3A_878 : memref<128x64xf32, #tpu.memory_space<vmem>>) offsets(%dma_start3A_879 : memref<128xi32, #tpu.memory_space<vmem>>) semaphore(%dma_start3A_884 : memref<!tpu.dma_semaphore, #tpu.memory_space<semaphore_mem>>)
      %add3A_885 = arith.constant 5 : i32
      %add3A_886 = arith.addi %mul3A_522, %add3A_885 : i32
      %mul3A_887 = arith.constant 128 : i32
      %mul3A_888 = arith.muli %add3A_886, %mul3A_887 : i32
      %dma_wait3A_889 = arith.constant 5 : i32
      %dma_wait3A_890 = arith.constant 5 : i32
      %dma_wait3A_891 = arith.constant 0 : i32
      %dma_wait3A_892 = arith.constant 0 : i32
      %dma_wait3A_893 = tpu.memref_slice %arg8[%dma_wait3A_889, %dma_wait3A_891, %dma_wait3A_892] : memref<6x128x64xf32, #tpu.memory_space<vmem>> -> memref<1x128x64xf32, #tpu.memory_space<vmem>>
      %dma_wait3A_894 = tpu.memref_squeeze %dma_wait3A_893 : memref<1x128x64xf32, #tpu.memory_space<vmem>> -> memref<128x64xf32, #tpu.memory_space<vmem>>
      %dma_wait3A_895 = tpu.memref_slice %arg7[%mul3A_888] : memref<10000xi32, #tpu.memory_space<vmem>> -> memref<128xi32, #tpu.memory_space<vmem>>
      %dma_wait3A_896 = arith.constant 0 : i32
      %dma_wait3A_897 = arith.constant 0 : i32
      %dma_wait3A_898 = tpu.memref_slice %arg9[%dma_wait3A_896, %dma_wait3A_897] : memref<10112x64xf32, #tpu.memory_space<vmem_shared>> -> memref<10112x64xf32, #tpu.memory_space<vmem_shared>>
      %dma_wait3A_899 = tpu.memref_slice %arg11[%dma_wait3A_890] : memref<6x!tpu.dma_semaphore, #tpu.memory_space<semaphore_mem>> -> memref<1x!tpu.dma_semaphore, #tpu.memory_space<semaphore_mem>>
      %dma_wait3A_900 = tpu.memref_squeeze %dma_wait3A_899 : memref<1x!tpu.dma_semaphore, #tpu.memory_space<semaphore_mem>> -> memref<!tpu.dma_semaphore, #tpu.memory_space<semaphore_mem>>
      tpu.wait_indirect_dma semaphore(%dma_wait3A_900 : memref<!tpu.dma_semaphore, #tpu.memory_space<semaphore_mem>>) src(%dma_wait3A_894 : memref<128x64xf32, #tpu.memory_space<vmem>>) dst(%dma_wait3A_898 : memref<10112x64xf32, #tpu.memory_space<vmem_shared>>)
      %add3A_901 = arith.constant 6 : i32
      %add3A_902 = arith.addi %mul3A_522, %add3A_901 : i32
      %add3A_903 = arith.constant 5 : i32
      %add3A_904 = arith.addi %add3A_902, %add3A_903 : i32
      %mul3A_905 = arith.constant 128 : i32
      %mul3A_906 = arith.muli %add3A_904, %mul3A_905 : i32
      %dma_start3A_907 = arith.constant 5 : i32
      %dma_start3A_908 = arith.constant 5 : i32
      %dma_start3A_909 = arith.constant 0 : i32
      %dma_start3A_910 = arith.constant 0 : i32
      %dma_start3A_911 = tpu.memref_slice %arg8[%dma_start3A_907, %dma_start3A_909, %dma_start3A_910] : memref<6x128x64xf32, #tpu.memory_space<vmem>> -> memref<1x128x64xf32, #tpu.memory_space<vmem>>
      %dma_start3A_912 = tpu.memref_squeeze %dma_start3A_911 : memref<1x128x64xf32, #tpu.memory_space<vmem>> -> memref<128x64xf32, #tpu.memory_space<vmem>>
      %dma_start3A_913 = tpu.memref_slice %arg6[%mul3A_906] : memref<10000xi32, #tpu.memory_space<vmem>> -> memref<128xi32, #tpu.memory_space<vmem>>
      %dma_start3A_914 = arith.constant 0 : i32
      %dma_start3A_915 = arith.constant 0 : i32
      %dma_start3A_916 = tpu.memref_slice %arg2[%dma_start3A_914, %dma_start3A_915] : memref<10000x64xf32, #tpu.memory_space<hbm>> -> memref<10000x64xf32, #tpu.memory_space<hbm>>
      %dma_start3A_917 = tpu.memref_slice %arg10[%dma_start3A_908] : memref<6x!tpu.dma_semaphore, #tpu.memory_space<semaphore_mem>> -> memref<1x!tpu.dma_semaphore, #tpu.memory_space<semaphore_mem>>
      %dma_start3A_918 = tpu.memref_squeeze %dma_start3A_917 : memref<1x!tpu.dma_semaphore, #tpu.memory_space<semaphore_mem>> -> memref<!tpu.dma_semaphore, #tpu.memory_space<semaphore_mem>>
      tpu.enqueue_indirect_dma source(%dma_start3A_916 : memref<10000x64xf32, #tpu.memory_space<hbm>>) target(%dma_start3A_912 : memref<128x64xf32, #tpu.memory_space<vmem>>) offsets(%dma_start3A_913 : memref<128xi32, #tpu.memory_space<vmem>>) semaphore(%dma_start3A_918 : memref<!tpu.dma_semaphore, #tpu.memory_space<semaphore_mem>>)
    }
    %scan3A_272 = arith.constant 12 : i32
    %dma_wait3A_273 = arith.constant 0 : i32
    %dma_wait3A_274 = arith.constant 0 : i32
    %dma_wait3A_275 = arith.constant 0 : i32
    %dma_wait3A_276 = arith.constant 0 : i32
    %dma_wait3A_277 = tpu.memref_slice %arg8[%dma_wait3A_273, %dma_wait3A_275, %dma_wait3A_276] : memref<6x128x64xf32, #tpu.memory_space<vmem>> -> memref<1x128x64xf32, #tpu.memory_space<vmem>>
    %dma_wait3A_278 = tpu.memref_squeeze %dma_wait3A_277 : memref<1x128x64xf32, #tpu.memory_space<vmem>> -> memref<128x64xf32, #tpu.memory_space<vmem>>
    %dma_wait3A_279 = arith.constant 9216 : i32
    %dma_wait3A_280 = tpu.memref_slice %arg6[%dma_wait3A_279] : memref<10000xi32, #tpu.memory_space<vmem>> -> memref<128xi32, #tpu.memory_space<vmem>>
    %dma_wait3A_281 = arith.constant 0 : i32
    %dma_wait3A_282 = arith.constant 0 : i32
    %dma_wait3A_283 = tpu.memref_slice %arg2[%dma_wait3A_281, %dma_wait3A_282] : memref<10000x64xf32, #tpu.memory_space<hbm>> -> memref<10000x64xf32, #tpu.memory_space<hbm>>
    %dma_wait3A_284 = tpu.memref_slice %arg10[%dma_wait3A_274] : memref<6x!tpu.dma_semaphore, #tpu.memory_space<semaphore_mem>> -> memref<1x!tpu.dma_semaphore, #tpu.memory_space<semaphore_mem>>
    %dma_wait3A_285 = tpu.memref_squeeze %dma_wait3A_284 : memref<1x!tpu.dma_semaphore, #tpu.memory_space<semaphore_mem>> -> memref<!tpu.dma_semaphore, #tpu.memory_space<semaphore_mem>>
    tpu.wait_indirect_dma semaphore(%dma_wait3A_285 : memref<!tpu.dma_semaphore, #tpu.memory_space<semaphore_mem>>) src(%dma_wait3A_283 : memref<10000x64xf32, #tpu.memory_space<hbm>>) dst(%dma_wait3A_278 : memref<128x64xf32, #tpu.memory_space<vmem>>)
    %dma_start3A_286 = arith.constant 0 : i32
    %dma_start3A_287 = arith.constant 0 : i32
    %dma_start3A_288 = arith.constant 0 : i32
    %dma_start3A_289 = arith.constant 0 : i32
    %dma_start3A_290 = tpu.memref_slice %arg8[%dma_start3A_286, %dma_start3A_288, %dma_start3A_289] : memref<6x128x64xf32, #tpu.memory_space<vmem>> -> memref<1x128x64xf32, #tpu.memory_space<vmem>>
    %dma_start3A_291 = tpu.memref_squeeze %dma_start3A_290 : memref<1x128x64xf32, #tpu.memory_space<vmem>> -> memref<128x64xf32, #tpu.memory_space<vmem>>
    %dma_start3A_292 = arith.constant 9216 : i32
    %dma_start3A_293 = tpu.memref_slice %arg7[%dma_start3A_292] : memref<10000xi32, #tpu.memory_space<vmem>> -> memref<128xi32, #tpu.memory_space<vmem>>
    %dma_start3A_294 = arith.constant 0 : i32
    %dma_start3A_295 = arith.constant 0 : i32
    %dma_start3A_296 = tpu.memref_slice %arg9[%dma_start3A_294, %dma_start3A_295] : memref<10112x64xf32, #tpu.memory_space<vmem_shared>> -> memref<10112x64xf32, #tpu.memory_space<vmem_shared>>
    %dma_start3A_297 = tpu.memref_slice %arg11[%dma_start3A_287] : memref<6x!tpu.dma_semaphore, #tpu.memory_space<semaphore_mem>> -> memref<1x!tpu.dma_semaphore, #tpu.memory_space<semaphore_mem>>
    %dma_start3A_298 = tpu.memref_squeeze %dma_start3A_297 : memref<1x!tpu.dma_semaphore, #tpu.memory_space<semaphore_mem>> -> memref<!tpu.dma_semaphore, #tpu.memory_space<semaphore_mem>>
    tpu.enqueue_indirect_dma source(%dma_start3A_291 : memref<128x64xf32, #tpu.memory_space<vmem>>) target(%dma_start3A_296 : memref<10112x64xf32, #tpu.memory_space<vmem_shared>>) offsets(%dma_start3A_293 : memref<128xi32, #tpu.memory_space<vmem>>) semaphore(%dma_start3A_298 : memref<!tpu.dma_semaphore, #tpu.memory_space<semaphore_mem>>) {add = true}
    %dma_wait3A_299 = arith.constant 1 : i32
    %dma_wait3A_300 = arith.constant 1 : i32
    %dma_wait3A_301 = arith.constant 0 : i32
    %dma_wait3A_302 = arith.constant 0 : i32
    %dma_wait3A_303 = tpu.memref_slice %arg8[%dma_wait3A_299, %dma_wait3A_301, %dma_wait3A_302] : memref<6x128x64xf32, #tpu.memory_space<vmem>> -> memref<1x128x64xf32, #tpu.memory_space<vmem>>
    %dma_wait3A_304 = tpu.memref_squeeze %dma_wait3A_303 : memref<1x128x64xf32, #tpu.memory_space<vmem>> -> memref<128x64xf32, #tpu.memory_space<vmem>>
    %dma_wait3A_305 = arith.constant 9344 : i32
    %dma_wait3A_306 = tpu.memref_slice %arg6[%dma_wait3A_305] : memref<10000xi32, #tpu.memory_space<vmem>> -> memref<128xi32, #tpu.memory_space<vmem>>
    %dma_wait3A_307 = arith.constant 0 : i32
    %dma_wait3A_308 = arith.constant 0 : i32
    %dma_wait3A_309 = tpu.memref_slice %arg2[%dma_wait3A_307, %dma_wait3A_308] : memref<10000x64xf32, #tpu.memory_space<hbm>> -> memref<10000x64xf32, #tpu.memory_space<hbm>>
    %dma_wait3A_310 = tpu.memref_slice %arg10[%dma_wait3A_300] : memref<6x!tpu.dma_semaphore, #tpu.memory_space<semaphore_mem>> -> memref<1x!tpu.dma_semaphore, #tpu.memory_space<semaphore_mem>>
    %dma_wait3A_311 = tpu.memref_squeeze %dma_wait3A_310 : memref<1x!tpu.dma_semaphore, #tpu.memory_space<semaphore_mem>> -> memref<!tpu.dma_semaphore, #tpu.memory_space<semaphore_mem>>
    tpu.wait_indirect_dma semaphore(%dma_wait3A_311 : memref<!tpu.dma_semaphore, #tpu.memory_space<semaphore_mem>>) src(%dma_wait3A_309 : memref<10000x64xf32, #tpu.memory_space<hbm>>) dst(%dma_wait3A_304 : memref<128x64xf32, #tpu.memory_space<vmem>>)
    %dma_start3A_312 = arith.constant 1 : i32
    %dma_start3A_313 = arith.constant 1 : i32
    %dma_start3A_314 = arith.constant 0 : i32
    %dma_start3A_315 = arith.constant 0 : i32
    %dma_start3A_316 = tpu.memref_slice %arg8[%dma_start3A_312, %dma_start3A_314, %dma_start3A_315] : memref<6x128x64xf32, #tpu.memory_space<vmem>> -> memref<1x128x64xf32, #tpu.memory_space<vmem>>
    %dma_start3A_317 = tpu.memref_squeeze %dma_start3A_316 : memref<1x128x64xf32, #tpu.memory_space<vmem>> -> memref<128x64xf32, #tpu.memory_space<vmem>>
    %dma_start3A_318 = arith.constant 9344 : i32
    %dma_start3A_319 = tpu.memref_slice %arg7[%dma_start3A_318] : memref<10000xi32, #tpu.memory_space<vmem>> -> memref<128xi32, #tpu.memory_space<vmem>>
    %dma_start3A_320 = arith.constant 0 : i32
    %dma_start3A_321 = arith.constant 0 : i32
    %dma_start3A_322 = tpu.memref_slice %arg9[%dma_start3A_320, %dma_start3A_321] : memref<10112x64xf32, #tpu.memory_space<vmem_shared>> -> memref<10112x64xf32, #tpu.memory_space<vmem_shared>>
    %dma_start3A_323 = tpu.memref_slice %arg11[%dma_start3A_313] : memref<6x!tpu.dma_semaphore, #tpu.memory_space<semaphore_mem>> -> memref<1x!tpu.dma_semaphore, #tpu.memory_space<semaphore_mem>>
    %dma_start3A_324 = tpu.memref_squeeze %dma_start3A_323 : memref<1x!tpu.dma_semaphore, #tpu.memory_space<semaphore_mem>> -> memref<!tpu.dma_semaphore, #tpu.memory_space<semaphore_mem>>
    tpu.enqueue_indirect_dma source(%dma_start3A_317 : memref<128x64xf32, #tpu.memory_space<vmem>>) target(%dma_start3A_322 : memref<10112x64xf32, #tpu.memory_space<vmem_shared>>) offsets(%dma_start3A_319 : memref<128xi32, #tpu.memory_space<vmem>>) semaphore(%dma_start3A_324 : memref<!tpu.dma_semaphore, #tpu.memory_space<semaphore_mem>>) {add = true}
    %dma_wait3A_325 = arith.constant 2 : i32
    %dma_wait3A_326 = arith.constant 2 : i32
    %dma_wait3A_327 = arith.constant 0 : i32
    %dma_wait3A_328 = arith.constant 0 : i32
    %dma_wait3A_329 = tpu.memref_slice %arg8[%dma_wait3A_325, %dma_wait3A_327, %dma_wait3A_328] : memref<6x128x64xf32, #tpu.memory_space<vmem>> -> memref<1x128x64xf32, #tpu.memory_space<vmem>>
    %dma_wait3A_330 = tpu.memref_squeeze %dma_wait3A_329 : memref<1x128x64xf32, #tpu.memory_space<vmem>> -> memref<128x64xf32, #tpu.memory_space<vmem>>
    %dma_wait3A_331 = arith.constant 9472 : i32
    %dma_wait3A_332 = tpu.memref_slice %arg6[%dma_wait3A_331] : memref<10000xi32, #tpu.memory_space<vmem>> -> memref<128xi32, #tpu.memory_space<vmem>>
    %dma_wait3A_333 = arith.constant 0 : i32
    %dma_wait3A_334 = arith.constant 0 : i32
    %dma_wait3A_335 = tpu.memref_slice %arg2[%dma_wait3A_333, %dma_wait3A_334] : memref<10000x64xf32, #tpu.memory_space<hbm>> -> memref<10000x64xf32, #tpu.memory_space<hbm>>
    %dma_wait3A_336 = tpu.memref_slice %arg10[%dma_wait3A_326] : memref<6x!tpu.dma_semaphore, #tpu.memory_space<semaphore_mem>> -> memref<1x!tpu.dma_semaphore, #tpu.memory_space<semaphore_mem>>
    %dma_wait3A_337 = tpu.memref_squeeze %dma_wait3A_336 : memref<1x!tpu.dma_semaphore, #tpu.memory_space<semaphore_mem>> -> memref<!tpu.dma_semaphore, #tpu.memory_space<semaphore_mem>>
    tpu.wait_indirect_dma semaphore(%dma_wait3A_337 : memref<!tpu.dma_semaphore, #tpu.memory_space<semaphore_mem>>) src(%dma_wait3A_335 : memref<10000x64xf32, #tpu.memory_space<hbm>>) dst(%dma_wait3A_330 : memref<128x64xf32, #tpu.memory_space<vmem>>)
    %dma_start3A_338 = arith.constant 2 : i32
    %dma_start3A_339 = arith.constant 2 : i32
    %dma_start3A_340 = arith.constant 0 : i32
    %dma_start3A_341 = arith.constant 0 : i32
    %dma_start3A_342 = tpu.memref_slice %arg8[%dma_start3A_338, %dma_start3A_340, %dma_start3A_341] : memref<6x128x64xf32, #tpu.memory_space<vmem>> -> memref<1x128x64xf32, #tpu.memory_space<vmem>>
    %dma_start3A_343 = tpu.memref_squeeze %dma_start3A_342 : memref<1x128x64xf32, #tpu.memory_space<vmem>> -> memref<128x64xf32, #tpu.memory_space<vmem>>
    %dma_start3A_344 = arith.constant 9472 : i32
    %dma_start3A_345 = tpu.memref_slice %arg7[%dma_start3A_344] : memref<10000xi32, #tpu.memory_space<vmem>> -> memref<128xi32, #tpu.memory_space<vmem>>
    %dma_start3A_346 = arith.constant 0 : i32
    %dma_start3A_347 = arith.constant 0 : i32
    %dma_start3A_348 = tpu.memref_slice %arg9[%dma_start3A_346, %dma_start3A_347] : memref<10112x64xf32, #tpu.memory_space<vmem_shared>> -> memref<10112x64xf32, #tpu.memory_space<vmem_shared>>
    %dma_start3A_349 = tpu.memref_slice %arg11[%dma_start3A_339] : memref<6x!tpu.dma_semaphore, #tpu.memory_space<semaphore_mem>> -> memref<1x!tpu.dma_semaphore, #tpu.memory_space<semaphore_mem>>
    %dma_start3A_350 = tpu.memref_squeeze %dma_start3A_349 : memref<1x!tpu.dma_semaphore, #tpu.memory_space<semaphore_mem>> -> memref<!tpu.dma_semaphore, #tpu.memory_space<semaphore_mem>>
    tpu.enqueue_indirect_dma source(%dma_start3A_343 : memref<128x64xf32, #tpu.memory_space<vmem>>) target(%dma_start3A_348 : memref<10112x64xf32, #tpu.memory_space<vmem_shared>>) offsets(%dma_start3A_345 : memref<128xi32, #tpu.memory_space<vmem>>) semaphore(%dma_start3A_350 : memref<!tpu.dma_semaphore, #tpu.memory_space<semaphore_mem>>) {add = true}
    %dma_wait3A_351 = arith.constant 3 : i32
    %dma_wait3A_352 = arith.constant 3 : i32
    %dma_wait3A_353 = arith.constant 0 : i32
    %dma_wait3A_354 = arith.constant 0 : i32
    %dma_wait3A_355 = tpu.memref_slice %arg8[%dma_wait3A_351, %dma_wait3A_353, %dma_wait3A_354] : memref<6x128x64xf32, #tpu.memory_space<vmem>> -> memref<1x128x64xf32, #tpu.memory_space<vmem>>
    %dma_wait3A_356 = tpu.memref_squeeze %dma_wait3A_355 : memref<1x128x64xf32, #tpu.memory_space<vmem>> -> memref<128x64xf32, #tpu.memory_space<vmem>>
    %dma_wait3A_357 = arith.constant 9600 : i32
    %dma_wait3A_358 = tpu.memref_slice %arg6[%dma_wait3A_357] : memref<10000xi32, #tpu.memory_space<vmem>> -> memref<128xi32, #tpu.memory_space<vmem>>
    %dma_wait3A_359 = arith.constant 0 : i32
    %dma_wait3A_360 = arith.constant 0 : i32
    %dma_wait3A_361 = tpu.memref_slice %arg2[%dma_wait3A_359, %dma_wait3A_360] : memref<10000x64xf32, #tpu.memory_space<hbm>> -> memref<10000x64xf32, #tpu.memory_space<hbm>>
    %dma_wait3A_362 = tpu.memref_slice %arg10[%dma_wait3A_352] : memref<6x!tpu.dma_semaphore, #tpu.memory_space<semaphore_mem>> -> memref<1x!tpu.dma_semaphore, #tpu.memory_space<semaphore_mem>>
    %dma_wait3A_363 = tpu.memref_squeeze %dma_wait3A_362 : memref<1x!tpu.dma_semaphore, #tpu.memory_space<semaphore_mem>> -> memref<!tpu.dma_semaphore, #tpu.memory_space<semaphore_mem>>
    tpu.wait_indirect_dma semaphore(%dma_wait3A_363 : memref<!tpu.dma_semaphore, #tpu.memory_space<semaphore_mem>>) src(%dma_wait3A_361 : memref<10000x64xf32, #tpu.memory_space<hbm>>) dst(%dma_wait3A_356 : memref<128x64xf32, #tpu.memory_space<vmem>>)
    %dma_start3A_364 = arith.constant 3 : i32
    %dma_start3A_365 = arith.constant 3 : i32
    %dma_start3A_366 = arith.constant 0 : i32
    %dma_start3A_367 = arith.constant 0 : i32
    %dma_start3A_368 = tpu.memref_slice %arg8[%dma_start3A_364, %dma_start3A_366, %dma_start3A_367] : memref<6x128x64xf32, #tpu.memory_space<vmem>> -> memref<1x128x64xf32, #tpu.memory_space<vmem>>
    %dma_start3A_369 = tpu.memref_squeeze %dma_start3A_368 : memref<1x128x64xf32, #tpu.memory_space<vmem>> -> memref<128x64xf32, #tpu.memory_space<vmem>>
    %dma_start3A_370 = arith.constant 9600 : i32
    %dma_start3A_371 = tpu.memref_slice %arg7[%dma_start3A_370] : memref<10000xi32, #tpu.memory_space<vmem>> -> memref<128xi32, #tpu.memory_space<vmem>>
    %dma_start3A_372 = arith.constant 0 : i32
    %dma_start3A_373 = arith.constant 0 : i32
    %dma_start3A_374 = tpu.memref_slice %arg9[%dma_start3A_372, %dma_start3A_373] : memref<10112x64xf32, #tpu.memory_space<vmem_shared>> -> memref<10112x64xf32, #tpu.memory_space<vmem_shared>>
    %dma_start3A_375 = tpu.memref_slice %arg11[%dma_start3A_365] : memref<6x!tpu.dma_semaphore, #tpu.memory_space<semaphore_mem>> -> memref<1x!tpu.dma_semaphore, #tpu.memory_space<semaphore_mem>>
    %dma_start3A_376 = tpu.memref_squeeze %dma_start3A_375 : memref<1x!tpu.dma_semaphore, #tpu.memory_space<semaphore_mem>> -> memref<!tpu.dma_semaphore, #tpu.memory_space<semaphore_mem>>
    tpu.enqueue_indirect_dma source(%dma_start3A_369 : memref<128x64xf32, #tpu.memory_space<vmem>>) target(%dma_start3A_374 : memref<10112x64xf32, #tpu.memory_space<vmem_shared>>) offsets(%dma_start3A_371 : memref<128xi32, #tpu.memory_space<vmem>>) semaphore(%dma_start3A_376 : memref<!tpu.dma_semaphore, #tpu.memory_space<semaphore_mem>>) {add = true}
    %dma_wait3A_377 = arith.constant 4 : i32
    %dma_wait3A_378 = arith.constant 4 : i32
    %dma_wait3A_379 = arith.constant 0 : i32
    %dma_wait3A_380 = arith.constant 0 : i32
    %dma_wait3A_381 = tpu.memref_slice %arg8[%dma_wait3A_377, %dma_wait3A_379, %dma_wait3A_380] : memref<6x128x64xf32, #tpu.memory_space<vmem>> -> memref<1x128x64xf32, #tpu.memory_space<vmem>>
    %dma_wait3A_382 = tpu.memref_squeeze %dma_wait3A_381 : memref<1x128x64xf32, #tpu.memory_space<vmem>> -> memref<128x64xf32, #tpu.memory_space<vmem>>
    %dma_wait3A_383 = arith.constant 9728 : i32
    %dma_wait3A_384 = tpu.memref_slice %arg6[%dma_wait3A_383] : memref<10000xi32, #tpu.memory_space<vmem>> -> memref<128xi32, #tpu.memory_space<vmem>>
    %dma_wait3A_385 = arith.constant 0 : i32
    %dma_wait3A_386 = arith.constant 0 : i32
    %dma_wait3A_387 = tpu.memref_slice %arg2[%dma_wait3A_385, %dma_wait3A_386] : memref<10000x64xf32, #tpu.memory_space<hbm>> -> memref<10000x64xf32, #tpu.memory_space<hbm>>
    %dma_wait3A_388 = tpu.memref_slice %arg10[%dma_wait3A_378] : memref<6x!tpu.dma_semaphore, #tpu.memory_space<semaphore_mem>> -> memref<1x!tpu.dma_semaphore, #tpu.memory_space<semaphore_mem>>
    %dma_wait3A_389 = tpu.memref_squeeze %dma_wait3A_388 : memref<1x!tpu.dma_semaphore, #tpu.memory_space<semaphore_mem>> -> memref<!tpu.dma_semaphore, #tpu.memory_space<semaphore_mem>>
    tpu.wait_indirect_dma semaphore(%dma_wait3A_389 : memref<!tpu.dma_semaphore, #tpu.memory_space<semaphore_mem>>) src(%dma_wait3A_387 : memref<10000x64xf32, #tpu.memory_space<hbm>>) dst(%dma_wait3A_382 : memref<128x64xf32, #tpu.memory_space<vmem>>)
    %dma_start3A_390 = arith.constant 4 : i32
    %dma_start3A_391 = arith.constant 4 : i32
    %dma_start3A_392 = arith.constant 0 : i32
    %dma_start3A_393 = arith.constant 0 : i32
    %dma_start3A_394 = tpu.memref_slice %arg8[%dma_start3A_390, %dma_start3A_392, %dma_start3A_393] : memref<6x128x64xf32, #tpu.memory_space<vmem>> -> memref<1x128x64xf32, #tpu.memory_space<vmem>>
    %dma_start3A_395 = tpu.memref_squeeze %dma_start3A_394 : memref<1x128x64xf32, #tpu.memory_space<vmem>> -> memref<128x64xf32, #tpu.memory_space<vmem>>
    %dma_start3A_396 = arith.constant 9728 : i32
    %dma_start3A_397 = tpu.memref_slice %arg7[%dma_start3A_396] : memref<10000xi32, #tpu.memory_space<vmem>> -> memref<128xi32, #tpu.memory_space<vmem>>
    %dma_start3A_398 = arith.constant 0 : i32
    %dma_start3A_399 = arith.constant 0 : i32
    %dma_start3A_400 = tpu.memref_slice %arg9[%dma_start3A_398, %dma_start3A_399] : memref<10112x64xf32, #tpu.memory_space<vmem_shared>> -> memref<10112x64xf32, #tpu.memory_space<vmem_shared>>
    %dma_start3A_401 = tpu.memref_slice %arg11[%dma_start3A_391] : memref<6x!tpu.dma_semaphore, #tpu.memory_space<semaphore_mem>> -> memref<1x!tpu.dma_semaphore, #tpu.memory_space<semaphore_mem>>
    %dma_start3A_402 = tpu.memref_squeeze %dma_start3A_401 : memref<1x!tpu.dma_semaphore, #tpu.memory_space<semaphore_mem>> -> memref<!tpu.dma_semaphore, #tpu.memory_space<semaphore_mem>>
    tpu.enqueue_indirect_dma source(%dma_start3A_395 : memref<128x64xf32, #tpu.memory_space<vmem>>) target(%dma_start3A_400 : memref<10112x64xf32, #tpu.memory_space<vmem_shared>>) offsets(%dma_start3A_397 : memref<128xi32, #tpu.memory_space<vmem>>) semaphore(%dma_start3A_402 : memref<!tpu.dma_semaphore, #tpu.memory_space<semaphore_mem>>) {add = true}
    %dma_wait3A_403 = arith.constant 5 : i32
    %dma_wait3A_404 = arith.constant 5 : i32
    %dma_wait3A_405 = arith.constant 0 : i32
    %dma_wait3A_406 = arith.constant 0 : i32
    %dma_wait3A_407 = tpu.memref_slice %arg8[%dma_wait3A_403, %dma_wait3A_405, %dma_wait3A_406] : memref<6x128x64xf32, #tpu.memory_space<vmem>> -> memref<1x128x64xf32, #tpu.memory_space<vmem>>
    %dma_wait3A_408 = tpu.memref_squeeze %dma_wait3A_407 : memref<1x128x64xf32, #tpu.memory_space<vmem>> -> memref<128x64xf32, #tpu.memory_space<vmem>>
    %dma_wait3A_409 = arith.constant 9856 : i32
    %dma_wait3A_410 = tpu.memref_slice %arg6[%dma_wait3A_409] : memref<10000xi32, #tpu.memory_space<vmem>> -> memref<128xi32, #tpu.memory_space<vmem>>
    %dma_wait3A_411 = arith.constant 0 : i32
    %dma_wait3A_412 = arith.constant 0 : i32
    %dma_wait3A_413 = tpu.memref_slice %arg2[%dma_wait3A_411, %dma_wait3A_412] : memref<10000x64xf32, #tpu.memory_space<hbm>> -> memref<10000x64xf32, #tpu.memory_space<hbm>>
    %dma_wait3A_414 = tpu.memref_slice %arg10[%dma_wait3A_404] : memref<6x!tpu.dma_semaphore, #tpu.memory_space<semaphore_mem>> -> memref<1x!tpu.dma_semaphore, #tpu.memory_space<semaphore_mem>>
    %dma_wait3A_415 = tpu.memref_squeeze %dma_wait3A_414 : memref<1x!tpu.dma_semaphore, #tpu.memory_space<semaphore_mem>> -> memref<!tpu.dma_semaphore, #tpu.memory_space<semaphore_mem>>
    tpu.wait_indirect_dma semaphore(%dma_wait3A_415 : memref<!tpu.dma_semaphore, #tpu.memory_space<semaphore_mem>>) src(%dma_wait3A_413 : memref<10000x64xf32, #tpu.memory_space<hbm>>) dst(%dma_wait3A_408 : memref<128x64xf32, #tpu.memory_space<vmem>>)
    %dma_start3A_416 = arith.constant 5 : i32
    %dma_start3A_417 = arith.constant 5 : i32
    %dma_start3A_418 = arith.constant 0 : i32
    %dma_start3A_419 = arith.constant 0 : i32
    %dma_start3A_420 = tpu.memref_slice %arg8[%dma_start3A_416, %dma_start3A_418, %dma_start3A_419] : memref<6x128x64xf32, #tpu.memory_space<vmem>> -> memref<1x128x64xf32, #tpu.memory_space<vmem>>
    %dma_start3A_421 = tpu.memref_squeeze %dma_start3A_420 : memref<1x128x64xf32, #tpu.memory_space<vmem>> -> memref<128x64xf32, #tpu.memory_space<vmem>>
    %dma_start3A_422 = arith.constant 9856 : i32
    %dma_start3A_423 = tpu.memref_slice %arg7[%dma_start3A_422] : memref<10000xi32, #tpu.memory_space<vmem>> -> memref<128xi32, #tpu.memory_space<vmem>>
    %dma_start3A_424 = arith.constant 0 : i32
    %dma_start3A_425 = arith.constant 0 : i32
    %dma_start3A_426 = tpu.memref_slice %arg9[%dma_start3A_424, %dma_start3A_425] : memref<10112x64xf32, #tpu.memory_space<vmem_shared>> -> memref<10112x64xf32, #tpu.memory_space<vmem_shared>>
    %dma_start3A_427 = tpu.memref_slice %arg11[%dma_start3A_417] : memref<6x!tpu.dma_semaphore, #tpu.memory_space<semaphore_mem>> -> memref<1x!tpu.dma_semaphore, #tpu.memory_space<semaphore_mem>>
    %dma_start3A_428 = tpu.memref_squeeze %dma_start3A_427 : memref<1x!tpu.dma_semaphore, #tpu.memory_space<semaphore_mem>> -> memref<!tpu.dma_semaphore, #tpu.memory_space<semaphore_mem>>
    tpu.enqueue_indirect_dma source(%dma_start3A_421 : memref<128x64xf32, #tpu.memory_space<vmem>>) target(%dma_start3A_426 : memref<10112x64xf32, #tpu.memory_space<vmem_shared>>) offsets(%dma_start3A_423 : memref<128xi32, #tpu.memory_space<vmem>>) semaphore(%dma_start3A_428 : memref<!tpu.dma_semaphore, #tpu.memory_space<semaphore_mem>>) {add = true}
    %dma_wait3A_429 = arith.constant 0 : i32
    %dma_wait3A_430 = arith.constant 0 : i32
    %dma_wait3A_431 = arith.constant 0 : i32
    %dma_wait3A_432 = arith.constant 0 : i32
    %dma_wait3A_433 = tpu.memref_slice %arg8[%dma_wait3A_429, %dma_wait3A_431, %dma_wait3A_432] : memref<6x128x64xf32, #tpu.memory_space<vmem>> -> memref<1x128x64xf32, #tpu.memory_space<vmem>>
    %dma_wait3A_434 = tpu.memref_squeeze %dma_wait3A_433 : memref<1x128x64xf32, #tpu.memory_space<vmem>> -> memref<128x64xf32, #tpu.memory_space<vmem>>
    %dma_wait3A_435 = arith.constant 9216 : i32
    %dma_wait3A_436 = tpu.memref_slice %arg7[%dma_wait3A_435] : memref<10000xi32, #tpu.memory_space<vmem>> -> memref<128xi32, #tpu.memory_space<vmem>>
    %dma_wait3A_437 = arith.constant 0 : i32
    %dma_wait3A_438 = arith.constant 0 : i32
    %dma_wait3A_439 = tpu.memref_slice %arg9[%dma_wait3A_437, %dma_wait3A_438] : memref<10112x64xf32, #tpu.memory_space<vmem_shared>> -> memref<10112x64xf32, #tpu.memory_space<vmem_shared>>
    %dma_wait3A_440 = tpu.memref_slice %arg11[%dma_wait3A_430] : memref<6x!tpu.dma_semaphore, #tpu.memory_space<semaphore_mem>> -> memref<1x!tpu.dma_semaphore, #tpu.memory_space<semaphore_mem>>
    %dma_wait3A_441 = tpu.memref_squeeze %dma_wait3A_440 : memref<1x!tpu.dma_semaphore, #tpu.memory_space<semaphore_mem>> -> memref<!tpu.dma_semaphore, #tpu.memory_space<semaphore_mem>>
    tpu.wait_indirect_dma semaphore(%dma_wait3A_441 : memref<!tpu.dma_semaphore, #tpu.memory_space<semaphore_mem>>) src(%dma_wait3A_434 : memref<128x64xf32, #tpu.memory_space<vmem>>) dst(%dma_wait3A_439 : memref<10112x64xf32, #tpu.memory_space<vmem_shared>>)
    %dma_wait3A_442 = arith.constant 1 : i32
    %dma_wait3A_443 = arith.constant 1 : i32
    %dma_wait3A_444 = arith.constant 0 : i32
    %dma_wait3A_445 = arith.constant 0 : i32
    %dma_wait3A_446 = tpu.memref_slice %arg8[%dma_wait3A_442, %dma_wait3A_444, %dma_wait3A_445] : memref<6x128x64xf32, #tpu.memory_space<vmem>> -> memref<1x128x64xf32, #tpu.memory_space<vmem>>
    %dma_wait3A_447 = tpu.memref_squeeze %dma_wait3A_446 : memref<1x128x64xf32, #tpu.memory_space<vmem>> -> memref<128x64xf32, #tpu.memory_space<vmem>>
    %dma_wait3A_448 = arith.constant 9344 : i32
    %dma_wait3A_449 = tpu.memref_slice %arg7[%dma_wait3A_448] : memref<10000xi32, #tpu.memory_space<vmem>> -> memref<128xi32, #tpu.memory_space<vmem>>
    %dma_wait3A_450 = arith.constant 0 : i32
    %dma_wait3A_451 = arith.constant 0 : i32
    %dma_wait3A_452 = tpu.memref_slice %arg9[%dma_wait3A_450, %dma_wait3A_451] : memref<10112x64xf32, #tpu.memory_space<vmem_shared>> -> memref<10112x64xf32, #tpu.memory_space<vmem_shared>>
    %dma_wait3A_453 = tpu.memref_slice %arg11[%dma_wait3A_443] : memref<6x!tpu.dma_semaphore, #tpu.memory_space<semaphore_mem>> -> memref<1x!tpu.dma_semaphore, #tpu.memory_space<semaphore_mem>>
    %dma_wait3A_454 = tpu.memref_squeeze %dma_wait3A_453 : memref<1x!tpu.dma_semaphore, #tpu.memory_space<semaphore_mem>> -> memref<!tpu.dma_semaphore, #tpu.memory_space<semaphore_mem>>
    tpu.wait_indirect_dma semaphore(%dma_wait3A_454 : memref<!tpu.dma_semaphore, #tpu.memory_space<semaphore_mem>>) src(%dma_wait3A_447 : memref<128x64xf32, #tpu.memory_space<vmem>>) dst(%dma_wait3A_452 : memref<10112x64xf32, #tpu.memory_space<vmem_shared>>)
    %dma_wait3A_455 = arith.constant 2 : i32
    %dma_wait3A_456 = arith.constant 2 : i32
    %dma_wait3A_457 = arith.constant 0 : i32
    %dma_wait3A_458 = arith.constant 0 : i32
    %dma_wait3A_459 = tpu.memref_slice %arg8[%dma_wait3A_455, %dma_wait3A_457, %dma_wait3A_458] : memref<6x128x64xf32, #tpu.memory_space<vmem>> -> memref<1x128x64xf32, #tpu.memory_space<vmem>>
    %dma_wait3A_460 = tpu.memref_squeeze %dma_wait3A_459 : memref<1x128x64xf32, #tpu.memory_space<vmem>> -> memref<128x64xf32, #tpu.memory_space<vmem>>
    %dma_wait3A_461 = arith.constant 9472 : i32
    %dma_wait3A_462 = tpu.memref_slice %arg7[%dma_wait3A_461] : memref<10000xi32, #tpu.memory_space<vmem>> -> memref<128xi32, #tpu.memory_space<vmem>>
    %dma_wait3A_463 = arith.constant 0 : i32
    %dma_wait3A_464 = arith.constant 0 : i32
    %dma_wait3A_465 = tpu.memref_slice %arg9[%dma_wait3A_463, %dma_wait3A_464] : memref<10112x64xf32, #tpu.memory_space<vmem_shared>> -> memref<10112x64xf32, #tpu.memory_space<vmem_shared>>
    %dma_wait3A_466 = tpu.memref_slice %arg11[%dma_wait3A_456] : memref<6x!tpu.dma_semaphore, #tpu.memory_space<semaphore_mem>> -> memref<1x!tpu.dma_semaphore, #tpu.memory_space<semaphore_mem>>
    %dma_wait3A_467 = tpu.memref_squeeze %dma_wait3A_466 : memref<1x!tpu.dma_semaphore, #tpu.memory_space<semaphore_mem>> -> memref<!tpu.dma_semaphore, #tpu.memory_space<semaphore_mem>>
    tpu.wait_indirect_dma semaphore(%dma_wait3A_467 : memref<!tpu.dma_semaphore, #tpu.memory_space<semaphore_mem>>) src(%dma_wait3A_460 : memref<128x64xf32, #tpu.memory_space<vmem>>) dst(%dma_wait3A_465 : memref<10112x64xf32, #tpu.memory_space<vmem_shared>>)
    %dma_wait3A_468 = arith.constant 3 : i32
    %dma_wait3A_469 = arith.constant 3 : i32
    %dma_wait3A_470 = arith.constant 0 : i32
    %dma_wait3A_471 = arith.constant 0 : i32
    %dma_wait3A_472 = tpu.memref_slice %arg8[%dma_wait3A_468, %dma_wait3A_470, %dma_wait3A_471] : memref<6x128x64xf32, #tpu.memory_space<vmem>> -> memref<1x128x64xf32, #tpu.memory_space<vmem>>
    %dma_wait3A_473 = tpu.memref_squeeze %dma_wait3A_472 : memref<1x128x64xf32, #tpu.memory_space<vmem>> -> memref<128x64xf32, #tpu.memory_space<vmem>>
    %dma_wait3A_474 = arith.constant 9600 : i32
    %dma_wait3A_475 = tpu.memref_slice %arg7[%dma_wait3A_474] : memref<10000xi32, #tpu.memory_space<vmem>> -> memref<128xi32, #tpu.memory_space<vmem>>
    %dma_wait3A_476 = arith.constant 0 : i32
    %dma_wait3A_477 = arith.constant 0 : i32
    %dma_wait3A_478 = tpu.memref_slice %arg9[%dma_wait3A_476, %dma_wait3A_477] : memref<10112x64xf32, #tpu.memory_space<vmem_shared>> -> memref<10112x64xf32, #tpu.memory_space<vmem_shared>>
    %dma_wait3A_479 = tpu.memref_slice %arg11[%dma_wait3A_469] : memref<6x!tpu.dma_semaphore, #tpu.memory_space<semaphore_mem>> -> memref<1x!tpu.dma_semaphore, #tpu.memory_space<semaphore_mem>>
    %dma_wait3A_480 = tpu.memref_squeeze %dma_wait3A_479 : memref<1x!tpu.dma_semaphore, #tpu.memory_space<semaphore_mem>> -> memref<!tpu.dma_semaphore, #tpu.memory_space<semaphore_mem>>
    tpu.wait_indirect_dma semaphore(%dma_wait3A_480 : memref<!tpu.dma_semaphore, #tpu.memory_space<semaphore_mem>>) src(%dma_wait3A_473 : memref<128x64xf32, #tpu.memory_space<vmem>>) dst(%dma_wait3A_478 : memref<10112x64xf32, #tpu.memory_space<vmem_shared>>)
    %dma_wait3A_481 = arith.constant 4 : i32
    %dma_wait3A_482 = arith.constant 4 : i32
    %dma_wait3A_483 = arith.constant 0 : i32
    %dma_wait3A_484 = arith.constant 0 : i32
    %dma_wait3A_485 = tpu.memref_slice %arg8[%dma_wait3A_481, %dma_wait3A_483, %dma_wait3A_484] : memref<6x128x64xf32, #tpu.memory_space<vmem>> -> memref<1x128x64xf32, #tpu.memory_space<vmem>>
    %dma_wait3A_486 = tpu.memref_squeeze %dma_wait3A_485 : memref<1x128x64xf32, #tpu.memory_space<vmem>> -> memref<128x64xf32, #tpu.memory_space<vmem>>
    %dma_wait3A_487 = arith.constant 9728 : i32
    %dma_wait3A_488 = tpu.memref_slice %arg7[%dma_wait3A_487] : memref<10000xi32, #tpu.memory_space<vmem>> -> memref<128xi32, #tpu.memory_space<vmem>>
    %dma_wait3A_489 = arith.constant 0 : i32
    %dma_wait3A_490 = arith.constant 0 : i32
    %dma_wait3A_491 = tpu.memref_slice %arg9[%dma_wait3A_489, %dma_wait3A_490] : memref<10112x64xf32, #tpu.memory_space<vmem_shared>> -> memref<10112x64xf32, #tpu.memory_space<vmem_shared>>
    %dma_wait3A_492 = tpu.memref_slice %arg11[%dma_wait3A_482] : memref<6x!tpu.dma_semaphore, #tpu.memory_space<semaphore_mem>> -> memref<1x!tpu.dma_semaphore, #tpu.memory_space<semaphore_mem>>
    %dma_wait3A_493 = tpu.memref_squeeze %dma_wait3A_492 : memref<1x!tpu.dma_semaphore, #tpu.memory_space<semaphore_mem>> -> memref<!tpu.dma_semaphore, #tpu.memory_space<semaphore_mem>>
    tpu.wait_indirect_dma semaphore(%dma_wait3A_493 : memref<!tpu.dma_semaphore, #tpu.memory_space<semaphore_mem>>) src(%dma_wait3A_486 : memref<128x64xf32, #tpu.memory_space<vmem>>) dst(%dma_wait3A_491 : memref<10112x64xf32, #tpu.memory_space<vmem_shared>>)
    %dma_wait3A_494 = arith.constant 5 : i32
    %dma_wait3A_495 = arith.constant 5 : i32
    %dma_wait3A_496 = arith.constant 0 : i32
    %dma_wait3A_497 = arith.constant 0 : i32
    %dma_wait3A_498 = tpu.memref_slice %arg8[%dma_wait3A_494, %dma_wait3A_496, %dma_wait3A_497] : memref<6x128x64xf32, #tpu.memory_space<vmem>> -> memref<1x128x64xf32, #tpu.memory_space<vmem>>
    %dma_wait3A_499 = tpu.memref_squeeze %dma_wait3A_498 : memref<1x128x64xf32, #tpu.memory_space<vmem>> -> memref<128x64xf32, #tpu.memory_space<vmem>>
    %dma_wait3A_500 = arith.constant 9856 : i32
    %dma_wait3A_501 = tpu.memref_slice %arg7[%dma_wait3A_500] : memref<10000xi32, #tpu.memory_space<vmem>> -> memref<128xi32, #tpu.memory_space<vmem>>
    %dma_wait3A_502 = arith.constant 0 : i32
    %dma_wait3A_503 = arith.constant 0 : i32
    %dma_wait3A_504 = tpu.memref_slice %arg9[%dma_wait3A_502, %dma_wait3A_503] : memref<10112x64xf32, #tpu.memory_space<vmem_shared>> -> memref<10112x64xf32, #tpu.memory_space<vmem_shared>>
    %dma_wait3A_505 = tpu.memref_slice %arg11[%dma_wait3A_495] : memref<6x!tpu.dma_semaphore, #tpu.memory_space<semaphore_mem>> -> memref<1x!tpu.dma_semaphore, #tpu.memory_space<semaphore_mem>>
    %dma_wait3A_506 = tpu.memref_squeeze %dma_wait3A_505 : memref<1x!tpu.dma_semaphore, #tpu.memory_space<semaphore_mem>> -> memref<!tpu.dma_semaphore, #tpu.memory_space<semaphore_mem>>
    tpu.wait_indirect_dma semaphore(%dma_wait3A_506 : memref<!tpu.dma_semaphore, #tpu.memory_space<semaphore_mem>>) src(%dma_wait3A_499 : memref<128x64xf32, #tpu.memory_space<vmem>>) dst(%dma_wait3A_504 : memref<10112x64xf32, #tpu.memory_space<vmem_shared>>)
    %run_scoped3A = arith.constant 0 : i32
    "tpu.region"() ({
      %run_scoped3A_516 = tpu.sem_alloc : memref<!tpu.dma_semaphore, #tpu.memory_space<semaphore_mem>>
      %dma_start3A_517 = arith.constant 0 : i32
      %dma_start3A_518 = arith.constant 0 : i32
      %dma_start3A_519 = tpu.memref_slice %arg8[%run_scoped3A, %dma_start3A_517, %dma_start3A_518] : memref<6x128x64xf32, #tpu.memory_space<vmem>> -> memref<1x16x64xf32, #tpu.memory_space<vmem>>
      %dma_start3A_520 = tpu.memref_squeeze %dma_start3A_519 : memref<1x16x64xf32, #tpu.memory_space<vmem>> -> memref<16x64xf32, #tpu.memory_space<vmem>>
      %dma_start3A_521 = arith.constant 9984 : i32
      %dma_start3A_522 = tpu.memref_slice %arg6[%dma_start3A_521] : memref<10000xi32, #tpu.memory_space<vmem>> -> memref<16xi32, #tpu.memory_space<vmem>>
      %dma_start3A_523 = arith.constant 0 : i32
      %dma_start3A_524 = arith.constant 0 : i32
      %dma_start3A_525 = tpu.memref_slice %arg2[%dma_start3A_523, %dma_start3A_524] : memref<10000x64xf32, #tpu.memory_space<hbm>> -> memref<10000x64xf32, #tpu.memory_space<hbm>>
      tpu.enqueue_indirect_dma source(%dma_start3A_525 : memref<10000x64xf32, #tpu.memory_space<hbm>>) target(%dma_start3A_520 : memref<16x64xf32, #tpu.memory_space<vmem>>) offsets(%dma_start3A_522 : memref<16xi32, #tpu.memory_space<vmem>>) semaphore(%run_scoped3A_516 : memref<!tpu.dma_semaphore, #tpu.memory_space<semaphore_mem>>)
      %dma_wait3A_526 = arith.constant 0 : i32
      %dma_wait3A_527 = arith.constant 0 : i32
      %dma_wait3A_528 = tpu.memref_slice %arg8[%run_scoped3A, %dma_wait3A_526, %dma_wait3A_527] : memref<6x128x64xf32, #tpu.memory_space<vmem>> -> memref<1x16x64xf32, #tpu.memory_space<vmem>>
      %dma_wait3A_529 = tpu.memref_squeeze %dma_wait3A_528 : memref<1x16x64xf32, #tpu.memory_space<vmem>> -> memref<16x64xf32, #tpu.memory_space<vmem>>
      %dma_wait3A_530 = arith.constant 9984 : i32
      %dma_wait3A_531 = tpu.memref_slice %arg6[%dma_wait3A_530] : memref<10000xi32, #tpu.memory_space<vmem>> -> memref<16xi32, #tpu.memory_space<vmem>>
      %dma_wait3A_532 = arith.constant 0 : i32
      %dma_wait3A_533 = arith.constant 0 : i32
      %dma_wait3A_534 = tpu.memref_slice %arg2[%dma_wait3A_532, %dma_wait3A_533] : memref<10000x64xf32, #tpu.memory_space<hbm>> -> memref<10000x64xf32, #tpu.memory_space<hbm>>
      tpu.wait_indirect_dma semaphore(%run_scoped3A_516 : memref<!tpu.dma_semaphore, #tpu.memory_space<semaphore_mem>>) src(%dma_wait3A_534 : memref<10000x64xf32, #tpu.memory_space<hbm>>) dst(%dma_wait3A_529 : memref<16x64xf32, #tpu.memory_space<vmem>>)
      tpu.yield
    }) : () -> ()
    %run_scoped3A_507 = arith.constant 0 : i32
    "tpu.region"() ({
      %run_scoped3A_516 = tpu.sem_alloc : memref<!tpu.dma_semaphore, #tpu.memory_space<semaphore_mem>>
      %dma_start3A_517 = arith.constant 0 : i32
      %dma_start3A_518 = arith.constant 0 : i32
      %dma_start3A_519 = tpu.memref_slice %arg8[%run_scoped3A_507, %dma_start3A_517, %dma_start3A_518] : memref<6x128x64xf32, #tpu.memory_space<vmem>> -> memref<1x16x64xf32, #tpu.memory_space<vmem>>
      %dma_start3A_520 = tpu.memref_squeeze %dma_start3A_519 : memref<1x16x64xf32, #tpu.memory_space<vmem>> -> memref<16x64xf32, #tpu.memory_space<vmem>>
      %dma_start3A_521 = arith.constant 9984 : i32
      %dma_start3A_522 = tpu.memref_slice %arg7[%dma_start3A_521] : memref<10000xi32, #tpu.memory_space<vmem>> -> memref<16xi32, #tpu.memory_space<vmem>>
      %dma_start3A_523 = arith.constant 0 : i32
      %dma_start3A_524 = arith.constant 0 : i32
      %dma_start3A_525 = tpu.memref_slice %arg9[%dma_start3A_523, %dma_start3A_524] : memref<10112x64xf32, #tpu.memory_space<vmem_shared>> -> memref<10112x64xf32, #tpu.memory_space<vmem_shared>>
      tpu.enqueue_indirect_dma source(%dma_start3A_520 : memref<16x64xf32, #tpu.memory_space<vmem>>) target(%dma_start3A_525 : memref<10112x64xf32, #tpu.memory_space<vmem_shared>>) offsets(%dma_start3A_522 : memref<16xi32, #tpu.memory_space<vmem>>) semaphore(%run_scoped3A_516 : memref<!tpu.dma_semaphore, #tpu.memory_space<semaphore_mem>>) {add = true}
      %dma_wait3A_526 = arith.constant 0 : i32
      %dma_wait3A_527 = arith.constant 0 : i32
      %dma_wait3A_528 = tpu.memref_slice %arg8[%run_scoped3A_507, %dma_wait3A_526, %dma_wait3A_527] : memref<6x128x64xf32, #tpu.memory_space<vmem>> -> memref<1x16x64xf32, #tpu.memory_space<vmem>>
      %dma_wait3A_529 = tpu.memref_squeeze %dma_wait3A_528 : memref<1x16x64xf32, #tpu.memory_space<vmem>> -> memref<16x64xf32, #tpu.memory_space<vmem>>
      %dma_wait3A_530 = arith.constant 9984 : i32
      %dma_wait3A_531 = tpu.memref_slice %arg7[%dma_wait3A_530] : memref<10000xi32, #tpu.memory_space<vmem>> -> memref<16xi32, #tpu.memory_space<vmem>>
      %dma_wait3A_532 = arith.constant 0 : i32
      %dma_wait3A_533 = arith.constant 0 : i32
      %dma_wait3A_534 = tpu.memref_slice %arg9[%dma_wait3A_532, %dma_wait3A_533] : memref<10112x64xf32, #tpu.memory_space<vmem_shared>> -> memref<10112x64xf32, #tpu.memory_space<vmem_shared>>
      tpu.wait_indirect_dma semaphore(%run_scoped3A_516 : memref<!tpu.dma_semaphore, #tpu.memory_space<semaphore_mem>>) src(%dma_wait3A_529 : memref<16x64xf32, #tpu.memory_space<vmem>>) dst(%dma_wait3A_534 : memref<10112x64xf32, #tpu.memory_space<vmem_shared>>)
      tpu.yield
    }) : () -> ()
    %barrier3A_508 = arith.constant 0 : index
    tpu.barrier barrier_id(%barrier3A_508)
    %eq3A = arith.constant 0 : i32
    %eq3A_509 = arith.cmpi eq, %arg0, %eq3A : i32
    %convert_element_type3A = arith.extui %eq3A_509 : i1 to i32
    %cond3A = arith.constant 0 : i32
    %cond3A_510 = arith.cmpi ne, %convert_element_type3A, %cond3A : i32
    scf.if %cond3A_510 {
      %mul3A_516 = arith.constant 632 : i32
      %mul3A_517 = arith.muli %arg1, %mul3A_516 : i32
      %mul3A_518 = arith.constant 632 : i32
      %mul3A_519 = arith.muli %arg1, %mul3A_518 : i32
      "tpu.region"() ({
        %run_scoped3A_520 = tpu.sem_alloc : memref<!tpu.dma_semaphore, #tpu.memory_space<semaphore_mem>>
        %dma_start3A_521 = arith.constant 0 : i32
        %dma_start3A_522 = tpu.memref_slice %arg4[%mul3A_519, %dma_start3A_521] : memref<10112x64xf32, #tpu.memory_space<hbm>> -> memref<632x64xf32, #tpu.memory_space<hbm>>
        %dma_start3A_523 = arith.constant 0 : i32
        %dma_start3A_524 = tpu.memref_slice %arg9[%mul3A_517, %dma_start3A_523] : memref<10112x64xf32, #tpu.memory_space<vmem_shared>> -> memref<632x64xf32, #tpu.memory_space<vmem_shared>>
        tpu.enqueue_dma source(%dma_start3A_524 : memref<632x64xf32, #tpu.memory_space<vmem_shared>>) target(%dma_start3A_522 : memref<632x64xf32, #tpu.memory_space<hbm>>) target_semaphore(%run_scoped3A_520 : memref<!tpu.dma_semaphore, #tpu.memory_space<semaphore_mem>>)
        %dma_wait3A_525 = arith.constant 0 : i32
        %dma_wait3A_526 = tpu.memref_slice %arg4[%mul3A_519, %dma_wait3A_525] : memref<10112x64xf32, #tpu.memory_space<hbm>> -> memref<632x64xf32, #tpu.memory_space<hbm>>
        %dma_wait3A_527 = arith.constant 0 : i32
        %dma_wait3A_528 = tpu.memref_slice %arg9[%mul3A_517, %dma_wait3A_527] : memref<10112x64xf32, #tpu.memory_space<vmem_shared>> -> memref<632x64xf32, #tpu.memory_space<vmem_shared>>
        tpu.wait_dma2 semaphore(%run_scoped3A_520 : memref<!tpu.dma_semaphore, #tpu.memory_space<semaphore_mem>>) src(%dma_wait3A_528 : memref<632x64xf32, #tpu.memory_space<vmem_shared>>) dst(%dma_wait3A_526 : memref<632x64xf32, #tpu.memory_space<hbm>>)
        tpu.yield
      }) : () -> ()
    } else {
    }
    %eq3A_511 = arith.constant 1 : i32
    %eq3A_512 = arith.cmpi eq, %arg0, %eq3A_511 : i32
    %convert_element_type3A_513 = arith.extui %eq3A_512 : i1 to i32
    %cond3A_514 = arith.constant 0 : i32
    %cond3A_515 = arith.cmpi ne, %convert_element_type3A_513, %cond3A_514 : i32
    scf.if %cond3A_515 {
      %mul3A_516 = arith.constant 632 : i32
      %mul3A_517 = arith.muli %arg1, %mul3A_516 : i32
      %mul3A_518 = arith.constant 632 : i32
      %mul3A_519 = arith.muli %arg1, %mul3A_518 : i32
      "tpu.region"() ({
        %run_scoped3A_520 = tpu.sem_alloc : memref<!tpu.dma_semaphore, #tpu.memory_space<semaphore_mem>>
        %dma_start3A_521 = arith.constant 0 : i32
        %dma_start3A_522 = tpu.memref_slice %arg5[%mul3A_519, %dma_start3A_521] : memref<10112x64xf32, #tpu.memory_space<hbm>> -> memref<632x64xf32, #tpu.memory_space<hbm>>
        %dma_start3A_523 = arith.constant 0 : i32
        %dma_start3A_524 = tpu.memref_slice %arg9[%mul3A_517, %dma_start3A_523] : memref<10112x64xf32, #tpu.memory_space<vmem_shared>> -> memref<632x64xf32, #tpu.memory_space<vmem_shared>>
        tpu.enqueue_dma source(%dma_start3A_524 : memref<632x64xf32, #tpu.memory_space<vmem_shared>>) target(%dma_start3A_522 : memref<632x64xf32, #tpu.memory_space<hbm>>) target_semaphore(%run_scoped3A_520 : memref<!tpu.dma_semaphore, #tpu.memory_space<semaphore_mem>>)
        %dma_wait3A_525 = arith.constant 0 : i32
        %dma_wait3A_526 = tpu.memref_slice %arg5[%mul3A_519, %dma_wait3A_525] : memref<10112x64xf32, #tpu.memory_space<hbm>> -> memref<632x64xf32, #tpu.memory_space<hbm>>
        %dma_wait3A_527 = arith.constant 0 : i32
        %dma_wait3A_528 = tpu.memref_slice %arg9[%mul3A_517, %dma_wait3A_527] : memref<10112x64xf32, #tpu.memory_space<vmem_shared>> -> memref<632x64xf32, #tpu.memory_space<vmem_shared>>
        tpu.wait_dma2 semaphore(%run_scoped3A_520 : memref<!tpu.dma_semaphore, #tpu.memory_space<semaphore_mem>>) src(%dma_wait3A_528 : memref<632x64xf32, #tpu.memory_space<vmem_shared>>) dst(%dma_wait3A_526 : memref<632x64xf32, #tpu.memory_space<hbm>>)
        tpu.yield
      }) : () -> ()
    } else {
    }
    return
  }
}

module attributes {stable_mosaic.version = 14 : i64} {
  func.func @_tc_mm1_body(%arg0: i32, %arg1: memref<10000x128xf32, #tpu.memory_space<vmem>>, %arg2: memref<128x64xf32, #tpu.memory_space<vmem>>, %arg3: memref<10000x64xf32, #tpu.memory_space<vmem>>) attributes {dimension_semantics = [#tpu.dimension_semantics<arbitrary>], iteration_bounds = array<i64: 1>, scalar_prefetch = 0 : i64, scratch_operands = 0 : i64, tpu.core_type = #tpu.core_type<tc>, window_params = [{pipeline_mode = #tpu.pipeline_mode<synchronous>, transform_indices = @transform_0, window_bounds = array<i64: 10000, 128>}, {pipeline_mode = #tpu.pipeline_mode<synchronous>, transform_indices = @transform_1, window_bounds = array<i64: 128, 64>}, {pipeline_mode = #tpu.pipeline_mode<synchronous>, transform_indices = @transform_2, window_bounds = array<i64: 10000, 64>}]} {
    %get3A = arith.constant 0 : index
    %get3A_0 = arith.constant 0 : index
    %get3A_1 = vector.load %arg1[%get3A, %get3A_0] : memref<10000x128xf32, #tpu.memory_space<vmem>>, vector<10000x128xf32>
    %get3A_2 = arith.constant 0 : index
    %get3A_3 = arith.constant 0 : index
    %get3A_4 = vector.load %arg2[%get3A_2, %get3A_3] : memref<128x64xf32, #tpu.memory_space<vmem>>, vector<128x64xf32>
    %dot_general3A = arith.constant dense<0.000000e+00> : vector<10000x64xf32>
    %dot_general3A_5 = tpu.matmul %get3A_1, %get3A_4, %dot_general3A {dimension_numbers = #tpu.dot_dimension_numbers<[1], [0], [0], [1], [0, 0, 1, 1], [], []>, transpose_lhs_hint = false} : vector<10000x128xf32>, vector<128x64xf32>, vector<10000x64xf32> -> vector<10000x64xf32>
    %swap3A = arith.constant 0 : index
    %swap3A_6 = arith.constant 0 : index
    %swap3A_7 = vector.load %arg3[%swap3A, %swap3A_6] : memref<10000x64xf32, #tpu.memory_space<vmem>>, vector<10000x64xf32>
    tpu.vector_store %arg3[%swap3A, %swap3A_6], %dot_general3A_5 {strides = array<i32>} : memref<10000x64xf32, #tpu.memory_space<vmem>>, vector<10000x64xf32>,
    return
  }
  func.func @transform_0(%arg0: i32) -> (i32, i32) {
    %c0_i32 = arith.constant 0 : i32
    %c0_i32_0 = arith.constant 0 : i32
    %c0_i32_1 = arith.constant 0 : i32
    return %c0_i32, %c0_i32_0 : i32, i32
  }
  func.func @transform_1(%arg0: i32) -> (i32, i32) {
    %c0_i32 = arith.constant 0 : i32
    %c0_i32_0 = arith.constant 0 : i32
    %c0_i32_1 = arith.constant 0 : i32
    return %c0_i32, %c0_i32_0 : i32, i32
  }
  func.func @transform_2(%arg0: i32) -> (i32, i32) {
    %c0_i32 = arith.constant 0 : i32
    %c0_i32_0 = arith.constant 0 : i32
    %c0_i32_1 = arith.constant 0 : i32
    return %c0_i32, %c0_i32_0 : i32, i32
  }
}

module attributes {stable_mosaic.version = 14 : i64} {
  func.func @_tc_scale1_body(%arg0: i32, %arg1: memref<10000x64xf32, #tpu.memory_space<vmem>>, %arg2: memref<64x10000xf32, #tpu.memory_space<vmem>>, %arg3: memref<10000x64xf32, #tpu.memory_space<vmem>>) attributes {dimension_semantics = [#tpu.dimension_semantics<arbitrary>], iteration_bounds = array<i64: 1>, scalar_prefetch = 0 : i64, scratch_operands = 0 : i64, tpu.core_type = #tpu.core_type<tc>, window_params = [{pipeline_mode = #tpu.pipeline_mode<synchronous>, transform_indices = @transform_0, window_bounds = array<i64: 10000, 64>}, {pipeline_mode = #tpu.pipeline_mode<synchronous>, transform_indices = @transform_1, window_bounds = array<i64: 64, 10000>}, {pipeline_mode = #tpu.pipeline_mode<synchronous>, transform_indices = @transform_2, window_bounds = array<i64: 10000, 64>}]} {
    %get3A = arith.constant 0 : index
    %get3A_0 = arith.constant 0 : index
    %get3A_1 = vector.load %arg2[%get3A, %get3A_0] : memref<64x10000xf32, #tpu.memory_space<vmem>>, vector<64x10000xf32>
    %iota3A = tpu.iota {dimensions = array<i32: 0>} : vector<64x2xi32>
    %iota3A_2 = tpu.iota {dimensions = array<i32: 1>} : vector<64x2xi32>
    %eq3A = arith.constant 0 : i32
    %eq3A_3 = vector.broadcast %eq3A : i32 to vector<64x2xi32>
    %eq3A_4 = arith.cmpi eq, %iota3A_2, %eq3A_3 : vector<64x2xi32>
    %lt3A = arith.constant 32 : i32
    %lt3A_5 = vector.broadcast %lt3A : i32 to vector<64x2xi32>
    %lt3A_6 = arith.cmpi slt, %iota3A, %lt3A_5 : vector<64x2xi32>
    %eq3A_7 = arith.xori %eq3A_4, %lt3A_6 : vector<64x2xi1>
    %eq3A_8 = arith.constant dense<true> : vector<64x2xi1>
    %eq3A_9 = arith.xori %eq3A_7, %eq3A_8 : vector<64x2xi1>
    %jit3A = arith.constant 1.000000e+00 : f32
    %jit3A_10 = arith.constant 0.000000e+00 : f32
    %broadcast_in_dim3A = vector.broadcast %jit3A : f32 to vector<64x2xf32>
    %broadcast_in_dim3A_11 = vector.broadcast %jit3A_10 : f32 to vector<64x2xf32>
    %select_n3A = arith.select %eq3A_9, %broadcast_in_dim3A, %broadcast_in_dim3A_11 : vector<64x2xi1>, vector<64x2xf32>
    %dot_general3A = arith.constant dense<0.000000e+00> : vector<10000x2xf32>
    %dot_general3A_12 = tpu.matmul %get3A_1, %select_n3A, %dot_general3A {dimension_numbers = #tpu.dot_dimension_numbers<[0], [0], [1], [1], [0, 1, 1, 1], [], []>, transpose_lhs_hint = false} : vector<64x10000xf32>, vector<64x2xf32>, vector<10000x2xf32> -> vector<10000x2xf32>
    %max3A = arith.constant 1.000000e+00 : f32
    %max3A_13 = vector.broadcast %max3A : f32 to vector<10000x2xf32>
    %max3A_14 = arith.maximumf %dot_general3A_12, %max3A_13 : vector<10000x2xf32>
    %rsqrt3A = math.rsqrt %max3A_14 : vector<10000x2xf32>
    %get3A_15 = arith.constant 0 : index
    %get3A_16 = arith.constant 0 : index
    %get3A_17 = vector.load %arg1[%get3A_15, %get3A_16] : memref<10000x64xf32, #tpu.memory_space<vmem>>, vector<10000x64xf32>
    %slice3A = vector.extract_strided_slice %rsqrt3A {offsets = [0, 0], sizes = [10000, 1], strides = [1, 1]} : vector<10000x2xf32> to vector<10000x1xf32>
    %mul3A = vector.broadcast %slice3A : vector<10000x1xf32> to vector<10000x64xf32>
    %mul3A_18 = arith.mulf %get3A_17, %mul3A : vector<10000x64xf32>
    %swap3A = arith.constant 0 : index
    %swap3A_19 = arith.constant 0 : index
    %swap3A_20 = vector.load %arg3[%swap3A, %swap3A_19] : memref<10000x64xf32, #tpu.memory_space<vmem>>, vector<10000x64xf32>
    tpu.vector_store %arg3[%swap3A, %swap3A_19], %mul3A_18 {strides = array<i32>} : memref<10000x64xf32, #tpu.memory_space<vmem>>, vector<10000x64xf32>,
    return
  }
  func.func @transform_0(%arg0: i32) -> (i32, i32) {
    %c0_i32 = arith.constant 0 : i32
    %c0_i32_0 = arith.constant 0 : i32
    %c0_i32_1 = arith.constant 0 : i32
    return %c0_i32, %c0_i32_0 : i32, i32
  }
  func.func @transform_1(%arg0: i32) -> (i32, i32) {
    %c0_i32 = arith.constant 0 : i32
    %c0_i32_0 = arith.constant 0 : i32
    %c0_i32_1 = arith.constant 0 : i32
    return %c0_i32, %c0_i32_0 : i32, i32
  }
  func.func @transform_2(%arg0: i32) -> (i32, i32) {
    %c0_i32 = arith.constant 0 : i32
    %c0_i32_0 = arith.constant 0 : i32
    %c0_i32_1 = arith.constant 0 : i32
    return %c0_i32, %c0_i32_0 : i32, i32
  }
}

module attributes {stable_mosaic.version = 14 : i64} {
  func.func @_tc_mid_body(%arg0: i32, %arg1: memref<10000x64xf32, #tpu.memory_space<vmem>>, %arg2: memref<10000x64xf32, #tpu.memory_space<vmem>>, %arg3: memref<64x10000xf32, #tpu.memory_space<vmem>>, %arg4: memref<1x64xf32, #tpu.memory_space<vmem>>, %arg5: memref<64x64xf32, #tpu.memory_space<vmem>>, %arg6: memref<10000x64xf32, #tpu.memory_space<vmem>>) attributes {dimension_semantics = [#tpu.dimension_semantics<arbitrary>], iteration_bounds = array<i64: 1>, scalar_prefetch = 0 : i64, scratch_operands = 0 : i64, tpu.core_type = #tpu.core_type<tc>, window_params = [{transform_indices = @transform_0, window_bounds = array<i64: 10000, 64>}, {transform_indices = @transform_1, window_bounds = array<i64: 10000, 64>}, {pipeline_mode = #tpu.pipeline_mode<synchronous>, transform_indices = @transform_2, window_bounds = array<i64: 64, 10000>}, {pipeline_mode = #tpu.pipeline_mode<synchronous>, transform_indices = @transform_3, window_bounds = array<i64: 1, 64>}, {pipeline_mode = #tpu.pipeline_mode<synchronous>, transform_indices = @transform_4, window_bounds = array<i64: 64, 64>}, {pipeline_mode = #tpu.pipeline_mode<synchronous>, transform_indices = @transform_5, window_bounds = array<i64: 10000, 64>}]} {
    %get3A = arith.constant 0 : index
    %get3A_0 = arith.constant 0 : index
    %get3A_1 = vector.load %arg3[%get3A, %get3A_0] : memref<64x10000xf32, #tpu.memory_space<vmem>>, vector<64x10000xf32>
    %iota3A = tpu.iota {dimensions = array<i32: 0>} : vector<64x2xi32>
    %iota3A_2 = tpu.iota {dimensions = array<i32: 1>} : vector<64x2xi32>
    %eq3A = arith.constant 0 : i32
    %eq3A_3 = vector.broadcast %eq3A : i32 to vector<64x2xi32>
    %eq3A_4 = arith.cmpi eq, %iota3A_2, %eq3A_3 : vector<64x2xi32>
    %lt3A = arith.constant 32 : i32
    %lt3A_5 = vector.broadcast %lt3A : i32 to vector<64x2xi32>
    %lt3A_6 = arith.cmpi slt, %iota3A, %lt3A_5 : vector<64x2xi32>
    %eq3A_7 = arith.xori %eq3A_4, %lt3A_6 : vector<64x2xi1>
    %eq3A_8 = arith.constant dense<true> : vector<64x2xi1>
    %eq3A_9 = arith.xori %eq3A_7, %eq3A_8 : vector<64x2xi1>
    %jit3A = arith.constant 1.000000e+00 : f32
    %jit3A_10 = arith.constant 0.000000e+00 : f32
    %broadcast_in_dim3A = vector.broadcast %jit3A : f32 to vector<64x2xf32>
    %broadcast_in_dim3A_11 = vector.broadcast %jit3A_10 : f32 to vector<64x2xf32>
    %select_n3A = arith.select %eq3A_9, %broadcast_in_dim3A, %broadcast_in_dim3A_11 : vector<64x2xi1>, vector<64x2xf32>
    %dot_general3A = arith.constant dense<0.000000e+00> : vector<10000x2xf32>
    %dot_general3A_12 = tpu.matmul %get3A_1, %select_n3A, %dot_general3A {dimension_numbers = #tpu.dot_dimension_numbers<[0], [0], [1], [1], [0, 1, 1, 1], [], []>, transpose_lhs_hint = false} : vector<64x10000xf32>, vector<64x2xf32>, vector<10000x2xf32> -> vector<10000x2xf32>
    %max3A = arith.constant 1.000000e+00 : f32
    %max3A_13 = vector.broadcast %max3A : f32 to vector<10000x2xf32>
    %max3A_14 = arith.maximumf %dot_general3A_12, %max3A_13 : vector<10000x2xf32>
    %rsqrt3A = math.rsqrt %max3A_14 : vector<10000x2xf32>
    %get3A_15 = arith.constant 0 : index
    %get3A_16 = arith.constant 0 : index
    %get3A_17 = vector.load %arg1[%get3A_15, %get3A_16] : memref<10000x64xf32, #tpu.memory_space<vmem>>, vector<10000x64xf32>
    %get3A_18 = arith.constant 0 : index
    %get3A_19 = arith.constant 0 : index
    %get3A_20 = vector.load %arg2[%get3A_18, %get3A_19] : memref<10000x64xf32, #tpu.memory_space<vmem>>, vector<10000x64xf32>
    %add3A = arith.addf %get3A_17, %get3A_20 : vector<10000x64xf32>
    %slice3A = vector.extract_strided_slice %rsqrt3A {offsets = [0, 1], sizes = [10000, 1], strides = [1, 1]} : vector<10000x2xf32> to vector<10000x1xf32>
    %mul3A = vector.broadcast %slice3A : vector<10000x1xf32> to vector<10000x64xf32>
    %mul3A_21 = arith.mulf %add3A, %mul3A : vector<10000x64xf32>
    %get3A_22 = arith.constant 0 : index
    %get3A_23 = arith.constant 0 : index
    %get3A_24 = vector.load %arg4[%get3A_22, %get3A_23] : memref<1x64xf32, #tpu.memory_space<vmem>>, vector<1x64xf32>
    %add3A_25 = vector.broadcast %get3A_24 : vector<1x64xf32> to vector<10000x64xf32>
    %add3A_26 = arith.addf %mul3A_21, %add3A_25 : vector<10000x64xf32>
    %max3A_27 = arith.constant 0.000000e+00 : f32
    %max3A_28 = vector.broadcast %max3A_27 : f32 to vector<10000x64xf32>
    %max3A_29 = arith.maximumf %add3A_26, %max3A_28 : vector<10000x64xf32>
    %slice3A_30 = vector.extract_strided_slice %rsqrt3A {offsets = [0, 0], sizes = [10000, 1], strides = [1, 1]} : vector<10000x2xf32> to vector<10000x1xf32>
    %mul3A_31 = vector.broadcast %slice3A_30 : vector<10000x1xf32> to vector<10000x64xf32>
    %mul3A_32 = arith.mulf %max3A_29, %mul3A_31 : vector<10000x64xf32>
    %get3A_33 = arith.constant 0 : index
    %get3A_34 = arith.constant 0 : index
    %get3A_35 = vector.load %arg5[%get3A_33, %get3A_34] : memref<64x64xf32, #tpu.memory_space<vmem>>, vector<64x64xf32>
    %dot_general3A_36 = arith.constant dense<0.000000e+00> : vector<10000x64xf32>
    %dot_general3A_37 = tpu.matmul %mul3A_32, %get3A_35, %dot_general3A_36 {dimension_numbers = #tpu.dot_dimension_numbers<[1], [0], [0], [1], [0, 0, 1, 1], [], []>, transpose_lhs_hint = false} : vector<10000x64xf32>, vector<64x64xf32>, vector<10000x64xf32> -> vector<10000x64xf32>
    %swap3A = arith.constant 0 : index
    %swap3A_38 = arith.constant 0 : index
    %swap3A_39 = vector.load %arg6[%swap3A, %swap3A_38] : memref<10000x64xf32, #tpu.memory_space<vmem>>, vector<10000x64xf32>
    tpu.vector_store %arg6[%swap3A, %swap3A_38], %dot_general3A_37 {strides = array<i32>} : memref<10000x64xf32, #tpu.memory_space<vmem>>, vector<10000x64xf32>,
    return
  }
  func.func @transform_0(%arg0: i32) -> (i32, i32) {
    %c0_i32 = arith.constant 0 : i32
    %c0_i32_0 = arith.constant 0 : i32
    %c0_i32_1 = arith.constant 0 : i32
    return %c0_i32, %c0_i32_0 : i32, i32
  }
  func.func @transform_1(%arg0: i32) -> (i32, i32) {
    %c0_i32 = arith.constant 0 : i32
    %c0_i32_0 = arith.constant 0 : i32
    %c0_i32_1 = arith.constant 0 : i32
    return %c0_i32, %c0_i32_0 : i32, i32
  }
  func.func @transform_2(%arg0: i32) -> (i32, i32) {
    %c0_i32 = arith.constant 0 : i32
    %c0_i32_0 = arith.constant 0 : i32
    %c0_i32_1 = arith.constant 0 : i32
    return %c0_i32, %c0_i32_0 : i32, i32
  }
  func.func @transform_3(%arg0: i32) -> (i32, i32) {
    %c0_i32 = arith.constant 0 : i32
    %c0_i32_0 = arith.constant 0 : i32
    %c0_i32_1 = arith.constant 0 : i32
    return %c0_i32, %c0_i32_0 : i32, i32
  }
  func.func @transform_4(%arg0: i32) -> (i32, i32) {
    %c0_i32 = arith.constant 0 : i32
    %c0_i32_0 = arith.constant 0 : i32
    %c0_i32_1 = arith.constant 0 : i32
    return %c0_i32, %c0_i32_0 : i32, i32
  }
  func.func @transform_5(%arg0: i32) -> (i32, i32) {
    %c0_i32 = arith.constant 0 : i32
    %c0_i32_0 = arith.constant 0 : i32
    %c0_i32_1 = arith.constant 0 : i32
    return %c0_i32, %c0_i32_0 : i32, i32
  }
}

module attributes {stable_mosaic.version = 14 : i64} {
  func.func @_tc_readout_body(%arg0: i32, %arg1: memref<10000x64xf32, #tpu.memory_space<vmem>>, %arg2: memref<10000x64xf32, #tpu.memory_space<vmem>>, %arg3: memref<64x10000xf32, #tpu.memory_space<vmem>>, %arg4: memref<1x64xf32, #tpu.memory_space<vmem>>, %arg5: memref<10000x1xi32, #tpu.memory_space<vmem>>, %arg6: memref<100x64xf32, #tpu.memory_space<vmem>>, %arg7: memref<100x1xf32, #tpu.memory_space<vmem>>) attributes {dimension_semantics = [#tpu.dimension_semantics<arbitrary>], iteration_bounds = array<i64: 1>, scalar_prefetch = 0 : i64, scratch_operands = 0 : i64, tpu.core_type = #tpu.core_type<tc>, window_params = [{transform_indices = @transform_0, window_bounds = array<i64: 10000, 64>}, {transform_indices = @transform_1, window_bounds = array<i64: 10000, 64>}, {pipeline_mode = #tpu.pipeline_mode<synchronous>, transform_indices = @transform_2, window_bounds = array<i64: 64, 10000>}, {pipeline_mode = #tpu.pipeline_mode<synchronous>, transform_indices = @transform_3, window_bounds = array<i64: 1, 64>}, {pipeline_mode = #tpu.pipeline_mode<synchronous>, transform_indices = @transform_4, window_bounds = array<i64: 10000, 1>}, {pipeline_mode = #tpu.pipeline_mode<synchronous>, transform_indices = @transform_5, window_bounds = array<i64: 100, 64>}, {pipeline_mode = #tpu.pipeline_mode<synchronous>, transform_indices = @transform_6, window_bounds = array<i64: 100, 1>}]} {
    %get3A = arith.constant 0 : index
    %get3A_0 = arith.constant 0 : index
    %get3A_1 = vector.load %arg3[%get3A, %get3A_0] : memref<64x10000xf32, #tpu.memory_space<vmem>>, vector<64x10000xf32>
    %iota3A = tpu.iota {dimensions = array<i32: 0>} : vector<64x2xi32>
    %iota3A_2 = tpu.iota {dimensions = array<i32: 1>} : vector<64x2xi32>
    %eq3A = arith.constant 0 : i32
    %eq3A_3 = vector.broadcast %eq3A : i32 to vector<64x2xi32>
    %eq3A_4 = arith.cmpi eq, %iota3A_2, %eq3A_3 : vector<64x2xi32>
    %lt3A = arith.constant 32 : i32
    %lt3A_5 = vector.broadcast %lt3A : i32 to vector<64x2xi32>
    %lt3A_6 = arith.cmpi slt, %iota3A, %lt3A_5 : vector<64x2xi32>
    %eq3A_7 = arith.xori %eq3A_4, %lt3A_6 : vector<64x2xi1>
    %eq3A_8 = arith.constant dense<true> : vector<64x2xi1>
    %eq3A_9 = arith.xori %eq3A_7, %eq3A_8 : vector<64x2xi1>
    %jit3A = arith.constant 1.000000e+00 : f32
    %jit3A_10 = arith.constant 0.000000e+00 : f32
    %broadcast_in_dim3A = vector.broadcast %jit3A : f32 to vector<64x2xf32>
    %broadcast_in_dim3A_11 = vector.broadcast %jit3A_10 : f32 to vector<64x2xf32>
    %select_n3A = arith.select %eq3A_9, %broadcast_in_dim3A, %broadcast_in_dim3A_11 : vector<64x2xi1>, vector<64x2xf32>
    %dot_general3A = arith.constant dense<0.000000e+00> : vector<10000x2xf32>
    %dot_general3A_12 = tpu.matmul %get3A_1, %select_n3A, %dot_general3A {dimension_numbers = #tpu.dot_dimension_numbers<[0], [0], [1], [1], [0, 1, 1, 1], [], []>, transpose_lhs_hint = false} : vector<64x10000xf32>, vector<64x2xf32>, vector<10000x2xf32> -> vector<10000x2xf32>
    %max3A = arith.constant 1.000000e+00 : f32
    %max3A_13 = vector.broadcast %max3A : f32 to vector<10000x2xf32>
    %max3A_14 = arith.maximumf %dot_general3A_12, %max3A_13 : vector<10000x2xf32>
    %rsqrt3A = math.rsqrt %max3A_14 : vector<10000x2xf32>
    %get3A_15 = arith.constant 0 : index
    %get3A_16 = arith.constant 0 : index
    %get3A_17 = vector.load %arg1[%get3A_15, %get3A_16] : memref<10000x64xf32, #tpu.memory_space<vmem>>, vector<10000x64xf32>
    %get3A_18 = arith.constant 0 : index
    %get3A_19 = arith.constant 0 : index
    %get3A_20 = vector.load %arg2[%get3A_18, %get3A_19] : memref<10000x64xf32, #tpu.memory_space<vmem>>, vector<10000x64xf32>
    %add3A = arith.addf %get3A_17, %get3A_20 : vector<10000x64xf32>
    %slice3A = vector.extract_strided_slice %rsqrt3A {offsets = [0, 1], sizes = [10000, 1], strides = [1, 1]} : vector<10000x2xf32> to vector<10000x1xf32>
    %mul3A = vector.broadcast %slice3A : vector<10000x1xf32> to vector<10000x64xf32>
    %mul3A_21 = arith.mulf %add3A, %mul3A : vector<10000x64xf32>
    %get3A_22 = arith.constant 0 : index
    %get3A_23 = arith.constant 0 : index
    %get3A_24 = vector.load %arg4[%get3A_22, %get3A_23] : memref<1x64xf32, #tpu.memory_space<vmem>>, vector<1x64xf32>
    %add3A_25 = vector.broadcast %get3A_24 : vector<1x64xf32> to vector<10000x64xf32>
    %add3A_26 = arith.addf %mul3A_21, %add3A_25 : vector<10000x64xf32>
    %get3A_27 = arith.constant 0 : index
    %get3A_28 = arith.constant 0 : index
    %get3A_29 = vector.load %arg5[%get3A_27, %get3A_28] : memref<10000x1xi32, #tpu.memory_space<vmem>>, vector<10000x1xi32>
    %iota3A_30 = tpu.iota {dimensions = array<i32: 1>} : vector<10000x100xi32>
    %eq3A_31 = vector.broadcast %get3A_29 : vector<10000x1xi32> to vector<10000x100xi32>
    %eq3A_32 = arith.cmpi eq, %eq3A_31, %iota3A_30 : vector<10000x100xi32>
    %convert_element_type3A = arith.extui %eq3A_32 : vector<10000x100xi1> to vector<10000x100xi32>
    %convert_element_type3A_33 = arith.sitofp %convert_element_type3A : vector<10000x100xi32> to vector<10000x100xf32>
    %dot_general3A_34 = arith.constant dense<0.000000e+00> : vector<100x64xf32>
    %dot_general3A_35 = tpu.matmul %convert_element_type3A_33, %add3A_26, %dot_general3A_34 {dimension_numbers = #tpu.dot_dimension_numbers<[0], [0], [1], [1], [0, 1, 1, 1], [], []>, transpose_lhs_hint = false} : vector<10000x100xf32>, vector<10000x64xf32>, vector<100x64xf32> -> vector<100x64xf32>
    %broadcast_in_dim3A_36 = arith.constant 1.000000e+00 : f32
    %broadcast_in_dim3A_37 = vector.broadcast %broadcast_in_dim3A_36 : f32 to vector<10000x1xf32>
    %dot_general3A_38 = arith.constant dense<0.000000e+00> : vector<100x1xf32>
    %dot_general3A_39 = tpu.matmul %convert_element_type3A_33, %broadcast_in_dim3A_37, %dot_general3A_38 {dimension_numbers = #tpu.dot_dimension_numbers<[0], [0], [1], [1], [0, 1, 1, 1], [], []>, transpose_lhs_hint = false} : vector<10000x100xf32>, vector<10000x1xf32>, vector<100x1xf32> -> vector<100x1xf32>
    %swap3A = arith.constant 0 : index
    %swap3A_40 = arith.constant 0 : index
    %swap3A_41 = vector.load %arg7[%swap3A, %swap3A_40] : memref<100x1xf32, #tpu.memory_space<vmem>>, vector<100x1xf32>
    tpu.vector_store %arg7[%swap3A, %swap3A_40], %dot_general3A_39 {strides = array<i32>} : memref<100x1xf32, #tpu.memory_space<vmem>>, vector<100x1xf32>,
    %max3A_42 = arith.constant 1.000000e+00 : f32
    %max3A_43 = vector.broadcast %max3A_42 : f32 to vector<100x1xf32>
    %max3A_44 = arith.maximumf %dot_general3A_39, %max3A_43 : vector<100x1xf32>
    %div3A = vector.broadcast %max3A_44 : vector<100x1xf32> to vector<100x64xf32>
    %div3A_45 = arith.divf %dot_general3A_35, %div3A : vector<100x64xf32>
    %swap3A_46 = arith.constant 0 : index
    %swap3A_47 = arith.constant 0 : index
    %swap3A_48 = vector.load %arg6[%swap3A_46, %swap3A_47] : memref<100x64xf32, #tpu.memory_space<vmem>>, vector<100x64xf32>
    tpu.vector_store %arg6[%swap3A_46, %swap3A_47], %div3A_45 {strides = array<i32>} : memref<100x64xf32, #tpu.memory_space<vmem>>, vector<100x64xf32>,
    return
  }
  func.func @transform_0(%arg0: i32) -> (i32, i32) {
    %c0_i32 = arith.constant 0 : i32
    %c0_i32_0 = arith.constant 0 : i32
    %c0_i32_1 = arith.constant 0 : i32
    return %c0_i32, %c0_i32_0 : i32, i32
  }
  func.func @transform_1(%arg0: i32) -> (i32, i32) {
    %c0_i32 = arith.constant 0 : i32
    %c0_i32_0 = arith.constant 0 : i32
    %c0_i32_1 = arith.constant 0 : i32
    return %c0_i32, %c0_i32_0 : i32, i32
  }
  func.func @transform_2(%arg0: i32) -> (i32, i32) {
    %c0_i32 = arith.constant 0 : i32
    %c0_i32_0 = arith.constant 0 : i32
    %c0_i32_1 = arith.constant 0 : i32
    return %c0_i32, %c0_i32_0 : i32, i32
  }
  func.func @transform_3(%arg0: i32) -> (i32, i32) {
    %c0_i32 = arith.constant 0 : i32
    %c0_i32_0 = arith.constant 0 : i32
    %c0_i32_1 = arith.constant 0 : i32
    return %c0_i32, %c0_i32_0 : i32, i32
  }
  func.func @transform_4(%arg0: i32) -> (i32, i32) {
    %c0_i32 = arith.constant 0 : i32
    %c0_i32_0 = arith.constant 0 : i32
    %c0_i32_1 = arith.constant 0 : i32
    return %c0_i32, %c0_i32_0 : i32, i32
  }
  func.func @transform_5(%arg0: i32) -> (i32, i32) {
    %c0_i32 = arith.constant 0 : i32
    %c0_i32_0 = arith.constant 0 : i32
    %c0_i32_1 = arith.constant 0 : i32
    return %c0_i32, %c0_i32_0 : i32, i32
  }
  func.func @transform_6(%arg0: i32) -> (i32, i32) {
    %c0_i32 = arith.constant 0 : i32
    %c0_i32_0 = arith.constant 0 : i32
    %c0_i32_1 = arith.constant 0 : i32
    return %c0_i32, %c0_i32_0 : i32, i32
  }
}

</mosaic_0001>

<sc_bundles>
// kernel: kernel.12.cloned.1.call-start
scs
__scs_entry_jumppad:
0x0: {  	(pc) =	sbr.rel $0x88, $3  }
0x1: {  	(tag) =	ssettag $0x0;
	lr =	simm.s32 $0x1  }
0x2: {  	[smem:$0x3F9A] =	sst lr;
	_ =	strace $0xD0000000  }
0x3: {  	_ = 	snop  }
0x4: {  	_ = 	snop  }
0x5: {  	_ = 	snop  }
0x6: {  	_ = 	snop  }
0x7: {  	_ = 	snop  }
__scs_overlays_trampoline_lowered:
0x8: {  	[smem:$0x3FA9] =	sst s0  }
0x9: {  	[smem:$0x3FAA] =	sst s1  }
0xa: {  	[smem:$0x3FAB] =	sst s2  }
0xb: {  	[smem:$0x3FAC] =	sst s3  }
0xc: {  	[smem:$0x3FAD] =	sst s4  }
0xd: {  	[smem:$0x3FAE] =	sst s5  }
0xe: {  	[smem:$0x3FAF] =	sst s6  }
0xf: {  	[smem:$0x3FB0] =	sst s7  }
0x10: {  	[smem:$0x3FB1] =	sst s8  }
0x11: {  	[smem:$0x3FB2] =	sst s9;
	s0 =	simm.s32 @!p0 $0x0  }
0x12: {  	s1 =	sld [smem:$0x3F98];
	s0 =	simm.s32 @p0 $0x1  }
0x13: {  	[smem:$0x3FB3] =	sst s0;
	s0 =	simm.s32 @!p1 $0x0  }
0x14: {  	s2 =	sld [smem:$0x3F97];
	s0 =	simm.s32 @p1 $0x1  }
0x15: {  	[smem:$0x3FB4] =	sst s0;
	s0 =	simm.s32 @!p2 $0x0  }
0x16: {  	s3 =	sld [smem:$0x3FDB];
	s0 =	simm.s32 @p2 $0x1  }
0x17: {  	s4 =	simm.s32 $0x1BF5;
	[smem:$0x3FB6] =	sst s0  }
0x18: {  	s0 =	sld [smem:$0x3F99];
	_ =	swait.ge [sflag:s4], $0x0  }
0x19: {  	s7 =	sld [smem:$0x3F9A]  }
0x1a: {  	s8 =	sadd.s32 $0xFFFFE003, lr  }
0x1b: {  	s9 =	sadd.s32 $0xFFFFFEF7, lr;
	s5 =	simm.s32 $0xFFFFFFFF;
	p2 =	slt.u32 s8, $0xFFFFF086  }
0x1c: {  	p1 =	slt.u32 s9, $0xF7A;
	s5 =	simm.s32 @!p2 $0x0  }
0x1d: {  	s5 =	simm.s32 @p1 $0x1;
	p0 =	seq.s32 s7, s2  }
0x1e: {  	s7 =	smul.u32 @!p0 $0xF7A, s2;
	p2 =	seq.s32 @!p0 s5, $0x0  }
0x1f: {  	s9 =	smul.u32 $0xF7A, s1;
	s8 =	simm.s32 @!p0 $0x1BF5;
	p2 =	por !p2, p0  }
0x20: {  	[sflag:s8] =	ssyncset.s32 @!p0 $0xFFFFF086;
	s6 =	sadd.s32 @!p0 s3, s7;
	s7 =	simm.s32 @!p0 $0x108  }
0x21: {  	s3 =	sadd.s32 s3, s9;
	s6 =	sadd.s32 @!p0 $0x88, s6;
	s7 =	simm.s32 @p2 $0x1082  }
0x22: {  	[simem:s7], [sflag:s8] =	dma.local @!p0 [hbm:s6], $0xF7A  }
0x23: {  	s9 =	sor.u32 $0xD0000000, s2;
	s6 =	simm.s32 $0x108;
	_ =	swait.ge @!p0 [sflag:s8], $0x0  }
0x24: {  	s3 =	sadd.s32 $0x88, s3;
	s6 =	simm.s32 @!p1 $0x1082;
	[sflag:s4] =	ssyncset.s32 $0xFFFFF086  }
0x25: {  	[simem:s6], [sflag:s4] =	dma.local [hbm:s3], $0xF7A  }
0x26: {  	[smem:$0x3F9A] =	sst s1;
	(tag) =	ssettag s2;
	_ =	strace s9  }
0x27: {  	s1 =	sld [smem:$0x3FAA]  }
0x28: {  	s2 =	sld [smem:$0x3FAB]  }
0x29: {  	s4 =	sld [smem:$0x3FAD]  }
0x2a: {  	p0 =	seq.s32 s5, $0x0;
	s5 =	sld [smem:$0x3FAE]  }
0x2b: {  	s6 =	sld [smem:$0x3FAF]  }
0x2c: {  	s7 =	sld [smem:$0x3FB0]  }
0x2d: {  	s3 =	simm.s32 $0x108;
	s8 =	sld [smem:$0x3FB1]  }
0x2e: {  	s3 =	simm.s32 @!p0 $0x1082;
	s9 =	sld [smem:$0x3FB2]  }
0x2f: {  	lr =	sadd.s32 s0, s3;
	s0 =	sld [smem:$0x3FA9]  }
0x30: {  	s3 =	sld [smem:$0x3FAC]  }
0x31: {  	[smem:$0x3FB5] =	sst s10  }
0x32: {  	s10 =	sld [smem:$0x3FB3];
	_ =	sdelay $0x3  }
0x33: {  	p0 =	seq.s32 s10, $0x1;
	s10 =	sld [smem:$0x3FB5];
	_ =	sdelay $0x3  }
0x34: {  	[smem:$0x3FB5] =	sst s10  }
0x35: {  	s10 =	sld [smem:$0x3FB4];
	_ =	sdelay $0x3  }
0x36: {  	p1 =	seq.s32 s10, $0x1;
	s10 =	sld [smem:$0x3FB5];
	_ =	sdelay $0x3  }
0x37: {  	[smem:$0x3FB5] =	sst s10  }
0x38: {  	s10 =	sld [smem:$0x3FB6]  }
0x39: {  	_ = 	snop;
	(pc) =	sbr.ind lr, $3  }
0x3a: {  	_ = 	snop  }
0x3b: {  	_ = 	snop  }
0x3c: {  	p2 =	seq.s32 s10, $0x1;
	s10 =	sld [smem:$0x3FB5]  }
0x3d: {  	_ =	shalt  }
0x3e: {  	_ =	shalt  }
0x3f: {  	_ =	shalt  }
0x40: {  	_ =	shalt  }
0x41: {  	_ =	shalt  }
0x42: {  	_ =	shalt  }
0x43: {  	_ =	shalt  }
0x44: {  	_ =	shalt  }
0x45: {  	_ =	shalt  }
0x46: {  	_ =	shalt  }
0x47: {  	_ =	shalt  }
0x48: {  	_ =	shalt  }
0x49: {  	_ =	shalt  }
0x4a: {  	_ =	shalt  }
0x4b: {  	_ =	shalt  }
0x4c: {  	_ =	shalt  }
0x4d: {  	_ =	shalt  }
0x4e: {  	_ =	shalt  }
0x4f: {  	_ =	shalt  }
0x50: {  	_ =	shalt  }
0x51: {  	_ =	shalt  }
0x52: {  	_ =	shalt  }
0x53: {  	_ =	shalt  }
0x54: {  	_ =	shalt  }
0x55: {  	_ =	shalt  }
0x56: {  	_ =	shalt  }
0x57: {  	_ =	shalt  }
0x58: {  	_ =	shalt  }
0x59: {  	_ =	shalt  }
0x5a: {  	_ =	shalt  }
0x5b: {  	_ =	shalt  }
0x5c: {  	_ =	shalt  }
0x5d: {  	_ =	shalt  }
0x5e: {  	_ =	shalt  }
0x5f: {  	_ =	shalt  }
0x60: {  	_ =	shalt  }
0x61: {  	_ =	shalt  }
0x62: {  	_ =	shalt  }
0x63: {  	_ =	shalt  }
0x64: {  	_ =	shalt  }
0x65: {  	_ =	shalt  }
0x66: {  	_ =	shalt  }
0x67: {  	_ =	shalt  }
0x68: {  	_ =	shalt  }
0x69: {  	_ =	shalt  }
0x6a: {  	_ =	shalt  }
0x6b: {  	_ =	shalt  }
0x6c: {  	_ =	shalt  }
0x6d: {  	_ =	shalt  }
0x6e: {  	_ =	shalt  }
0x6f: {  	_ =	shalt  }
0x70: {  	_ =	shalt  }
0x71: {  	_ =	shalt  }
0x72: {  	_ =	shalt  }
0x73: {  	_ =	shalt  }
0x74: {  	_ =	shalt  }
0x75: {  	_ =	shalt  }
0x76: {  	_ =	shalt  }
0x77: {  	_ =	shalt  }
0x78: {  	_ =	shalt  }
0x79: {  	_ =	shalt  }
0x7a: {  	_ =	shalt  }
0x7b: {  	_ =	shalt  }
0x7c: {  	_ =	shalt  }
0x7d: {  	_ =	shalt  }
0x7e: {  	_ =	shalt  }
0x7f: {  	_ =	shalt  }
0x80: {  	_ =	shalt  }
0x81: {  	_ =	shalt  }
0x82: {  	_ =	shalt  }
0x83: {  	_ =	shalt  }
0x84: {  	_ =	shalt  }
0x85: {  	_ =	shalt  }
0x86: {  	_ =	shalt  }
0x87: {  	_ =	shalt  }
.Lfunc_end0:
.L_simem_size_0:
called_computation.1_lowered:
.L_overlay_start_0:
0x88: {  	s2 =	sld [smem:$0x3FD9]  }
0x89: {  	s3 =	sld [smem:$0x3FFE];
	_ =	sdelay $0x1  }
0x8a: {  	s1 =	srdreg.scid  }
0x8b: {  	s0 =	sand.u32 $0x1, s1  }
0x8c: {  	s16 =	sshll.u32 s0, $0xA;
	s2 =	sadd.s32 s3, s2  }
0x8d: {  	s2 =	sadd.s32 s2, s16  }
0x8e: {  	[smem:$0x3FC1] =	sst s2  }
0x8f: {  	_ = 	snop  }
0x90: {  	(tm) =	ssettm $0x1  }
0x91: {  	s17 =	sld [smem:$0x3FFB];
	_ =	sdelay $0x3  }
0x92: {  	_ =	strace s17  }
0x93: {  	s2 =	sld [smem:$0x3FFC];
	_ =	sdelay $0x3  }
0x94: {  	_ =	strace s2  }
0x95: {  	s2 =	sld [smem:$0x3FFD];
	_ =	sdelay $0x3  }
0x96: {  	_ =	strace s2  }
0x97: {  	_ =	strace $0x8FFFFFFF  }
0x98: {  	s18 =	sld [smem:$0x3FDB];
	_ =	sdelay $0x1  }
0x99: {  	s19 =	simm.s32 $_scs_section_size  }
0x9a: {  	s4 =	simm.s32 $_size__tile_overlayer_lowered;
	s5 =	simm.s32 $_tile_overlayer_lowered  }
0x9b: {  	s22 =	simm.s32 $0x1BFF;
	s21 =	sshll.u32 s5, $0x1;
	s2 =	sadd.s32 s19, s18  }
0x9c: {  	s6 =	simm.s32 $0x0;
	s20 =	sshll.u32 s4, $0x1;
	s4 =	sadd.s32 s21, s2  }
0x9d: {  	[timem:s6], [sflag:s22] =	dma.local [hbm:s4], s20  }
0x9e: {  	_ =	swait.ge [sflag:s22], s20  }
0x9f: {  	s3 =	ssub.s32 $0x0, s20;
	[sflag:s22] =	ssyncset.done $0x0  }
0xa0: {  	[sflag:s22] =	ssyncadd.s32 s3;
	_ =	sdelay $0x1  }
0xa1: {  	s23 =	simm.s32 $0x1B8B  }
0xa2: {  	_ =	swait.ge [sflag:s23], $0x1  }
0xa3: {  	[sflag:s23] =	ssyncset.done $0x0  }
0xa4: {  	s25 =	simm.s32 $0x1B8E;
	s24 =	sld [smem:$0x3FFE];
	[sflag:s23] =	ssyncadd.s32 $0xFFFFFFFF  }
0xa5: {  	s26 =	simm.s32 $execute0_lowered;
	[smem:$0x3FD2] =	sst s25  }
0xa6: {  	s4 =	sshll.u32 s26, $0x1;
	_ =	strace $0x80000049;
	[dreg:$0x1] =	wrdreg $0xFFFFFFFF  }
0xa7: {  	s28 =	simm.s32 $_size_execute0_lowered;
	s2 =	sadd.s32 s2, s4;
	[dreg:$0x0] =	wrdreg $0x0  }
0xa8: {  	s4 =	sshll.u32 s28, $0x1;
	[dreg:$0x2] =	wrdreg s2  }
0xa9: {  	[dreg:$0x3] =	wrdreg s4  }
0xaa: {  	[dreg:$0x4] =	wrdreg $0xC0  }
0xab: {  	_ =	task [dreg:s6], $0x5FFFF  }
0xac: {  	[dreg:$0x1] =	wrdreg $0xFFFFFFFF  }
0xad: {  	[dreg:$0x0] =	wrdreg $0x60  }
0xae: {  	[dreg:$0x2] =	wrdreg s24  }
0xaf: {  	[dreg:$0x3] =	wrdreg $0x10E200  }
0xb0: {  	[dreg:$0x4] =	wrdreg $0x9  }
0xb1: {  	_ =	task.clear_ibuf [dreg:s6], $0x5FFFF;
	_ =	strace $0x90000049  }
0xb2: {  	s29 =	simm.s32 $0x9;
	_ =	strace $0x8000004B  }
0xb3: {  	_ =	swait.ge [sflag:s29], $0x1  }
0xb4: {  	[sflag:s29] =	ssyncadd.s32 $0xFFFFFFFF  }
0xb5: {  	_ =	strace $0x9000004B  }
0xb6: {  	_ =	sfence  }
0xb7: {  	s30 =	sld [smem:$0x0];
	_ =	sdelay $0x2  }
0xb8: {  	s31 =	sshll.u32 s1, $0xD;
	s1 =	sshrl.u32 s1, $0x2  }
0xb9: {  	s3 =	sand.u32 $0x4000, s31;
	s1 =	sadd.s32 s1, s30  }
0xba: {  	s0 =	sor.u32 s3, s0;
	s1 =	sshll.u32 s1, $0x11  }
0xbb: {  	s0 =	sor.u32 s1, s0  }
0xbc: {  	s0 =	sadd.s32 $0x8F2B, s0  }
0xbd: {  	[sflag:s0] =	ssyncadd.remote.s32 $0x1  }
0xbe: {  	_ =	sfence.sel $0xFFFF  }
0xbf: {  	[dreg:$0x0] =	wrdreg $0xFFFFFFFF;
	(pc) =	sbr.abs _section_cstart, $3  }
0xc0: {  	[dreg:$0x1] =	wrdreg $0xFFFFFFFF  }
0xc1: {  	_ =	task.clear_ibuf [dreg:s6], $0x2FFFF;
	_ =	strace $0x9FFFFFFF  }
0xc2: {  	(tm) =	ssettm $0x7FFFFFFF  }
0xc3: {  	_ =	shalt  }
tec
execute0_lowered:
.L_overlay_start_1:
0x0: {  	(tag) =	ssettag $0x1  }
0x1: {  	s0 =	srdreg.scid;
	s1 =	rddreg [dreg:$0x0]  }
0x2: {  	s2 =	rddreg [dreg:$0x1];
	s4 =	stileid.u32  }
0x3: {  	s5 =	simm.s32 $0x0;
	s15 =	simm.s32 $0x4E20;
	s16 =	simm.s32 $0xD  }
0x4: {  	s17 =	simm.s32 $0x1;
	s18 =	simm.s32 $0x2;
	s19 =	simm.s32 $0x80  }
0x5: {  	s29 =	simm.s32 $0xEE20;
	s30 =	simm.s32 $0x3;
	s31 =	simm.s32 $0x4  }
0x6: {  	s14 =	simm.s32 $0x6;
	s28 =	simm.s32 $0xB;
	s6 =	smul.u32 $0x9E00, s4  }
0x7: {  	s0 =	sand.u32 $0x1, s0;
	[smem:$0x7FF] =	sst s5;
	s8 =	smul.u32 $0x27800, s4  }
0x8: {  	s3 =	sshll.u32 s0, $0x4;
	_ =	strace $0x8000004A;
	s20 =	ssub.s32 $0x2, s0  }
0x9: {  	p0 =	seq.s32 s0, $0x1;
	s0 =	simm.s32 $0x3DC00;
	s3 =	sor.u32 s4, s3  }
0xa: {  	s7 =	sshrl.u32 s20, $0x1;
	s4 =	sadd.s32 $0x16600, s1;
	s22 =	sshrl.u32 s8, $0x2  }
0xb: {  	s0 =	simm.s32 @!p0 $0x2A000;
	s8 =	simm.s32 $0x0;
	s3 =	smul.u32 $0x2710, s3  }
0xc: {  	s5 =	ssub.s32 s20, s7;
	s7 =	sadd.s32 s6, s2;
	s6 =	sshrl.u32 s6, $0x3  }
0xd: {  	s0 =	sadd.s32 s0, s1;
	s20 =	simm.s32 $0x6E20;
	s3 =	sshrl.u32 s3, $0x3  }
0xe: {  	s12 =	smax.u32 s5, $0x1;
	s13 =	sadd.s32 s0, s6;
	s3 =	sadd.s32 s3, s1  }
0xf: {  	s0 =	simm.s32 $0x5;
	s21 =	sadd.s32 $0x2C00, s3;
	s3 =	sadd.s32 $0xC840, s3  }
0x10: {  	s5 =	simm.s32 $0x10;
	[dreg:$0x4] =	wrdreg s3;
	s3 =	sadd.s32 s22, s2  }
0x11: {  	s6 =	simm.s32 $0xE;
	[dreg:$0x3] =	wrdreg s21;
	s23 =	sadd.s32 $0x2000, s3  }
0x12: {  	s1 =	simm.s32 $0x7;
	s24 =	sadd.s32 $0x4000, s3;
	[dreg:$0x5] =	wrdreg s23  }
0x13: {  	s22 =	simm.s32 $0x8E20;
	s25 =	sadd.s32 $0x6000, s3;
	[dreg:$0x6] =	wrdreg s24  }
0x14: {  	s21 =	simm.s32 $0x8;
	s26 =	sadd.s32 $0x8000, s3;
	[dreg:$0x7] =	wrdreg s25  }
0x15: {  	s3 =	simm.s32 $0xC;
	[dreg:$0x8] =	wrdreg s26;
	s24 =	simm.s32 $0xAE20  }
0x16: {  	v0 =	vimm.f32 $0.0e+00;
	s26 =	simm.s32 $0xCE20;
	s23 =	simm.s32 $0x9;
	s25 =	simm.s32 $0xA  }
.LBB2_1:
0x17: {  	s9 =	simm.s32 $0x0;
	s10 =	rddreg [dreg:$0x3]  }
0x18: {  	[tilespmem:s9], [sflag:$0x1] =	stream.linear.gather [hbm4b:s10+s9], $0x2710, $0x38;
	[tilespmem:$0x1AC20] =	vst v63  }
0x19: {  	s11 =	simm.s32 $0x2710;
	s10 =	rddreg [dreg:$0x4]  }
0x1a: {  	[tilespmem:s11], [sflag:$0x2] =	stream.linear.gather [hbm4b:s10+s9], $0x2710, $0x38;
	[tilespmem:$0x1AC20] =	vst v63  }
0x1b: {  	s10 =	simm.s32 $0x100;
	s9 =	simm.s32 $0x0  }
.LBB2_2:
0x1c: {  	p0 =	sne.s32 s10, $0x7F00;
	[tilespmem:s9+$0x4E50] =	vst v0;
	s11 =	smov.u32 s10;
	s10 =	sadd.s32 $0x100, s10  }
.Ltmp0:
0x1d: {  	[tilespmem:s9+$0x4E40] =	vst v0;
	(pc) =	sbr.rel @p0 .LBB2_2-.Ltmp0, $3  }
0x1e: {  	[tilespmem:s9+$0x4E20] =	vst v0  }
0x1f: {  	[tilespmem:s9+$0x4E30] =	vst v0;
	_ =	sdelay $0x1  }
0x20: {  	s9 =	sshra.s32 s11, $0x2  }
0x21: {  	[tilespmem:s9+$0x4E50] =	vst v0  }
0x22: {  	[tilespmem:s9+$0x4E40] =	vst v0  }
0x23: {  	[tilespmem:s9+$0x4E20] =	vst v0  }
0x24: {  	[tilespmem:s9+$0x4E30] =	vst v0  }
0x25: {  	[spmem:s7] =	stream.linear.scatter [tilespmem:s15], [sflag:$0xD], $0x2000, $0x38;
	[tilespmem:$0x1AC20] =	vst v63  }
0x26: {  	s10 =	rddreg [dreg:$0x5]  }
0x27: {  	[spmem:s10] =	stream.linear.scatter [tilespmem:s15], [sflag:$0xD], $0x2000, $0x38;
	[tilespmem:$0x1AC20] =	vst v63  }
0x28: {  	s11 =	rddreg [dreg:$0x6]  }
0x29: {  	[spmem:s11] =	stream.linear.scatter [tilespmem:s15], [sflag:$0xD], $0x2000, $0x38;
	[tilespmem:$0x1AC20] =	vst v63  }
0x2a: {  	s10 =	rddreg [dreg:$0x7]  }
0x2b: {  	[spmem:s10] =	stream.linear.scatter [tilespmem:s15], [sflag:$0xD], $0x2000, $0x38;
	[tilespmem:$0x1AC20] =	vst v63  }
0x2c: {  	s11 =	rddreg [dreg:$0x8]  }
0x2d: {  	[spmem:s11] =	stream.linear.scatter [tilespmem:s15], [sflag:$0xD], $0x1E00, $0x38;
	[tilespmem:$0x1AC20] =	vst v63  }
0x2e: {  	_ =	swait.ge [sflag:s16], $0x2000  }
0x2f: {  	[sflag:s16] =	ssyncset.done $0x0  }
0x30: {  	[sflag:s16] =	ssyncadd.s32 $0xFFFFE000  }
0x31: {  	_ =	swait.ge [sflag:s16], $0x2000  }
0x32: {  	[sflag:s16] =	ssyncset.done $0x0  }
0x33: {  	[sflag:s16] =	ssyncadd.s32 $0xFFFFE000  }
0x34: {  	_ =	swait.ge [sflag:s16], $0x2000  }
0x35: {  	[sflag:s16] =	ssyncset.done $0x0  }
0x36: {  	[sflag:s16] =	ssyncadd.s32 $0xFFFFE000  }
0x37: {  	_ =	swait.ge [sflag:s16], $0x2000  }
0x38: {  	[sflag:s16] =	ssyncset.done $0x0  }
0x39: {  	[sflag:s16] =	ssyncadd.s32 $0xFFFFE000  }
0x3a: {  	_ =	swait.ge [sflag:s16], $0x1E00  }
0x3b: {  	[sflag:s16] =	ssyncset.done $0x0  }
0x3c: {  	[sflag:s16] =	ssyncadd.s32 $0xFFFFE200  }
0x3d: {  	_ =	swait.ge [sflag:s17], $0x2710  }
0x3e: {  	[sflag:s17] =	ssyncset.done $0x0  }
0x3f: {  	[sflag:s17] =	ssyncadd.s32 $0xFFFFD8F0  }
0x40: {  	_ =	swait.ge [sflag:s18], $0x2710  }
0x41: {  	[sflag:s18] =	ssyncset.done $0x0  }
0x42: {  	[sflag:s18] =	ssyncadd.s32 $0xFFFFD8F0  }
0x43: {  	s10 =	simm.s32 $0x0;
	[bflag:$0x0] =	sbarrier.arrive $0xFFFF  }
0x44: {  	[tilespmem:s15], [sflag:$0x1] =	stream.indirect.gather [hbm4b:s4+s19], $0x40, s10, s19, $0xb8;
	[tilespmem:$0x1AC20] =	vst v63  }
0x45: {  	_ = 	snop  }
0x46: {  	[tilespmem:s20], [sflag:$0x2] =	stream.indirect.gather [hbm4b:s4+s19], $0x40, s19, s19, $0xb8;
	[tilespmem:$0x1AC20] =	vst v63  }
0x47: {  	s11 =	simm.s32 $0x100  }
0x48: {  	[tilespmem:s22], [sflag:$0x3] =	stream.indirect.gather [hbm4b:s4+s19], $0x40, s11, s19, $0xb8;
	[tilespmem:$0x1AC20] =	vst v63  }
0x49: {  	s10 =	simm.s32 $0x180  }
0x4a: {  	[tilespmem:s24], [sflag:$0x4] =	stream.indirect.gather [hbm4b:s4+s19], $0x40, s10, s19, $0xb8;
	[tilespmem:$0x1AC20] =	vst v63  }
0x4b: {  	s11 =	simm.s32 $0x200  }
0x4c: {  	[tilespmem:s26], [sflag:$0x5] =	stream.indirect.gather [hbm4b:s4+s19], $0x40, s11, s19, $0xb8;
	[tilespmem:$0x1AC20] =	vst v63  }
0x4d: {  	s10 =	simm.s32 $0x280  }
0x4e: {  	[tilespmem:s29], [sflag:$0x6] =	stream.indirect.gather [hbm4b:s4+s19], $0x40, s10, s19, $0xb8;
	[tilespmem:$0x1AC20] =	vst v63  }
0x4f: {  	_ =	swait.ge [sflag:s17], $0x2000  }
0x50: {  	[sflag:s17] =	ssyncset.done $0x0  }
0x51: {  	s11 =	simm.s32 $0x2710;
	[sflag:s17] =	ssyncadd.s32 $0xFFFFE000  }
0x52: {  	[spmem:s2] =	stream.indirect.scatter.add.f32 [tilespmem:s15], [sflag:$0x7], $0x40, s11, s19, $0xb8;
	[tilespmem:$0x1AC20] =	vst v63  }
0x53: {  	_ =	swait.ge [sflag:s18], $0x2000  }
0x54: {  	[sflag:s18] =	ssyncset.done $0x0  }
0x55: {  	s10 =	simm.s32 $0x2790;
	[sflag:s18] =	ssyncadd.s32 $0xFFFFE000  }
0x56: {  	[spmem:s2] =	stream.indirect.scatter.add.f32 [tilespmem:s20], [sflag:$0x8], $0x40, s10, s19, $0xb8;
	[tilespmem:$0x1AC20] =	vst v63  }
0x57: {  	_ =	swait.ge [sflag:s30], $0x2000  }
0x58: {  	[sflag:s30] =	ssyncset.done $0x0  }
0x59: {  	s11 =	simm.s32 $0x2810;
	[sflag:s30] =	ssyncadd.s32 $0xFFFFE000  }
0x5a: {  	[spmem:s2] =	stream.indirect.scatter.add.f32 [tilespmem:s22], [sflag:$0x9], $0x40, s11, s19, $0xb8;
	[tilespmem:$0x1AC20] =	vst v63  }
0x5b: {  	_ =	swait.ge [sflag:s31], $0x2000  }
0x5c: {  	[sflag:s31] =	ssyncset.done $0x0  }
0x5d: {  	s10 =	simm.s32 $0x2890;
	[sflag:s31] =	ssyncadd.s32 $0xFFFFE000  }
0x5e: {  	[spmem:s2] =	stream.indirect.scatter.add.f32 [tilespmem:s24], [sflag:$0xA], $0x40, s10, s19, $0xb8;
	[tilespmem:$0x1AC20] =	vst v63  }
0x5f: {  	_ =	swait.ge [sflag:s0], $0x2000  }
0x60: {  	[sflag:s0] =	ssyncset.done $0x0  }
0x61: {  	s11 =	simm.s32 $0x2910;
	[sflag:s0] =	ssyncadd.s32 $0xFFFFE000  }
0x62: {  	[spmem:s2] =	stream.indirect.scatter.add.f32 [tilespmem:s26], [sflag:$0xB], $0x40, s11, s19, $0xb8;
	[tilespmem:$0x1AC20] =	vst v63  }
0x63: {  	_ =	swait.ge [sflag:s14], $0x2000  }
0x64: {  	[sflag:s14] =	ssyncset.done $0x0  }
0x65: {  	s10 =	simm.s32 $0x2990;
	[sflag:s14] =	ssyncadd.s32 $0xFFFFE000  }
0x66: {  	[spmem:s2] =	stream.indirect.scatter.add.f32 [tilespmem:s29], [sflag:$0xC], $0x40, s10, s19, $0xb8;
	[tilespmem:$0x1AC20] =	vst v63  }
0x67: {  	_ =	swait.ge [sflag:s1], $0x2000  }
0x68: {  	[sflag:s1] =	ssyncset.done $0x0  }
0x69: {  	s11 =	simm.s32 $0x300;
	[sflag:s1] =	ssyncadd.s32 $0xFFFFE000  }
0x6a: {  	[tilespmem:s15], [sflag:$0x1] =	stream.indirect.gather [hbm4b:s4+s19], $0x40, s11, s19, $0xb8;
	[tilespmem:$0x1AC20] =	vst v63  }
0x6b: {  	_ =	swait.ge [sflag:s21], $0x2000  }
0x6c: {  	[sflag:s21] =	ssyncset.done $0x0  }
0x6d: {  	s10 =	simm.s32 $0x380;
	[sflag:s21] =	ssyncadd.s32 $0xFFFFE000  }
0x6e: {  	[tilespmem:s20], [sflag:$0x2] =	stream.indirect.gather [hbm4b:s4+s19], $0x40, s10, s19, $0xb8;
	[tilespmem:$0x1AC20] =	vst v63  }
0x6f: {  	_ =	swait.ge [sflag:s23], $0x2000  }
0x70: {  	[sflag:s23] =	ssyncset.done $0x0  }
0x71: {  	s11 =	simm.s32 $0x400;
	[sflag:s23] =	ssyncadd.s32 $0xFFFFE000  }
0x72: {  	[tilespmem:s22], [sflag:$0x3] =	stream.indirect.gather [hbm4b:s4+s19], $0x40, s11, s19, $0xb8;
	[tilespmem:$0x1AC20] =	vst v63  }
0x73: {  	_ =	swait.ge [sflag:s25], $0x2000  }
0x74: {  	[sflag:s25] =	ssyncset.done $0x0  }
0x75: {  	s10 =	simm.s32 $0x480;
	[sflag:s25] =	ssyncadd.s32 $0xFFFFE000  }
0x76: {  	[tilespmem:s24], [sflag:$0x4] =	stream.indirect.gather [hbm4b:s4+s19], $0x40, s10, s19, $0xb8;
	[tilespmem:$0x1AC20] =	vst v63  }
0x77: {  	_ =	swait.ge [sflag:s28], $0x2000  }
0x78: {  	[sflag:s28] =	ssyncset.done $0x0  }
0x79: {  	s11 =	simm.s32 $0x500;
	[sflag:s28] =	ssyncadd.s32 $0xFFFFE000  }
0x7a: {  	[tilespmem:s26], [sflag:$0x5] =	stream.indirect.gather [hbm4b:s4+s19], $0x40, s11, s19, $0xb8;
	[tilespmem:$0x1AC20] =	vst v63  }
0x7b: {  	_ =	swait.ge [sflag:s3], $0x2000  }
0x7c: {  	[sflag:s3] =	ssyncset.done $0x0  }
0x7d: {  	s9 =	simm.s32 $0xC00;
	s10 =	simm.s32 $0x580;
	[sflag:s3] =	ssyncadd.s32 $0xFFFFE000  }
.LBB2_4:
0x7e: {  	[tilespmem:s29], [sflag:$0x6] =	stream.indirect.gather [hbm4b:s4+s19], $0x40, s10, s19, $0xb8;
	[tilespmem:$0x1AC20] =	vst v63  }
0x7f: {  	s10 =	smov.u32 s9  }
0x80: {  	p0 =	sne.s32 s9, $0x8400;
	s9 =	sadd.s32 $0xC00, s9;
	_ =	swait.ge [sflag:s17], $0x2000  }
0x81: {  	s10 =	sshra.s32 s10, $0x2;
	[sflag:s17] =	ssyncset.done $0x0  }
0x82: {  	s11 =	sadd.s32 $0x2710, s10;
	[sflag:s17] =	ssyncadd.s32 $0xFFFFE000  }
0x83: {  	[spmem:s2] =	stream.indirect.scatter.add.f32 [tilespmem:s15], [sflag:$0x7], $0x40, s11, s19, $0xb8;
	[tilespmem:$0x1AC20] =	vst v63  }
0x84: {  	_ =	swait.ge [sflag:s18], $0x2000  }
0x85: {  	[sflag:s18] =	ssyncset.done $0x0  }
0x86: {  	s11 =	sadd.s32 $0x2790, s10;
	[sflag:s18] =	ssyncadd.s32 $0xFFFFE000  }
0x87: {  	[spmem:s2] =	stream.indirect.scatter.add.f32 [tilespmem:s20], [sflag:$0x8], $0x40, s11, s19, $0xb8;
	[tilespmem:$0x1AC20] =	vst v63  }
0x88: {  	_ =	swait.ge [sflag:s30], $0x2000  }
0x89: {  	[sflag:s30] =	ssyncset.done $0x0  }
0x8a: {  	s11 =	sadd.s32 $0x2810, s10;
	[sflag:s30] =	ssyncadd.s32 $0xFFFFE000  }
0x8b: {  	[spmem:s2] =	stream.indirect.scatter.add.f32 [tilespmem:s22], [sflag:$0x9], $0x40, s11, s19, $0xb8;
	[tilespmem:$0x1AC20] =	vst v63  }
0x8c: {  	_ =	swait.ge [sflag:s31], $0x2000  }
0x8d: {  	[sflag:s31] =	ssyncset.done $0x0  }
0x8e: {  	s11 =	sadd.s32 $0x2890, s10;
	[sflag:s31] =	ssyncadd.s32 $0xFFFFE000  }
0x8f: {  	[spmem:s2] =	stream.indirect.scatter.add.f32 [tilespmem:s24], [sflag:$0xA], $0x40, s11, s19, $0xb8;
	[tilespmem:$0x1AC20] =	vst v63  }
0x90: {  	_ =	swait.ge [sflag:s0], $0x2000  }
0x91: {  	[sflag:s0] =	ssyncset.done $0x0  }
0x92: {  	s11 =	sadd.s32 $0x2910, s10;
	[sflag:s0] =	ssyncadd.s32 $0xFFFFE000  }
0x93: {  	[spmem:s2] =	stream.indirect.scatter.add.f32 [tilespmem:s26], [sflag:$0xB], $0x40, s11, s19, $0xb8;
	[tilespmem:$0x1AC20] =	vst v63  }
0x94: {  	_ =	swait.ge [sflag:s14], $0x2000  }
0x95: {  	[sflag:s14] =	ssyncset.done $0x0  }
0x96: {  	s11 =	sadd.s32 $0x2990, s10;
	[sflag:s14] =	ssyncadd.s32 $0xFFFFE000  }
0x97: {  	[spmem:s2] =	stream.indirect.scatter.add.f32 [tilespmem:s29], [sflag:$0xC], $0x40, s11, s19, $0xb8;
	[tilespmem:$0x1AC20] =	vst v63  }
0x98: {  	_ =	swait.ge [sflag:s1], $0x2000  }
0x99: {  	[sflag:s1] =	ssyncset.done $0x0  }
0x9a: {  	s11 =	sadd.s32 $0x300, s10;
	[sflag:s1] =	ssyncadd.s32 $0xFFFFE000  }
0x9b: {  	[tilespmem:s15], [sflag:$0x1] =	stream.indirect.gather [hbm4b:s4+s19], $0x40, s11, s19, $0xb8;
	[tilespmem:$0x1AC20] =	vst v63  }
0x9c: {  	_ =	swait.ge [sflag:s21], $0x2000  }
0x9d: {  	[sflag:s21] =	ssyncset.done $0x0  }
0x9e: {  	s11 =	sadd.s32 $0x380, s10;
	[sflag:s21] =	ssyncadd.s32 $0xFFFFE000  }
0x9f: {  	[tilespmem:s20], [sflag:$0x2] =	stream.indirect.gather [hbm4b:s4+s19], $0x40, s11, s19, $0xb8;
	[tilespmem:$0x1AC20] =	vst v63  }
0xa0: {  	_ =	swait.ge [sflag:s23], $0x2000  }
0xa1: {  	[sflag:s23] =	ssyncset.done $0x0  }
0xa2: {  	s11 =	sadd.s32 $0x400, s10;
	[sflag:s23] =	ssyncadd.s32 $0xFFFFE000  }
0xa3: {  	[tilespmem:s22], [sflag:$0x3] =	stream.indirect.gather [hbm4b:s4+s19], $0x40, s11, s19, $0xb8;
	[tilespmem:$0x1AC20] =	vst v63  }
0xa4: {  	_ =	swait.ge [sflag:s25], $0x2000  }
0xa5: {  	[sflag:s25] =	ssyncset.done $0x0  }
0xa6: {  	s11 =	sadd.s32 $0x480, s10;
	[sflag:s25] =	ssyncadd.s32 $0xFFFFE000  }
0xa7: {  	[tilespmem:s24], [sflag:$0x4] =	stream.indirect.gather [hbm4b:s4+s19], $0x40, s11, s19, $0xb8;
	[tilespmem:$0x1AC20] =	vst v63  }
0xa8: {  	_ =	swait.ge [sflag:s28], $0x2000  }
0xa9: {  	[sflag:s28] =	ssyncset.done $0x0  }
.Ltmp1:
0xaa: {  	s11 =	sadd.s32 $0x500, s10;
	[sflag:s28] =	ssyncadd.s32 $0xFFFFE000;
	(pc) =	sbr.rel @p0 .LBB2_4-.Ltmp1, $4  }
0xab: {  	[tilespmem:s26], [sflag:$0x5] =	stream.indirect.gather [hbm4b:s4+s19], $0x40, s11, s19, $0xb8;
	[tilespmem:$0x1AC20] =	vst v63  }
0xac: {  	_ =	swait.ge [sflag:s3], $0x2000  }
0xad: {  	[sflag:s3] =	ssyncset.done $0x0  }
0xae: {  	s10 =	sadd.s32 $0x580, s10;
	[sflag:s3] =	ssyncadd.s32 $0xFFFFE000  }
0xaf: {  	[tilespmem:s29], [sflag:$0x6] =	stream.indirect.gather [hbm4b:s4+s19], $0x40, s10, s19, $0xb8;
	[tilespmem:$0x1AC20] =	vst v63  }
0xb0: {  	_ =	swait.ge [sflag:s17], $0x2000  }
0xb1: {  	[sflag:s17] =	ssyncset.done $0x0  }
0xb2: {  	s9 =	simm.s32 $0x4B10;
	[sflag:s17] =	ssyncadd.s32 $0xFFFFE000  }
0xb3: {  	[spmem:s2] =	stream.indirect.scatter.add.f32 [tilespmem:s15], [sflag:$0x7], $0x40, s9, s19, $0xb8;
	[tilespmem:$0x1AC20] =	vst v63  }
0xb4: {  	_ =	swait.ge [sflag:s18], $0x2000  }
0xb5: {  	[sflag:s18] =	ssyncset.done $0x0  }
0xb6: {  	s11 =	simm.s32 $0x4B90;
	[sflag:s18] =	ssyncadd.s32 $0xFFFFE000  }
0xb7: {  	[spmem:s2] =	stream.indirect.scatter.add.f32 [tilespmem:s20], [sflag:$0x8], $0x40, s11, s19, $0xb8;
	[tilespmem:$0x1AC20] =	vst v63  }
0xb8: {  	_ =	swait.ge [sflag:s30], $0x2000  }
0xb9: {  	[sflag:s30] =	ssyncset.done $0x0  }
0xba: {  	s10 =	simm.s32 $0x4C10;
	[sflag:s30] =	ssyncadd.s32 $0xFFFFE000  }
0xbb: {  	[spmem:s2] =	stream.indirect.scatter.add.f32 [tilespmem:s22], [sflag:$0x9], $0x40, s10, s19, $0xb8;
	[tilespmem:$0x1AC20] =	vst v63  }
0xbc: {  	_ =	swait.ge [sflag:s31], $0x2000  }
0xbd: {  	[sflag:s31] =	ssyncset.done $0x0  }
0xbe: {  	s11 =	simm.s32 $0x4C90;
	[sflag:s31] =	ssyncadd.s32 $0xFFFFE000  }
0xbf: {  	[spmem:s2] =	stream.indirect.scatter.add.f32 [tilespmem:s24], [sflag:$0xA], $0x40, s11, s19, $0xb8;
	[tilespmem:$0x1AC20] =	vst v63  }
0xc0: {  	_ =	swait.ge [sflag:s0], $0x2000  }
0xc1: {  	[sflag:s0] =	ssyncset.done $0x0  }
0xc2: {  	s10 =	simm.s32 $0x4D10;
	[sflag:s0] =	ssyncadd.s32 $0xFFFFE000  }
0xc3: {  	[spmem:s2] =	stream.indirect.scatter.add.f32 [tilespmem:s26], [sflag:$0xB], $0x40, s10, s19, $0xb8;
	[tilespmem:$0x1AC20] =	vst v63  }
0xc4: {  	_ =	swait.ge [sflag:s14], $0x2000  }
0xc5: {  	[sflag:s14] =	ssyncset.done $0x0  }
0xc6: {  	s11 =	simm.s32 $0x4D90;
	[sflag:s14] =	ssyncadd.s32 $0xFFFFE000  }
0xc7: {  	[spmem:s2] =	stream.indirect.scatter.add.f32 [tilespmem:s29], [sflag:$0xC], $0x40, s11, s19, $0xb8;
	[tilespmem:$0x1AC20] =	vst v63  }
0xc8: {  	_ =	swait.ge [sflag:s1], $0x2000  }
0xc9: {  	[sflag:s1] =	ssyncset.done $0x0  }
0xca: {  	[sflag:s1] =	ssyncadd.s32 $0xFFFFE000  }
0xcb: {  	_ =	swait.ge [sflag:s21], $0x2000  }
0xcc: {  	[sflag:s21] =	ssyncset.done $0x0  }
0xcd: {  	[sflag:s21] =	ssyncadd.s32 $0xFFFFE000  }
0xce: {  	_ =	swait.ge [sflag:s23], $0x2000  }
0xcf: {  	[sflag:s23] =	ssyncset.done $0x0  }
0xd0: {  	[sflag:s23] =	ssyncadd.s32 $0xFFFFE000  }
0xd1: {  	_ =	swait.ge [sflag:s25], $0x2000  }
0xd2: {  	[sflag:s25] =	ssyncset.done $0x0  }
0xd3: {  	[sflag:s25] =	ssyncadd.s32 $0xFFFFE000  }
0xd4: {  	_ =	swait.ge [sflag:s28], $0x2000  }
0xd5: {  	[sflag:s28] =	ssyncset.done $0x0  }
0xd6: {  	[sflag:s28] =	ssyncadd.s32 $0xFFFFE000  }
0xd7: {  	_ =	swait.ge [sflag:s3], $0x2000  }
0xd8: {  	[sflag:s3] =	ssyncset.done $0x0  }
0xd9: {  	s10 =	simm.s32 $0x2700;
	[sflag:s3] =	ssyncadd.s32 $0xFFFFE000  }
0xda: {  	[tilespmem:s15], [sflag:$0xE] =	stream.indirect.gather [hbm4b:s4+s5], $0x40, s10, s5, $0xb8;
	[tilespmem:$0x1AC20] =	vst v63  }
0xdb: {  	_ =	swait.ge [sflag:s6], $0x400  }
0xdc: {  	[sflag:s6] =	ssyncset.done $0x0  }
0xdd: {  	s11 =	simm.s32 $0x4E10;
	[sflag:s6] =	ssyncadd.s32 $0xFFFFFC00  }
0xde: {  	[spmem:s2] =	stream.indirect.scatter.add.f32 [tilespmem:s15], [sflag:$0xE], $0x40, s11, s5, $0xb8;
	[tilespmem:$0x1AC20] =	vst v63  }
0xdf: {  	s10 =	stileid.u32;
	_ =	swait.ge [sflag:s6], $0x400  }
0xe0: {  	s8 =	sadd.s32 $0x1, s8;
	s9 =	sshll.u32 s10, $0x6;
	[sflag:s6] =	ssyncset.done $0x0  }
0xe1: {  	p0 =	sne.s32 s8, s12;
	s9 =	sor.u32 $0x1C0E, s9;
	[sflag:s6] =	ssyncadd.s32 $0xFFFFFC00  }
.Ltmp2:
0xe2: {  	s11 =	sshrl.u32 s7, $0x3;
	[bflag:$0x0] =	sbarrier.arrive $0xFFFF;
	(pc) =	sbr.rel @p0 .LBB2_1-.Ltmp2, $4  }
0xe3: {  	[hbm:s13], [sflag:s9] =	dma.local [spmem:s11], $0x13C0  }
0xe4: {  	_ =	swait.ge [sflag:s6], $0x13C0  }
0xe5: {  	[sflag:s6] =	ssyncset.done $0x0  }
0xe6: {  	[sflag:s6] =	ssyncadd.s32 $0xFFFFEC40  }
0xe7: {  	_ =	sfence.sel $0x180000  }
0xe8: {  	[bflag:$0x0] =	sbarrier.arrive $0xFFFF  }
0xe9: {  	_ =	strace $0x9000004A  }
0xea: {  	s0 =	stileid.u32;
	[bflag:$0x2] =	sbarrier.arrive $0xFFFF  }
0xeb: {  	p0 =	sne.s32 s0, $0x0;
	s0 =	rddreg [dreg:$0x2]  }
0xec: {  	s0 =	sadd.s32 @!p0 $0x100000, s0  }
0xed: {  	[sflag:s0] =	ssyncadd.tile.s32 @!p0 $0x1;
	_ =	shalt  }
.Lfunc_end2:
_tile_overlayer_lowered:
.L_overlay_start_2:
0xee: {  	(tag) =	ssettag $0x2  }
0xef: {  	s0 =	rddreg [dreg:$0x0];
	s2 =	stileid.u32  }
0xf0: {  	s1 =	rddreg [dreg:$0x1];
	p0 =	sne.s32 s2, $0x0  }
0xf1: {  	s3 =	rddreg [dreg:$0x2];
	[bflag:$0x3] =	sbarrier.arrive $0xFFFF;
	s2 =	simm.s32 @!p0 $0x1C0E  }
0xf2: {  	[timem:s3], [sflag:s2] =	dma.local @!p0 [hbm:s0], s1  }
0xf3: {  	s0 =	simm.s32 @!p0 $0xE  }
0xf4: {  	_ =	swait.ge @!p0 [sflag:s0], s1  }
0xf5: {  	s1 =	ssub.s32 @!p0 $0x0, s1;
	[sflag:s0] =	ssyncset.done @!p0 $0x0  }
0xf6: {  	[sflag:s0] =	ssyncadd.s32 @!p0 s1  }
0xf7: {  	[bflag:$0x3] =	sbarrier.arrive $0xFFFF  }
0xf8: {  	_ =	shalt  }

// kernel: kernel.15.cloned.1.call-start
scs
__scs_entry_jumppad:
0x0: {  	(pc) =	sbr.rel $0x88, $3  }
0x1: {  	(tag) =	ssettag $0x0;
	lr =	simm.s32 $0x1  }
0x2: {  	[smem:$0x3F9A] =	sst lr;
	_ =	strace $0xD0000000  }
0x3: {  	_ = 	snop  }
0x4: {  	_ = 	snop  }
0x5: {  	_ = 	snop  }
0x6: {  	_ = 	snop  }
0x7: {  	_ = 	snop  }
__scs_overlays_trampoline_lowered:
0x8: {  	[smem:$0x3FA9] =	sst s0  }
0x9: {  	[smem:$0x3FAA] =	sst s1  }
0xa: {  	[smem:$0x3FAB] =	sst s2  }
0xb: {  	[smem:$0x3FAC] =	sst s3  }
0xc: {  	[smem:$0x3FAD] =	sst s4  }
0xd: {  	[smem:$0x3FAE] =	sst s5  }
0xe: {  	[smem:$0x3FAF] =	sst s6  }
0xf: {  	[smem:$0x3FB0] =	sst s7  }
0x10: {  	[smem:$0x3FB1] =	sst s8  }
0x11: {  	[smem:$0x3FB2] =	sst s9;
	s0 =	simm.s32 @!p0 $0x0  }
0x12: {  	s1 =	sld [smem:$0x3F98];
	s0 =	simm.s32 @p0 $0x1  }
0x13: {  	[smem:$0x3FB3] =	sst s0;
	s0 =	simm.s32 @!p1 $0x0  }
0x14: {  	s2 =	sld [smem:$0x3F97];
	s0 =	simm.s32 @p1 $0x1  }
0x15: {  	[smem:$0x3FB4] =	sst s0;
	s0 =	simm.s32 @!p2 $0x0  }
0x16: {  	s3 =	sld [smem:$0x3FDB];
	s0 =	simm.s32 @p2 $0x1  }
0x17: {  	s4 =	simm.s32 $0x1BF5;
	[smem:$0x3FB6] =	sst s0  }
0x18: {  	s0 =	sld [smem:$0x3F99];
	_ =	swait.ge [sflag:s4], $0x0  }
0x19: {  	s7 =	sld [smem:$0x3F9A]  }
0x1a: {  	s8 =	sadd.s32 $0xFFFFE003, lr  }
0x1b: {  	s9 =	sadd.s32 $0xFFFFFEF7, lr;
	s5 =	simm.s32 $0xFFFFFFFF;
	p2 =	slt.u32 s8, $0xFFFFF086  }
0x1c: {  	p1 =	slt.u32 s9, $0xF7A;
	s5 =	simm.s32 @!p2 $0x0  }
0x1d: {  	s5 =	simm.s32 @p1 $0x1;
	p0 =	seq.s32 s7, s2  }
0x1e: {  	s7 =	smul.u32 @!p0 $0xF7A, s2;
	p2 =	seq.s32 @!p0 s5, $0x0  }
0x1f: {  	s9 =	smul.u32 $0xF7A, s1;
	s8 =	simm.s32 @!p0 $0x1BF5;
	p2 =	por !p2, p0  }
0x20: {  	[sflag:s8] =	ssyncset.s32 @!p0 $0xFFFFF086;
	s6 =	sadd.s32 @!p0 s3, s7;
	s7 =	simm.s32 @!p0 $0x108  }
0x21: {  	s3 =	sadd.s32 s3, s9;
	s6 =	sadd.s32 @!p0 $0x88, s6;
	s7 =	simm.s32 @p2 $0x1082  }
0x22: {  	[simem:s7], [sflag:s8] =	dma.local @!p0 [hbm:s6], $0xF7A  }
0x23: {  	s9 =	sor.u32 $0xD0000000, s2;
	s6 =	simm.s32 $0x108;
	_ =	swait.ge @!p0 [sflag:s8], $0x0  }
0x24: {  	s3 =	sadd.s32 $0x88, s3;
	s6 =	simm.s32 @!p1 $0x1082;
	[sflag:s4] =	ssyncset.s32 $0xFFFFF086  }
0x25: {  	[simem:s6], [sflag:s4] =	dma.local [hbm:s3], $0xF7A  }
0x26: {  	[smem:$0x3F9A] =	sst s1;
	(tag) =	ssettag s2;
	_ =	strace s9  }
0x27: {  	s1 =	sld [smem:$0x3FAA]  }
0x28: {  	s2 =	sld [smem:$0x3FAB]  }
0x29: {  	s4 =	sld [smem:$0x3FAD]  }
0x2a: {  	p0 =	seq.s32 s5, $0x0;
	s5 =	sld [smem:$0x3FAE]  }
0x2b: {  	s6 =	sld [smem:$0x3FAF]  }
0x2c: {  	s7 =	sld [smem:$0x3FB0]  }
0x2d: {  	s3 =	simm.s32 $0x108;
	s8 =	sld [smem:$0x3FB1]  }
0x2e: {  	s3 =	simm.s32 @!p0 $0x1082;
	s9 =	sld [smem:$0x3FB2]  }
0x2f: {  	lr =	sadd.s32 s0, s3;
	s0 =	sld [smem:$0x3FA9]  }
0x30: {  	s3 =	sld [smem:$0x3FAC]  }
0x31: {  	[smem:$0x3FB5] =	sst s10  }
0x32: {  	s10 =	sld [smem:$0x3FB3];
	_ =	sdelay $0x3  }
0x33: {  	p0 =	seq.s32 s10, $0x1;
	s10 =	sld [smem:$0x3FB5];
	_ =	sdelay $0x3  }
0x34: {  	[smem:$0x3FB5] =	sst s10  }
0x35: {  	s10 =	sld [smem:$0x3FB4];
	_ =	sdelay $0x3  }
0x36: {  	p1 =	seq.s32 s10, $0x1;
	s10 =	sld [smem:$0x3FB5];
	_ =	sdelay $0x3  }
0x37: {  	[smem:$0x3FB5] =	sst s10  }
0x38: {  	s10 =	sld [smem:$0x3FB6]  }
0x39: {  	_ = 	snop;
	(pc) =	sbr.ind lr, $3  }
0x3a: {  	_ = 	snop  }
0x3b: {  	_ = 	snop  }
0x3c: {  	p2 =	seq.s32 s10, $0x1;
	s10 =	sld [smem:$0x3FB5]  }
0x3d: {  	_ =	shalt  }
0x3e: {  	_ =	shalt  }
0x3f: {  	_ =	shalt  }
0x40: {  	_ =	shalt  }
0x41: {  	_ =	shalt  }
0x42: {  	_ =	shalt  }
0x43: {  	_ =	shalt  }
0x44: {  	_ =	shalt  }
0x45: {  	_ =	shalt  }
0x46: {  	_ =	shalt  }
0x47: {  	_ =	shalt  }
0x48: {  	_ =	shalt  }
0x49: {  	_ =	shalt  }
0x4a: {  	_ =	shalt  }
0x4b: {  	_ =	shalt  }
0x4c: {  	_ =	shalt  }
0x4d: {  	_ =	shalt  }
0x4e: {  	_ =	shalt  }
0x4f: {  	_ =	shalt  }
0x50: {  	_ =	shalt  }
0x51: {  	_ =	shalt  }
0x52: {  	_ =	shalt  }
0x53: {  	_ =	shalt  }
0x54: {  	_ =	shalt  }
0x55: {  	_ =	shalt  }
0x56: {  	_ =	shalt  }
0x57: {  	_ =	shalt  }
0x58: {  	_ =	shalt  }
0x59: {  	_ =	shalt  }
0x5a: {  	_ =	shalt  }
0x5b: {  	_ =	shalt  }
0x5c: {  	_ =	shalt  }
0x5d: {  	_ =	shalt  }
0x5e: {  	_ =	shalt  }
0x5f: {  	_ =	shalt  }
0x60: {  	_ =	shalt  }
0x61: {  	_ =	shalt  }
0x62: {  	_ =	shalt  }
0x63: {  	_ =	shalt  }
0x64: {  	_ =	shalt  }
0x65: {  	_ =	shalt  }
0x66: {  	_ =	shalt  }
0x67: {  	_ =	shalt  }
0x68: {  	_ =	shalt  }
0x69: {  	_ =	shalt  }
0x6a: {  	_ =	shalt  }
0x6b: {  	_ =	shalt  }
0x6c: {  	_ =	shalt  }
0x6d: {  	_ =	shalt  }
0x6e: {  	_ =	shalt  }
0x6f: {  	_ =	shalt  }
0x70: {  	_ =	shalt  }
0x71: {  	_ =	shalt  }
0x72: {  	_ =	shalt  }
0x73: {  	_ =	shalt  }
0x74: {  	_ =	shalt  }
0x75: {  	_ =	shalt  }
0x76: {  	_ =	shalt  }
0x77: {  	_ =	shalt  }
0x78: {  	_ =	shalt  }
0x79: {  	_ =	shalt  }
0x7a: {  	_ =	shalt  }
0x7b: {  	_ =	shalt  }
0x7c: {  	_ =	shalt  }
0x7d: {  	_ =	shalt  }
0x7e: {  	_ =	shalt  }
0x7f: {  	_ =	shalt  }
0x80: {  	_ =	shalt  }
0x81: {  	_ =	shalt  }
0x82: {  	_ =	shalt  }
0x83: {  	_ =	shalt  }
0x84: {  	_ =	shalt  }
0x85: {  	_ =	shalt  }
0x86: {  	_ =	shalt  }
0x87: {  	_ =	shalt  }
.Lfunc_end0:
.L_simem_size_0:
called_computation.2_lowered:
.L_overlay_start_0:
0x88: {  	s2 =	sld [smem:$0x3FD9]  }
0x89: {  	s3 =	sld [smem:$0x3FFE];
	_ =	sdelay $0x1  }
0x8a: {  	s1 =	srdreg.scid  }
0x8b: {  	s0 =	sand.u32 $0x1, s1  }
0x8c: {  	s16 =	sshll.u32 s0, $0xA;
	s2 =	sadd.s32 s3, s2  }
0x8d: {  	s2 =	sadd.s32 s2, s16  }
0x8e: {  	[smem:$0x3FC1] =	sst s2  }
0x8f: {  	_ = 	snop  }
0x90: {  	(tm) =	ssettm $0x1  }
0x91: {  	s17 =	sld [smem:$0x3FFB];
	_ =	sdelay $0x3  }
0x92: {  	_ =	strace s17  }
0x93: {  	s2 =	sld [smem:$0x3FFC];
	_ =	sdelay $0x3  }
0x94: {  	_ =	strace s2  }
0x95: {  	s2 =	sld [smem:$0x3FFD];
	_ =	sdelay $0x3  }
0x96: {  	_ =	strace s2  }
0x97: {  	_ =	strace $0x8FFFFFFF  }
0x98: {  	s18 =	sld [smem:$0x3FDB];
	_ =	sdelay $0x1  }
0x99: {  	s19 =	simm.s32 $_scs_section_size  }
0x9a: {  	s4 =	simm.s32 $_size__tile_overlayer_lowered;
	s5 =	simm.s32 $_tile_overlayer_lowered  }
0x9b: {  	s22 =	simm.s32 $0x1BFF;
	s21 =	sshll.u32 s5, $0x1;
	s2 =	sadd.s32 s19, s18  }
0x9c: {  	s6 =	simm.s32 $0x0;
	s20 =	sshll.u32 s4, $0x1;
	s4 =	sadd.s32 s21, s2  }
0x9d: {  	[timem:s6], [sflag:s22] =	dma.local [hbm:s4], s20  }
0x9e: {  	_ =	swait.ge [sflag:s22], s20  }
0x9f: {  	s3 =	ssub.s32 $0x0, s20;
	[sflag:s22] =	ssyncset.done $0x0  }
0xa0: {  	[sflag:s22] =	ssyncadd.s32 s3;
	_ =	sdelay $0x1  }
0xa1: {  	s23 =	simm.s32 $0x1B8B  }
0xa2: {  	_ =	swait.ge [sflag:s23], $0x1  }
0xa3: {  	[sflag:s23] =	ssyncset.done $0x0  }
0xa4: {  	s25 =	simm.s32 $0x1B8E;
	s24 =	sld [smem:$0x3FFE];
	[sflag:s23] =	ssyncadd.s32 $0xFFFFFFFF  }
0xa5: {  	s26 =	simm.s32 $execute0_lowered;
	[smem:$0x3FD2] =	sst s25  }
0xa6: {  	s4 =	sshll.u32 s26, $0x1;
	_ =	strace $0x8000004C;
	[dreg:$0x1] =	wrdreg $0xFFFFFFFF  }
0xa7: {  	s28 =	simm.s32 $_size_execute0_lowered;
	s2 =	sadd.s32 s2, s4;
	[dreg:$0x0] =	wrdreg $0x0  }
0xa8: {  	s4 =	sshll.u32 s28, $0x1;
	[dreg:$0x2] =	wrdreg s2  }
0xa9: {  	[dreg:$0x3] =	wrdreg s4  }
0xaa: {  	[dreg:$0x4] =	wrdreg $0xC0  }
0xab: {  	_ =	task [dreg:s6], $0x5FFFF  }
0xac: {  	[dreg:$0x1] =	wrdreg $0xFFFFFFFF  }
0xad: {  	[dreg:$0x0] =	wrdreg $0x60  }
0xae: {  	[dreg:$0x2] =	wrdreg s24  }
0xaf: {  	[dreg:$0x3] =	wrdreg $0x10E200  }
0xb0: {  	[dreg:$0x4] =	wrdreg $0x9  }
0xb1: {  	_ =	task.clear_ibuf [dreg:s6], $0x5FFFF;
	_ =	strace $0x9000004C  }
0xb2: {  	s29 =	simm.s32 $0x9;
	_ =	strace $0x8000004E  }
0xb3: {  	_ =	swait.ge [sflag:s29], $0x1  }
0xb4: {  	[sflag:s29] =	ssyncadd.s32 $0xFFFFFFFF  }
0xb5: {  	_ =	strace $0x9000004E  }
0xb6: {  	_ =	sfence  }
0xb7: {  	s30 =	sld [smem:$0x0];
	_ =	sdelay $0x2  }
0xb8: {  	s31 =	sshll.u32 s1, $0xD;
	s1 =	sshrl.u32 s1, $0x2  }
0xb9: {  	s3 =	sand.u32 $0x4000, s31;
	s1 =	sadd.s32 s1, s30  }
0xba: {  	s0 =	sor.u32 s3, s0;
	s1 =	sshll.u32 s1, $0x11  }
0xbb: {  	s0 =	sor.u32 s1, s0  }
0xbc: {  	s0 =	sadd.s32 $0x8F2B, s0  }
0xbd: {  	[sflag:s0] =	ssyncadd.remote.s32 $0x1  }
0xbe: {  	_ =	sfence.sel $0xFFFF  }
0xbf: {  	[dreg:$0x0] =	wrdreg $0xFFFFFFFF;
	(pc) =	sbr.abs _section_cstart, $3  }
0xc0: {  	[dreg:$0x1] =	wrdreg $0xFFFFFFFF  }
0xc1: {  	_ =	task.clear_ibuf [dreg:s6], $0x2FFFF;
	_ =	strace $0x9FFFFFFF  }
0xc2: {  	(tm) =	ssettm $0x7FFFFFFF  }
0xc3: {  	_ =	shalt  }
tec
execute0_lowered:
.L_overlay_start_1:
0x0: {  	(tag) =	ssettag $0x1  }
0x1: {  	s0 =	srdreg.scid;
	s1 =	rddreg [dreg:$0x0]  }
0x2: {  	s2 =	rddreg [dreg:$0x1];
	s4 =	stileid.u32  }
0x3: {  	s5 =	simm.s32 $0x0;
	s15 =	simm.s32 $0x4E20;
	s16 =	simm.s32 $0xD  }
0x4: {  	s17 =	simm.s32 $0x1;
	s18 =	simm.s32 $0x2;
	s19 =	simm.s32 $0x80  }
0x5: {  	s29 =	simm.s32 $0xEE20;
	s30 =	simm.s32 $0x3;
	s31 =	simm.s32 $0x4  }
0x6: {  	s14 =	simm.s32 $0x6;
	s28 =	simm.s32 $0xB;
	s6 =	smul.u32 $0x9E00, s4  }
0x7: {  	s0 =	sand.u32 $0x1, s0;
	[smem:$0x7FF] =	sst s5;
	s8 =	smul.u32 $0x27800, s4  }
0x8: {  	s3 =	sshll.u32 s0, $0x4;
	_ =	strace $0x8000004D;
	s20 =	ssub.s32 $0x2, s0  }
0x9: {  	p0 =	seq.s32 s0, $0x1;
	s0 =	simm.s32 $0x2A000;
	s3 =	sor.u32 s4, s3  }
0xa: {  	s7 =	sshrl.u32 s20, $0x1;
	s4 =	sadd.s32 $0x16600, s1;
	s22 =	sshrl.u32 s8, $0x2  }
0xb: {  	s0 =	simm.s32 @!p0 $0x3DC00;
	s8 =	simm.s32 $0x0;
	s3 =	smul.u32 $0x2710, s3  }
0xc: {  	s5 =	ssub.s32 s20, s7;
	s7 =	sadd.s32 s6, s2;
	s6 =	sshrl.u32 s6, $0x3  }
0xd: {  	s0 =	sadd.s32 s0, s1;
	s20 =	simm.s32 $0x6E20;
	s3 =	sshrl.u32 s3, $0x3  }
0xe: {  	s12 =	smax.u32 s5, $0x1;
	s13 =	sadd.s32 s0, s6;
	s3 =	sadd.s32 s3, s1  }
0xf: {  	s0 =	simm.s32 $0x5;
	s21 =	sadd.s32 $0x2C00, s3;
	s3 =	sadd.s32 $0xC840, s3  }
0x10: {  	s5 =	simm.s32 $0x10;
	[dreg:$0x4] =	wrdreg s3;
	s3 =	sadd.s32 s22, s2  }
0x11: {  	s6 =	simm.s32 $0xE;
	[dreg:$0x3] =	wrdreg s21;
	s23 =	sadd.s32 $0x2000, s3  }
0x12: {  	s1 =	simm.s32 $0x7;
	s24 =	sadd.s32 $0x4000, s3;
	[dreg:$0x5] =	wrdreg s23  }
0x13: {  	s22 =	simm.s32 $0x8E20;
	s25 =	sadd.s32 $0x6000, s3;
	[dreg:$0x6] =	wrdreg s24  }
0x14: {  	s21 =	simm.s32 $0x8;
	s26 =	sadd.s32 $0x8000, s3;
	[dreg:$0x7] =	wrdreg s25  }
0x15: {  	s3 =	simm.s32 $0xC;
	[dreg:$0x8] =	wrdreg s26;
	s24 =	simm.s32 $0xAE20  }
0x16: {  	v0 =	vimm.f32 $0.0e+00;
	s26 =	simm.s32 $0xCE20;
	s23 =	simm.s32 $0x9;
	s25 =	simm.s32 $0xA  }
.LBB2_1:
0x17: {  	s9 =	simm.s32 $0x0;
	s10 =	rddreg [dreg:$0x3]  }
0x18: {  	[tilespmem:s9], [sflag:$0x1] =	stream.linear.gather [hbm4b:s10+s9], $0x2710, $0x38;
	[tilespmem:$0x1AC20] =	vst v63  }
0x19: {  	s11 =	simm.s32 $0x2710;
	s10 =	rddreg [dreg:$0x4]  }
0x1a: {  	[tilespmem:s11], [sflag:$0x2] =	stream.linear.gather [hbm4b:s10+s9], $0x2710, $0x38;
	[tilespmem:$0x1AC20] =	vst v63  }
0x1b: {  	s10 =	simm.s32 $0x100;
	s9 =	simm.s32 $0x0  }
.LBB2_2:
0x1c: {  	p0 =	sne.s32 s10, $0x7F00;
	[tilespmem:s9+$0x4E50] =	vst v0;
	s11 =	smov.u32 s10;
	s10 =	sadd.s32 $0x100, s10  }
.Ltmp0:
0x1d: {  	[tilespmem:s9+$0x4E40] =	vst v0;
	(pc) =	sbr.rel @p0 .LBB2_2-.Ltmp0, $3  }
0x1e: {  	[tilespmem:s9+$0x4E20] =	vst v0  }
0x1f: {  	[tilespmem:s9+$0x4E30] =	vst v0;
	_ =	sdelay $0x1  }
0x20: {  	s9 =	sshra.s32 s11, $0x2  }
0x21: {  	[tilespmem:s9+$0x4E50] =	vst v0  }
0x22: {  	[tilespmem:s9+$0x4E40] =	vst v0  }
0x23: {  	[tilespmem:s9+$0x4E20] =	vst v0  }
0x24: {  	[tilespmem:s9+$0x4E30] =	vst v0  }
0x25: {  	[spmem:s7] =	stream.linear.scatter [tilespmem:s15], [sflag:$0xD], $0x2000, $0x38;
	[tilespmem:$0x1AC20] =	vst v63  }
0x26: {  	s10 =	rddreg [dreg:$0x5]  }
0x27: {  	[spmem:s10] =	stream.linear.scatter [tilespmem:s15], [sflag:$0xD], $0x2000, $0x38;
	[tilespmem:$0x1AC20] =	vst v63  }
0x28: {  	s11 =	rddreg [dreg:$0x6]  }
0x29: {  	[spmem:s11] =	stream.linear.scatter [tilespmem:s15], [sflag:$0xD], $0x2000, $0x38;
	[tilespmem:$0x1AC20] =	vst v63  }
0x2a: {  	s10 =	rddreg [dreg:$0x7]  }
0x2b: {  	[spmem:s10] =	stream.linear.scatter [tilespmem:s15], [sflag:$0xD], $0x2000, $0x38;
	[tilespmem:$0x1AC20] =	vst v63  }
0x2c: {  	s11 =	rddreg [dreg:$0x8]  }
0x2d: {  	[spmem:s11] =	stream.linear.scatter [tilespmem:s15], [sflag:$0xD], $0x1E00, $0x38;
	[tilespmem:$0x1AC20] =	vst v63  }
0x2e: {  	_ =	swait.ge [sflag:s16], $0x2000  }
0x2f: {  	[sflag:s16] =	ssyncset.done $0x0  }
0x30: {  	[sflag:s16] =	ssyncadd.s32 $0xFFFFE000  }
0x31: {  	_ =	swait.ge [sflag:s16], $0x2000  }
0x32: {  	[sflag:s16] =	ssyncset.done $0x0  }
0x33: {  	[sflag:s16] =	ssyncadd.s32 $0xFFFFE000  }
0x34: {  	_ =	swait.ge [sflag:s16], $0x2000  }
0x35: {  	[sflag:s16] =	ssyncset.done $0x0  }
0x36: {  	[sflag:s16] =	ssyncadd.s32 $0xFFFFE000  }
0x37: {  	_ =	swait.ge [sflag:s16], $0x2000  }
0x38: {  	[sflag:s16] =	ssyncset.done $0x0  }
0x39: {  	[sflag:s16] =	ssyncadd.s32 $0xFFFFE000  }
0x3a: {  	_ =	swait.ge [sflag:s16], $0x1E00  }
0x3b: {  	[sflag:s16] =	ssyncset.done $0x0  }
0x3c: {  	[sflag:s16] =	ssyncadd.s32 $0xFFFFE200  }
0x3d: {  	_ =	swait.ge [sflag:s17], $0x2710  }
0x3e: {  	[sflag:s17] =	ssyncset.done $0x0  }
0x3f: {  	[sflag:s17] =	ssyncadd.s32 $0xFFFFD8F0  }
0x40: {  	_ =	swait.ge [sflag:s18], $0x2710  }
0x41: {  	[sflag:s18] =	ssyncset.done $0x0  }
0x42: {  	[sflag:s18] =	ssyncadd.s32 $0xFFFFD8F0  }
0x43: {  	s10 =	simm.s32 $0x0;
	[bflag:$0x0] =	sbarrier.arrive $0xFFFF  }
0x44: {  	[tilespmem:s15], [sflag:$0x1] =	stream.indirect.gather [hbm4b:s4+s19], $0x40, s10, s19, $0xb8;
	[tilespmem:$0x1AC20] =	vst v63  }
0x45: {  	_ = 	snop  }
0x46: {  	[tilespmem:s20], [sflag:$0x2] =	stream.indirect.gather [hbm4b:s4+s19], $0x40, s19, s19, $0xb8;
	[tilespmem:$0x1AC20] =	vst v63  }
0x47: {  	s11 =	simm.s32 $0x100  }
0x48: {  	[tilespmem:s22], [sflag:$0x3] =	stream.indirect.gather [hbm4b:s4+s19], $0x40, s11, s19, $0xb8;
	[tilespmem:$0x1AC20] =	vst v63  }
0x49: {  	s10 =	simm.s32 $0x180  }
0x4a: {  	[tilespmem:s24], [sflag:$0x4] =	stream.indirect.gather [hbm4b:s4+s19], $0x40, s10, s19, $0xb8;
	[tilespmem:$0x1AC20] =	vst v63  }
0x4b: {  	s11 =	simm.s32 $0x200  }
0x4c: {  	[tilespmem:s26], [sflag:$0x5] =	stream.indirect.gather [hbm4b:s4+s19], $0x40, s11, s19, $0xb8;
	[tilespmem:$0x1AC20] =	vst v63  }
0x4d: {  	s10 =	simm.s32 $0x280  }
0x4e: {  	[tilespmem:s29], [sflag:$0x6] =	stream.indirect.gather [hbm4b:s4+s19], $0x40, s10, s19, $0xb8;
	[tilespmem:$0x1AC20] =	vst v63  }
0x4f: {  	_ =	swait.ge [sflag:s17], $0x2000  }
0x50: {  	[sflag:s17] =	ssyncset.done $0x0  }
0x51: {  	s11 =	simm.s32 $0x2710;
	[sflag:s17] =	ssyncadd.s32 $0xFFFFE000  }
0x52: {  	[spmem:s2] =	stream.indirect.scatter.add.f32 [tilespmem:s15], [sflag:$0x7], $0x40, s11, s19, $0xb8;
	[tilespmem:$0x1AC20] =	vst v63  }
0x53: {  	_ =	swait.ge [sflag:s18], $0x2000  }
0x54: {  	[sflag:s18] =	ssyncset.done $0x0  }
0x55: {  	s10 =	simm.s32 $0x2790;
	[sflag:s18] =	ssyncadd.s32 $0xFFFFE000  }
0x56: {  	[spmem:s2] =	stream.indirect.scatter.add.f32 [tilespmem:s20], [sflag:$0x8], $0x40, s10, s19, $0xb8;
	[tilespmem:$0x1AC20] =	vst v63  }
0x57: {  	_ =	swait.ge [sflag:s30], $0x2000  }
0x58: {  	[sflag:s30] =	ssyncset.done $0x0  }
0x59: {  	s11 =	simm.s32 $0x2810;
	[sflag:s30] =	ssyncadd.s32 $0xFFFFE000  }
0x5a: {  	[spmem:s2] =	stream.indirect.scatter.add.f32 [tilespmem:s22], [sflag:$0x9], $0x40, s11, s19, $0xb8;
	[tilespmem:$0x1AC20] =	vst v63  }
0x5b: {  	_ =	swait.ge [sflag:s31], $0x2000  }
0x5c: {  	[sflag:s31] =	ssyncset.done $0x0  }
0x5d: {  	s10 =	simm.s32 $0x2890;
	[sflag:s31] =	ssyncadd.s32 $0xFFFFE000  }
0x5e: {  	[spmem:s2] =	stream.indirect.scatter.add.f32 [tilespmem:s24], [sflag:$0xA], $0x40, s10, s19, $0xb8;
	[tilespmem:$0x1AC20] =	vst v63  }
0x5f: {  	_ =	swait.ge [sflag:s0], $0x2000  }
0x60: {  	[sflag:s0] =	ssyncset.done $0x0  }
0x61: {  	s11 =	simm.s32 $0x2910;
	[sflag:s0] =	ssyncadd.s32 $0xFFFFE000  }
0x62: {  	[spmem:s2] =	stream.indirect.scatter.add.f32 [tilespmem:s26], [sflag:$0xB], $0x40, s11, s19, $0xb8;
	[tilespmem:$0x1AC20] =	vst v63  }
0x63: {  	_ =	swait.ge [sflag:s14], $0x2000  }
0x64: {  	[sflag:s14] =	ssyncset.done $0x0  }
0x65: {  	s10 =	simm.s32 $0x2990;
	[sflag:s14] =	ssyncadd.s32 $0xFFFFE000  }
0x66: {  	[spmem:s2] =	stream.indirect.scatter.add.f32 [tilespmem:s29], [sflag:$0xC], $0x40, s10, s19, $0xb8;
	[tilespmem:$0x1AC20] =	vst v63  }
0x67: {  	_ =	swait.ge [sflag:s1], $0x2000  }
0x68: {  	[sflag:s1] =	ssyncset.done $0x0  }
0x69: {  	s11 =	simm.s32 $0x300;
	[sflag:s1] =	ssyncadd.s32 $0xFFFFE000  }
0x6a: {  	[tilespmem:s15], [sflag:$0x1] =	stream.indirect.gather [hbm4b:s4+s19], $0x40, s11, s19, $0xb8;
	[tilespmem:$0x1AC20] =	vst v63  }
0x6b: {  	_ =	swait.ge [sflag:s21], $0x2000  }
0x6c: {  	[sflag:s21] =	ssyncset.done $0x0  }
0x6d: {  	s10 =	simm.s32 $0x380;
	[sflag:s21] =	ssyncadd.s32 $0xFFFFE000  }
0x6e: {  	[tilespmem:s20], [sflag:$0x2] =	stream.indirect.gather [hbm4b:s4+s19], $0x40, s10, s19, $0xb8;
	[tilespmem:$0x1AC20] =	vst v63  }
0x6f: {  	_ =	swait.ge [sflag:s23], $0x2000  }
0x70: {  	[sflag:s23] =	ssyncset.done $0x0  }
0x71: {  	s11 =	simm.s32 $0x400;
	[sflag:s23] =	ssyncadd.s32 $0xFFFFE000  }
0x72: {  	[tilespmem:s22], [sflag:$0x3] =	stream.indirect.gather [hbm4b:s4+s19], $0x40, s11, s19, $0xb8;
	[tilespmem:$0x1AC20] =	vst v63  }
0x73: {  	_ =	swait.ge [sflag:s25], $0x2000  }
0x74: {  	[sflag:s25] =	ssyncset.done $0x0  }
0x75: {  	s10 =	simm.s32 $0x480;
	[sflag:s25] =	ssyncadd.s32 $0xFFFFE000  }
0x76: {  	[tilespmem:s24], [sflag:$0x4] =	stream.indirect.gather [hbm4b:s4+s19], $0x40, s10, s19, $0xb8;
	[tilespmem:$0x1AC20] =	vst v63  }
0x77: {  	_ =	swait.ge [sflag:s28], $0x2000  }
0x78: {  	[sflag:s28] =	ssyncset.done $0x0  }
0x79: {  	s11 =	simm.s32 $0x500;
	[sflag:s28] =	ssyncadd.s32 $0xFFFFE000  }
0x7a: {  	[tilespmem:s26], [sflag:$0x5] =	stream.indirect.gather [hbm4b:s4+s19], $0x40, s11, s19, $0xb8;
	[tilespmem:$0x1AC20] =	vst v63  }
0x7b: {  	_ =	swait.ge [sflag:s3], $0x2000  }
0x7c: {  	[sflag:s3] =	ssyncset.done $0x0  }
0x7d: {  	s9 =	simm.s32 $0xC00;
	s10 =	simm.s32 $0x580;
	[sflag:s3] =	ssyncadd.s32 $0xFFFFE000  }
.LBB2_4:
0x7e: {  	[tilespmem:s29], [sflag:$0x6] =	stream.indirect.gather [hbm4b:s4+s19], $0x40, s10, s19, $0xb8;
	[tilespmem:$0x1AC20] =	vst v63  }
0x7f: {  	s10 =	smov.u32 s9  }
0x80: {  	p0 =	sne.s32 s9, $0x8400;
	s9 =	sadd.s32 $0xC00, s9;
	_ =	swait.ge [sflag:s17], $0x2000  }
0x81: {  	s10 =	sshra.s32 s10, $0x2;
	[sflag:s17] =	ssyncset.done $0x0  }
0x82: {  	s11 =	sadd.s32 $0x2710, s10;
	[sflag:s17] =	ssyncadd.s32 $0xFFFFE000  }
0x83: {  	[spmem:s2] =	stream.indirect.scatter.add.f32 [tilespmem:s15], [sflag:$0x7], $0x40, s11, s19, $0xb8;
	[tilespmem:$0x1AC20] =	vst v63  }
0x84: {  	_ =	swait.ge [sflag:s18], $0x2000  }
0x85: {  	[sflag:s18] =	ssyncset.done $0x0  }
0x86: {  	s11 =	sadd.s32 $0x2790, s10;
	[sflag:s18] =	ssyncadd.s32 $0xFFFFE000  }
0x87: {  	[spmem:s2] =	stream.indirect.scatter.add.f32 [tilespmem:s20], [sflag:$0x8], $0x40, s11, s19, $0xb8;
	[tilespmem:$0x1AC20] =	vst v63  }
0x88: {  	_ =	swait.ge [sflag:s30], $0x2000  }
0x89: {  	[sflag:s30] =	ssyncset.done $0x0  }
0x8a: {  	s11 =	sadd.s32 $0x2810, s10;
	[sflag:s30] =	ssyncadd.s32 $0xFFFFE000  }
0x8b: {  	[spmem:s2] =	stream.indirect.scatter.add.f32 [tilespmem:s22], [sflag:$0x9], $0x40, s11, s19, $0xb8;
	[tilespmem:$0x1AC20] =	vst v63  }
0x8c: {  	_ =	swait.ge [sflag:s31], $0x2000  }
0x8d: {  	[sflag:s31] =	ssyncset.done $0x0  }
0x8e: {  	s11 =	sadd.s32 $0x2890, s10;
	[sflag:s31] =	ssyncadd.s32 $0xFFFFE000  }
0x8f: {  	[spmem:s2] =	stream.indirect.scatter.add.f32 [tilespmem:s24], [sflag:$0xA], $0x40, s11, s19, $0xb8;
	[tilespmem:$0x1AC20] =	vst v63  }
0x90: {  	_ =	swait.ge [sflag:s0], $0x2000  }
0x91: {  	[sflag:s0] =	ssyncset.done $0x0  }
0x92: {  	s11 =	sadd.s32 $0x2910, s10;
	[sflag:s0] =	ssyncadd.s32 $0xFFFFE000  }
0x93: {  	[spmem:s2] =	stream.indirect.scatter.add.f32 [tilespmem:s26], [sflag:$0xB], $0x40, s11, s19, $0xb8;
	[tilespmem:$0x1AC20] =	vst v63  }
0x94: {  	_ =	swait.ge [sflag:s14], $0x2000  }
0x95: {  	[sflag:s14] =	ssyncset.done $0x0  }
0x96: {  	s11 =	sadd.s32 $0x2990, s10;
	[sflag:s14] =	ssyncadd.s32 $0xFFFFE000  }
0x97: {  	[spmem:s2] =	stream.indirect.scatter.add.f32 [tilespmem:s29], [sflag:$0xC], $0x40, s11, s19, $0xb8;
	[tilespmem:$0x1AC20] =	vst v63  }
0x98: {  	_ =	swait.ge [sflag:s1], $0x2000  }
0x99: {  	[sflag:s1] =	ssyncset.done $0x0  }
0x9a: {  	s11 =	sadd.s32 $0x300, s10;
	[sflag:s1] =	ssyncadd.s32 $0xFFFFE000  }
0x9b: {  	[tilespmem:s15], [sflag:$0x1] =	stream.indirect.gather [hbm4b:s4+s19], $0x40, s11, s19, $0xb8;
	[tilespmem:$0x1AC20] =	vst v63  }
0x9c: {  	_ =	swait.ge [sflag:s21], $0x2000  }
0x9d: {  	[sflag:s21] =	ssyncset.done $0x0  }
0x9e: {  	s11 =	sadd.s32 $0x380, s10;
	[sflag:s21] =	ssyncadd.s32 $0xFFFFE000  }
0x9f: {  	[tilespmem:s20], [sflag:$0x2] =	stream.indirect.gather [hbm4b:s4+s19], $0x40, s11, s19, $0xb8;
	[tilespmem:$0x1AC20] =	vst v63  }
0xa0: {  	_ =	swait.ge [sflag:s23], $0x2000  }
0xa1: {  	[sflag:s23] =	ssyncset.done $0x0  }
0xa2: {  	s11 =	sadd.s32 $0x400, s10;
	[sflag:s23] =	ssyncadd.s32 $0xFFFFE000  }
0xa3: {  	[tilespmem:s22], [sflag:$0x3] =	stream.indirect.gather [hbm4b:s4+s19], $0x40, s11, s19, $0xb8;
	[tilespmem:$0x1AC20] =	vst v63  }
0xa4: {  	_ =	swait.ge [sflag:s25], $0x2000  }
0xa5: {  	[sflag:s25] =	ssyncset.done $0x0  }
0xa6: {  	s11 =	sadd.s32 $0x480, s10;
	[sflag:s25] =	ssyncadd.s32 $0xFFFFE000  }
0xa7: {  	[tilespmem:s24], [sflag:$0x4] =	stream.indirect.gather [hbm4b:s4+s19], $0x40, s11, s19, $0xb8;
	[tilespmem:$0x1AC20] =	vst v63  }
0xa8: {  	_ =	swait.ge [sflag:s28], $0x2000  }
0xa9: {  	[sflag:s28] =	ssyncset.done $0x0  }
.Ltmp1:
0xaa: {  	s11 =	sadd.s32 $0x500, s10;
	[sflag:s28] =	ssyncadd.s32 $0xFFFFE000;
	(pc) =	sbr.rel @p0 .LBB2_4-.Ltmp1, $4  }
0xab: {  	[tilespmem:s26], [sflag:$0x5] =	stream.indirect.gather [hbm4b:s4+s19], $0x40, s11, s19, $0xb8;
	[tilespmem:$0x1AC20] =	vst v63  }
0xac: {  	_ =	swait.ge [sflag:s3], $0x2000  }
0xad: {  	[sflag:s3] =	ssyncset.done $0x0  }
0xae: {  	s10 =	sadd.s32 $0x580, s10;
	[sflag:s3] =	ssyncadd.s32 $0xFFFFE000  }
0xaf: {  	[tilespmem:s29], [sflag:$0x6] =	stream.indirect.gather [hbm4b:s4+s19], $0x40, s10, s19, $0xb8;
	[tilespmem:$0x1AC20] =	vst v63  }
0xb0: {  	_ =	swait.ge [sflag:s17], $0x2000  }
0xb1: {  	[sflag:s17] =	ssyncset.done $0x0  }
0xb2: {  	s9 =	simm.s32 $0x4B10;
	[sflag:s17] =	ssyncadd.s32 $0xFFFFE000  }
0xb3: {  	[spmem:s2] =	stream.indirect.scatter.add.f32 [tilespmem:s15], [sflag:$0x7], $0x40, s9, s19, $0xb8;
	[tilespmem:$0x1AC20] =	vst v63  }
0xb4: {  	_ =	swait.ge [sflag:s18], $0x2000  }
0xb5: {  	[sflag:s18] =	ssyncset.done $0x0  }
0xb6: {  	s11 =	simm.s32 $0x4B90;
	[sflag:s18] =	ssyncadd.s32 $0xFFFFE000  }
0xb7: {  	[spmem:s2] =	stream.indirect.scatter.add.f32 [tilespmem:s20], [sflag:$0x8], $0x40, s11, s19, $0xb8;
	[tilespmem:$0x1AC20] =	vst v63  }
0xb8: {  	_ =	swait.ge [sflag:s30], $0x2000  }
0xb9: {  	[sflag:s30] =	ssyncset.done $0x0  }
0xba: {  	s10 =	simm.s32 $0x4C10;
	[sflag:s30] =	ssyncadd.s32 $0xFFFFE000  }
0xbb: {  	[spmem:s2] =	stream.indirect.scatter.add.f32 [tilespmem:s22], [sflag:$0x9], $0x40, s10, s19, $0xb8;
	[tilespmem:$0x1AC20] =	vst v63  }
0xbc: {  	_ =	swait.ge [sflag:s31], $0x2000  }
0xbd: {  	[sflag:s31] =	ssyncset.done $0x0  }
0xbe: {  	s11 =	simm.s32 $0x4C90;
	[sflag:s31] =	ssyncadd.s32 $0xFFFFE000  }
0xbf: {  	[spmem:s2] =	stream.indirect.scatter.add.f32 [tilespmem:s24], [sflag:$0xA], $0x40, s11, s19, $0xb8;
	[tilespmem:$0x1AC20] =	vst v63  }
0xc0: {  	_ =	swait.ge [sflag:s0], $0x2000  }
0xc1: {  	[sflag:s0] =	ssyncset.done $0x0  }
0xc2: {  	s10 =	simm.s32 $0x4D10;
	[sflag:s0] =	ssyncadd.s32 $0xFFFFE000  }
0xc3: {  	[spmem:s2] =	stream.indirect.scatter.add.f32 [tilespmem:s26], [sflag:$0xB], $0x40, s10, s19, $0xb8;
	[tilespmem:$0x1AC20] =	vst v63  }
0xc4: {  	_ =	swait.ge [sflag:s14], $0x2000  }
0xc5: {  	[sflag:s14] =	ssyncset.done $0x0  }
0xc6: {  	s11 =	simm.s32 $0x4D90;
	[sflag:s14] =	ssyncadd.s32 $0xFFFFE000  }
0xc7: {  	[spmem:s2] =	stream.indirect.scatter.add.f32 [tilespmem:s29], [sflag:$0xC], $0x40, s11, s19, $0xb8;
	[tilespmem:$0x1AC20] =	vst v63  }
0xc8: {  	_ =	swait.ge [sflag:s1], $0x2000  }
0xc9: {  	[sflag:s1] =	ssyncset.done $0x0  }
0xca: {  	[sflag:s1] =	ssyncadd.s32 $0xFFFFE000  }
0xcb: {  	_ =	swait.ge [sflag:s21], $0x2000  }
0xcc: {  	[sflag:s21] =	ssyncset.done $0x0  }
0xcd: {  	[sflag:s21] =	ssyncadd.s32 $0xFFFFE000  }
0xce: {  	_ =	swait.ge [sflag:s23], $0x2000  }
0xcf: {  	[sflag:s23] =	ssyncset.done $0x0  }
0xd0: {  	[sflag:s23] =	ssyncadd.s32 $0xFFFFE000  }
0xd1: {  	_ =	swait.ge [sflag:s25], $0x2000  }
0xd2: {  	[sflag:s25] =	ssyncset.done $0x0  }
0xd3: {  	[sflag:s25] =	ssyncadd.s32 $0xFFFFE000  }
0xd4: {  	_ =	swait.ge [sflag:s28], $0x2000  }
0xd5: {  	[sflag:s28] =	ssyncset.done $0x0  }
0xd6: {  	[sflag:s28] =	ssyncadd.s32 $0xFFFFE000  }
0xd7: {  	_ =	swait.ge [sflag:s3], $0x2000  }
0xd8: {  	[sflag:s3] =	ssyncset.done $0x0  }
0xd9: {  	s10 =	simm.s32 $0x2700;
	[sflag:s3] =	ssyncadd.s32 $0xFFFFE000  }
0xda: {  	[tilespmem:s15], [sflag:$0xE] =	stream.indirect.gather [hbm4b:s4+s5], $0x40, s10, s5, $0xb8;
	[tilespmem:$0x1AC20] =	vst v63  }
0xdb: {  	_ =	swait.ge [sflag:s6], $0x400  }
0xdc: {  	[sflag:s6] =	ssyncset.done $0x0  }
0xdd: {  	s11 =	simm.s32 $0x4E10;
	[sflag:s6] =	ssyncadd.s32 $0xFFFFFC00  }
0xde: {  	[spmem:s2] =	stream.indirect.scatter.add.f32 [tilespmem:s15], [sflag:$0xE], $0x40, s11, s5, $0xb8;
	[tilespmem:$0x1AC20] =	vst v63  }
0xdf: {  	s10 =	stileid.u32;
	_ =	swait.ge [sflag:s6], $0x400  }
0xe0: {  	s8 =	sadd.s32 $0x1, s8;
	s9 =	sshll.u32 s10, $0x6;
	[sflag:s6] =	ssyncset.done $0x0  }
0xe1: {  	p0 =	sne.s32 s8, s12;
	s9 =	sor.u32 $0x1C0E, s9;
	[sflag:s6] =	ssyncadd.s32 $0xFFFFFC00  }
.Ltmp2:
0xe2: {  	s11 =	sshrl.u32 s7, $0x3;
	[bflag:$0x0] =	sbarrier.arrive $0xFFFF;
	(pc) =	sbr.rel @p0 .LBB2_1-.Ltmp2, $4  }
0xe3: {  	[hbm:s13], [sflag:s9] =	dma.local [spmem:s11], $0x13C0  }
0xe4: {  	_ =	swait.ge [sflag:s6], $0x13C0  }
0xe5: {  	[sflag:s6] =	ssyncset.done $0x0  }
0xe6: {  	[sflag:s6] =	ssyncadd.s32 $0xFFFFEC40  }
0xe7: {  	_ =	sfence.sel $0x180000  }
0xe8: {  	[bflag:$0x0] =	sbarrier.arrive $0xFFFF  }
0xe9: {  	_ =	strace $0x9000004D  }
0xea: {  	s0 =	stileid.u32;
	[bflag:$0x2] =	sbarrier.arrive $0xFFFF  }
0xeb: {  	p0 =	sne.s32 s0, $0x0;
	s0 =	rddreg [dreg:$0x2]  }
0xec: {  	s0 =	sadd.s32 @!p0 $0x100000, s0  }
0xed: {  	[sflag:s0] =	ssyncadd.tile.s32 @!p0 $0x1;
	_ =	shalt  }
.Lfunc_end2:
_tile_overlayer_lowered:
.L_overlay_start_2:
0xee: {  	(tag) =	ssettag $0x2  }
0xef: {  	s0 =	rddreg [dreg:$0x0];
	s2 =	stileid.u32  }
0xf0: {  	s1 =	rddreg [dreg:$0x1];
	p0 =	sne.s32 s2, $0x0  }
0xf1: {  	s3 =	rddreg [dreg:$0x2];
	[bflag:$0x3] =	sbarrier.arrive $0xFFFF;
	s2 =	simm.s32 @!p0 $0x1C0E  }
0xf2: {  	[timem:s3], [sflag:s2] =	dma.local @!p0 [hbm:s0], s1  }
0xf3: {  	s0 =	simm.s32 @!p0 $0xE  }
0xf4: {  	_ =	swait.ge @!p0 [sflag:s0], s1  }
0xf5: {  	s1 =	ssub.s32 @!p0 $0x0, s1;
	[sflag:s0] =	ssyncset.done @!p0 $0x0  }
0xf6: {  	[sflag:s0] =	ssyncadd.s32 @!p0 s1  }
0xf7: {  	[bflag:$0x3] =	sbarrier.arrive $0xFFFF  }
0xf8: {  	_ =	shalt  }

// kernel: kernel.9.cloned.1.call-start
scs
__scs_entry_jumppad:
0x0: {  	(pc) =	sbr.rel $0x88, $3  }
0x1: {  	(tag) =	ssettag $0x0;
	lr =	simm.s32 $0x1  }
0x2: {  	[smem:$0x3F9A] =	sst lr;
	_ =	strace $0xD0000000  }
0x3: {  	_ = 	snop  }
0x4: {  	_ = 	snop  }
0x5: {  	_ = 	snop  }
0x6: {  	_ = 	snop  }
0x7: {  	_ = 	snop  }
__scs_overlays_trampoline_lowered:
0x8: {  	[smem:$0x3FA9] =	sst s0  }
0x9: {  	[smem:$0x3FAA] =	sst s1  }
0xa: {  	[smem:$0x3FAB] =	sst s2  }
0xb: {  	[smem:$0x3FAC] =	sst s3  }
0xc: {  	[smem:$0x3FAD] =	sst s4  }
0xd: {  	[smem:$0x3FAE] =	sst s5  }
0xe: {  	[smem:$0x3FAF] =	sst s6  }
0xf: {  	[smem:$0x3FB0] =	sst s7  }
0x10: {  	[smem:$0x3FB1] =	sst s8  }
0x11: {  	[smem:$0x3FB2] =	sst s9;
	s0 =	simm.s32 @!p0 $0x0  }
0x12: {  	s1 =	sld [smem:$0x3F98];
	s0 =	simm.s32 @p0 $0x1  }
0x13: {  	[smem:$0x3FB3] =	sst s0;
	s0 =	simm.s32 @!p1 $0x0  }
0x14: {  	s2 =	sld [smem:$0x3F97];
	s0 =	simm.s32 @p1 $0x1  }
0x15: {  	[smem:$0x3FB4] =	sst s0;
	s0 =	simm.s32 @!p2 $0x0  }
0x16: {  	s3 =	sld [smem:$0x3FDB];
	s0 =	simm.s32 @p2 $0x1  }
0x17: {  	s4 =	simm.s32 $0x1BF5;
	[smem:$0x3FB6] =	sst s0  }
0x18: {  	s0 =	sld [smem:$0x3F99];
	_ =	swait.ge [sflag:s4], $0x0  }
0x19: {  	s7 =	sld [smem:$0x3F9A]  }
0x1a: {  	s8 =	sadd.s32 $0xFFFFE003, lr  }
0x1b: {  	s9 =	sadd.s32 $0xFFFFFEF7, lr;
	s5 =	simm.s32 $0xFFFFFFFF;
	p2 =	slt.u32 s8, $0xFFFFF086  }
0x1c: {  	p1 =	slt.u32 s9, $0xF7A;
	s5 =	simm.s32 @!p2 $0x0  }
0x1d: {  	s5 =	simm.s32 @p1 $0x1;
	p0 =	seq.s32 s7, s2  }
0x1e: {  	s7 =	smul.u32 @!p0 $0xF7A, s2;
	p2 =	seq.s32 @!p0 s5, $0x0  }
0x1f: {  	s9 =	smul.u32 $0xF7A, s1;
	s8 =	simm.s32 @!p0 $0x1BF5;
	p2 =	por !p2, p0  }
0x20: {  	[sflag:s8] =	ssyncset.s32 @!p0 $0xFFFFF086;
	s6 =	sadd.s32 @!p0 s3, s7;
	s7 =	simm.s32 @!p0 $0x108  }
0x21: {  	s3 =	sadd.s32 s3, s9;
	s6 =	sadd.s32 @!p0 $0x88, s6;
	s7 =	simm.s32 @p2 $0x1082  }
0x22: {  	[simem:s7], [sflag:s8] =	dma.local @!p0 [hbm:s6], $0xF7A  }
0x23: {  	s9 =	sor.u32 $0xD0000000, s2;
	s6 =	simm.s32 $0x108;
	_ =	swait.ge @!p0 [sflag:s8], $0x0  }
0x24: {  	s3 =	sadd.s32 $0x88, s3;
	s6 =	simm.s32 @!p1 $0x1082;
	[sflag:s4] =	ssyncset.s32 $0xFFFFF086  }
0x25: {  	[simem:s6], [sflag:s4] =	dma.local [hbm:s3], $0xF7A  }
0x26: {  	[smem:$0x3F9A] =	sst s1;
	(tag) =	ssettag s2;
	_ =	strace s9  }
0x27: {  	s1 =	sld [smem:$0x3FAA]  }
0x28: {  	s2 =	sld [smem:$0x3FAB]  }
0x29: {  	s4 =	sld [smem:$0x3FAD]  }
0x2a: {  	p0 =	seq.s32 s5, $0x0;
	s5 =	sld [smem:$0x3FAE]  }
0x2b: {  	s6 =	sld [smem:$0x3FAF]  }
0x2c: {  	s7 =	sld [smem:$0x3FB0]  }
0x2d: {  	s3 =	simm.s32 $0x108;
	s8 =	sld [smem:$0x3FB1]  }
0x2e: {  	s3 =	simm.s32 @!p0 $0x1082;
	s9 =	sld [smem:$0x3FB2]  }
0x2f: {  	lr =	sadd.s32 s0, s3;
	s0 =	sld [smem:$0x3FA9]  }
0x30: {  	s3 =	sld [smem:$0x3FAC]  }
0x31: {  	[smem:$0x3FB5] =	sst s10  }
0x32: {  	s10 =	sld [smem:$0x3FB3];
	_ =	sdelay $0x3  }
0x33: {  	p0 =	seq.s32 s10, $0x1;
	s10 =	sld [smem:$0x3FB5];
	_ =	sdelay $0x3  }
0x34: {  	[smem:$0x3FB5] =	sst s10  }
0x35: {  	s10 =	sld [smem:$0x3FB4];
	_ =	sdelay $0x3  }
0x36: {  	p1 =	seq.s32 s10, $0x1;
	s10 =	sld [smem:$0x3FB5];
	_ =	sdelay $0x3  }
0x37: {  	[smem:$0x3FB5] =	sst s10  }
0x38: {  	s10 =	sld [smem:$0x3FB6]  }
0x39: {  	_ = 	snop;
	(pc) =	sbr.ind lr, $3  }
0x3a: {  	_ = 	snop  }
0x3b: {  	_ = 	snop  }
0x3c: {  	p2 =	seq.s32 s10, $0x1;
	s10 =	sld [smem:$0x3FB5]  }
0x3d: {  	_ =	shalt  }
0x3e: {  	_ =	shalt  }
0x3f: {  	_ =	shalt  }
0x40: {  	_ =	shalt  }
0x41: {  	_ =	shalt  }
0x42: {  	_ =	shalt  }
0x43: {  	_ =	shalt  }
0x44: {  	_ =	shalt  }
0x45: {  	_ =	shalt  }
0x46: {  	_ =	shalt  }
0x47: {  	_ =	shalt  }
0x48: {  	_ =	shalt  }
0x49: {  	_ =	shalt  }
0x4a: {  	_ =	shalt  }
0x4b: {  	_ =	shalt  }
0x4c: {  	_ =	shalt  }
0x4d: {  	_ =	shalt  }
0x4e: {  	_ =	shalt  }
0x4f: {  	_ =	shalt  }
0x50: {  	_ =	shalt  }
0x51: {  	_ =	shalt  }
0x52: {  	_ =	shalt  }
0x53: {  	_ =	shalt  }
0x54: {  	_ =	shalt  }
0x55: {  	_ =	shalt  }
0x56: {  	_ =	shalt  }
0x57: {  	_ =	shalt  }
0x58: {  	_ =	shalt  }
0x59: {  	_ =	shalt  }
0x5a: {  	_ =	shalt  }
0x5b: {  	_ =	shalt  }
0x5c: {  	_ =	shalt  }
0x5d: {  	_ =	shalt  }
0x5e: {  	_ =	shalt  }
0x5f: {  	_ =	shalt  }
0x60: {  	_ =	shalt  }
0x61: {  	_ =	shalt  }
0x62: {  	_ =	shalt  }
0x63: {  	_ =	shalt  }
0x64: {  	_ =	shalt  }
0x65: {  	_ =	shalt  }
0x66: {  	_ =	shalt  }
0x67: {  	_ =	shalt  }
0x68: {  	_ =	shalt  }
0x69: {  	_ =	shalt  }
0x6a: {  	_ =	shalt  }
0x6b: {  	_ =	shalt  }
0x6c: {  	_ =	shalt  }
0x6d: {  	_ =	shalt  }
0x6e: {  	_ =	shalt  }
0x6f: {  	_ =	shalt  }
0x70: {  	_ =	shalt  }
0x71: {  	_ =	shalt  }
0x72: {  	_ =	shalt  }
0x73: {  	_ =	shalt  }
0x74: {  	_ =	shalt  }
0x75: {  	_ =	shalt  }
0x76: {  	_ =	shalt  }
0x77: {  	_ =	shalt  }
0x78: {  	_ =	shalt  }
0x79: {  	_ =	shalt  }
0x7a: {  	_ =	shalt  }
0x7b: {  	_ =	shalt  }
0x7c: {  	_ =	shalt  }
0x7d: {  	_ =	shalt  }
0x7e: {  	_ =	shalt  }
0x7f: {  	_ =	shalt  }
0x80: {  	_ =	shalt  }
0x81: {  	_ =	shalt  }
0x82: {  	_ =	shalt  }
0x83: {  	_ =	shalt  }
0x84: {  	_ =	shalt  }
0x85: {  	_ =	shalt  }
0x86: {  	_ =	shalt  }
0x87: {  	_ =	shalt  }
.Lfunc_end0:
.L_simem_size_0:
called_computation_lowered:
.L_overlay_start_0:
0x88: {  	s2 =	sld [smem:$0x3FD9]  }
0x89: {  	s3 =	sld [smem:$0x3FFE];
	_ =	sdelay $0x1  }
0x8a: {  	s1 =	srdreg.scid  }
0x8b: {  	s0 =	sand.u32 $0x1, s1  }
0x8c: {  	s16 =	sshll.u32 s0, $0xA;
	s2 =	sadd.s32 s3, s2  }
0x8d: {  	s2 =	sadd.s32 s2, s16  }
0x8e: {  	[smem:$0x3FC1] =	sst s2  }
0x8f: {  	_ = 	snop  }
0x90: {  	(tm) =	ssettm $0x1  }
0x91: {  	s17 =	sld [smem:$0x3FFB];
	_ =	sdelay $0x3  }
0x92: {  	_ =	strace s17  }
0x93: {  	s2 =	sld [smem:$0x3FFC];
	_ =	sdelay $0x3  }
0x94: {  	_ =	strace s2  }
0x95: {  	s2 =	sld [smem:$0x3FFD];
	_ =	sdelay $0x3  }
0x96: {  	_ =	strace s2  }
0x97: {  	_ =	strace $0x8FFFFFFF  }
0x98: {  	s18 =	sld [smem:$0x3FDB];
	_ =	sdelay $0x1  }
0x99: {  	s19 =	simm.s32 $_scs_section_size  }
0x9a: {  	s4 =	simm.s32 $_size__tile_overlayer_lowered;
	s5 =	simm.s32 $_tile_overlayer_lowered  }
0x9b: {  	s22 =	simm.s32 $0x1BFF;
	s21 =	sshll.u32 s5, $0x1;
	s2 =	sadd.s32 s19, s18  }
0x9c: {  	s6 =	simm.s32 $0x0;
	s20 =	sshll.u32 s4, $0x1;
	s4 =	sadd.s32 s21, s2  }
0x9d: {  	[timem:s6], [sflag:s22] =	dma.local [hbm:s4], s20  }
0x9e: {  	_ =	swait.ge [sflag:s22], s20  }
0x9f: {  	s3 =	ssub.s32 $0x0, s20;
	[sflag:s22] =	ssyncset.done $0x0  }
0xa0: {  	[sflag:s22] =	ssyncadd.s32 s3;
	_ =	sdelay $0x1  }
0xa1: {  	s23 =	simm.s32 $0x1B8B  }
0xa2: {  	_ =	swait.ge [sflag:s23], $0x1  }
0xa3: {  	[sflag:s23] =	ssyncset.done $0x0  }
0xa4: {  	s25 =	simm.s32 $0x1B8E;
	s24 =	sld [smem:$0x3FFE];
	[sflag:s23] =	ssyncadd.s32 $0xFFFFFFFF  }
0xa5: {  	s26 =	simm.s32 $execute0_lowered;
	[smem:$0x3FD2] =	sst s25  }
0xa6: {  	s4 =	sshll.u32 s26, $0x1;
	_ =	strace $0x80000046;
	[dreg:$0x1] =	wrdreg $0xFFFFFFFF  }
0xa7: {  	s28 =	simm.s32 $_size_execute0_lowered;
	s2 =	sadd.s32 s2, s4;
	[dreg:$0x0] =	wrdreg $0x0  }
0xa8: {  	s4 =	sshll.u32 s28, $0x1;
	[dreg:$0x2] =	wrdreg s2  }
0xa9: {  	[dreg:$0x3] =	wrdreg s4  }
0xaa: {  	[dreg:$0x4] =	wrdreg $0xC0  }
0xab: {  	_ =	task [dreg:s6], $0x5FFFF  }
0xac: {  	[dreg:$0x1] =	wrdreg $0xFFFFFFFF  }
0xad: {  	[dreg:$0x0] =	wrdreg $0x60  }
0xae: {  	[dreg:$0x2] =	wrdreg s24  }
0xaf: {  	[dreg:$0x3] =	wrdreg $0x9  }
0xb0: {  	_ =	task.clear_ibuf [dreg:s6], $0x4FFFF;
	_ =	strace $0x90000046  }
0xb1: {  	s29 =	simm.s32 $0x9;
	_ =	strace $0x80000048  }
0xb2: {  	_ =	swait.ge [sflag:s29], $0x1  }
0xb3: {  	[sflag:s29] =	ssyncadd.s32 $0xFFFFFFFF  }
0xb4: {  	_ =	strace $0x90000048  }
0xb5: {  	_ =	sfence  }
0xb6: {  	s30 =	sld [smem:$0x0];
	_ =	sdelay $0x2  }
0xb7: {  	s31 =	sshll.u32 s1, $0xD;
	s1 =	sshrl.u32 s1, $0x2  }
0xb8: {  	s3 =	sand.u32 $0x4000, s31;
	s1 =	sadd.s32 s1, s30  }
0xb9: {  	s0 =	sor.u32 s3, s0;
	s1 =	sshll.u32 s1, $0x11  }
0xba: {  	s0 =	sor.u32 s1, s0  }
0xbb: {  	s0 =	sadd.s32 $0x8F2B, s0  }
0xbc: {  	[sflag:s0] =	ssyncadd.remote.s32 $0x1  }
0xbd: {  	_ =	sfence.sel $0xFFFF  }
0xbe: {  	[dreg:$0x0] =	wrdreg $0xFFFFFFFF;
	(pc) =	sbr.abs _section_cstart, $3  }
0xbf: {  	[dreg:$0x1] =	wrdreg $0xFFFFFFFF  }
0xc0: {  	_ =	task.clear_ibuf [dreg:s6], $0x2FFFF;
	_ =	strace $0x9FFFFFFF  }
0xc1: {  	(tm) =	ssettm $0x7FFFFFFF  }
tec
execute0_lowered:
.L_overlay_start_1:
0x0: {  	(tag) =	ssettag $0x1  }
0x1: {  	s0 =	srdreg.scid  }
0x2: {  	s4 =	rddreg [dreg:$0x0];
	s1 =	stileid.u32;
	s3 =	sand.u32 $0x1, s0  }
0x3: {  	s2 =	simm.s32 $0x0;
	s10 =	simm.s32 $0x4E20;
	s5 =	sshll.u32 s3, $0x4  }
0x4: {  	s11 =	simm.s32 $0x7530;
	s0 =	rddreg [dreg:$0x1];
	s5 =	sor.u32 s1, s5  }
0x5: {  	s12 =	simm.s32 $0x0;
	[smem:$0x7FF] =	sst s2;
	s5 =	smul.u32 $0x2710, s5  }
0x6: {  	s6 =	sadd.s32 $0x2C00, s4;
	s7 =	sadd.s32 $0x16600, s4;
	s3 =	ssub.s32 $0x2, s3  }
0x7: {  	_ =	strace $0x80000047;
	s31 =	sshrl.u32 s3, $0x1;
	s5 =	sshrl.u32 s5, $0x3  }
0x8: {  	s8 =	ssub.s32 s3, s31;
	s3 =	sadd.s32 s6, s5;
	s9 =	sadd.s32 $0x9C40, s5  }
0x9: {  	s5 =	sadd.s32 s7, s5;
	s4 =	sadd.s32 s6, s9;
	s6 =	sadd.s32 s7, s9  }
0xa: {  	v0 =	vimm.f32 $0.0e+00;
	v1 =	vimm.f32 $1.000000000e+00;
	s7 =	smax.u32 s8, $0x1;
	s8 =	simm.s32 $0x1;
	s9 =	simm.s32 $0x2710  }
.LBB2_1:
0xb: {  	[tilespmem:s2], [sflag:$0x1] =	stream.linear.gather [hbm4b:s3+s2], $0x2710, $0x38;
	[tilespmem:$0x9C40] =	vst v63  }
0xc: {  	_ =	swait.ge [sflag:s8], $0x2710  }
0xd: {  	[sflag:s8] =	ssyncset.done $0x0  }
0xe: {  	[sflag:s8] =	ssyncadd.s32 $0xFFFFD8F0  }
0xf: {  	[tilespmem:s9], [sflag:$0x1] =	stream.linear.gather [hbm4b:s4+s2], $0x2710, $0x38;
	[tilespmem:$0x9C40] =	vst v63  }
0x10: {  	_ =	swait.ge [sflag:s8], $0x2710  }
0x11: {  	[sflag:s8] =	ssyncset.done $0x0  }
0x12: {  	s14 =	simm.s32 $0x4E60;
	[sflag:s8] =	ssyncadd.s32 $0xFFFFD8F0  }
0x13: {  	s13 =	simm.s32 $0x7570;
	[tilespmem:s14+$0xFFFFFFC0] =	vst v0  }
0x14: {  	[tilespmem:s13+$0xFFFFFFC0] =	vst v0  }
0x15: {  	[tilespmem:s14+$0xFFFFFFD0] =	vst v0  }
0x16: {  	[tilespmem:s13+$0xFFFFFFD0] =	vst v0  }
0x17: {  	[tilespmem:s14+$0xFFFFFFE0] =	vst v0  }
0x18: {  	[tilespmem:s13+$0xFFFFFFE0] =	vst v0  }
0x19: {  	[tilespmem:s14+$0xFFFFFFF0] =	vst v0  }
0x1a: {  	[tilespmem:s13+$0xFFFFFFF0] =	vst v0  }
0x1b: {  	[tilespmem:s14+$0x0] =	vst v0  }
0x1c: {  	[tilespmem:s13+$0x0] =	vst v0  }
0x1d: {  	[tilespmem:s14+$0x10] =	vst v0  }
0x1e: {  	[tilespmem:s13+$0x10] =	vst v0  }
0x1f: {  	[tilespmem:s14+$0x20] =	vst v0  }
0x20: {  	[tilespmem:s13+$0x20] =	vst v0  }
0x21: {  	[tilespmem:s14+$0x30] =	vst v0  }
0x22: {  	s15 =	simm.s32 $0x4EE0;
	s14 =	simm.s32 $0x0;
	[tilespmem:s13+$0x30] =	vst v0  }
.LBB2_2:
0x23: {  	[tilespmem:s15+$0xFFFFFFC0] =	vst v0;
	s13 =	sadd.s32 $0x80, s13  }
0x24: {  	[tilespmem:s13+$0xFFFFFFC0] =	vst v0  }
0x25: {  	[tilespmem:s15+$0xFFFFFFD0] =	vst v0  }
0x26: {  	[tilespmem:s13+$0xFFFFFFD0] =	vst v0  }
0x27: {  	[tilespmem:s15+$0xFFFFFFE0] =	vst v0  }
0x28: {  	[tilespmem:s13+$0xFFFFFFE0] =	vst v0  }
0x29: {  	[tilespmem:s15+$0xFFFFFFF0] =	vst v0  }
0x2a: {  	[tilespmem:s13+$0xFFFFFFF0] =	vst v0  }
0x2b: {  	[tilespmem:s15+$0x0] =	vst v0  }
0x2c: {  	s14 =	sadd.s32 $0x8, s14;
	[tilespmem:s13+$0x0] =	vst v0  }
0x2d: {  	p0 =	slt.u32 s14, $0x268;
	[tilespmem:s15+$0x10] =	vst v0  }
.Ltmp0:
0x2e: {  	[tilespmem:s13+$0x10] =	vst v0;
	(pc) =	sbr.rel @p0 .LBB2_2-.Ltmp0, $4  }
0x2f: {  	[tilespmem:s15+$0x20] =	vst v0  }
0x30: {  	[tilespmem:s13+$0x20] =	vst v0  }
0x31: {  	[tilespmem:s15+$0x30] =	vst v0  }
0x32: {  	s15 =	sadd.s32 $0x80, s15;
	[tilespmem:s13+$0x30] =	vst v0  }
0x33: {  	[tilespmem:$0x7520] =	vst v0  }
0x34: {  	[tilespmem:$0x9C30] =	vst v0;
	s13 =	simm.s32 $0xFFFFFFFB;
	s14 =	simm.s32 $0x20;
	s15 =	simm.s32 $0x2730  }
.LBB2_4:
0x35: {  	v2 =	vld [tilespmem:s14+$0xFFFFFFE0];
	_ =	sdelay $0x7  }
0x36: {  	[tilespmem:v2+s10+$0x0] =	vst.idx.add.f32.msk $0xffff, v1  }
0x37: {  	v2 =	vld [tilespmem:s15+$0xFFFFFFE0];
	_ =	sdelay $0x7  }
0x38: {  	[tilespmem:v2+s11+$0x0] =	vst.idx.add.f32.msk $0xffff, v1  }
0x39: {  	v2 =	vld [tilespmem:s14+$0xFFFFFFF0];
	_ =	sdelay $0x7  }
0x3a: {  	[tilespmem:v2+s10+$0x0] =	vst.idx.add.f32.msk $0xffff, v1  }
0x3b: {  	v2 =	vld [tilespmem:s15+$0xFFFFFFF0];
	_ =	sdelay $0x7  }
0x3c: {  	[tilespmem:v2+s11+$0x0] =	vst.idx.add.f32.msk $0xffff, v1  }
0x3d: {  	v2 =	vld [tilespmem:s14+$0x0];
	_ =	sdelay $0x7  }
0x3e: {  	[tilespmem:v2+s10+$0x0] =	vst.idx.add.f32.msk $0xffff, v1  }
0x3f: {  	v2 =	vld [tilespmem:s15+$0x0];
	_ =	sdelay $0x7  }
0x40: {  	[tilespmem:v2+s11+$0x0] =	vst.idx.add.f32.msk $0xffff, v1  }
0x41: {  	v2 =	vld [tilespmem:s14+$0x10];
	_ =	sdelay $0x7  }
0x42: {  	[tilespmem:v2+s10+$0x0] =	vst.idx.add.f32.msk $0xffff, v1  }
0x43: {  	v2 =	vld [tilespmem:s15+$0x10];
	_ =	sdelay $0x7  }
0x44: {  	[tilespmem:v2+s11+$0x0] =	vst.idx.add.f32.msk $0xffff, v1  }
0x45: {  	v2 =	vld [tilespmem:s14+$0x20];
	_ =	sdelay $0x7  }
0x46: {  	[tilespmem:v2+s10+$0x0] =	vst.idx.add.f32.msk $0xffff, v1  }
0x47: {  	v2 =	vld [tilespmem:s15+$0x20];
	_ =	sdelay $0x1  }
0x48: {  	s13 =	sadd.s32 $0x5, s13  }
0x49: {  	p0 =	slt.u32 s13, $0x26C  }
.Ltmp1:
0x4a: {  	_ = 	snop;
	(pc) =	sbr.rel @p0 .LBB2_4-.Ltmp1, $2  }
0x4b: {  	_ =	sdelay $0x2  }
0x4c: {  	s14 =	sadd.s32 $0x50, s14;
	s15 =	sadd.s32 $0x50, s15;
	[tilespmem:v2+s11+$0x0] =	vst.idx.add.f32.msk $0xffff, v1  }
0x4d: {  	[hbm4b:s5+s2] =	stream.linear.scatter [tilespmem:s10], [sflag:$0x1], $0x2710, $0x38;
	[tilespmem:$0x9C40] =	vst v63  }
0x4e: {  	s12 =	sadd.s32 $0x1, s12;
	_ =	swait.ge [sflag:s8], $0x2710  }
0x4f: {  	p0 =	sne.s32 s12, s7;
	[sflag:s8] =	ssyncset.done $0x0  }
.Ltmp2:
0x50: {  	[sflag:s8] =	ssyncadd.s32 $0xFFFFD8F0;
	(pc) =	sbr.rel @p0 .LBB2_1-.Ltmp2, $4  }
0x51: {  	[hbm4b:s6+s2] =	stream.linear.scatter [tilespmem:s11], [sflag:$0x1], $0x2710, $0x38;
	[tilespmem:$0x9C40] =	vst v63  }
0x52: {  	_ =	swait.ge [sflag:s8], $0x2710  }
0x53: {  	[sflag:s8] =	ssyncset.done $0x0  }
0x54: {  	[sflag:s8] =	ssyncadd.s32 $0xFFFFD8F0  }
0x55: {  	_ =	sfence.sel $0x180000  }
0x56: {  	[bflag:$0x0] =	sbarrier.arrive $0xFFFF  }
0x57: {  	p0 =	sne.s32 s1, $0x0;
	_ =	strace $0x90000047  }
0x58: {  	s0 =	sadd.s32 @!p0 $0x100000, s0;
	[bflag:$0x2] =	sbarrier.arrive $0xFFFF  }
0x59: {  	[sflag:s0] =	ssyncadd.tile.s32 @!p0 $0x1;
	_ =	shalt  }
.Lfunc_end2:
_tile_overlayer_lowered:
.L_overlay_start_2:
0x5a: {  	(tag) =	ssettag $0x2  }
0x5b: {  	s0 =	rddreg [dreg:$0x0];
	s2 =	stileid.u32  }
0x5c: {  	s1 =	rddreg [dreg:$0x1];
	p0 =	sne.s32 s2, $0x0  }
0x5d: {  	s3 =	rddreg [dreg:$0x2];
	[bflag:$0x3] =	sbarrier.arrive $0xFFFF;
	s2 =	simm.s32 @!p0 $0x1C01  }
0x5e: {  	[timem:s3], [sflag:s2] =	dma.local @!p0 [hbm:s0], s1  }
0x5f: {  	s0 =	simm.s32 @!p0 $0x1  }
0x60: {  	_ =	swait.ge @!p0 [sflag:s0], s1  }
0x61: {  	s1 =	ssub.s32 @!p0 $0x0, s1;
	[sflag:s0] =	ssyncset.done @!p0 $0x0  }
0x62: {  	[sflag:s0] =	ssyncadd.s32 @!p0 s1  }
0x63: {  	[bflag:$0x3] =	sbarrier.arrive $0xFFFF  }
0x64: {  	_ =	shalt  }

</sc_bundles>
